<compile_context>
chip_gen: v7x
topology: tpu7x:2x2x1
jax: 0.10.2.dev20260603
libtpu: 0.0.44.dev20260713+nightly
codegen_flags: <defaults>
</compile_context>

<pallas_src>
import functools

import jax
import jax.numpy as jnp
from jax import lax
from jax.experimental import pallas as pl
from jax.experimental.pallas import tpu as pltpu
from jax.experimental.pallas import tpu_sc as plsc

TOTAL = 262144
NR = 4096
NW = 32
CHUNK = TOTAL // NW
NVEC = CHUNK // 16
RPW = NR // NW

_f32 = jnp.float32
_i32 = jnp.int32


def _iota16():
    return lax.iota(_i32, 16)


def _mesh():
    return plsc.VectorSubcoreMesh(core_axis_name="c", subcore_axis_name="s")


_CPARAMS = pltpu.CompilerParams(needs_layout_passes=False)


def _wid():
    return lax.axis_index("c") * 16 + lax.axis_index("s")




def _l1_body(sig_hbm, dt_hbm, seg_hbm, s_hbm, l_hbm, praw_hbm, stats_hbm,
             sig_v, dt_v, s_v, l_v, seg_v, praw_v, stage_v):
    wid = _wid()
    base = wid * CHUNK
    iota = _iota16()

    seg_v[pl.ds(0, 16)] = jnp.full((16,), -1, _i32)
    @pl.when(wid > 0)
    def _():
        pltpu.sync_copy(seg_hbm.at[pl.ds(base - 8, 8)], seg_v.at[pl.ds(0, 8)])
    pltpu.sync_copy(seg_hbm.at[pl.ds(base, CHUNK)], seg_v.at[pl.ds(8, CHUNK)])
    pltpu.sync_copy(sig_hbm.at[pl.ds(base, CHUNK)], sig_v)
    pltpu.sync_copy(dt_hbm.at[pl.ds(base, CHUNK)], dt_v)

    zeros = jnp.zeros((16,), _f32)

    head = seg_v[pl.ds(0, 16)]
    tail = seg_v[pl.ds(CHUNK - 8, 16)]
    fid = head[8]
    lid = tail[15]

    def zbody(i, _):
        praw_v[pl.ds(fid + i * 16, 16)] = zeros
        return 0
    lax.fori_loop(0, (lid - fid) // 16 + 1, zbody, 0)

    def body(v, carry):
        csum, hsv, slv = carry
        off = v * 16
        s16 = sig_v[pl.ds(off, 16)] * dt_v[pl.ds(off, 16)]
        s_v[pl.ds(off, 16)] = s16
        incl = plsc.cumsum(s16)
        lx = csum + (incl - s16)
        l_v[pl.ds(off, 16)] = lx
        segc = seg_v[pl.ds(off + 8, 16)]
        segp = seg_v[pl.ds(off + 7, 16)]
        rs = segc != segp
        plsc.store_scatter(praw_v, [segc], lx, mask=rs)
        csum = csum + plsc.cummax(lax.rev(incl, (0,)))
        hsv = jnp.maximum(hsv, rs.astype(_f32))
        slv = jnp.maximum(slv, jnp.where(rs, lx, _f32(-1.0)))
        return csum, hsv, slv

    tot_v, hsv, slv = lax.fori_loop(
        0, NVEC, body, (zeros, zeros, zeros - 1.0), unroll=4)
    tot = tot_v[0]
    hs = jnp.max(hsv)
    slast = jnp.max(slv)

    pltpu.sync_copy(s_v, s_hbm.at[pl.ds(base, CHUNK)])
    pltpu.sync_copy(l_v, l_hbm.at[pl.ds(base, CHUNK)])
    pltpu.sync_copy(praw_v.at[pl.ds(0, NR)], praw_hbm.at[wid])

    pos0 = (head[7] != head[8]).astype(_f32)
    stats = (jnp.where(iota == 0, tot, 0.0)
             + jnp.where(iota == 1, hs, 0.0)
             + jnp.where(iota == 2, slast, 0.0)
             + jnp.where(iota == 3, pos0, 0.0)
             + jnp.where(iota == 4, head[8].astype(_f32), 0.0)
             + jnp.where(iota == 5, tail[15].astype(_f32), 0.0)).astype(_f32)
    stage_v[...] = stats
    pltpu.sync_copy(stage_v, stats_hbm.at[pl.ds(wid * 16, 16)])




def _l2_body(s_hbm, l_hbm, seg_hbm, rgb_hbm, z_hbm, praw_hbm, stats_hbm,
             w_hbm, acc_hbm,
             s_v, l_v, z_v, w_v, rgb_v, seg_v, praw_v, stats_v, acc_v, ex_s):
    wid = _wid()
    base = wid * CHUNK
    iota = _iota16()

    seg_v[pl.ds(0, 16)] = jnp.full((16,), -1, _i32)
    @pl.when(wid > 0)
    def _():
        pltpu.sync_copy(seg_hbm.at[pl.ds(base - 8, 8)], seg_v.at[pl.ds(0, 8)])
    pltpu.sync_copy(seg_hbm.at[pl.ds(base, CHUNK)], seg_v.at[pl.ds(8, CHUNK)])
    seg_v[pl.ds(8 + CHUNK, 16)] = jnp.full((16,), -2, _i32)
    @pl.when(wid < NW - 1)
    def _():
        pltpu.sync_copy(seg_hbm.at[pl.ds(base + CHUNK, 8)],
                        seg_v.at[pl.ds(8 + CHUNK, 8)])
    pltpu.sync_copy(s_hbm.at[pl.ds(base, CHUNK)], s_v)
    pltpu.sync_copy(z_hbm.at[pl.ds(base, CHUNK)], z_v)
    pltpu.sync_copy(rgb_hbm.at[pl.ds(base * 3, CHUNK * 3)], rgb_v)
    pltpu.sync_copy(stats_hbm, stats_v)

    r0 = iota * 16
    r1 = (iota + 16) * 16
    tot0 = plsc.load_gather(stats_v, [r0])
    tot1 = plsc.load_gather(stats_v, [r1])
    hs0 = plsc.load_gather(stats_v, [r0 + 1])
    hs1 = plsc.load_gather(stats_v, [r1 + 1])
    sl0 = plsc.load_gather(stats_v, [r0 + 2])
    sl1 = plsc.load_gather(stats_v, [r1 + 2])

    bw = (jnp.sum(jnp.where(iota < wid, tot0, 0.0))
          + jnp.sum(jnp.where(iota + 16 < wid, tot1, 0.0)))

    head = seg_v[pl.ds(0, 16)]
    pos0_is_start = head[7] != head[8]
    first_id = head[8]

    c0 = jnp.where((hs0 > 0.5) & (iota < wid), iota, -1)
    c1 = jnp.where((hs1 > 0.5) & (iota + 16 < wid), iota + 16, -1)
    wstar = jnp.maximum(jnp.max(c0), jnp.max(c1))
    bws = (jnp.sum(jnp.where(iota < wstar, tot0, 0.0))
           + jnp.sum(jnp.where(iota + 16 < wstar, tot1, 0.0)))
    slws = (jnp.sum(jnp.where(iota == wstar, sl0, 0.0))
            + jnp.sum(jnp.where(iota + 16 == wstar, sl1, 0.0)))
    ov = (bws + slws) - bw
    cstart_excl0 = jnp.where(pos0_is_start, _f32(0.0), ov) + jnp.zeros(
        (16,), _f32)

    zeros = jnp.zeros((16,), _f32)
    tail = seg_v[pl.ds(CHUNK - 8, 16)]
    lid = tail[15]

    def zbody(i, _):
        zb = (first_id + i * 16) * 8
        for j in range(8):
            acc_v[pl.ds(zb + j * 16, 16)] = zeros
        return 0
    lax.fori_loop(0, (lid - first_id) // 16 + 1, zbody, 0)

    def body(v, carries):
        cstart_excl, qcarries = carries
        off = v * 16
        s16 = s_v[pl.ds(off, 16)]
        z16 = z_v[pl.ds(off, 16)]
        segc = seg_v[pl.ds(off + 8, 16)]
        segp = seg_v[pl.ds(off + 7, 16)]
        segn = seg_v[pl.ds(off + 9, 16)]
        idx3 = (off + iota) * 3
        rr = plsc.load_gather(rgb_v, [idx3])
        gg = plsc.load_gather(rgb_v, [idx3 + 1])
        bb = plsc.load_gather(rgb_v, [idx3 + 2])

        rs = segc != segp
        re = segc != segn
        s_lane1 = plsc.cummax(jnp.where(rs, iota + 1, 0))
        fr = s_lane1 == 0
        fr15v = plsc.cummax(lax.rev(s_lane1, (0,))) == 0
        re15v = (plsc.cummax(lax.rev(segc, (0,)))
                 != plsc.cummax(lax.rev(segn, (0,))))

        cb_s, _ = qcarries[0]
        incl_s = plsc.cumsum(s16)
        exq_s = incl_s - s16
        sxm_s = plsc.cummax(exq_s, mask=rs)
        excl = jnp.where(fr, exq_s + (cb_s - cstart_excl), exq_s - sxm_s)
        trans = jnp.exp(-excl)
        alpha = 1.0 - jnp.exp(-s16)
        wg = trans * alpha
        w_v[pl.ds(off, 16)] = wg

        cb_s_n = cb_s + plsc.cummax(lax.rev(incl_s, (0,)))
        sx15_s = plsc.cummax(lax.rev(jnp.where(fr, 0.0, sxm_s), (0,)))
        cstart_excl_n = jnp.where(
            re15v, cb_s_n, jnp.where(fr15v, cstart_excl, cb_s + sx15_s))

        outs = []
        for c, (q, (cb, cstart)) in enumerate(
                zip((s16, wg * rr, wg * gg, wg * bb, wg * z16), qcarries)):
            if c == 0:
                inclq, exq, sxm = incl_s, exq_s, sxm_s
            else:
                inclq = plsc.cumsum(q)
                exq = inclq - q
                sxm = plsc.cummax(exq, mask=rs)
            cstart_abs = jnp.where(fr, cstart, cb + sxm)
            runsum = (cb + inclq) - cstart_abs
            plsc.addupdate_scatter(acc_v, [segc * 8 + c], runsum, mask=re)
            if c == 0:
                cb_n = cb_s_n
                sx15 = sx15_s
            else:
                cb_n = cb + plsc.cummax(lax.rev(inclq, (0,)))
                sx15 = plsc.cummax(lax.rev(jnp.where(fr, 0.0, sxm), (0,)))
            cstart_n = jnp.where(
                re15v, cb_n, jnp.where(fr15v, cstart, cb + sx15))
            outs.append((cb_n, cstart_n))
        return cstart_excl_n, tuple(outs)

    zv = jnp.zeros((16,), _f32)
    _, fcarries = lax.fori_loop(
        0, NVEC, body, (cstart_excl0, ((zv, zv),) * 5), unroll=4)

    tail = seg_v[pl.ds(CHUNK - 8, 16)]
    last_id = tail[15]
    lane0 = _iota16() == 0
    for c, (cb, cstart) in enumerate(fcarries):
        fidx = jnp.full((16,), last_id * 8 + c, _i32)
        plsc.addupdate_scatter(acc_v, [fidx], cb - cstart, mask=lane0)

    pltpu.sync_copy(w_v, w_hbm.at[pl.ds(base, CHUNK)])
    pltpu.sync_copy(acc_v.at[pl.ds(0, NR * 8)], acc_hbm.at[wid])




def _l3_body(acc_hbm, tex_hbm, flag_hbm, stats_hbm,
             rgb_hbm, dep_hbm, bg_hbm,
             tmp_v, accsum_v, tex_v, flag_v, rgb_s, dep_s, bg_s, stats_v):
    wid = _wid()
    r0 = wid * RPW
    iota = _iota16()

    for j in range(5 * RPW // 16):
        accsum_v[pl.ds(j * 16, 16)] = jnp.zeros((16,), _f32)

    pltpu.sync_copy(tex_hbm.at[pl.ds(r0, RPW)], tex_v)
    pltpu.sync_copy(flag_hbm, flag_v)
    pltpu.sync_copy(stats_hbm, stats_v)

    mylo = (wid * RPW).astype(_f32)
    myhi = mylo + _f32(RPW - 1)

    rayf = [(r0 + g * 16 + iota).astype(_f32) for g in range(RPW // 16)]

    def body(k, _):
        srow = stats_v[pl.ds(k * 16, 16)]
        fid = srow[4]
        lid = srow[5]

        @pl.when((fid <= myhi) & (lid >= mylo))
        def _():
            pltpu.sync_copy(acc_hbm.at[k, pl.ds(r0 * 8, RPW * 8)], tmp_v)
            for g in range(RPW // 16):
                valid = (rayf[g] >= fid) & (rayf[g] <= lid)
                for c in range(5):
                    idx = (iota + g * 16) * 8 + c
                    val = plsc.load_gather(tmp_v, [idx])
                    sl = pl.ds(c * RPW + g * 16, 16)
                    accsum_v[sl] = accsum_v[sl] + jnp.where(valid, val, 0.0)
        return 0

    lax.fori_loop(0, NW, body, 0)

    flag = flag_v[pl.ds(0, 16)]
    for g in range(RPW // 16):
        sl = pl.ds(g * 16, 16)
        tot = accsum_v[pl.ds(0 * RPW + g * 16, 16)]
        wr = accsum_v[pl.ds(1 * RPW + g * 16, 16)]
        wgr = accsum_v[pl.ds(2 * RPW + g * 16, 16)]
        wb = accsum_v[pl.ds(3 * RPW + g * 16, 16)]
        wz = accsum_v[pl.ds(4 * RPW + g * 16, 16)]
        bg = jnp.exp(-tot)
        dep = wz + flag * bg * tex_v[sl]
        bg_s[sl] = bg
        dep_s[sl] = dep
        ridx = (iota + g * 16) * 3
        plsc.store_scatter(rgb_s, [ridx], wr)
        plsc.store_scatter(rgb_s, [ridx + 1], wgr)
        plsc.store_scatter(rgb_s, [ridx + 2], wb)

    pltpu.sync_copy(bg_s, bg_hbm.at[pl.ds(r0, RPW)])
    pltpu.sync_copy(dep_s, dep_hbm.at[pl.ds(r0, RPW)])
    pltpu.sync_copy(rgb_s, rgb_hbm.at[pl.ds(r0 * 3, RPW * 3)])




def kernel(rgb_samples, radiance_samples, ray_samples_z, ray_samples_dt,
           ray_t_exit, segment_ids, use_ray_t_exit):
    sigma = radiance_samples.reshape(TOTAL)
    rgb_flat = rgb_samples.reshape(TOTAL * 3)
    tex = ray_t_exit.reshape(NR)
    seg = segment_ids.astype(_i32)
    flag16 = jnp.broadcast_to(
        (use_ray_t_exit != 0).astype(_f32), (16,))

    mesh = _mesh()

    l1 = functools.partial(
        pl.kernel,
        out_type=(
            jax.ShapeDtypeStruct((TOTAL,), _f32),
            jax.ShapeDtypeStruct((TOTAL,), _f32),
            jax.ShapeDtypeStruct((NW, NR), _f32),
            jax.ShapeDtypeStruct((NW * 16,), _f32),
        ),
        mesh=mesh,
        compiler_params=_CPARAMS,
        scratch_types=[
            pltpu.VMEM((CHUNK,), _f32),
            pltpu.VMEM((CHUNK,), _f32),
            pltpu.VMEM((CHUNK,), _f32),
            pltpu.VMEM((CHUNK,), _f32),
            pltpu.VMEM((CHUNK + 8,), _i32),
            pltpu.VMEM((NR + 16,), _f32),
            pltpu.VMEM((16,), _f32),
        ],
    )(_l1_body)
    s_arr, l_arr, praw, stats = l1(sigma, ray_samples_dt, seg)

    l2 = functools.partial(
        pl.kernel,
        out_type=(
            jax.ShapeDtypeStruct((TOTAL,), _f32),
            jax.ShapeDtypeStruct((NW, NR * 8), _f32),
        ),
        mesh=mesh,
        compiler_params=_CPARAMS,
        scratch_types=[
            pltpu.VMEM((CHUNK,), _f32),
            pltpu.VMEM((CHUNK,), _f32),
            pltpu.VMEM((CHUNK,), _f32),
            pltpu.VMEM((CHUNK,), _f32),
            pltpu.VMEM((CHUNK * 3,), _f32),
            pltpu.VMEM((CHUNK + 24,), _i32),
            pltpu.VMEM((NR,), _f32),
            pltpu.VMEM((NW * 16,), _f32),
            pltpu.VMEM(((NR + 16) * 8,), _f32),
            pltpu.VMEM((5 * 16,), _f32),
        ],
    )(_l2_body)
    w_arr, acc = l2(s_arr, l_arr, seg, rgb_flat, ray_samples_z, praw, stats)

    l3 = functools.partial(
        pl.kernel,
        out_type=(
            jax.ShapeDtypeStruct((NR * 3,), _f32),
            jax.ShapeDtypeStruct((NR,), _f32),
            jax.ShapeDtypeStruct((NR,), _f32),
        ),
        mesh=mesh,
        compiler_params=_CPARAMS,
        scratch_types=[
            pltpu.VMEM((RPW * 8,), _f32),
            pltpu.VMEM((5 * RPW,), _f32),
            pltpu.VMEM((RPW,), _f32),
            pltpu.VMEM((16,), _f32),
            pltpu.VMEM((RPW * 3,), _f32),
            pltpu.VMEM((RPW,), _f32),
            pltpu.VMEM((RPW,), _f32),
            pltpu.VMEM((NW * 16,), _f32),
        ],
    )(_l3_body)
    rgb_out, dep, bg = l3(acc, tex, flag16, stats)

    return (rgb_out.reshape(NR, 3), dep.reshape(NR, 1), bg.reshape(NR, 1),
            w_arr.reshape(TOTAL, 1))

# --- scband reference (transcript-rebuilt; emitter-appended) ---
"""Pipeline reference for scband-volume-rendering-general-module-10033043603888 (READ-ONLY COPY).

The authoritative reference and input builder live on the scoring server;
editing this copy changes nothing except your own understanding.
"""

import jax, jax.numpy as jnp
import numpy as np

N_RAYS = 4096
TOTAL = 262144


def setup_inputs(seed: int = 0) -> dict:
    key = jax.random.key(seed)
    ks = jax.random.split(key, 6)
    segment_ids = jnp.sort(jax.random.randint(ks[0], (TOTAL,), 0, N_RAYS, dtype=jnp.int32))
    rgb_samples = jax.random.uniform(ks[1], (TOTAL, 3), dtype=jnp.float32)
    # raw density (sigma) per sample, nonnegative, scaled to realistic NeRF magnitudes
    radiance_samples = jax.random.uniform(ks[2], (TOTAL, 1), dtype=jnp.float32) * 50.0
    ray_samples_z = jax.random.uniform(ks[3], (TOTAL,), dtype=jnp.float32) * 5.0 + 0.1
    ray_samples_dt = jax.random.uniform(ks[4], (TOTAL,), dtype=jnp.float32) * 0.02 + 1e-4
    ray_t_exit = jax.random.uniform(ks[5], (N_RAYS, 1), dtype=jnp.float32) * 5.0 + 0.1
    return {
        "rgb_samples": rgb_samples,
        "radiance_samples": radiance_samples,
        "ray_samples_z": ray_samples_z,
        "ray_samples_dt": ray_samples_dt,
        "ray_t_exit": ray_t_exit,
        "segment_ids": segment_ids,
        "use_ray_t_exit": 1,
    }


def reference(rgb_samples, radiance_samples, ray_samples_z, ray_samples_dt, ray_t_exit, segment_ids, use_ray_t_exit):
    # Emission-absorption volume rendering over packed (ragged) ray samples.
    sigma = radiance_samples[:, 0]
    s = sigma * ray_samples_dt  # optical thickness per sample
    csum = jnp.cumsum(s)
    prefix = jnp.concatenate([jnp.zeros((1,), s.dtype), csum])  # prefix[j] = sum s[:j]
    # first sample index of each ray (segment_ids is sorted)
    start_idx = jnp.searchsorted(segment_ids, jnp.arange(N_RAYS, dtype=segment_ids.dtype), side="left")
    # exclusive within-ray cumulative optical thickness
    excl = prefix[:-1] - prefix[start_idx[segment_ids]]
    transmittance = jnp.exp(-excl)
    alpha = 1.0 - jnp.exp(-s)
    weight = transmittance * alpha
    pred_rgb = jax.ops.segment_sum(weight[:, None] * rgb_samples, segment_ids, num_segments=N_RAYS)
    pred_depth = jax.ops.segment_sum(weight * ray_samples_z, segment_ids, num_segments=N_RAYS)[:, None]
    ray_total = jax.ops.segment_sum(s, segment_ids, num_segments=N_RAYS)
    bg_transmittance = jnp.exp(-ray_total)[:, None]
    # composite background depth at the ray exit distance
    pred_depth = jnp.where(use_ray_t_exit != 0, pred_depth + bg_transmittance * ray_t_exit, pred_depth)
    weight_per_sample = weight[:, None]
    return (pred_rgb, pred_depth, bg_transmittance, weight_per_sample)

if __name__ == "__main__":
    import jax
    _d = setup_inputs()
    print(jax.jit(kernel)(*tuple(_d.values())))

</pallas_src>

<mosaic_0001>
#map = affine_map<(d0, d1) -> (0)>
#map1 = affine_map<(d0, d1) -> (0, 0)>
module attributes {stable_mosaic.version = 14 : i64} {
  func.func @_l2_body(%arg0: i32, %arg1: i32, %arg2: memref<262144xf32, #tpu.memory_space<hbm>>, %arg3: memref<262144xf32, #tpu.memory_space<hbm>>, %arg4: memref<262144xi32, #tpu.memory_space<hbm>>, %arg5: memref<786432xf32, #tpu.memory_space<hbm>>, %arg6: memref<262144xf32, #tpu.memory_space<hbm>>, %arg7: memref<32x4096xf32, #tpu.memory_space<hbm>>, %arg8: memref<512xf32, #tpu.memory_space<hbm>>, %arg9: memref<262144xf32, #tpu.memory_space<hbm>>, %arg10: memref<32x32768xf32, #tpu.memory_space<hbm>>, %arg11: memref<8192xf32, #tpu.memory_space<vmem>>, %arg12: memref<8192xf32, #tpu.memory_space<vmem>>, %arg13: memref<8192xf32, #tpu.memory_space<vmem>>, %arg14: memref<8192xf32, #tpu.memory_space<vmem>>, %arg15: memref<24576xf32, #tpu.memory_space<vmem>>, %arg16: memref<8216xi32, #tpu.memory_space<vmem>>, %arg17: memref<4096xf32, #tpu.memory_space<vmem>>, %arg18: memref<512xf32, #tpu.memory_space<vmem>>, %arg19: memref<32896xf32, #tpu.memory_space<vmem>>, %arg20: memref<80xf32, #tpu.memory_space<vmem>>) attributes {dimension_semantics = [#tpu.dimension_semantics<core_parallel>, #tpu.dimension_semantics<subcore_parallel>], iteration_bounds = array<i64: 2, 16>, scalar_prefetch = 0 : i64, scratch_operands = 10 : i64, tpu.core_type = #tpu.core_type<sc_vector_subcore>, window_params = [{transform_indices = #map}, {transform_indices = #map}, {transform_indices = #map}, {transform_indices = #map}, {transform_indices = #map}, {transform_indices = #map1}, {transform_indices = #map}, {transform_indices = #map}, {transform_indices = #map1}]} {
    %mul3A = arith.constant 16 : i32
    %mul3A_0 = arith.muli %arg0, %mul3A : i32
    %add3A = arith.addi %mul3A_0, %arg1 : i32
    %mul3A_1 = arith.constant 8192 : i32
    %mul3A_2 = arith.muli %add3A, %mul3A_1 : i32
    %iota3A = tpu.iota {dimensions = array<i32: 0>} : vector<16xi32>
    %broadcast_in_dim3A = arith.constant -1 : i32
    %broadcast_in_dim3A_3 = vector.broadcast %broadcast_in_dim3A : i32 to vector<16xi32>
    %swap3A = arith.constant 0 : index
    %swap3A_4 = tpu.vector_load %arg16[%swap3A] {strides = array<i32>} : memref<8216xi32, #tpu.memory_space<vmem>>, vector<16xi32>,
    tpu.vector_store %arg16[%swap3A], %broadcast_in_dim3A_3 {strides = array<i32>} : memref<8216xi32, #tpu.memory_space<vmem>>, vector<16xi32>,
    %gt3A = arith.constant 0 : i32
    %gt3A_5 = arith.cmpi sgt, %add3A, %gt3A : i32
    %convert_element_type3A = arith.extui %gt3A_5 : i1 to i32
    %cond3A = arith.constant 0 : i32
    %cond3A_6 = arith.cmpi ne, %convert_element_type3A, %cond3A : i32
    scf.if %cond3A_6 {
      %sub3A_241 = arith.constant 8 : i32
      %sub3A_242 = arith.subi %mul3A_2, %sub3A_241 : i32
      "tpu.region"() ({
        %run_scoped3A = tpu.sem_alloc : memref<!tpu.dma_semaphore, #tpu.memory_space<semaphore_mem>>
        %dma_start3A = arith.constant 0 : i32
        %dma_start3A_243 = tpu.memref_slice %arg16[%dma_start3A] : memref<8216xi32, #tpu.memory_space<vmem>> -> memref<8xi32, #tpu.memory_space<vmem>>
        %dma_start3A_244 = tpu.memref_slice %arg4[%sub3A_242] : memref<262144xi32, #tpu.memory_space<hbm>> -> memref<8xi32, #tpu.memory_space<hbm>>
        %dma_start3A_245 = arith.constant 0 : i32
        %dma_start3A_246 = tpu.memref_slice %arg16[%dma_start3A_245] : memref<8216xi32, #tpu.memory_space<vmem>> -> memref<8xi32, #tpu.memory_space<vmem>>
        %dma_start3A_247 = tpu.memref_slice %arg4[%sub3A_242] : memref<262144xi32, #tpu.memory_space<hbm>> -> memref<8xi32, #tpu.memory_space<hbm>>
        tpu.enqueue_dma source(%dma_start3A_247 : memref<8xi32, #tpu.memory_space<hbm>>) target(%dma_start3A_246 : memref<8xi32, #tpu.memory_space<vmem>>) target_semaphore(%run_scoped3A : memref<!tpu.dma_semaphore, #tpu.memory_space<semaphore_mem>>)
        %dma_wait3A = arith.constant 0 : i32
        %dma_wait3A_248 = tpu.memref_slice %arg16[%dma_wait3A] : memref<8216xi32, #tpu.memory_space<vmem>> -> memref<8xi32, #tpu.memory_space<vmem>>
        %dma_wait3A_249 = tpu.memref_slice %arg4[%sub3A_242] : memref<262144xi32, #tpu.memory_space<hbm>> -> memref<8xi32, #tpu.memory_space<hbm>>
        %dma_wait3A_250 = arith.constant 0 : i32
        %dma_wait3A_251 = tpu.memref_slice %arg16[%dma_wait3A_250] : memref<8216xi32, #tpu.memory_space<vmem>> -> memref<8xi32, #tpu.memory_space<vmem>>
        %dma_wait3A_252 = tpu.memref_slice %arg4[%sub3A_242] : memref<262144xi32, #tpu.memory_space<hbm>> -> memref<8xi32, #tpu.memory_space<hbm>>
        tpu.wait_dma2 semaphore(%run_scoped3A : memref<!tpu.dma_semaphore, #tpu.memory_space<semaphore_mem>>) src(%dma_wait3A_252 : memref<8xi32, #tpu.memory_space<hbm>>) dst(%dma_wait3A_251 : memref<8xi32, #tpu.memory_space<vmem>>)
        tpu.yield
      }) : () -> ()
    } else {
    }
    "tpu.region"() ({
      %run_scoped3A = tpu.sem_alloc : memref<!tpu.dma_semaphore, #tpu.memory_space<semaphore_mem>>
      %dma_start3A = arith.constant 8 : i32
      %dma_start3A_241 = tpu.memref_slice %arg16[%dma_start3A] : memref<8216xi32, #tpu.memory_space<vmem>> -> memref<8192xi32, #tpu.memory_space<vmem>>
      %dma_start3A_242 = tpu.memref_slice %arg4[%mul3A_2] : memref<262144xi32, #tpu.memory_space<hbm>> -> memref<8192xi32, #tpu.memory_space<hbm>>
      %dma_start3A_243 = arith.constant 8 : i32
      %dma_start3A_244 = tpu.memref_slice %arg16[%dma_start3A_243] : memref<8216xi32, #tpu.memory_space<vmem>> -> memref<8192xi32, #tpu.memory_space<vmem>>
      %dma_start3A_245 = tpu.memref_slice %arg4[%mul3A_2] : memref<262144xi32, #tpu.memory_space<hbm>> -> memref<8192xi32, #tpu.memory_space<hbm>>
      tpu.enqueue_dma source(%dma_start3A_245 : memref<8192xi32, #tpu.memory_space<hbm>>) target(%dma_start3A_244 : memref<8192xi32, #tpu.memory_space<vmem>>) target_semaphore(%run_scoped3A : memref<!tpu.dma_semaphore, #tpu.memory_space<semaphore_mem>>)
      %dma_wait3A = arith.constant 8 : i32
      %dma_wait3A_246 = tpu.memref_slice %arg16[%dma_wait3A] : memref<8216xi32, #tpu.memory_space<vmem>> -> memref<8192xi32, #tpu.memory_space<vmem>>
      %dma_wait3A_247 = tpu.memref_slice %arg4[%mul3A_2] : memref<262144xi32, #tpu.memory_space<hbm>> -> memref<8192xi32, #tpu.memory_space<hbm>>
      %dma_wait3A_248 = arith.constant 8 : i32
      %dma_wait3A_249 = tpu.memref_slice %arg16[%dma_wait3A_248] : memref<8216xi32, #tpu.memory_space<vmem>> -> memref<8192xi32, #tpu.memory_space<vmem>>
      %dma_wait3A_250 = tpu.memref_slice %arg4[%mul3A_2] : memref<262144xi32, #tpu.memory_space<hbm>> -> memref<8192xi32, #tpu.memory_space<hbm>>
      tpu.wait_dma2 semaphore(%run_scoped3A : memref<!tpu.dma_semaphore, #tpu.memory_space<semaphore_mem>>) src(%dma_wait3A_250 : memref<8192xi32, #tpu.memory_space<hbm>>) dst(%dma_wait3A_249 : memref<8192xi32, #tpu.memory_space<vmem>>)
      tpu.yield
    }) : () -> ()
    %broadcast_in_dim3A_7 = arith.constant -2 : i32
    %broadcast_in_dim3A_8 = vector.broadcast %broadcast_in_dim3A_7 : i32 to vector<16xi32>
    %swap3A_9 = arith.constant 8200 : index
    %swap3A_10 = tpu.vector_load %arg16[%swap3A_9] {strides = array<i32>} : memref<8216xi32, #tpu.memory_space<vmem>>, vector<16xi32>,
    tpu.vector_store %arg16[%swap3A_9], %broadcast_in_dim3A_8 {strides = array<i32>} : memref<8216xi32, #tpu.memory_space<vmem>>, vector<16xi32>,
    %lt3A = arith.constant 31 : i32
    %lt3A_11 = arith.cmpi slt, %add3A, %lt3A : i32
    %convert_element_type3A_12 = arith.extui %lt3A_11 : i1 to i32
    %cond3A_13 = arith.constant 0 : i32
    %cond3A_14 = arith.cmpi ne, %convert_element_type3A_12, %cond3A_13 : i32
    scf.if %cond3A_14 {
      %add3A_241 = arith.constant 8192 : i32
      %add3A_242 = arith.addi %mul3A_2, %add3A_241 : i32
      "tpu.region"() ({
        %run_scoped3A = tpu.sem_alloc : memref<!tpu.dma_semaphore, #tpu.memory_space<semaphore_mem>>
        %dma_start3A = arith.constant 8200 : i32
        %dma_start3A_243 = tpu.memref_slice %arg16[%dma_start3A] : memref<8216xi32, #tpu.memory_space<vmem>> -> memref<8xi32, #tpu.memory_space<vmem>>
        %dma_start3A_244 = tpu.memref_slice %arg4[%add3A_242] : memref<262144xi32, #tpu.memory_space<hbm>> -> memref<8xi32, #tpu.memory_space<hbm>>
        %dma_start3A_245 = arith.constant 8200 : i32
        %dma_start3A_246 = tpu.memref_slice %arg16[%dma_start3A_245] : memref<8216xi32, #tpu.memory_space<vmem>> -> memref<8xi32, #tpu.memory_space<vmem>>
        %dma_start3A_247 = tpu.memref_slice %arg4[%add3A_242] : memref<262144xi32, #tpu.memory_space<hbm>> -> memref<8xi32, #tpu.memory_space<hbm>>
        tpu.enqueue_dma source(%dma_start3A_247 : memref<8xi32, #tpu.memory_space<hbm>>) target(%dma_start3A_246 : memref<8xi32, #tpu.memory_space<vmem>>) target_semaphore(%run_scoped3A : memref<!tpu.dma_semaphore, #tpu.memory_space<semaphore_mem>>)
        %dma_wait3A = arith.constant 8200 : i32
        %dma_wait3A_248 = tpu.memref_slice %arg16[%dma_wait3A] : memref<8216xi32, #tpu.memory_space<vmem>> -> memref<8xi32, #tpu.memory_space<vmem>>
        %dma_wait3A_249 = tpu.memref_slice %arg4[%add3A_242] : memref<262144xi32, #tpu.memory_space<hbm>> -> memref<8xi32, #tpu.memory_space<hbm>>
        %dma_wait3A_250 = arith.constant 8200 : i32
        %dma_wait3A_251 = tpu.memref_slice %arg16[%dma_wait3A_250] : memref<8216xi32, #tpu.memory_space<vmem>> -> memref<8xi32, #tpu.memory_space<vmem>>
        %dma_wait3A_252 = tpu.memref_slice %arg4[%add3A_242] : memref<262144xi32, #tpu.memory_space<hbm>> -> memref<8xi32, #tpu.memory_space<hbm>>
        tpu.wait_dma2 semaphore(%run_scoped3A : memref<!tpu.dma_semaphore, #tpu.memory_space<semaphore_mem>>) src(%dma_wait3A_252 : memref<8xi32, #tpu.memory_space<hbm>>) dst(%dma_wait3A_251 : memref<8xi32, #tpu.memory_space<vmem>>)
        tpu.yield
      }) : () -> ()
    } else {
    }
    "tpu.region"() ({
      %run_scoped3A = tpu.sem_alloc : memref<!tpu.dma_semaphore, #tpu.memory_space<semaphore_mem>>
      %dma_start3A = tpu.memref_slice %arg2[%mul3A_2] : memref<262144xf32, #tpu.memory_space<hbm>> -> memref<8192xf32, #tpu.memory_space<hbm>>
      %dma_start3A_241 = tpu.memref_slice %arg2[%mul3A_2] : memref<262144xf32, #tpu.memory_space<hbm>> -> memref<8192xf32, #tpu.memory_space<hbm>>
      tpu.enqueue_dma source(%dma_start3A_241 : memref<8192xf32, #tpu.memory_space<hbm>>) target(%arg11 : memref<8192xf32, #tpu.memory_space<vmem>>) target_semaphore(%run_scoped3A : memref<!tpu.dma_semaphore, #tpu.memory_space<semaphore_mem>>)
      %dma_wait3A = tpu.memref_slice %arg2[%mul3A_2] : memref<262144xf32, #tpu.memory_space<hbm>> -> memref<8192xf32, #tpu.memory_space<hbm>>
      %dma_wait3A_242 = tpu.memref_slice %arg2[%mul3A_2] : memref<262144xf32, #tpu.memory_space<hbm>> -> memref<8192xf32, #tpu.memory_space<hbm>>
      tpu.wait_dma2 semaphore(%run_scoped3A : memref<!tpu.dma_semaphore, #tpu.memory_space<semaphore_mem>>) src(%dma_wait3A_242 : memref<8192xf32, #tpu.memory_space<hbm>>) dst(%arg11 : memref<8192xf32, #tpu.memory_space<vmem>>)
      tpu.yield
    }) : () -> ()
    "tpu.region"() ({
      %run_scoped3A = tpu.sem_alloc : memref<!tpu.dma_semaphore, #tpu.memory_space<semaphore_mem>>
      %dma_start3A = tpu.memref_slice %arg6[%mul3A_2] : memref<262144xf32, #tpu.memory_space<hbm>> -> memref<8192xf32, #tpu.memory_space<hbm>>
      %dma_start3A_241 = tpu.memref_slice %arg6[%mul3A_2] : memref<262144xf32, #tpu.memory_space<hbm>> -> memref<8192xf32, #tpu.memory_space<hbm>>
      tpu.enqueue_dma source(%dma_start3A_241 : memref<8192xf32, #tpu.memory_space<hbm>>) target(%arg13 : memref<8192xf32, #tpu.memory_space<vmem>>) target_semaphore(%run_scoped3A : memref<!tpu.dma_semaphore, #tpu.memory_space<semaphore_mem>>)
      %dma_wait3A = tpu.memref_slice %arg6[%mul3A_2] : memref<262144xf32, #tpu.memory_space<hbm>> -> memref<8192xf32, #tpu.memory_space<hbm>>
      %dma_wait3A_242 = tpu.memref_slice %arg6[%mul3A_2] : memref<262144xf32, #tpu.memory_space<hbm>> -> memref<8192xf32, #tpu.memory_space<hbm>>
      tpu.wait_dma2 semaphore(%run_scoped3A : memref<!tpu.dma_semaphore, #tpu.memory_space<semaphore_mem>>) src(%dma_wait3A_242 : memref<8192xf32, #tpu.memory_space<hbm>>) dst(%arg13 : memref<8192xf32, #tpu.memory_space<vmem>>)
      tpu.yield
    }) : () -> ()
    %mul3A_15 = arith.constant 3 : i32
    %mul3A_16 = arith.muli %mul3A_2, %mul3A_15 : i32
    "tpu.region"() ({
      %run_scoped3A = tpu.sem_alloc : memref<!tpu.dma_semaphore, #tpu.memory_space<semaphore_mem>>
      %dma_start3A = tpu.memref_slice %arg5[%mul3A_16] : memref<786432xf32, #tpu.memory_space<hbm>> -> memref<24576xf32, #tpu.memory_space<hbm>>
      %dma_start3A_241 = tpu.memref_slice %arg5[%mul3A_16] : memref<786432xf32, #tpu.memory_space<hbm>> -> memref<24576xf32, #tpu.memory_space<hbm>>
      tpu.enqueue_dma source(%dma_start3A_241 : memref<24576xf32, #tpu.memory_space<hbm>>) target(%arg15 : memref<24576xf32, #tpu.memory_space<vmem>>) target_semaphore(%run_scoped3A : memref<!tpu.dma_semaphore, #tpu.memory_space<semaphore_mem>>)
      %dma_wait3A = tpu.memref_slice %arg5[%mul3A_16] : memref<786432xf32, #tpu.memory_space<hbm>> -> memref<24576xf32, #tpu.memory_space<hbm>>
      %dma_wait3A_242 = tpu.memref_slice %arg5[%mul3A_16] : memref<786432xf32, #tpu.memory_space<hbm>> -> memref<24576xf32, #tpu.memory_space<hbm>>
      tpu.wait_dma2 semaphore(%run_scoped3A : memref<!tpu.dma_semaphore, #tpu.memory_space<semaphore_mem>>) src(%dma_wait3A_242 : memref<24576xf32, #tpu.memory_space<hbm>>) dst(%arg15 : memref<24576xf32, #tpu.memory_space<vmem>>)
      tpu.yield
    }) : () -> ()
    "tpu.region"() ({
      %run_scoped3A = tpu.sem_alloc : memref<!tpu.dma_semaphore, #tpu.memory_space<semaphore_mem>>
      tpu.enqueue_dma source(%arg8 : memref<512xf32, #tpu.memory_space<hbm>>) target(%arg18 : memref<512xf32, #tpu.memory_space<vmem>>) target_semaphore(%run_scoped3A : memref<!tpu.dma_semaphore, #tpu.memory_space<semaphore_mem>>)
      tpu.wait_dma2 semaphore(%run_scoped3A : memref<!tpu.dma_semaphore, #tpu.memory_space<semaphore_mem>>) src(%arg8 : memref<512xf32, #tpu.memory_space<hbm>>) dst(%arg18 : memref<512xf32, #tpu.memory_space<vmem>>)
      tpu.yield
    }) : () -> ()
    %mul3A_17 = arith.constant 16 : i32
    %mul3A_18 = vector.broadcast %mul3A_17 : i32 to vector<16xi32>
    %mul3A_19 = arith.muli %iota3A, %mul3A_18 : vector<16xi32>
    %add3A_20 = arith.constant 16 : i32
    %add3A_21 = vector.broadcast %add3A_20 : i32 to vector<16xi32>
    %add3A_22 = arith.addi %iota3A, %add3A_21 : vector<16xi32>
    %mul3A_23 = arith.constant 16 : i32
    %mul3A_24 = vector.broadcast %mul3A_23 : i32 to vector<16xi32>
    %mul3A_25 = arith.muli %add3A_22, %mul3A_24 : vector<16xi32>
    %gather3A = tpu.vector_load_idx %arg18[%mul3A_19] : memref<512xf32, #tpu.memory_space<vmem>>[vector<16xi32>], vector<16xf32>,
    %gather3A_26 = tpu.vector_load_idx %arg18[%mul3A_25] : memref<512xf32, #tpu.memory_space<vmem>>[vector<16xi32>], vector<16xf32>,
    %add3A_27 = arith.constant 1 : i32
    %add3A_28 = vector.broadcast %add3A_27 : i32 to vector<16xi32>
    %add3A_29 = arith.addi %mul3A_19, %add3A_28 : vector<16xi32>
    %gather3A_30 = tpu.vector_load_idx %arg18[%add3A_29] : memref<512xf32, #tpu.memory_space<vmem>>[vector<16xi32>], vector<16xf32>,
    %add3A_31 = arith.constant 1 : i32
    %add3A_32 = vector.broadcast %add3A_31 : i32 to vector<16xi32>
    %add3A_33 = arith.addi %mul3A_25, %add3A_32 : vector<16xi32>
    %gather3A_34 = tpu.vector_load_idx %arg18[%add3A_33] : memref<512xf32, #tpu.memory_space<vmem>>[vector<16xi32>], vector<16xf32>,
    %add3A_35 = arith.constant 2 : i32
    %add3A_36 = vector.broadcast %add3A_35 : i32 to vector<16xi32>
    %add3A_37 = arith.addi %mul3A_19, %add3A_36 : vector<16xi32>
    %gather3A_38 = tpu.vector_load_idx %arg18[%add3A_37] : memref<512xf32, #tpu.memory_space<vmem>>[vector<16xi32>], vector<16xf32>,
    %add3A_39 = arith.constant 2 : i32
    %add3A_40 = vector.broadcast %add3A_39 : i32 to vector<16xi32>
    %add3A_41 = arith.addi %mul3A_25, %add3A_40 : vector<16xi32>
    %gather3A_42 = tpu.vector_load_idx %arg18[%add3A_41] : memref<512xf32, #tpu.memory_space<vmem>>[vector<16xi32>], vector<16xf32>,
    %lt3A_43 = vector.broadcast %add3A : i32 to vector<16xi32>
    %lt3A_44 = arith.cmpi slt, %iota3A, %lt3A_43 : vector<16xi32>
    %jit3A = arith.constant 0.000000e+00 : f32
    %broadcast_in_dim3A_45 = vector.broadcast %jit3A : f32 to vector<16xf32>
    %select_n3A = arith.select %lt3A_44, %gather3A, %broadcast_in_dim3A_45 : vector<16xi1>, vector<16xf32>
    %reduce_sum3A = arith.constant true
    %reduce_sum3A_46 = vector.broadcast %reduce_sum3A : i1 to vector<16xi1>
    %reduce_sum3A_47 = tpu.scan <sum>, %select_n3A masked %reduce_sum3A_46 : vector<16xf32>, vector<16xi1> -> vector<16xf32>
    %reduce_sum3A_48 = vector.extract %reduce_sum3A_47[15] : f32 from vector<16xf32>
    %add3A_49 = arith.constant 16 : i32
    %add3A_50 = vector.broadcast %add3A_49 : i32 to vector<16xi32>
    %add3A_51 = arith.addi %iota3A, %add3A_50 : vector<16xi32>
    %lt3A_52 = vector.broadcast %add3A : i32 to vector<16xi32>
    %lt3A_53 = arith.cmpi slt, %add3A_51, %lt3A_52 : vector<16xi32>
    %jit3A_54 = arith.constant 0.000000e+00 : f32
    %broadcast_in_dim3A_55 = vector.broadcast %jit3A_54 : f32 to vector<16xf32>
    %select_n3A_56 = arith.select %lt3A_53, %gather3A_26, %broadcast_in_dim3A_55 : vector<16xi1>, vector<16xf32>
    %reduce_sum3A_57 = arith.constant true
    %reduce_sum3A_58 = vector.broadcast %reduce_sum3A_57 : i1 to vector<16xi1>
    %reduce_sum3A_59 = tpu.scan <sum>, %select_n3A_56 masked %reduce_sum3A_58 : vector<16xf32>, vector<16xi1> -> vector<16xf32>
    %reduce_sum3A_60 = vector.extract %reduce_sum3A_59[15] : f32 from vector<16xf32>
    %add3A_61 = arith.addf %reduce_sum3A_48, %reduce_sum3A_60 : f32
    %get3A = arith.constant 0 : index
    %get3A_62 = tpu.vector_load %arg16[%get3A] {strides = array<i32>} : memref<8216xi32, #tpu.memory_space<vmem>>, vector<16xi32>,
    %slice3A = vector.extract_strided_slice %get3A_62 {offsets = [7], sizes = [1], strides = [1]} : vector<16xi32> to vector<1xi32>
    %squeeze3A = vector.extract %slice3A[0] : i32 from vector<1xi32>
    %slice3A_63 = vector.extract_strided_slice %get3A_62 {offsets = [8], sizes = [1], strides = [1]} : vector<16xi32> to vector<1xi32>
    %squeeze3A_64 = vector.extract %slice3A_63[0] : i32 from vector<1xi32>
    %ne3A = arith.cmpi ne, %squeeze3A, %squeeze3A_64 : i32
    %slice3A_65 = vector.extract_strided_slice %get3A_62 {offsets = [8], sizes = [1], strides = [1]} : vector<16xi32> to vector<1xi32>
    %squeeze3A_66 = vector.extract %slice3A_65[0] : i32 from vector<1xi32>
    %gt3A_67 = arith.constant 5.000000e-01 : f32
    %gt3A_68 = vector.broadcast %gt3A_67 : f32 to vector<16xf32>
    %gt3A_69 = arith.cmpf ogt, %gather3A_30, %gt3A_68 : vector<16xf32>
    %lt3A_70 = vector.broadcast %add3A : i32 to vector<16xi32>
    %lt3A_71 = arith.cmpi slt, %iota3A, %lt3A_70 : vector<16xi32>
    %and3A = arith.andi %gt3A_69, %lt3A_71 : vector<16xi1>
    %jit3A_72 = arith.constant -1 : i32
    %broadcast_in_dim3A_73 = vector.broadcast %jit3A_72 : i32 to vector<16xi32>
    %select_n3A_74 = arith.select %and3A, %iota3A, %broadcast_in_dim3A_73 : vector<16xi1>, vector<16xi32>
    %gt3A_75 = arith.constant 5.000000e-01 : f32
    %gt3A_76 = vector.broadcast %gt3A_75 : f32 to vector<16xf32>
    %gt3A_77 = arith.cmpf ogt, %gather3A_34, %gt3A_76 : vector<16xf32>
    %add3A_78 = arith.constant 16 : i32
    %add3A_79 = vector.broadcast %add3A_78 : i32 to vector<16xi32>
    %add3A_80 = arith.addi %iota3A, %add3A_79 : vector<16xi32>
    %lt3A_81 = vector.broadcast %add3A : i32 to vector<16xi32>
    %lt3A_82 = arith.cmpi slt, %add3A_80, %lt3A_81 : vector<16xi32>
    %and3A_83 = arith.andi %gt3A_77, %lt3A_82 : vector<16xi1>
    %add3A_84 = arith.constant 16 : i32
    %add3A_85 = vector.broadcast %add3A_84 : i32 to vector<16xi32>
    %add3A_86 = arith.addi %iota3A, %add3A_85 : vector<16xi32>
    %jit3A_87 = arith.constant -1 : i32
    %broadcast_in_dim3A_88 = vector.broadcast %jit3A_87 : i32 to vector<16xi32>
    %select_n3A_89 = arith.select %and3A_83, %add3A_86, %broadcast_in_dim3A_88 : vector<16xi1>, vector<16xi32>
    %reduce_max3A = arith.constant true
    %reduce_max3A_90 = vector.broadcast %reduce_max3A : i1 to vector<16xi1>
    %reduce_max3A_91 = arith.constant -2147483648 : i32
    %reduce_max3A_92 = vector.broadcast %reduce_max3A_91 : i32 to vector<16xi32>
    %reduce_max3A_93 = arith.xori %select_n3A_74, %reduce_max3A_92 : vector<16xi32>
    %reduce_max3A_94 = tpu.scan <max>, %reduce_max3A_93 masked %reduce_max3A_90 : vector<16xi32>, vector<16xi1> -> vector<16xi32>
    %reduce_max3A_95 = arith.xori %reduce_max3A_94, %reduce_max3A_92 : vector<16xi32>
    %reduce_max3A_96 = vector.extract %reduce_max3A_95[15] : i32 from vector<16xi32>
    %reduce_max3A_97 = arith.constant true
    %reduce_max3A_98 = vector.broadcast %reduce_max3A_97 : i1 to vector<16xi1>
    %reduce_max3A_99 = arith.constant -2147483648 : i32
    %reduce_max3A_100 = vector.broadcast %reduce_max3A_99 : i32 to vector<16xi32>
    %reduce_max3A_101 = arith.xori %select_n3A_89, %reduce_max3A_100 : vector<16xi32>
    %reduce_max3A_102 = tpu.scan <max>, %reduce_max3A_101 masked %reduce_max3A_98 : vector<16xi32>, vector<16xi1> -> vector<16xi32>
    %reduce_max3A_103 = arith.xori %reduce_max3A_102, %reduce_max3A_100 : vector<16xi32>
    %reduce_max3A_104 = vector.extract %reduce_max3A_103[15] : i32 from vector<16xi32>
    %max3A = arith.maxsi %reduce_max3A_96, %reduce_max3A_104 : i32
    %lt3A_105 = vector.broadcast %max3A : i32 to vector<16xi32>
    %lt3A_106 = arith.cmpi slt, %iota3A, %lt3A_105 : vector<16xi32>
    %jit3A_107 = arith.constant 0.000000e+00 : f32
    %broadcast_in_dim3A_108 = vector.broadcast %jit3A_107 : f32 to vector<16xf32>
    %select_n3A_109 = arith.select %lt3A_106, %gather3A, %broadcast_in_dim3A_108 : vector<16xi1>, vector<16xf32>
    %reduce_sum3A_110 = arith.constant true
    %reduce_sum3A_111 = vector.broadcast %reduce_sum3A_110 : i1 to vector<16xi1>
    %reduce_sum3A_112 = tpu.scan <sum>, %select_n3A_109 masked %reduce_sum3A_111 : vector<16xf32>, vector<16xi1> -> vector<16xf32>
    %reduce_sum3A_113 = vector.extract %reduce_sum3A_112[15] : f32 from vector<16xf32>
    %add3A_114 = arith.constant 16 : i32
    %add3A_115 = vector.broadcast %add3A_114 : i32 to vector<16xi32>
    %add3A_116 = arith.addi %iota3A, %add3A_115 : vector<16xi32>
    %lt3A_117 = vector.broadcast %max3A : i32 to vector<16xi32>
    %lt3A_118 = arith.cmpi slt, %add3A_116, %lt3A_117 : vector<16xi32>
    %jit3A_119 = arith.constant 0.000000e+00 : f32
    %broadcast_in_dim3A_120 = vector.broadcast %jit3A_119 : f32 to vector<16xf32>
    %select_n3A_121 = arith.select %lt3A_118, %gather3A_26, %broadcast_in_dim3A_120 : vector<16xi1>, vector<16xf32>
    %reduce_sum3A_122 = arith.constant true
    %reduce_sum3A_123 = vector.broadcast %reduce_sum3A_122 : i1 to vector<16xi1>
    %reduce_sum3A_124 = tpu.scan <sum>, %select_n3A_121 masked %reduce_sum3A_123 : vector<16xf32>, vector<16xi1> -> vector<16xf32>
    %reduce_sum3A_125 = vector.extract %reduce_sum3A_124[15] : f32 from vector<16xf32>
    %add3A_126 = arith.addf %reduce_sum3A_113, %reduce_sum3A_125 : f32
    %eq3A = vector.broadcast %max3A : i32 to vector<16xi32>
    %eq3A_127 = arith.cmpi eq, %iota3A, %eq3A : vector<16xi32>
    %jit3A_128 = arith.constant 0.000000e+00 : f32
    %broadcast_in_dim3A_129 = vector.broadcast %jit3A_128 : f32 to vector<16xf32>
    %select_n3A_130 = arith.select %eq3A_127, %gather3A_38, %broadcast_in_dim3A_129 : vector<16xi1>, vector<16xf32>
    %reduce_sum3A_131 = arith.constant true
    %reduce_sum3A_132 = vector.broadcast %reduce_sum3A_131 : i1 to vector<16xi1>
    %reduce_sum3A_133 = tpu.scan <sum>, %select_n3A_130 masked %reduce_sum3A_132 : vector<16xf32>, vector<16xi1> -> vector<16xf32>
    %reduce_sum3A_134 = vector.extract %reduce_sum3A_133[15] : f32 from vector<16xf32>
    %add3A_135 = arith.constant 16 : i32
    %add3A_136 = vector.broadcast %add3A_135 : i32 to vector<16xi32>
    %add3A_137 = arith.addi %iota3A, %add3A_136 : vector<16xi32>
    %eq3A_138 = vector.broadcast %max3A : i32 to vector<16xi32>
    %eq3A_139 = arith.cmpi eq, %add3A_137, %eq3A_138 : vector<16xi32>
    %jit3A_140 = arith.constant 0.000000e+00 : f32
    %broadcast_in_dim3A_141 = vector.broadcast %jit3A_140 : f32 to vector<16xf32>
    %select_n3A_142 = arith.select %eq3A_139, %gather3A_42, %broadcast_in_dim3A_141 : vector<16xi1>, vector<16xf32>
    %reduce_sum3A_143 = arith.constant true
    %reduce_sum3A_144 = vector.broadcast %reduce_sum3A_143 : i1 to vector<16xi1>
    %reduce_sum3A_145 = tpu.scan <sum>, %select_n3A_142 masked %reduce_sum3A_144 : vector<16xf32>, vector<16xi1> -> vector<16xf32>
    %reduce_sum3A_146 = vector.extract %reduce_sum3A_145[15] : f32 from vector<16xf32>
    %add3A_147 = arith.addf %reduce_sum3A_134, %reduce_sum3A_146 : f32
    %add3A_148 = arith.addf %add3A_126, %add3A_147 : f32
    %sub3A = arith.subf %add3A_148, %add3A_61 : f32
    %jit3A_149 = arith.constant 0.000000e+00 : f32
    %select_n3A_150 = arith.select %ne3A, %jit3A_149, %sub3A : f32
    %broadcast_in_dim3A_151 = arith.constant 0.000000e+00 : f32
    %broadcast_in_dim3A_152 = vector.broadcast %broadcast_in_dim3A_151 : f32 to vector<16xf32>
    %add3A_153 = vector.broadcast %select_n3A_150 : f32 to vector<16xf32>
    %add3A_154 = arith.addf %add3A_153, %broadcast_in_dim3A_152 : vector<16xf32>
    %broadcast_in_dim3A_155 = arith.constant 0.000000e+00 : f32
    %broadcast_in_dim3A_156 = vector.broadcast %broadcast_in_dim3A_155 : f32 to vector<16xf32>
    %get3A_157 = arith.constant 8184 : index
    %get3A_158 = tpu.vector_load %arg16[%get3A_157] {strides = array<i32>} : memref<8216xi32, #tpu.memory_space<vmem>>, vector<16xi32>,
    %slice3A_159 = vector.extract_strided_slice %get3A_158 {offsets = [15], sizes = [1], strides = [1]} : vector<16xi32> to vector<1xi32>
    %squeeze3A_160 = vector.extract %slice3A_159[0] : i32 from vector<1xi32>
    %sub3A_161 = arith.subi %squeeze3A_160, %squeeze3A_66 : i32
    %jit3A_162 = arith.constant 16 : i32
    %div3A = arith.divsi %sub3A_161, %jit3A_162 : i32
    %sign3A = arith.constant 0 : i32
    %sign3A_163 = arith.cmpi sgt, %sub3A_161, %sign3A : i32
    %sign3A_164 = arith.extui %sign3A_163 : i1 to i32
    %sign3A_165 = arith.constant 0 : i32
    %sign3A_166 = arith.cmpi slt, %sub3A_161, %sign3A_165 : i32
    %sign3A_167 = arith.extui %sign3A_166 : i1 to i32
    %sign3A_168 = arith.subi %sign3A_164, %sign3A_167 : i32
    %sign3A_169 = arith.constant 0 : i32
    %sign3A_170 = arith.cmpi sgt, %jit3A_162, %sign3A_169 : i32
    %sign3A_171 = arith.extui %sign3A_170 : i1 to i32
    %sign3A_172 = arith.constant 0 : i32
    %sign3A_173 = arith.cmpi slt, %jit3A_162, %sign3A_172 : i32
    %sign3A_174 = arith.extui %sign3A_173 : i1 to i32
    %sign3A_175 = arith.subi %sign3A_171, %sign3A_174 : i32
    %ne3A_176 = arith.cmpi ne, %sign3A_168, %sign3A_175 : i32
    %rem3A = arith.remsi %sub3A_161, %jit3A_162 : i32
    %ne3A_177 = arith.constant 0 : i32
    %ne3A_178 = arith.cmpi ne, %rem3A, %ne3A_177 : i32
    %and3A_179 = arith.andi %ne3A_176, %ne3A_178 : i1
    %sub3A_180 = arith.constant 1 : i32
    %sub3A_181 = arith.subi %div3A, %sub3A_180 : i32
    %select_n3A_182 = arith.select %and3A_179, %sub3A_181, %div3A : i32
    %add3A_183 = arith.constant 1 : i32
    %add3A_184 = arith.addi %select_n3A_182, %add3A_183 : i32
    %while3A = arith.constant 0 : i32
    %while3A_185 = arith.constant 0 : i32
    %while3A_186 = arith.subi %add3A_184, %while3A : i32
    %while3A_187 = arith.addi %while3A, %while3A_186 : i32
    %while3A_188 = arith.constant 1 : i32
    %while3A_189 = arith.divsi %while3A_186, %while3A_188 : i32
    %while3A_190 = arith.muli %while3A_189, %while3A_188 : i32
    %while3A_191 = arith.addi %while3A, %while3A_190 : i32
    %while3A_192 = arith.constant 1 : i32
    %while3A_193 = scf.for %while3A_241 = %while3A to %while3A_191 step %while3A_192 iter_args(%while3A_242 = %while3A_185) -> (i32)  : i32 {
      %mul3A_243 = arith.constant 16 : i32
      %mul3A_244 = arith.muli %while3A_241, %mul3A_243 : i32
      %add3A_245 = arith.addi %squeeze3A_66, %mul3A_244 : i32
      %mul3A_246 = arith.constant 8 : i32
      %mul3A_247 = arith.muli %add3A_245, %mul3A_246 : i32
      %add3A_248 = arith.constant 0 : i32
      %add3A_249 = arith.addi %mul3A_247, %add3A_248 : i32
      %swap3A_250 = arith.index_cast %add3A_249 : i32 to index
      %swap3A_251 = tpu.vector_load %arg19[%swap3A_250] {strides = array<i32>} : memref<32896xf32, #tpu.memory_space<vmem>>, vector<16xf32>,
      tpu.vector_store %arg19[%swap3A_250], %broadcast_in_dim3A_156 {strides = array<i32>} : memref<32896xf32, #tpu.memory_space<vmem>>, vector<16xf32>,
      %add3A_252 = arith.constant 16 : i32
      %add3A_253 = arith.addi %mul3A_247, %add3A_252 : i32
      %swap3A_254 = arith.index_cast %add3A_253 : i32 to index
      %swap3A_255 = tpu.vector_load %arg19[%swap3A_254] {strides = array<i32>} : memref<32896xf32, #tpu.memory_space<vmem>>, vector<16xf32>,
      tpu.vector_store %arg19[%swap3A_254], %broadcast_in_dim3A_156 {strides = array<i32>} : memref<32896xf32, #tpu.memory_space<vmem>>, vector<16xf32>,
      %add3A_256 = arith.constant 32 : i32
      %add3A_257 = arith.addi %mul3A_247, %add3A_256 : i32
      %swap3A_258 = arith.index_cast %add3A_257 : i32 to index
      %swap3A_259 = tpu.vector_load %arg19[%swap3A_258] {strides = array<i32>} : memref<32896xf32, #tpu.memory_space<vmem>>, vector<16xf32>,
      tpu.vector_store %arg19[%swap3A_258], %broadcast_in_dim3A_156 {strides = array<i32>} : memref<32896xf32, #tpu.memory_space<vmem>>, vector<16xf32>,
      %add3A_260 = arith.constant 48 : i32
      %add3A_261 = arith.addi %mul3A_247, %add3A_260 : i32
      %swap3A_262 = arith.index_cast %add3A_261 : i32 to index
      %swap3A_263 = tpu.vector_load %arg19[%swap3A_262] {strides = array<i32>} : memref<32896xf32, #tpu.memory_space<vmem>>, vector<16xf32>,
      tpu.vector_store %arg19[%swap3A_262], %broadcast_in_dim3A_156 {strides = array<i32>} : memref<32896xf32, #tpu.memory_space<vmem>>, vector<16xf32>,
      %add3A_264 = arith.constant 64 : i32
      %add3A_265 = arith.addi %mul3A_247, %add3A_264 : i32
      %swap3A_266 = arith.index_cast %add3A_265 : i32 to index
      %swap3A_267 = tpu.vector_load %arg19[%swap3A_266] {strides = array<i32>} : memref<32896xf32, #tpu.memory_space<vmem>>, vector<16xf32>,
      tpu.vector_store %arg19[%swap3A_266], %broadcast_in_dim3A_156 {strides = array<i32>} : memref<32896xf32, #tpu.memory_space<vmem>>, vector<16xf32>,
      %add3A_268 = arith.constant 80 : i32
      %add3A_269 = arith.addi %mul3A_247, %add3A_268 : i32
      %swap3A_270 = arith.index_cast %add3A_269 : i32 to index
      %swap3A_271 = tpu.vector_load %arg19[%swap3A_270] {strides = array<i32>} : memref<32896xf32, #tpu.memory_space<vmem>>, vector<16xf32>,
      tpu.vector_store %arg19[%swap3A_270], %broadcast_in_dim3A_156 {strides = array<i32>} : memref<32896xf32, #tpu.memory_space<vmem>>, vector<16xf32>,
      %add3A_272 = arith.constant 96 : i32
      %add3A_273 = arith.addi %mul3A_247, %add3A_272 : i32
      %swap3A_274 = arith.index_cast %add3A_273 : i32 to index
      %swap3A_275 = tpu.vector_load %arg19[%swap3A_274] {strides = array<i32>} : memref<32896xf32, #tpu.memory_space<vmem>>, vector<16xf32>,
      tpu.vector_store %arg19[%swap3A_274], %broadcast_in_dim3A_156 {strides = array<i32>} : memref<32896xf32, #tpu.memory_space<vmem>>, vector<16xf32>,
      %add3A_276 = arith.constant 112 : i32
      %add3A_277 = arith.addi %mul3A_247, %add3A_276 : i32
      %swap3A_278 = arith.index_cast %add3A_277 : i32 to index
      %swap3A_279 = tpu.vector_load %arg19[%swap3A_278] {strides = array<i32>} : memref<32896xf32, #tpu.memory_space<vmem>>, vector<16xf32>,
      tpu.vector_store %arg19[%swap3A_278], %broadcast_in_dim3A_156 {strides = array<i32>} : memref<32896xf32, #tpu.memory_space<vmem>>, vector<16xf32>,
      %while3A_280 = arith.constant 0 : i32
      scf.yield %while3A_280 : i32
    }
    %while3A_194 = arith.constant 1 : i32
    %while3A_195 = scf.for %while3A_241 = %while3A_191 to %while3A_187 step %while3A_194 iter_args(%while3A_242 = %while3A_193) -> (i32)  : i32 {
      %mul3A_243 = arith.constant 16 : i32
      %mul3A_244 = arith.muli %while3A_241, %mul3A_243 : i32
      %add3A_245 = arith.addi %squeeze3A_66, %mul3A_244 : i32
      %mul3A_246 = arith.constant 8 : i32
      %mul3A_247 = arith.muli %add3A_245, %mul3A_246 : i32
      %add3A_248 = arith.constant 0 : i32
      %add3A_249 = arith.addi %mul3A_247, %add3A_248 : i32
      %swap3A_250 = arith.index_cast %add3A_249 : i32 to index
      %swap3A_251 = tpu.vector_load %arg19[%swap3A_250] {strides = array<i32>} : memref<32896xf32, #tpu.memory_space<vmem>>, vector<16xf32>,
      tpu.vector_store %arg19[%swap3A_250], %broadcast_in_dim3A_156 {strides = array<i32>} : memref<32896xf32, #tpu.memory_space<vmem>>, vector<16xf32>,
      %add3A_252 = arith.constant 16 : i32
      %add3A_253 = arith.addi %mul3A_247, %add3A_252 : i32
      %swap3A_254 = arith.index_cast %add3A_253 : i32 to index
      %swap3A_255 = tpu.vector_load %arg19[%swap3A_254] {strides = array<i32>} : memref<32896xf32, #tpu.memory_space<vmem>>, vector<16xf32>,
      tpu.vector_store %arg19[%swap3A_254], %broadcast_in_dim3A_156 {strides = array<i32>} : memref<32896xf32, #tpu.memory_space<vmem>>, vector<16xf32>,
      %add3A_256 = arith.constant 32 : i32
      %add3A_257 = arith.addi %mul3A_247, %add3A_256 : i32
      %swap3A_258 = arith.index_cast %add3A_257 : i32 to index
      %swap3A_259 = tpu.vector_load %arg19[%swap3A_258] {strides = array<i32>} : memref<32896xf32, #tpu.memory_space<vmem>>, vector<16xf32>,
      tpu.vector_store %arg19[%swap3A_258], %broadcast_in_dim3A_156 {strides = array<i32>} : memref<32896xf32, #tpu.memory_space<vmem>>, vector<16xf32>,
      %add3A_260 = arith.constant 48 : i32
      %add3A_261 = arith.addi %mul3A_247, %add3A_260 : i32
      %swap3A_262 = arith.index_cast %add3A_261 : i32 to index
      %swap3A_263 = tpu.vector_load %arg19[%swap3A_262] {strides = array<i32>} : memref<32896xf32, #tpu.memory_space<vmem>>, vector<16xf32>,
      tpu.vector_store %arg19[%swap3A_262], %broadcast_in_dim3A_156 {strides = array<i32>} : memref<32896xf32, #tpu.memory_space<vmem>>, vector<16xf32>,
      %add3A_264 = arith.constant 64 : i32
      %add3A_265 = arith.addi %mul3A_247, %add3A_264 : i32
      %swap3A_266 = arith.index_cast %add3A_265 : i32 to index
      %swap3A_267 = tpu.vector_load %arg19[%swap3A_266] {strides = array<i32>} : memref<32896xf32, #tpu.memory_space<vmem>>, vector<16xf32>,
      tpu.vector_store %arg19[%swap3A_266], %broadcast_in_dim3A_156 {strides = array<i32>} : memref<32896xf32, #tpu.memory_space<vmem>>, vector<16xf32>,
      %add3A_268 = arith.constant 80 : i32
      %add3A_269 = arith.addi %mul3A_247, %add3A_268 : i32
      %swap3A_270 = arith.index_cast %add3A_269 : i32 to index
      %swap3A_271 = tpu.vector_load %arg19[%swap3A_270] {strides = array<i32>} : memref<32896xf32, #tpu.memory_space<vmem>>, vector<16xf32>,
      tpu.vector_store %arg19[%swap3A_270], %broadcast_in_dim3A_156 {strides = array<i32>} : memref<32896xf32, #tpu.memory_space<vmem>>, vector<16xf32>,
      %add3A_272 = arith.constant 96 : i32
      %add3A_273 = arith.addi %mul3A_247, %add3A_272 : i32
      %swap3A_274 = arith.index_cast %add3A_273 : i32 to index
      %swap3A_275 = tpu.vector_load %arg19[%swap3A_274] {strides = array<i32>} : memref<32896xf32, #tpu.memory_space<vmem>>, vector<16xf32>,
      tpu.vector_store %arg19[%swap3A_274], %broadcast_in_dim3A_156 {strides = array<i32>} : memref<32896xf32, #tpu.memory_space<vmem>>, vector<16xf32>,
      %add3A_276 = arith.constant 112 : i32
      %add3A_277 = arith.addi %mul3A_247, %add3A_276 : i32
      %swap3A_278 = arith.index_cast %add3A_277 : i32 to index
      %swap3A_279 = tpu.vector_load %arg19[%swap3A_278] {strides = array<i32>} : memref<32896xf32, #tpu.memory_space<vmem>>, vector<16xf32>,
      tpu.vector_store %arg19[%swap3A_278], %broadcast_in_dim3A_156 {strides = array<i32>} : memref<32896xf32, #tpu.memory_space<vmem>>, vector<16xf32>,
      %while3A_280 = arith.constant 0 : i32
      scf.yield %while3A_280 : i32
    }
    %broadcast_in_dim3A_196 = arith.constant 0.000000e+00 : f32
    %broadcast_in_dim3A_197 = vector.broadcast %broadcast_in_dim3A_196 : f32 to vector<16xf32>
    %scan3A = arith.constant 0 : i32
    %scan3A_198 = arith.constant 512 : i32
    %scan3A_199 = arith.addi %scan3A, %scan3A_198 : i32
    %scan3A_200 = arith.constant 4 : i32
    %scan3A_201:11 = scf.for %scan3A_241 = %scan3A to %scan3A_199 step %scan3A_200 iter_args(%scan3A_242 = %add3A_154, %scan3A_243 = %broadcast_in_dim3A_197, %scan3A_244 = %broadcast_in_dim3A_197, %scan3A_245 = %broadcast_in_dim3A_197, %scan3A_246 = %broadcast_in_dim3A_197, %scan3A_247 = %broadcast_in_dim3A_197, %scan3A_248 = %broadcast_in_dim3A_197, %scan3A_249 = %broadcast_in_dim3A_197, %scan3A_250 = %broadcast_in_dim3A_197, %scan3A_251 = %broadcast_in_dim3A_197, %scan3A_252 = %broadcast_in_dim3A_197) -> (vector<16xf32>, vector<16xf32>, vector<16xf32>, vector<16xf32>, vector<16xf32>, vector<16xf32>, vector<16xf32>, vector<16xf32>, vector<16xf32>, vector<16xf32>, vector<16xf32>)  : i32 {
      %mul3A_253 = arith.constant 16 : i32
      %mul3A_254 = arith.muli %scan3A_241, %mul3A_253 : i32
      %get3A_255 = arith.index_cast %mul3A_254 : i32 to index
      %get3A_256 = tpu.vector_load %arg11[%get3A_255] {strides = array<i32>} : memref<8192xf32, #tpu.memory_space<vmem>>, vector<16xf32>,
      %get3A_257 = arith.index_cast %mul3A_254 : i32 to index
      %get3A_258 = tpu.vector_load %arg13[%get3A_257] {strides = array<i32>} : memref<8192xf32, #tpu.memory_space<vmem>>, vector<16xf32>,
      %add3A_259 = arith.constant 8 : i32
      %add3A_260 = arith.addi %mul3A_254, %add3A_259 : i32
      %get3A_261 = arith.index_cast %add3A_260 : i32 to index
      %get3A_262 = tpu.vector_load %arg16[%get3A_261] {strides = array<i32>} : memref<8216xi32, #tpu.memory_space<vmem>>, vector<16xi32>,
      %add3A_263 = arith.constant 7 : i32
      %add3A_264 = arith.addi %mul3A_254, %add3A_263 : i32
      %get3A_265 = arith.index_cast %add3A_264 : i32 to index
      %get3A_266 = tpu.vector_load %arg16[%get3A_265] {strides = array<i32>} : memref<8216xi32, #tpu.memory_space<vmem>>, vector<16xi32>,
      %add3A_267 = arith.constant 9 : i32
      %add3A_268 = arith.addi %mul3A_254, %add3A_267 : i32
      %get3A_269 = arith.index_cast %add3A_268 : i32 to index
      %get3A_270 = tpu.vector_load %arg16[%get3A_269] {strides = array<i32>} : memref<8216xi32, #tpu.memory_space<vmem>>, vector<16xi32>,
      %add3A_271 = vector.broadcast %mul3A_254 : i32 to vector<16xi32>
      %add3A_272 = arith.addi %add3A_271, %iota3A : vector<16xi32>
      %mul3A_273 = arith.constant 3 : i32
      %mul3A_274 = vector.broadcast %mul3A_273 : i32 to vector<16xi32>
      %mul3A_275 = arith.muli %add3A_272, %mul3A_274 : vector<16xi32>
      %gather3A_276 = tpu.vector_load_idx %arg15[%mul3A_275] : memref<24576xf32, #tpu.memory_space<vmem>>[vector<16xi32>], vector<16xf32>,
      %add3A_277 = arith.constant 1 : i32
      %add3A_278 = vector.broadcast %add3A_277 : i32 to vector<16xi32>
      %add3A_279 = arith.addi %mul3A_275, %add3A_278 : vector<16xi32>
      %gather3A_280 = tpu.vector_load_idx %arg15[%add3A_279] : memref<24576xf32, #tpu.memory_space<vmem>>[vector<16xi32>], vector<16xf32>,
      %add3A_281 = arith.constant 2 : i32
      %add3A_282 = vector.broadcast %add3A_281 : i32 to vector<16xi32>
      %add3A_283 = arith.addi %mul3A_275, %add3A_282 : vector<16xi32>
      %gather3A_284 = tpu.vector_load_idx %arg15[%add3A_283] : memref<24576xf32, #tpu.memory_space<vmem>>[vector<16xi32>], vector<16xf32>,
      %ne3A_285 = arith.cmpi ne, %get3A_262, %get3A_266 : vector<16xi32>
      %ne3A_286 = arith.cmpi ne, %get3A_262, %get3A_270 : vector<16xi32>
      %add3A_287 = arith.constant 1 : i32
      %add3A_288 = vector.broadcast %add3A_287 : i32 to vector<16xi32>
      %add3A_289 = arith.addi %iota3A, %add3A_288 : vector<16xi32>
      %jit3A_290 = arith.constant 0 : i32
      %broadcast_in_dim3A_291 = vector.broadcast %jit3A_290 : i32 to vector<16xi32>
      %select_n3A_292 = arith.select %ne3A_285, %add3A_289, %broadcast_in_dim3A_291 : vector<16xi1>, vector<16xi32>
      %broadcast_in_dim3A_293 = arith.constant true
      %broadcast_in_dim3A_294 = vector.broadcast %broadcast_in_dim3A_293 : i1 to vector<16xi1>
      %masked_cummax3A = arith.constant -2147483648 : i32
      %masked_cummax3A_295 = vector.broadcast %masked_cummax3A : i32 to vector<16xi32>
      %masked_cummax3A_296 = arith.xori %select_n3A_292, %masked_cummax3A_295 : vector<16xi32>
      %masked_cummax3A_297 = tpu.scan <max>, %masked_cummax3A_296 masked %broadcast_in_dim3A_294 : vector<16xi32>, vector<16xi1> -> vector<16xi32>
      %masked_cummax3A_298 = arith.xori %masked_cummax3A_297, %masked_cummax3A_295 : vector<16xi32>
      %eq3A_299 = arith.constant 0 : i32
      %eq3A_300 = vector.broadcast %eq3A_299 : i32 to vector<16xi32>
      %eq3A_301 = arith.cmpi eq, %masked_cummax3A_298, %eq3A_300 : vector<16xi32>
      %rev3A = arith.constant 15 : i32
      %rev3A_302 = vector.broadcast %rev3A : i32 to vector<16xi32>
      %rev3A_303 = tpu.iota {dimensions = array<i32: 0>} : vector<16xi32>
      %rev3A_304 = arith.subi %rev3A_302, %rev3A_303 : vector<16xi32>
      %rev3A_305 = tpu.dynamic_gather %masked_cummax3A_298[%rev3A_304] in [0] : vector<16xi32>, vector<16xi32> -> vector<16xi32>
      %broadcast_in_dim3A_306 = arith.constant true
      %broadcast_in_dim3A_307 = vector.broadcast %broadcast_in_dim3A_306 : i1 to vector<16xi1>
      %masked_cummax3A_308 = arith.constant -2147483648 : i32
      %masked_cummax3A_309 = vector.broadcast %masked_cummax3A_308 : i32 to vector<16xi32>
      %masked_cummax3A_310 = arith.xori %rev3A_305, %masked_cummax3A_309 : vector<16xi32>
      %masked_cummax3A_311 = tpu.scan <max>, %masked_cummax3A_310 masked %broadcast_in_dim3A_307 : vector<16xi32>, vector<16xi1> -> vector<16xi32>
      %masked_cummax3A_312 = arith.xori %masked_cummax3A_311, %masked_cummax3A_309 : vector<16xi32>
      %eq3A_313 = arith.constant 0 : i32
      %eq3A_314 = vector.broadcast %eq3A_313 : i32 to vector<16xi32>
      %eq3A_315 = arith.cmpi eq, %masked_cummax3A_312, %eq3A_314 : vector<16xi32>
      %rev3A_316 = arith.constant 15 : i32
      %rev3A_317 = vector.broadcast %rev3A_316 : i32 to vector<16xi32>
      %rev3A_318 = tpu.iota {dimensions = array<i32: 0>} : vector<16xi32>
      %rev3A_319 = arith.subi %rev3A_317, %rev3A_318 : vector<16xi32>
      %rev3A_320 = tpu.dynamic_gather %get3A_262[%rev3A_319] in [0] : vector<16xi32>, vector<16xi32> -> vector<16xi32>
      %broadcast_in_dim3A_321 = arith.constant true
      %broadcast_in_dim3A_322 = vector.broadcast %broadcast_in_dim3A_321 : i1 to vector<16xi1>
      %masked_cummax3A_323 = arith.constant -2147483648 : i32
      %masked_cummax3A_324 = vector.broadcast %masked_cummax3A_323 : i32 to vector<16xi32>
      %masked_cummax3A_325 = arith.xori %rev3A_320, %masked_cummax3A_324 : vector<16xi32>
      %masked_cummax3A_326 = tpu.scan <max>, %masked_cummax3A_325 masked %broadcast_in_dim3A_322 : vector<16xi32>, vector<16xi1> -> vector<16xi32>
      %masked_cummax3A_327 = arith.xori %masked_cummax3A_326, %masked_cummax3A_324 : vector<16xi32>
      %rev3A_328 = arith.constant 15 : i32
      %rev3A_329 = vector.broadcast %rev3A_328 : i32 to vector<16xi32>
      %rev3A_330 = tpu.iota {dimensions = array<i32: 0>} : vector<16xi32>
      %rev3A_331 = arith.subi %rev3A_329, %rev3A_330 : vector<16xi32>
      %rev3A_332 = tpu.dynamic_gather %get3A_270[%rev3A_331] in [0] : vector<16xi32>, vector<16xi32> -> vector<16xi32>
      %broadcast_in_dim3A_333 = arith.constant true
      %broadcast_in_dim3A_334 = vector.broadcast %broadcast_in_dim3A_333 : i1 to vector<16xi1>
      %masked_cummax3A_335 = arith.constant -2147483648 : i32
      %masked_cummax3A_336 = vector.broadcast %masked_cummax3A_335 : i32 to vector<16xi32>
      %masked_cummax3A_337 = arith.xori %rev3A_332, %masked_cummax3A_336 : vector<16xi32>
      %masked_cummax3A_338 = tpu.scan <max>, %masked_cummax3A_337 masked %broadcast_in_dim3A_334 : vector<16xi32>, vector<16xi1> -> vector<16xi32>
      %masked_cummax3A_339 = arith.xori %masked_cummax3A_338, %masked_cummax3A_336 : vector<16xi32>
      %ne3A_340 = arith.cmpi ne, %masked_cummax3A_327, %masked_cummax3A_339 : vector<16xi32>
      %broadcast_in_dim3A_341 = arith.constant true
      %broadcast_in_dim3A_342 = vector.broadcast %broadcast_in_dim3A_341 : i1 to vector<16xi1>
      %masked_cumsum3A = tpu.scan <sum>, %get3A_256 masked %broadcast_in_dim3A_342 : vector<16xf32>, vector<16xi1> -> vector<16xf32>
      %sub3A_343 = arith.subf %masked_cumsum3A, %get3A_256 : vector<16xf32>
      %masked_cummax3A_344 = tpu.scan <max>, %sub3A_343 masked %ne3A_285 : vector<16xf32>, vector<16xi1> -> vector<16xf32>
      %sub3A_345 = arith.subf %scan3A_243, %scan3A_242 : vector<16xf32>
      %add3A_346 = arith.addf %sub3A_343, %sub3A_345 : vector<16xf32>
      %sub3A_347 = arith.subf %sub3A_343, %masked_cummax3A_344 : vector<16xf32>
      %select_n3A_348 = arith.select %eq3A_301, %add3A_346, %sub3A_347 : vector<16xi1>, vector<16xf32>
      %neg3A = arith.constant 0.000000e+00 : f32
      %neg3A_349 = vector.broadcast %neg3A : f32 to vector<16xf32>
      %neg3A_350 = arith.subf %neg3A_349, %select_n3A_348 : vector<16xf32>
      %exp3A = math.exp %neg3A_350 : vector<16xf32>
      %neg3A_351 = arith.constant 0.000000e+00 : f32
      %neg3A_352 = vector.broadcast %neg3A_351 : f32 to vector<16xf32>
      %neg3A_353 = arith.subf %neg3A_352, %get3A_256 : vector<16xf32>
      %exp3A_354 = math.exp %neg3A_353 : vector<16xf32>
      %sub3A_355 = arith.constant 1.000000e+00 : f32
      %sub3A_356 = vector.broadcast %sub3A_355 : f32 to vector<16xf32>
      %sub3A_357 = arith.subf %sub3A_356, %exp3A_354 : vector<16xf32>
      %mul3A_358 = arith.mulf %exp3A, %sub3A_357 : vector<16xf32>
      %swap3A_359 = arith.index_cast %mul3A_254 : i32 to index
      %swap3A_360 = tpu.vector_load %arg14[%swap3A_359] {strides = array<i32>} : memref<8192xf32, #tpu.memory_space<vmem>>, vector<16xf32>,
      tpu.vector_store %arg14[%swap3A_359], %mul3A_358 {strides = array<i32>} : memref<8192xf32, #tpu.memory_space<vmem>>, vector<16xf32>,
      %rev3A_361 = arith.constant 15 : i32
      %rev3A_362 = vector.broadcast %rev3A_361 : i32 to vector<16xi32>
      %rev3A_363 = tpu.iota {dimensions = array<i32: 0>} : vector<16xi32>
      %rev3A_364 = arith.subi %rev3A_362, %rev3A_363 : vector<16xi32>
      %rev3A_365 = tpu.dynamic_gather %masked_cumsum3A[%rev3A_364] in [0] : vector<16xf32>, vector<16xi32> -> vector<16xf32>
      %broadcast_in_dim3A_366 = arith.constant true
      %broadcast_in_dim3A_367 = vector.broadcast %broadcast_in_dim3A_366 : i1 to vector<16xi1>
      %masked_cummax3A_368 = tpu.scan <max>, %rev3A_365 masked %broadcast_in_dim3A_367 : vector<16xf32>, vector<16xi1> -> vector<16xf32>
      %add3A_369 = arith.addf %scan3A_243, %masked_cummax3A_368 : vector<16xf32>
      %jit3A_370 = arith.constant 0.000000e+00 : f32
      %broadcast_in_dim3A_371 = vector.broadcast %jit3A_370 : f32 to vector<16xf32>
      %select_n3A_372 = arith.select %eq3A_301, %broadcast_in_dim3A_371, %masked_cummax3A_344 : vector<16xi1>, vector<16xf32>
      %rev3A_373 = arith.constant 15 : i32
      %rev3A_374 = vector.broadcast %rev3A_373 : i32 to vector<16xi32>
      %rev3A_375 = tpu.iota {dimensions = array<i32: 0>} : vector<16xi32>
      %rev3A_376 = arith.subi %rev3A_374, %rev3A_375 : vector<16xi32>
      %rev3A_377 = tpu.dynamic_gather %select_n3A_372[%rev3A_376] in [0] : vector<16xf32>, vector<16xi32> -> vector<16xf32>
      %broadcast_in_dim3A_378 = arith.constant true
      %broadcast_in_dim3A_379 = vector.broadcast %broadcast_in_dim3A_378 : i1 to vector<16xi1>
      %masked_cummax3A_380 = tpu.scan <max>, %rev3A_377 masked %broadcast_in_dim3A_379 : vector<16xf32>, vector<16xi1> -> vector<16xf32>
      %add3A_381 = arith.addf %scan3A_243, %masked_cummax3A_380 : vector<16xf32>
      %select_n3A_382 = arith.select %eq3A_315, %scan3A_242, %add3A_381 : vector<16xi1>, vector<16xf32>
      %select_n3A_383 = arith.select %ne3A_340, %add3A_369, %select_n3A_382 : vector<16xi1>, vector<16xf32>
      %mul3A_384 = arith.mulf %mul3A_358, %gather3A_276 : vector<16xf32>
      %mul3A_385 = arith.mulf %mul3A_358, %gather3A_280 : vector<16xf32>
      %mul3A_386 = arith.mulf %mul3A_358, %gather3A_284 : vector<16xf32>
      %mul3A_387 = arith.mulf %mul3A_358, %get3A_258 : vector<16xf32>
      %add3A_388 = arith.addf %scan3A_243, %masked_cummax3A_344 : vector<16xf32>
      %select_n3A_389 = arith.select %eq3A_301, %scan3A_244, %add3A_388 : vector<16xi1>, vector<16xf32>
      %add3A_390 = arith.addf %scan3A_243, %masked_cumsum3A : vector<16xf32>
      %sub3A_391 = arith.subf %add3A_390, %select_n3A_389 : vector<16xf32>
      %mul3A_392 = arith.constant 8 : i32
      %mul3A_393 = vector.broadcast %mul3A_392 : i32 to vector<16xi32>
      %mul3A_394 = arith.muli %get3A_262, %mul3A_393 : vector<16xi32>
      %add3A_395 = arith.constant 0 : i32
      %add3A_396 = vector.broadcast %add3A_395 : i32 to vector<16xi32>
      %add3A_397 = arith.addi %mul3A_394, %add3A_396 : vector<16xi32>
      tpu.vector_store_idx %arg19[%add3A_397], %sub3A_391 masked %ne3A_286 {add = true} : memref<32896xf32, #tpu.memory_space<vmem>>[vector<16xi32>], vector<16xf32>, vector<16xi1>
      %add3A_398 = arith.addf %scan3A_243, %masked_cummax3A_380 : vector<16xf32>
      %select_n3A_399 = arith.select %eq3A_315, %scan3A_244, %add3A_398 : vector<16xi1>, vector<16xf32>
      %select_n3A_400 = arith.select %ne3A_340, %add3A_369, %select_n3A_399 : vector<16xi1>, vector<16xf32>
      %broadcast_in_dim3A_401 = arith.constant true
      %broadcast_in_dim3A_402 = vector.broadcast %broadcast_in_dim3A_401 : i1 to vector<16xi1>
      %masked_cumsum3A_403 = tpu.scan <sum>, %mul3A_384 masked %broadcast_in_dim3A_402 : vector<16xf32>, vector<16xi1> -> vector<16xf32>
      %sub3A_404 = arith.subf %masked_cumsum3A_403, %mul3A_384 : vector<16xf32>
      %masked_cummax3A_405 = tpu.scan <max>, %sub3A_404 masked %ne3A_285 : vector<16xf32>, vector<16xi1> -> vector<16xf32>
      %add3A_406 = arith.addf %scan3A_245, %masked_cummax3A_405 : vector<16xf32>
      %select_n3A_407 = arith.select %eq3A_301, %scan3A_246, %add3A_406 : vector<16xi1>, vector<16xf32>
      %add3A_408 = arith.addf %scan3A_245, %masked_cumsum3A_403 : vector<16xf32>
      %sub3A_409 = arith.subf %add3A_408, %select_n3A_407 : vector<16xf32>
      %mul3A_410 = arith.constant 8 : i32
      %mul3A_411 = vector.broadcast %mul3A_410 : i32 to vector<16xi32>
      %mul3A_412 = arith.muli %get3A_262, %mul3A_411 : vector<16xi32>
      %add3A_413 = arith.constant 1 : i32
      %add3A_414 = vector.broadcast %add3A_413 : i32 to vector<16xi32>
      %add3A_415 = arith.addi %mul3A_412, %add3A_414 : vector<16xi32>
      tpu.vector_store_idx %arg19[%add3A_415], %sub3A_409 masked %ne3A_286 {add = true} : memref<32896xf32, #tpu.memory_space<vmem>>[vector<16xi32>], vector<16xf32>, vector<16xi1>
      %rev3A_416 = arith.constant 15 : i32
      %rev3A_417 = vector.broadcast %rev3A_416 : i32 to vector<16xi32>
      %rev3A_418 = tpu.iota {dimensions = array<i32: 0>} : vector<16xi32>
      %rev3A_419 = arith.subi %rev3A_417, %rev3A_418 : vector<16xi32>
      %rev3A_420 = tpu.dynamic_gather %masked_cumsum3A_403[%rev3A_419] in [0] : vector<16xf32>, vector<16xi32> -> vector<16xf32>
      %broadcast_in_dim3A_421 = arith.constant true
      %broadcast_in_dim3A_422 = vector.broadcast %broadcast_in_dim3A_421 : i1 to vector<16xi1>
      %masked_cummax3A_423 = tpu.scan <max>, %rev3A_420 masked %broadcast_in_dim3A_422 : vector<16xf32>, vector<16xi1> -> vector<16xf32>
      %add3A_424 = arith.addf %scan3A_245, %masked_cummax3A_423 : vector<16xf32>
      %jit3A_425 = arith.constant 0.000000e+00 : f32
      %broadcast_in_dim3A_426 = vector.broadcast %jit3A_425 : f32 to vector<16xf32>
      %select_n3A_427 = arith.select %eq3A_301, %broadcast_in_dim3A_426, %masked_cummax3A_405 : vector<16xi1>, vector<16xf32>
      %rev3A_428 = arith.constant 15 : i32
      %rev3A_429 = vector.broadcast %rev3A_428 : i32 to vector<16xi32>
      %rev3A_430 = tpu.iota {dimensions = array<i32: 0>} : vector<16xi32>
      %rev3A_431 = arith.subi %rev3A_429, %rev3A_430 : vector<16xi32>
      %rev3A_432 = tpu.dynamic_gather %select_n3A_427[%rev3A_431] in [0] : vector<16xf32>, vector<16xi32> -> vector<16xf32>
      %broadcast_in_dim3A_433 = arith.constant true
      %broadcast_in_dim3A_434 = vector.broadcast %broadcast_in_dim3A_433 : i1 to vector<16xi1>
      %masked_cummax3A_435 = tpu.scan <max>, %rev3A_432 masked %broadcast_in_dim3A_434 : vector<16xf32>, vector<16xi1> -> vector<16xf32>
      %add3A_436 = arith.addf %scan3A_245, %masked_cummax3A_435 : vector<16xf32>
      %select_n3A_437 = arith.select %eq3A_315, %scan3A_246, %add3A_436 : vector<16xi1>, vector<16xf32>
      %select_n3A_438 = arith.select %ne3A_340, %add3A_424, %select_n3A_437 : vector<16xi1>, vector<16xf32>
      %broadcast_in_dim3A_439 = arith.constant true
      %broadcast_in_dim3A_440 = vector.broadcast %broadcast_in_dim3A_439 : i1 to vector<16xi1>
      %masked_cumsum3A_441 = tpu.scan <sum>, %mul3A_385 masked %broadcast_in_dim3A_440 : vector<16xf32>, vector<16xi1> -> vector<16xf32>
      %sub3A_442 = arith.subf %masked_cumsum3A_441, %mul3A_385 : vector<16xf32>
      %masked_cummax3A_443 = tpu.scan <max>, %sub3A_442 masked %ne3A_285 : vector<16xf32>, vector<16xi1> -> vector<16xf32>
      %add3A_444 = arith.addf %scan3A_247, %masked_cummax3A_443 : vector<16xf32>
      %select_n3A_445 = arith.select %eq3A_301, %scan3A_248, %add3A_444 : vector<16xi1>, vector<16xf32>
      %add3A_446 = arith.addf %scan3A_247, %masked_cumsum3A_441 : vector<16xf32>
      %sub3A_447 = arith.subf %add3A_446, %select_n3A_445 : vector<16xf32>
      %mul3A_448 = arith.constant 8 : i32
      %mul3A_449 = vector.broadcast %mul3A_448 : i32 to vector<16xi32>
      %mul3A_450 = arith.muli %get3A_262, %mul3A_449 : vector<16xi32>
      %add3A_451 = arith.constant 2 : i32
      %add3A_452 = vector.broadcast %add3A_451 : i32 to vector<16xi32>
      %add3A_453 = arith.addi %mul3A_450, %add3A_452 : vector<16xi32>
      tpu.vector_store_idx %arg19[%add3A_453], %sub3A_447 masked %ne3A_286 {add = true} : memref<32896xf32, #tpu.memory_space<vmem>>[vector<16xi32>], vector<16xf32>, vector<16xi1>
      %rev3A_454 = arith.constant 15 : i32
      %rev3A_455 = vector.broadcast %rev3A_454 : i32 to vector<16xi32>
      %rev3A_456 = tpu.iota {dimensions = array<i32: 0>} : vector<16xi32>
      %rev3A_457 = arith.subi %rev3A_455, %rev3A_456 : vector<16xi32>
      %rev3A_458 = tpu.dynamic_gather %masked_cumsum3A_441[%rev3A_457] in [0] : vector<16xf32>, vector<16xi32> -> vector<16xf32>
      %broadcast_in_dim3A_459 = arith.constant true
      %broadcast_in_dim3A_460 = vector.broadcast %broadcast_in_dim3A_459 : i1 to vector<16xi1>
      %masked_cummax3A_461 = tpu.scan <max>, %rev3A_458 masked %broadcast_in_dim3A_460 : vector<16xf32>, vector<16xi1> -> vector<16xf32>
      %add3A_462 = arith.addf %scan3A_247, %masked_cummax3A_461 : vector<16xf32>
      %jit3A_463 = arith.constant 0.000000e+00 : f32
      %broadcast_in_dim3A_464 = vector.broadcast %jit3A_463 : f32 to vector<16xf32>
      %select_n3A_465 = arith.select %eq3A_301, %broadcast_in_dim3A_464, %masked_cummax3A_443 : vector<16xi1>, vector<16xf32>
      %rev3A_466 = arith.constant 15 : i32
      %rev3A_467 = vector.broadcast %rev3A_466 : i32 to vector<16xi32>
      %rev3A_468 = tpu.iota {dimensions = array<i32: 0>} : vector<16xi32>
      %rev3A_469 = arith.subi %rev3A_467, %rev3A_468 : vector<16xi32>
      %rev3A_470 = tpu.dynamic_gather %select_n3A_465[%rev3A_469] in [0] : vector<16xf32>, vector<16xi32> -> vector<16xf32>
      %broadcast_in_dim3A_471 = arith.constant true
      %broadcast_in_dim3A_472 = vector.broadcast %broadcast_in_dim3A_471 : i1 to vector<16xi1>
      %masked_cummax3A_473 = tpu.scan <max>, %rev3A_470 masked %broadcast_in_dim3A_472 : vector<16xf32>, vector<16xi1> -> vector<16xf32>
      %add3A_474 = arith.addf %scan3A_247, %masked_cummax3A_473 : vector<16xf32>
      %select_n3A_475 = arith.select %eq3A_315, %scan3A_248, %add3A_474 : vector<16xi1>, vector<16xf32>
      %select_n3A_476 = arith.select %ne3A_340, %add3A_462, %select_n3A_475 : vector<16xi1>, vector<16xf32>
      %broadcast_in_dim3A_477 = arith.constant true
      %broadcast_in_dim3A_478 = vector.broadcast %broadcast_in_dim3A_477 : i1 to vector<16xi1>
      %masked_cumsum3A_479 = tpu.scan <sum>, %mul3A_386 masked %broadcast_in_dim3A_478 : vector<16xf32>, vector<16xi1> -> vector<16xf32>
      %sub3A_480 = arith.subf %masked_cumsum3A_479, %mul3A_386 : vector<16xf32>
      %masked_cummax3A_481 = tpu.scan <max>, %sub3A_480 masked %ne3A_285 : vector<16xf32>, vector<16xi1> -> vector<16xf32>
      %add3A_482 = arith.addf %scan3A_249, %masked_cummax3A_481 : vector<16xf32>
      %select_n3A_483 = arith.select %eq3A_301, %scan3A_250, %add3A_482 : vector<16xi1>, vector<16xf32>
      %add3A_484 = arith.addf %scan3A_249, %masked_cumsum3A_479 : vector<16xf32>
      %sub3A_485 = arith.subf %add3A_484, %select_n3A_483 : vector<16xf32>
      %mul3A_486 = arith.constant 8 : i32
      %mul3A_487 = vector.broadcast %mul3A_486 : i32 to vector<16xi32>
      %mul3A_488 = arith.muli %get3A_262, %mul3A_487 : vector<16xi32>
      %add3A_489 = arith.constant 3 : i32
      %add3A_490 = vector.broadcast %add3A_489 : i32 to vector<16xi32>
      %add3A_491 = arith.addi %mul3A_488, %add3A_490 : vector<16xi32>
      tpu.vector_store_idx %arg19[%add3A_491], %sub3A_485 masked %ne3A_286 {add = true} : memref<32896xf32, #tpu.memory_space<vmem>>[vector<16xi32>], vector<16xf32>, vector<16xi1>
      %rev3A_492 = arith.constant 15 : i32
      %rev3A_493 = vector.broadcast %rev3A_492 : i32 to vector<16xi32>
      %rev3A_494 = tpu.iota {dimensions = array<i32: 0>} : vector<16xi32>
      %rev3A_495 = arith.subi %rev3A_493, %rev3A_494 : vector<16xi32>
      %rev3A_496 = tpu.dynamic_gather %masked_cumsum3A_479[%rev3A_495] in [0] : vector<16xf32>, vector<16xi32> -> vector<16xf32>
      %broadcast_in_dim3A_497 = arith.constant true
      %broadcast_in_dim3A_498 = vector.broadcast %broadcast_in_dim3A_497 : i1 to vector<16xi1>
      %masked_cummax3A_499 = tpu.scan <max>, %rev3A_496 masked %broadcast_in_dim3A_498 : vector<16xf32>, vector<16xi1> -> vector<16xf32>
      %add3A_500 = arith.addf %scan3A_249, %masked_cummax3A_499 : vector<16xf32>
      %jit3A_501 = arith.constant 0.000000e+00 : f32
      %broadcast_in_dim3A_502 = vector.broadcast %jit3A_501 : f32 to vector<16xf32>
      %select_n3A_503 = arith.select %eq3A_301, %broadcast_in_dim3A_502, %masked_cummax3A_481 : vector<16xi1>, vector<16xf32>
      %rev3A_504 = arith.constant 15 : i32
      %rev3A_505 = vector.broadcast %rev3A_504 : i32 to vector<16xi32>
      %rev3A_506 = tpu.iota {dimensions = array<i32: 0>} : vector<16xi32>
      %rev3A_507 = arith.subi %rev3A_505, %rev3A_506 : vector<16xi32>
      %rev3A_508 = tpu.dynamic_gather %select_n3A_503[%rev3A_507] in [0] : vector<16xf32>, vector<16xi32> -> vector<16xf32>
      %broadcast_in_dim3A_509 = arith.constant true
      %broadcast_in_dim3A_510 = vector.broadcast %broadcast_in_dim3A_509 : i1 to vector<16xi1>
      %masked_cummax3A_511 = tpu.scan <max>, %rev3A_508 masked %broadcast_in_dim3A_510 : vector<16xf32>, vector<16xi1> -> vector<16xf32>
      %add3A_512 = arith.addf %scan3A_249, %masked_cummax3A_511 : vector<16xf32>
      %select_n3A_513 = arith.select %eq3A_315, %scan3A_250, %add3A_512 : vector<16xi1>, vector<16xf32>
      %select_n3A_514 = arith.select %ne3A_340, %add3A_500, %select_n3A_513 : vector<16xi1>, vector<16xf32>
      %broadcast_in_dim3A_515 = arith.constant true
      %broadcast_in_dim3A_516 = vector.broadcast %broadcast_in_dim3A_515 : i1 to vector<16xi1>
      %masked_cumsum3A_517 = tpu.scan <sum>, %mul3A_387 masked %broadcast_in_dim3A_516 : vector<16xf32>, vector<16xi1> -> vector<16xf32>
      %sub3A_518 = arith.subf %masked_cumsum3A_517, %mul3A_387 : vector<16xf32>
      %masked_cummax3A_519 = tpu.scan <max>, %sub3A_518 masked %ne3A_285 : vector<16xf32>, vector<16xi1> -> vector<16xf32>
      %add3A_520 = arith.addf %scan3A_251, %masked_cummax3A_519 : vector<16xf32>
      %select_n3A_521 = arith.select %eq3A_301, %scan3A_252, %add3A_520 : vector<16xi1>, vector<16xf32>
      %add3A_522 = arith.addf %scan3A_251, %masked_cumsum3A_517 : vector<16xf32>
      %sub3A_523 = arith.subf %add3A_522, %select_n3A_521 : vector<16xf32>
      %mul3A_524 = arith.constant 8 : i32
      %mul3A_525 = vector.broadcast %mul3A_524 : i32 to vector<16xi32>
      %mul3A_526 = arith.muli %get3A_262, %mul3A_525 : vector<16xi32>
      %add3A_527 = arith.constant 4 : i32
      %add3A_528 = vector.broadcast %add3A_527 : i32 to vector<16xi32>
      %add3A_529 = arith.addi %mul3A_526, %add3A_528 : vector<16xi32>
      tpu.vector_store_idx %arg19[%add3A_529], %sub3A_523 masked %ne3A_286 {add = true} : memref<32896xf32, #tpu.memory_space<vmem>>[vector<16xi32>], vector<16xf32>, vector<16xi1>
      %rev3A_530 = arith.constant 15 : i32
      %rev3A_531 = vector.broadcast %rev3A_530 : i32 to vector<16xi32>
      %rev3A_532 = tpu.iota {dimensions = array<i32: 0>} : vector<16xi32>
      %rev3A_533 = arith.subi %rev3A_531, %rev3A_532 : vector<16xi32>
      %rev3A_534 = tpu.dynamic_gather %masked_cumsum3A_517[%rev3A_533] in [0] : vector<16xf32>, vector<16xi32> -> vector<16xf32>
      %broadcast_in_dim3A_535 = arith.constant true
      %broadcast_in_dim3A_536 = vector.broadcast %broadcast_in_dim3A_535 : i1 to vector<16xi1>
      %masked_cummax3A_537 = tpu.scan <max>, %rev3A_534 masked %broadcast_in_dim3A_536 : vector<16xf32>, vector<16xi1> -> vector<16xf32>
      %add3A_538 = arith.addf %scan3A_251, %masked_cummax3A_537 : vector<16xf32>
      %jit3A_539 = arith.constant 0.000000e+00 : f32
      %broadcast_in_dim3A_540 = vector.broadcast %jit3A_539 : f32 to vector<16xf32>
      %select_n3A_541 = arith.select %eq3A_301, %broadcast_in_dim3A_540, %masked_cummax3A_519 : vector<16xi1>, vector<16xf32>
      %rev3A_542 = arith.constant 15 : i32
      %rev3A_543 = vector.broadcast %rev3A_542 : i32 to vector<16xi32>
      %rev3A_544 = tpu.iota {dimensions = array<i32: 0>} : vector<16xi32>
      %rev3A_545 = arith.subi %rev3A_543, %rev3A_544 : vector<16xi32>
      %rev3A_546 = tpu.dynamic_gather %select_n3A_541[%rev3A_545] in [0] : vector<16xf32>, vector<16xi32> -> vector<16xf32>
      %broadcast_in_dim3A_547 = arith.constant true
      %broadcast_in_dim3A_548 = vector.broadcast %broadcast_in_dim3A_547 : i1 to vector<16xi1>
      %masked_cummax3A_549 = tpu.scan <max>, %rev3A_546 masked %broadcast_in_dim3A_548 : vector<16xf32>, vector<16xi1> -> vector<16xf32>
      %add3A_550 = arith.addf %scan3A_251, %masked_cummax3A_549 : vector<16xf32>
      %select_n3A_551 = arith.select %eq3A_315, %scan3A_252, %add3A_550 : vector<16xi1>, vector<16xf32>
      %select_n3A_552 = arith.select %ne3A_340, %add3A_538, %select_n3A_551 : vector<16xi1>, vector<16xf32>
      %scan3A_553 = arith.constant 1 : i32
      %scan3A_554 = arith.addi %scan3A_241, %scan3A_553 : i32
      %mul3A_555 = arith.constant 16 : i32
      %mul3A_556 = arith.muli %scan3A_554, %mul3A_555 : i32
      %get3A_557 = arith.index_cast %mul3A_556 : i32 to index
      %get3A_558 = tpu.vector_load %arg11[%get3A_557] {strides = array<i32>} : memref<8192xf32, #tpu.memory_space<vmem>>, vector<16xf32>,
      %get3A_559 = arith.index_cast %mul3A_556 : i32 to index
      %get3A_560 = tpu.vector_load %arg13[%get3A_559] {strides = array<i32>} : memref<8192xf32, #tpu.memory_space<vmem>>, vector<16xf32>,
      %add3A_561 = arith.constant 8 : i32
      %add3A_562 = arith.addi %mul3A_556, %add3A_561 : i32
      %get3A_563 = arith.index_cast %add3A_562 : i32 to index
      %get3A_564 = tpu.vector_load %arg16[%get3A_563] {strides = array<i32>} : memref<8216xi32, #tpu.memory_space<vmem>>, vector<16xi32>,
      %add3A_565 = arith.constant 7 : i32
      %add3A_566 = arith.addi %mul3A_556, %add3A_565 : i32
      %get3A_567 = arith.index_cast %add3A_566 : i32 to index
      %get3A_568 = tpu.vector_load %arg16[%get3A_567] {strides = array<i32>} : memref<8216xi32, #tpu.memory_space<vmem>>, vector<16xi32>,
      %add3A_569 = arith.constant 9 : i32
      %add3A_570 = arith.addi %mul3A_556, %add3A_569 : i32
      %get3A_571 = arith.index_cast %add3A_570 : i32 to index
      %get3A_572 = tpu.vector_load %arg16[%get3A_571] {strides = array<i32>} : memref<8216xi32, #tpu.memory_space<vmem>>, vector<16xi32>,
      %add3A_573 = vector.broadcast %mul3A_556 : i32 to vector<16xi32>
      %add3A_574 = arith.addi %add3A_573, %iota3A : vector<16xi32>
      %mul3A_575 = arith.constant 3 : i32
      %mul3A_576 = vector.broadcast %mul3A_575 : i32 to vector<16xi32>
      %mul3A_577 = arith.muli %add3A_574, %mul3A_576 : vector<16xi32>
      %gather3A_578 = tpu.vector_load_idx %arg15[%mul3A_577] : memref<24576xf32, #tpu.memory_space<vmem>>[vector<16xi32>], vector<16xf32>,
      %add3A_579 = arith.constant 1 : i32
      %add3A_580 = vector.broadcast %add3A_579 : i32 to vector<16xi32>
      %add3A_581 = arith.addi %mul3A_577, %add3A_580 : vector<16xi32>
      %gather3A_582 = tpu.vector_load_idx %arg15[%add3A_581] : memref<24576xf32, #tpu.memory_space<vmem>>[vector<16xi32>], vector<16xf32>,
      %add3A_583 = arith.constant 2 : i32
      %add3A_584 = vector.broadcast %add3A_583 : i32 to vector<16xi32>
      %add3A_585 = arith.addi %mul3A_577, %add3A_584 : vector<16xi32>
      %gather3A_586 = tpu.vector_load_idx %arg15[%add3A_585] : memref<24576xf32, #tpu.memory_space<vmem>>[vector<16xi32>], vector<16xf32>,
      %ne3A_587 = arith.cmpi ne, %get3A_564, %get3A_568 : vector<16xi32>
      %ne3A_588 = arith.cmpi ne, %get3A_564, %get3A_572 : vector<16xi32>
      %add3A_589 = arith.constant 1 : i32
      %add3A_590 = vector.broadcast %add3A_589 : i32 to vector<16xi32>
      %add3A_591 = arith.addi %iota3A, %add3A_590 : vector<16xi32>
      %jit3A_592 = arith.constant 0 : i32
      %broadcast_in_dim3A_593 = vector.broadcast %jit3A_592 : i32 to vector<16xi32>
      %select_n3A_594 = arith.select %ne3A_587, %add3A_591, %broadcast_in_dim3A_593 : vector<16xi1>, vector<16xi32>
      %broadcast_in_dim3A_595 = arith.constant true
      %broadcast_in_dim3A_596 = vector.broadcast %broadcast_in_dim3A_595 : i1 to vector<16xi1>
      %masked_cummax3A_597 = arith.constant -2147483648 : i32
      %masked_cummax3A_598 = vector.broadcast %masked_cummax3A_597 : i32 to vector<16xi32>
      %masked_cummax3A_599 = arith.xori %select_n3A_594, %masked_cummax3A_598 : vector<16xi32>
      %masked_cummax3A_600 = tpu.scan <max>, %masked_cummax3A_599 masked %broadcast_in_dim3A_596 : vector<16xi32>, vector<16xi1> -> vector<16xi32>
      %masked_cummax3A_601 = arith.xori %masked_cummax3A_600, %masked_cummax3A_598 : vector<16xi32>
      %eq3A_602 = arith.constant 0 : i32
      %eq3A_603 = vector.broadcast %eq3A_602 : i32 to vector<16xi32>
      %eq3A_604 = arith.cmpi eq, %masked_cummax3A_601, %eq3A_603 : vector<16xi32>
      %rev3A_605 = arith.constant 15 : i32
      %rev3A_606 = vector.broadcast %rev3A_605 : i32 to vector<16xi32>
      %rev3A_607 = tpu.iota {dimensions = array<i32: 0>} : vector<16xi32>
      %rev3A_608 = arith.subi %rev3A_606, %rev3A_607 : vector<16xi32>
      %rev3A_609 = tpu.dynamic_gather %masked_cummax3A_601[%rev3A_608] in [0] : vector<16xi32>, vector<16xi32> -> vector<16xi32>
      %broadcast_in_dim3A_610 = arith.constant true
      %broadcast_in_dim3A_611 = vector.broadcast %broadcast_in_dim3A_610 : i1 to vector<16xi1>
      %masked_cummax3A_612 = arith.constant -2147483648 : i32
      %masked_cummax3A_613 = vector.broadcast %masked_cummax3A_612 : i32 to vector<16xi32>
      %masked_cummax3A_614 = arith.xori %rev3A_609, %masked_cummax3A_613 : vector<16xi32>
      %masked_cummax3A_615 = tpu.scan <max>, %masked_cummax3A_614 masked %broadcast_in_dim3A_611 : vector<16xi32>, vector<16xi1> -> vector<16xi32>
      %masked_cummax3A_616 = arith.xori %masked_cummax3A_615, %masked_cummax3A_613 : vector<16xi32>
      %eq3A_617 = arith.constant 0 : i32
      %eq3A_618 = vector.broadcast %eq3A_617 : i32 to vector<16xi32>
      %eq3A_619 = arith.cmpi eq, %masked_cummax3A_616, %eq3A_618 : vector<16xi32>
      %rev3A_620 = arith.constant 15 : i32
      %rev3A_621 = vector.broadcast %rev3A_620 : i32 to vector<16xi32>
      %rev3A_622 = tpu.iota {dimensions = array<i32: 0>} : vector<16xi32>
      %rev3A_623 = arith.subi %rev3A_621, %rev3A_622 : vector<16xi32>
      %rev3A_624 = tpu.dynamic_gather %get3A_564[%rev3A_623] in [0] : vector<16xi32>, vector<16xi32> -> vector<16xi32>
      %broadcast_in_dim3A_625 = arith.constant true
      %broadcast_in_dim3A_626 = vector.broadcast %broadcast_in_dim3A_625 : i1 to vector<16xi1>
      %masked_cummax3A_627 = arith.constant -2147483648 : i32
      %masked_cummax3A_628 = vector.broadcast %masked_cummax3A_627 : i32 to vector<16xi32>
      %masked_cummax3A_629 = arith.xori %rev3A_624, %masked_cummax3A_628 : vector<16xi32>
      %masked_cummax3A_630 = tpu.scan <max>, %masked_cummax3A_629 masked %broadcast_in_dim3A_626 : vector<16xi32>, vector<16xi1> -> vector<16xi32>
      %masked_cummax3A_631 = arith.xori %masked_cummax3A_630, %masked_cummax3A_628 : vector<16xi32>
      %rev3A_632 = arith.constant 15 : i32
      %rev3A_633 = vector.broadcast %rev3A_632 : i32 to vector<16xi32>
      %rev3A_634 = tpu.iota {dimensions = array<i32: 0>} : vector<16xi32>
      %rev3A_635 = arith.subi %rev3A_633, %rev3A_634 : vector<16xi32>
      %rev3A_636 = tpu.dynamic_gather %get3A_572[%rev3A_635] in [0] : vector<16xi32>, vector<16xi32> -> vector<16xi32>
      %broadcast_in_dim3A_637 = arith.constant true
      %broadcast_in_dim3A_638 = vector.broadcast %broadcast_in_dim3A_637 : i1 to vector<16xi1>
      %masked_cummax3A_639 = arith.constant -2147483648 : i32
      %masked_cummax3A_640 = vector.broadcast %masked_cummax3A_639 : i32 to vector<16xi32>
      %masked_cummax3A_641 = arith.xori %rev3A_636, %masked_cummax3A_640 : vector<16xi32>
      %masked_cummax3A_642 = tpu.scan <max>, %masked_cummax3A_641 masked %broadcast_in_dim3A_638 : vector<16xi32>, vector<16xi1> -> vector<16xi32>
      %masked_cummax3A_643 = arith.xori %masked_cummax3A_642, %masked_cummax3A_640 : vector<16xi32>
      %ne3A_644 = arith.cmpi ne, %masked_cummax3A_631, %masked_cummax3A_643 : vector<16xi32>
      %broadcast_in_dim3A_645 = arith.constant true
      %broadcast_in_dim3A_646 = vector.broadcast %broadcast_in_dim3A_645 : i1 to vector<16xi1>
      %masked_cumsum3A_647 = tpu.scan <sum>, %get3A_558 masked %broadcast_in_dim3A_646 : vector<16xf32>, vector<16xi1> -> vector<16xf32>
      %sub3A_648 = arith.subf %masked_cumsum3A_647, %get3A_558 : vector<16xf32>
      %masked_cummax3A_649 = tpu.scan <max>, %sub3A_648 masked %ne3A_587 : vector<16xf32>, vector<16xi1> -> vector<16xf32>
      %sub3A_650 = arith.subf %add3A_369, %select_n3A_383 : vector<16xf32>
      %add3A_651 = arith.addf %sub3A_648, %sub3A_650 : vector<16xf32>
      %sub3A_652 = arith.subf %sub3A_648, %masked_cummax3A_649 : vector<16xf32>
      %select_n3A_653 = arith.select %eq3A_604, %add3A_651, %sub3A_652 : vector<16xi1>, vector<16xf32>
      %neg3A_654 = arith.constant 0.000000e+00 : f32
      %neg3A_655 = vector.broadcast %neg3A_654 : f32 to vector<16xf32>
      %neg3A_656 = arith.subf %neg3A_655, %select_n3A_653 : vector<16xf32>
      %exp3A_657 = math.exp %neg3A_656 : vector<16xf32>
      %neg3A_658 = arith.constant 0.000000e+00 : f32
      %neg3A_659 = vector.broadcast %neg3A_658 : f32 to vector<16xf32>
      %neg3A_660 = arith.subf %neg3A_659, %get3A_558 : vector<16xf32>
      %exp3A_661 = math.exp %neg3A_660 : vector<16xf32>
      %sub3A_662 = arith.constant 1.000000e+00 : f32
      %sub3A_663 = vector.broadcast %sub3A_662 : f32 to vector<16xf32>
      %sub3A_664 = arith.subf %sub3A_663, %exp3A_661 : vector<16xf32>
      %mul3A_665 = arith.mulf %exp3A_657, %sub3A_664 : vector<16xf32>
      %swap3A_666 = arith.index_cast %mul3A_556 : i32 to index
      %swap3A_667 = tpu.vector_load %arg14[%swap3A_666] {strides = array<i32>} : memref<8192xf32, #tpu.memory_space<vmem>>, vector<16xf32>,
      tpu.vector_store %arg14[%swap3A_666], %mul3A_665 {strides = array<i32>} : memref<8192xf32, #tpu.memory_space<vmem>>, vector<16xf32>,
      %rev3A_668 = arith.constant 15 : i32
      %rev3A_669 = vector.broadcast %rev3A_668 : i32 to vector<16xi32>
      %rev3A_670 = tpu.iota {dimensions = array<i32: 0>} : vector<16xi32>
      %rev3A_671 = arith.subi %rev3A_669, %rev3A_670 : vector<16xi32>
      %rev3A_672 = tpu.dynamic_gather %masked_cumsum3A_647[%rev3A_671] in [0] : vector<16xf32>, vector<16xi32> -> vector<16xf32>
      %broadcast_in_dim3A_673 = arith.constant true
      %broadcast_in_dim3A_674 = vector.broadcast %broadcast_in_dim3A_673 : i1 to vector<16xi1>
      %masked_cummax3A_675 = tpu.scan <max>, %rev3A_672 masked %broadcast_in_dim3A_674 : vector<16xf32>, vector<16xi1> -> vector<16xf32>
      %add3A_676 = arith.addf %add3A_369, %masked_cummax3A_675 : vector<16xf32>
      %jit3A_677 = arith.constant 0.000000e+00 : f32
      %broadcast_in_dim3A_678 = vector.broadcast %jit3A_677 : f32 to vector<16xf32>
      %select_n3A_679 = arith.select %eq3A_604, %broadcast_in_dim3A_678, %masked_cummax3A_649 : vector<16xi1>, vector<16xf32>
      %rev3A_680 = arith.constant 15 : i32
      %rev3A_681 = vector.broadcast %rev3A_680 : i32 to vector<16xi32>
      %rev3A_682 = tpu.iota {dimensions = array<i32: 0>} : vector<16xi32>
      %rev3A_683 = arith.subi %rev3A_681, %rev3A_682 : vector<16xi32>
      %rev3A_684 = tpu.dynamic_gather %select_n3A_679[%rev3A_683] in [0] : vector<16xf32>, vector<16xi32> -> vector<16xf32>
      %broadcast_in_dim3A_685 = arith.constant true
      %broadcast_in_dim3A_686 = vector.broadcast %broadcast_in_dim3A_685 : i1 to vector<16xi1>
      %masked_cummax3A_687 = tpu.scan <max>, %rev3A_684 masked %broadcast_in_dim3A_686 : vector<16xf32>, vector<16xi1> -> vector<16xf32>
      %add3A_688 = arith.addf %add3A_369, %masked_cummax3A_687 : vector<16xf32>
      %select_n3A_689 = arith.select %eq3A_619, %select_n3A_383, %add3A_688 : vector<16xi1>, vector<16xf32>
      %select_n3A_690 = arith.select %ne3A_644, %add3A_676, %select_n3A_689 : vector<16xi1>, vector<16xf32>
      %mul3A_691 = arith.mulf %mul3A_665, %gather3A_578 : vector<16xf32>
      %mul3A_692 = arith.mulf %mul3A_665, %gather3A_582 : vector<16xf32>
      %mul3A_693 = arith.mulf %mul3A_665, %gather3A_586 : vector<16xf32>
      %mul3A_694 = arith.mulf %mul3A_665, %get3A_560 : vector<16xf32>
      %add3A_695 = arith.addf %add3A_369, %masked_cummax3A_649 : vector<16xf32>
      %select_n3A_696 = arith.select %eq3A_604, %select_n3A_400, %add3A_695 : vector<16xi1>, vector<16xf32>
      %add3A_697 = arith.addf %add3A_369, %masked_cumsum3A_647 : vector<16xf32>
      %sub3A_698 = arith.subf %add3A_697, %select_n3A_696 : vector<16xf32>
      %mul3A_699 = arith.constant 8 : i32
      %mul3A_700 = vector.broadcast %mul3A_699 : i32 to vector<16xi32>
      %mul3A_701 = arith.muli %get3A_564, %mul3A_700 : vector<16xi32>
      %add3A_702 = arith.constant 0 : i32
      %add3A_703 = vector.broadcast %add3A_702 : i32 to vector<16xi32>
      %add3A_704 = arith.addi %mul3A_701, %add3A_703 : vector<16xi32>
      tpu.vector_store_idx %arg19[%add3A_704], %sub3A_698 masked %ne3A_588 {add = true} : memref<32896xf32, #tpu.memory_space<vmem>>[vector<16xi32>], vector<16xf32>, vector<16xi1>
      %add3A_705 = arith.addf %add3A_369, %masked_cummax3A_687 : vector<16xf32>
      %select_n3A_706 = arith.select %eq3A_619, %select_n3A_400, %add3A_705 : vector<16xi1>, vector<16xf32>
      %select_n3A_707 = arith.select %ne3A_644, %add3A_676, %select_n3A_706 : vector<16xi1>, vector<16xf32>
      %broadcast_in_dim3A_708 = arith.constant true
      %broadcast_in_dim3A_709 = vector.broadcast %broadcast_in_dim3A_708 : i1 to vector<16xi1>
      %masked_cumsum3A_710 = tpu.scan <sum>, %mul3A_691 masked %broadcast_in_dim3A_709 : vector<16xf32>, vector<16xi1> -> vector<16xf32>
      %sub3A_711 = arith.subf %masked_cumsum3A_710, %mul3A_691 : vector<16xf32>
      %masked_cummax3A_712 = tpu.scan <max>, %sub3A_711 masked %ne3A_587 : vector<16xf32>, vector<16xi1> -> vector<16xf32>
      %add3A_713 = arith.addf %add3A_424, %masked_cummax3A_712 : vector<16xf32>
      %select_n3A_714 = arith.select %eq3A_604, %select_n3A_438, %add3A_713 : vector<16xi1>, vector<16xf32>
      %add3A_715 = arith.addf %add3A_424, %masked_cumsum3A_710 : vector<16xf32>
      %sub3A_716 = arith.subf %add3A_715, %select_n3A_714 : vector<16xf32>
      %mul3A_717 = arith.constant 8 : i32
      %mul3A_718 = vector.broadcast %mul3A_717 : i32 to vector<16xi32>
      %mul3A_719 = arith.muli %get3A_564, %mul3A_718 : vector<16xi32>
      %add3A_720 = arith.constant 1 : i32
      %add3A_721 = vector.broadcast %add3A_720 : i32 to vector<16xi32>
      %add3A_722 = arith.addi %mul3A_719, %add3A_721 : vector<16xi32>
      tpu.vector_store_idx %arg19[%add3A_722], %sub3A_716 masked %ne3A_588 {add = true} : memref<32896xf32, #tpu.memory_space<vmem>>[vector<16xi32>], vector<16xf32>, vector<16xi1>
      %rev3A_723 = arith.constant 15 : i32
      %rev3A_724 = vector.broadcast %rev3A_723 : i32 to vector<16xi32>
      %rev3A_725 = tpu.iota {dimensions = array<i32: 0>} : vector<16xi32>
      %rev3A_726 = arith.subi %rev3A_724, %rev3A_725 : vector<16xi32>
      %rev3A_727 = tpu.dynamic_gather %masked_cumsum3A_710[%rev3A_726] in [0] : vector<16xf32>, vector<16xi32> -> vector<16xf32>
      %broadcast_in_dim3A_728 = arith.constant true
      %broadcast_in_dim3A_729 = vector.broadcast %broadcast_in_dim3A_728 : i1 to vector<16xi1>
      %masked_cummax3A_730 = tpu.scan <max>, %rev3A_727 masked %broadcast_in_dim3A_729 : vector<16xf32>, vector<16xi1> -> vector<16xf32>
      %add3A_731 = arith.addf %add3A_424, %masked_cummax3A_730 : vector<16xf32>
      %jit3A_732 = arith.constant 0.000000e+00 : f32
      %broadcast_in_dim3A_733 = vector.broadcast %jit3A_732 : f32 to vector<16xf32>
      %select_n3A_734 = arith.select %eq3A_604, %broadcast_in_dim3A_733, %masked_cummax3A_712 : vector<16xi1>, vector<16xf32>
      %rev3A_735 = arith.constant 15 : i32
      %rev3A_736 = vector.broadcast %rev3A_735 : i32 to vector<16xi32>
      %rev3A_737 = tpu.iota {dimensions = array<i32: 0>} : vector<16xi32>
      %rev3A_738 = arith.subi %rev3A_736, %rev3A_737 : vector<16xi32>
      %rev3A_739 = tpu.dynamic_gather %select_n3A_734[%rev3A_738] in [0] : vector<16xf32>, vector<16xi32> -> vector<16xf32>
      %broadcast_in_dim3A_740 = arith.constant true
      %broadcast_in_dim3A_741 = vector.broadcast %broadcast_in_dim3A_740 : i1 to vector<16xi1>
      %masked_cummax3A_742 = tpu.scan <max>, %rev3A_739 masked %broadcast_in_dim3A_741 : vector<16xf32>, vector<16xi1> -> vector<16xf32>
      %add3A_743 = arith.addf %add3A_424, %masked_cummax3A_742 : vector<16xf32>
      %select_n3A_744 = arith.select %eq3A_619, %select_n3A_438, %add3A_743 : vector<16xi1>, vector<16xf32>
      %select_n3A_745 = arith.select %ne3A_644, %add3A_731, %select_n3A_744 : vector<16xi1>, vector<16xf32>
      %broadcast_in_dim3A_746 = arith.constant true
      %broadcast_in_dim3A_747 = vector.broadcast %broadcast_in_dim3A_746 : i1 to vector<16xi1>
      %masked_cumsum3A_748 = tpu.scan <sum>, %mul3A_692 masked %broadcast_in_dim3A_747 : vector<16xf32>, vector<16xi1> -> vector<16xf32>
      %sub3A_749 = arith.subf %masked_cumsum3A_748, %mul3A_692 : vector<16xf32>
      %masked_cummax3A_750 = tpu.scan <max>, %sub3A_749 masked %ne3A_587 : vector<16xf32>, vector<16xi1> -> vector<16xf32>
      %add3A_751 = arith.addf %add3A_462, %masked_cummax3A_750 : vector<16xf32>
      %select_n3A_752 = arith.select %eq3A_604, %select_n3A_476, %add3A_751 : vector<16xi1>, vector<16xf32>
      %add3A_753 = arith.addf %add3A_462, %masked_cumsum3A_748 : vector<16xf32>
      %sub3A_754 = arith.subf %add3A_753, %select_n3A_752 : vector<16xf32>
      %mul3A_755 = arith.constant 8 : i32
      %mul3A_756 = vector.broadcast %mul3A_755 : i32 to vector<16xi32>
      %mul3A_757 = arith.muli %get3A_564, %mul3A_756 : vector<16xi32>
      %add3A_758 = arith.constant 2 : i32
      %add3A_759 = vector.broadcast %add3A_758 : i32 to vector<16xi32>
      %add3A_760 = arith.addi %mul3A_757, %add3A_759 : vector<16xi32>
      tpu.vector_store_idx %arg19[%add3A_760], %sub3A_754 masked %ne3A_588 {add = true} : memref<32896xf32, #tpu.memory_space<vmem>>[vector<16xi32>], vector<16xf32>, vector<16xi1>
      %rev3A_761 = arith.constant 15 : i32
      %rev3A_762 = vector.broadcast %rev3A_761 : i32 to vector<16xi32>
      %rev3A_763 = tpu.iota {dimensions = array<i32: 0>} : vector<16xi32>
      %rev3A_764 = arith.subi %rev3A_762, %rev3A_763 : vector<16xi32>
      %rev3A_765 = tpu.dynamic_gather %masked_cumsum3A_748[%rev3A_764] in [0] : vector<16xf32>, vector<16xi32> -> vector<16xf32>
      %broadcast_in_dim3A_766 = arith.constant true
      %broadcast_in_dim3A_767 = vector.broadcast %broadcast_in_dim3A_766 : i1 to vector<16xi1>
      %masked_cummax3A_768 = tpu.scan <max>, %rev3A_765 masked %broadcast_in_dim3A_767 : vector<16xf32>, vector<16xi1> -> vector<16xf32>
      %add3A_769 = arith.addf %add3A_462, %masked_cummax3A_768 : vector<16xf32>
      %jit3A_770 = arith.constant 0.000000e+00 : f32
      %broadcast_in_dim3A_771 = vector.broadcast %jit3A_770 : f32 to vector<16xf32>
      %select_n3A_772 = arith.select %eq3A_604, %broadcast_in_dim3A_771, %masked_cummax3A_750 : vector<16xi1>, vector<16xf32>
      %rev3A_773 = arith.constant 15 : i32
      %rev3A_774 = vector.broadcast %rev3A_773 : i32 to vector<16xi32>
      %rev3A_775 = tpu.iota {dimensions = array<i32: 0>} : vector<16xi32>
      %rev3A_776 = arith.subi %rev3A_774, %rev3A_775 : vector<16xi32>
      %rev3A_777 = tpu.dynamic_gather %select_n3A_772[%rev3A_776] in [0] : vector<16xf32>, vector<16xi32> -> vector<16xf32>
      %broadcast_in_dim3A_778 = arith.constant true
      %broadcast_in_dim3A_779 = vector.broadcast %broadcast_in_dim3A_778 : i1 to vector<16xi1>
      %masked_cummax3A_780 = tpu.scan <max>, %rev3A_777 masked %broadcast_in_dim3A_779 : vector<16xf32>, vector<16xi1> -> vector<16xf32>
      %add3A_781 = arith.addf %add3A_462, %masked_cummax3A_780 : vector<16xf32>
      %select_n3A_782 = arith.select %eq3A_619, %select_n3A_476, %add3A_781 : vector<16xi1>, vector<16xf32>
      %select_n3A_783 = arith.select %ne3A_644, %add3A_769, %select_n3A_782 : vector<16xi1>, vector<16xf32>
      %broadcast_in_dim3A_784 = arith.constant true
      %broadcast_in_dim3A_785 = vector.broadcast %broadcast_in_dim3A_784 : i1 to vector<16xi1>
      %masked_cumsum3A_786 = tpu.scan <sum>, %mul3A_693 masked %broadcast_in_dim3A_785 : vector<16xf32>, vector<16xi1> -> vector<16xf32>
      %sub3A_787 = arith.subf %masked_cumsum3A_786, %mul3A_693 : vector<16xf32>
      %masked_cummax3A_788 = tpu.scan <max>, %sub3A_787 masked %ne3A_587 : vector<16xf32>, vector<16xi1> -> vector<16xf32>
      %add3A_789 = arith.addf %add3A_500, %masked_cummax3A_788 : vector<16xf32>
      %select_n3A_790 = arith.select %eq3A_604, %select_n3A_514, %add3A_789 : vector<16xi1>, vector<16xf32>
      %add3A_791 = arith.addf %add3A_500, %masked_cumsum3A_786 : vector<16xf32>
      %sub3A_792 = arith.subf %add3A_791, %select_n3A_790 : vector<16xf32>
      %mul3A_793 = arith.constant 8 : i32
      %mul3A_794 = vector.broadcast %mul3A_793 : i32 to vector<16xi32>
      %mul3A_795 = arith.muli %get3A_564, %mul3A_794 : vector<16xi32>
      %add3A_796 = arith.constant 3 : i32
      %add3A_797 = vector.broadcast %add3A_796 : i32 to vector<16xi32>
      %add3A_798 = arith.addi %mul3A_795, %add3A_797 : vector<16xi32>
      tpu.vector_store_idx %arg19[%add3A_798], %sub3A_792 masked %ne3A_588 {add = true} : memref<32896xf32, #tpu.memory_space<vmem>>[vector<16xi32>], vector<16xf32>, vector<16xi1>
      %rev3A_799 = arith.constant 15 : i32
      %rev3A_800 = vector.broadcast %rev3A_799 : i32 to vector<16xi32>
      %rev3A_801 = tpu.iota {dimensions = array<i32: 0>} : vector<16xi32>
      %rev3A_802 = arith.subi %rev3A_800, %rev3A_801 : vector<16xi32>
      %rev3A_803 = tpu.dynamic_gather %masked_cumsum3A_786[%rev3A_802] in [0] : vector<16xf32>, vector<16xi32> -> vector<16xf32>
      %broadcast_in_dim3A_804 = arith.constant true
      %broadcast_in_dim3A_805 = vector.broadcast %broadcast_in_dim3A_804 : i1 to vector<16xi1>
      %masked_cummax3A_806 = tpu.scan <max>, %rev3A_803 masked %broadcast_in_dim3A_805 : vector<16xf32>, vector<16xi1> -> vector<16xf32>
      %add3A_807 = arith.addf %add3A_500, %masked_cummax3A_806 : vector<16xf32>
      %jit3A_808 = arith.constant 0.000000e+00 : f32
      %broadcast_in_dim3A_809 = vector.broadcast %jit3A_808 : f32 to vector<16xf32>
      %select_n3A_810 = arith.select %eq3A_604, %broadcast_in_dim3A_809, %masked_cummax3A_788 : vector<16xi1>, vector<16xf32>
      %rev3A_811 = arith.constant 15 : i32
      %rev3A_812 = vector.broadcast %rev3A_811 : i32 to vector<16xi32>
      %rev3A_813 = tpu.iota {dimensions = array<i32: 0>} : vector<16xi32>
      %rev3A_814 = arith.subi %rev3A_812, %rev3A_813 : vector<16xi32>
      %rev3A_815 = tpu.dynamic_gather %select_n3A_810[%rev3A_814] in [0] : vector<16xf32>, vector<16xi32> -> vector<16xf32>
      %broadcast_in_dim3A_816 = arith.constant true
      %broadcast_in_dim3A_817 = vector.broadcast %broadcast_in_dim3A_816 : i1 to vector<16xi1>
      %masked_cummax3A_818 = tpu.scan <max>, %rev3A_815 masked %broadcast_in_dim3A_817 : vector<16xf32>, vector<16xi1> -> vector<16xf32>
      %add3A_819 = arith.addf %add3A_500, %masked_cummax3A_818 : vector<16xf32>
      %select_n3A_820 = arith.select %eq3A_619, %select_n3A_514, %add3A_819 : vector<16xi1>, vector<16xf32>
      %select_n3A_821 = arith.select %ne3A_644, %add3A_807, %select_n3A_820 : vector<16xi1>, vector<16xf32>
      %broadcast_in_dim3A_822 = arith.constant true
      %broadcast_in_dim3A_823 = vector.broadcast %broadcast_in_dim3A_822 : i1 to vector<16xi1>
      %masked_cumsum3A_824 = tpu.scan <sum>, %mul3A_694 masked %broadcast_in_dim3A_823 : vector<16xf32>, vector<16xi1> -> vector<16xf32>
      %sub3A_825 = arith.subf %masked_cumsum3A_824, %mul3A_694 : vector<16xf32>
      %masked_cummax3A_826 = tpu.scan <max>, %sub3A_825 masked %ne3A_587 : vector<16xf32>, vector<16xi1> -> vector<16xf32>
      %add3A_827 = arith.addf %add3A_538, %masked_cummax3A_826 : vector<16xf32>
      %select_n3A_828 = arith.select %eq3A_604, %select_n3A_552, %add3A_827 : vector<16xi1>, vector<16xf32>
      %add3A_829 = arith.addf %add3A_538, %masked_cumsum3A_824 : vector<16xf32>
      %sub3A_830 = arith.subf %add3A_829, %select_n3A_828 : vector<16xf32>
      %mul3A_831 = arith.constant 8 : i32
      %mul3A_832 = vector.broadcast %mul3A_831 : i32 to vector<16xi32>
      %mul3A_833 = arith.muli %get3A_564, %mul3A_832 : vector<16xi32>
      %add3A_834 = arith.constant 4 : i32
      %add3A_835 = vector.broadcast %add3A_834 : i32 to vector<16xi32>
      %add3A_836 = arith.addi %mul3A_833, %add3A_835 : vector<16xi32>
      tpu.vector_store_idx %arg19[%add3A_836], %sub3A_830 masked %ne3A_588 {add = true} : memref<32896xf32, #tpu.memory_space<vmem>>[vector<16xi32>], vector<16xf32>, vector<16xi1>
      %rev3A_837 = arith.constant 15 : i32
      %rev3A_838 = vector.broadcast %rev3A_837 : i32 to vector<16xi32>
      %rev3A_839 = tpu.iota {dimensions = array<i32: 0>} : vector<16xi32>
      %rev3A_840 = arith.subi %rev3A_838, %rev3A_839 : vector<16xi32>
      %rev3A_841 = tpu.dynamic_gather %masked_cumsum3A_824[%rev3A_840] in [0] : vector<16xf32>, vector<16xi32> -> vector<16xf32>
      %broadcast_in_dim3A_842 = arith.constant true
      %broadcast_in_dim3A_843 = vector.broadcast %broadcast_in_dim3A_842 : i1 to vector<16xi1>
      %masked_cummax3A_844 = tpu.scan <max>, %rev3A_841 masked %broadcast_in_dim3A_843 : vector<16xf32>, vector<16xi1> -> vector<16xf32>
      %add3A_845 = arith.addf %add3A_538, %masked_cummax3A_844 : vector<16xf32>
      %jit3A_846 = arith.constant 0.000000e+00 : f32
      %broadcast_in_dim3A_847 = vector.broadcast %jit3A_846 : f32 to vector<16xf32>
      %select_n3A_848 = arith.select %eq3A_604, %broadcast_in_dim3A_847, %masked_cummax3A_826 : vector<16xi1>, vector<16xf32>
      %rev3A_849 = arith.constant 15 : i32
      %rev3A_850 = vector.broadcast %rev3A_849 : i32 to vector<16xi32>
      %rev3A_851 = tpu.iota {dimensions = array<i32: 0>} : vector<16xi32>
      %rev3A_852 = arith.subi %rev3A_850, %rev3A_851 : vector<16xi32>
      %rev3A_853 = tpu.dynamic_gather %select_n3A_848[%rev3A_852] in [0] : vector<16xf32>, vector<16xi32> -> vector<16xf32>
      %broadcast_in_dim3A_854 = arith.constant true
      %broadcast_in_dim3A_855 = vector.broadcast %broadcast_in_dim3A_854 : i1 to vector<16xi1>
      %masked_cummax3A_856 = tpu.scan <max>, %rev3A_853 masked %broadcast_in_dim3A_855 : vector<16xf32>, vector<16xi1> -> vector<16xf32>
      %add3A_857 = arith.addf %add3A_538, %masked_cummax3A_856 : vector<16xf32>
      %select_n3A_858 = arith.select %eq3A_619, %select_n3A_552, %add3A_857 : vector<16xi1>, vector<16xf32>
      %select_n3A_859 = arith.select %ne3A_644, %add3A_845, %select_n3A_858 : vector<16xi1>, vector<16xf32>
      %scan3A_860 = arith.constant 2 : i32
      %scan3A_861 = arith.addi %scan3A_241, %scan3A_860 : i32
      %mul3A_862 = arith.constant 16 : i32
      %mul3A_863 = arith.muli %scan3A_861, %mul3A_862 : i32
      %get3A_864 = arith.index_cast %mul3A_863 : i32 to index
      %get3A_865 = tpu.vector_load %arg11[%get3A_864] {strides = array<i32>} : memref<8192xf32, #tpu.memory_space<vmem>>, vector<16xf32>,
      %get3A_866 = arith.index_cast %mul3A_863 : i32 to index
      %get3A_867 = tpu.vector_load %arg13[%get3A_866] {strides = array<i32>} : memref<8192xf32, #tpu.memory_space<vmem>>, vector<16xf32>,
      %add3A_868 = arith.constant 8 : i32
      %add3A_869 = arith.addi %mul3A_863, %add3A_868 : i32
      %get3A_870 = arith.index_cast %add3A_869 : i32 to index
      %get3A_871 = tpu.vector_load %arg16[%get3A_870] {strides = array<i32>} : memref<8216xi32, #tpu.memory_space<vmem>>, vector<16xi32>,
      %add3A_872 = arith.constant 7 : i32
      %add3A_873 = arith.addi %mul3A_863, %add3A_872 : i32
      %get3A_874 = arith.index_cast %add3A_873 : i32 to index
      %get3A_875 = tpu.vector_load %arg16[%get3A_874] {strides = array<i32>} : memref<8216xi32, #tpu.memory_space<vmem>>, vector<16xi32>,
      %add3A_876 = arith.constant 9 : i32
      %add3A_877 = arith.addi %mul3A_863, %add3A_876 : i32
      %get3A_878 = arith.index_cast %add3A_877 : i32 to index
      %get3A_879 = tpu.vector_load %arg16[%get3A_878] {strides = array<i32>} : memref<8216xi32, #tpu.memory_space<vmem>>, vector<16xi32>,
      %add3A_880 = vector.broadcast %mul3A_863 : i32 to vector<16xi32>
      %add3A_881 = arith.addi %add3A_880, %iota3A : vector<16xi32>
      %mul3A_882 = arith.constant 3 : i32
      %mul3A_883 = vector.broadcast %mul3A_882 : i32 to vector<16xi32>
      %mul3A_884 = arith.muli %add3A_881, %mul3A_883 : vector<16xi32>
      %gather3A_885 = tpu.vector_load_idx %arg15[%mul3A_884] : memref<24576xf32, #tpu.memory_space<vmem>>[vector<16xi32>], vector<16xf32>,
      %add3A_886 = arith.constant 1 : i32
      %add3A_887 = vector.broadcast %add3A_886 : i32 to vector<16xi32>
      %add3A_888 = arith.addi %mul3A_884, %add3A_887 : vector<16xi32>
      %gather3A_889 = tpu.vector_load_idx %arg15[%add3A_888] : memref<24576xf32, #tpu.memory_space<vmem>>[vector<16xi32>], vector<16xf32>,
      %add3A_890 = arith.constant 2 : i32
      %add3A_891 = vector.broadcast %add3A_890 : i32 to vector<16xi32>
      %add3A_892 = arith.addi %mul3A_884, %add3A_891 : vector<16xi32>
      %gather3A_893 = tpu.vector_load_idx %arg15[%add3A_892] : memref<24576xf32, #tpu.memory_space<vmem>>[vector<16xi32>], vector<16xf32>,
      %ne3A_894 = arith.cmpi ne, %get3A_871, %get3A_875 : vector<16xi32>
      %ne3A_895 = arith.cmpi ne, %get3A_871, %get3A_879 : vector<16xi32>
      %add3A_896 = arith.constant 1 : i32
      %add3A_897 = vector.broadcast %add3A_896 : i32 to vector<16xi32>
      %add3A_898 = arith.addi %iota3A, %add3A_897 : vector<16xi32>
      %jit3A_899 = arith.constant 0 : i32
      %broadcast_in_dim3A_900 = vector.broadcast %jit3A_899 : i32 to vector<16xi32>
      %select_n3A_901 = arith.select %ne3A_894, %add3A_898, %broadcast_in_dim3A_900 : vector<16xi1>, vector<16xi32>
      %broadcast_in_dim3A_902 = arith.constant true
      %broadcast_in_dim3A_903 = vector.broadcast %broadcast_in_dim3A_902 : i1 to vector<16xi1>
      %masked_cummax3A_904 = arith.constant -2147483648 : i32
      %masked_cummax3A_905 = vector.broadcast %masked_cummax3A_904 : i32 to vector<16xi32>
      %masked_cummax3A_906 = arith.xori %select_n3A_901, %masked_cummax3A_905 : vector<16xi32>
      %masked_cummax3A_907 = tpu.scan <max>, %masked_cummax3A_906 masked %broadcast_in_dim3A_903 : vector<16xi32>, vector<16xi1> -> vector<16xi32>
      %masked_cummax3A_908 = arith.xori %masked_cummax3A_907, %masked_cummax3A_905 : vector<16xi32>
      %eq3A_909 = arith.constant 0 : i32
      %eq3A_910 = vector.broadcast %eq3A_909 : i32 to vector<16xi32>
      %eq3A_911 = arith.cmpi eq, %masked_cummax3A_908, %eq3A_910 : vector<16xi32>
      %rev3A_912 = arith.constant 15 : i32
      %rev3A_913 = vector.broadcast %rev3A_912 : i32 to vector<16xi32>
      %rev3A_914 = tpu.iota {dimensions = array<i32: 0>} : vector<16xi32>
      %rev3A_915 = arith.subi %rev3A_913, %rev3A_914 : vector<16xi32>
      %rev3A_916 = tpu.dynamic_gather %masked_cummax3A_908[%rev3A_915] in [0] : vector<16xi32>, vector<16xi32> -> vector<16xi32>
      %broadcast_in_dim3A_917 = arith.constant true
      %broadcast_in_dim3A_918 = vector.broadcast %broadcast_in_dim3A_917 : i1 to vector<16xi1>
      %masked_cummax3A_919 = arith.constant -2147483648 : i32
      %masked_cummax3A_920 = vector.broadcast %masked_cummax3A_919 : i32 to vector<16xi32>
      %masked_cummax3A_921 = arith.xori %rev3A_916, %masked_cummax3A_920 : vector<16xi32>
      %masked_cummax3A_922 = tpu.scan <max>, %masked_cummax3A_921 masked %broadcast_in_dim3A_918 : vector<16xi32>, vector<16xi1> -> vector<16xi32>
      %masked_cummax3A_923 = arith.xori %masked_cummax3A_922, %masked_cummax3A_920 : vector<16xi32>
      %eq3A_924 = arith.constant 0 : i32
      %eq3A_925 = vector.broadcast %eq3A_924 : i32 to vector<16xi32>
      %eq3A_926 = arith.cmpi eq, %masked_cummax3A_923, %eq3A_925 : vector<16xi32>
      %rev3A_927 = arith.constant 15 : i32
      %rev3A_928 = vector.broadcast %rev3A_927 : i32 to vector<16xi32>
      %rev3A_929 = tpu.iota {dimensions = array<i32: 0>} : vector<16xi32>
      %rev3A_930 = arith.subi %rev3A_928, %rev3A_929 : vector<16xi32>
      %rev3A_931 = tpu.dynamic_gather %get3A_871[%rev3A_930] in [0] : vector<16xi32>, vector<16xi32> -> vector<16xi32>
      %broadcast_in_dim3A_932 = arith.constant true
      %broadcast_in_dim3A_933 = vector.broadcast %broadcast_in_dim3A_932 : i1 to vector<16xi1>
      %masked_cummax3A_934 = arith.constant -2147483648 : i32
      %masked_cummax3A_935 = vector.broadcast %masked_cummax3A_934 : i32 to vector<16xi32>
      %masked_cummax3A_936 = arith.xori %rev3A_931, %masked_cummax3A_935 : vector<16xi32>
      %masked_cummax3A_937 = tpu.scan <max>, %masked_cummax3A_936 masked %broadcast_in_dim3A_933 : vector<16xi32>, vector<16xi1> -> vector<16xi32>
      %masked_cummax3A_938 = arith.xori %masked_cummax3A_937, %masked_cummax3A_935 : vector<16xi32>
      %rev3A_939 = arith.constant 15 : i32
      %rev3A_940 = vector.broadcast %rev3A_939 : i32 to vector<16xi32>
      %rev3A_941 = tpu.iota {dimensions = array<i32: 0>} : vector<16xi32>
      %rev3A_942 = arith.subi %rev3A_940, %rev3A_941 : vector<16xi32>
      %rev3A_943 = tpu.dynamic_gather %get3A_879[%rev3A_942] in [0] : vector<16xi32>, vector<16xi32> -> vector<16xi32>
      %broadcast_in_dim3A_944 = arith.constant true
      %broadcast_in_dim3A_945 = vector.broadcast %broadcast_in_dim3A_944 : i1 to vector<16xi1>
      %masked_cummax3A_946 = arith.constant -2147483648 : i32
      %masked_cummax3A_947 = vector.broadcast %masked_cummax3A_946 : i32 to vector<16xi32>
      %masked_cummax3A_948 = arith.xori %rev3A_943, %masked_cummax3A_947 : vector<16xi32>
      %masked_cummax3A_949 = tpu.scan <max>, %masked_cummax3A_948 masked %broadcast_in_dim3A_945 : vector<16xi32>, vector<16xi1> -> vector<16xi32>
      %masked_cummax3A_950 = arith.xori %masked_cummax3A_949, %masked_cummax3A_947 : vector<16xi32>
      %ne3A_951 = arith.cmpi ne, %masked_cummax3A_938, %masked_cummax3A_950 : vector<16xi32>
      %broadcast_in_dim3A_952 = arith.constant true
      %broadcast_in_dim3A_953 = vector.broadcast %broadcast_in_dim3A_952 : i1 to vector<16xi1>
      %masked_cumsum3A_954 = tpu.scan <sum>, %get3A_865 masked %broadcast_in_dim3A_953 : vector<16xf32>, vector<16xi1> -> vector<16xf32>
      %sub3A_955 = arith.subf %masked_cumsum3A_954, %get3A_865 : vector<16xf32>
      %masked_cummax3A_956 = tpu.scan <max>, %sub3A_955 masked %ne3A_894 : vector<16xf32>, vector<16xi1> -> vector<16xf32>
      %sub3A_957 = arith.subf %add3A_676, %select_n3A_690 : vector<16xf32>
      %add3A_958 = arith.addf %sub3A_955, %sub3A_957 : vector<16xf32>
      %sub3A_959 = arith.subf %sub3A_955, %masked_cummax3A_956 : vector<16xf32>
      %select_n3A_960 = arith.select %eq3A_911, %add3A_958, %sub3A_959 : vector<16xi1>, vector<16xf32>
      %neg3A_961 = arith.constant 0.000000e+00 : f32
      %neg3A_962 = vector.broadcast %neg3A_961 : f32 to vector<16xf32>
      %neg3A_963 = arith.subf %neg3A_962, %select_n3A_960 : vector<16xf32>
      %exp3A_964 = math.exp %neg3A_963 : vector<16xf32>
      %neg3A_965 = arith.constant 0.000000e+00 : f32
      %neg3A_966 = vector.broadcast %neg3A_965 : f32 to vector<16xf32>
      %neg3A_967 = arith.subf %neg3A_966, %get3A_865 : vector<16xf32>
      %exp3A_968 = math.exp %neg3A_967 : vector<16xf32>
      %sub3A_969 = arith.constant 1.000000e+00 : f32
      %sub3A_970 = vector.broadcast %sub3A_969 : f32 to vector<16xf32>
      %sub3A_971 = arith.subf %sub3A_970, %exp3A_968 : vector<16xf32>
      %mul3A_972 = arith.mulf %exp3A_964, %sub3A_971 : vector<16xf32>
      %swap3A_973 = arith.index_cast %mul3A_863 : i32 to index
      %swap3A_974 = tpu.vector_load %arg14[%swap3A_973] {strides = array<i32>} : memref<8192xf32, #tpu.memory_space<vmem>>, vector<16xf32>,
      tpu.vector_store %arg14[%swap3A_973], %mul3A_972 {strides = array<i32>} : memref<8192xf32, #tpu.memory_space<vmem>>, vector<16xf32>,
      %rev3A_975 = arith.constant 15 : i32
      %rev3A_976 = vector.broadcast %rev3A_975 : i32 to vector<16xi32>
      %rev3A_977 = tpu.iota {dimensions = array<i32: 0>} : vector<16xi32>
      %rev3A_978 = arith.subi %rev3A_976, %rev3A_977 : vector<16xi32>
      %rev3A_979 = tpu.dynamic_gather %masked_cumsum3A_954[%rev3A_978] in [0] : vector<16xf32>, vector<16xi32> -> vector<16xf32>
      %broadcast_in_dim3A_980 = arith.constant true
      %broadcast_in_dim3A_981 = vector.broadcast %broadcast_in_dim3A_980 : i1 to vector<16xi1>
      %masked_cummax3A_982 = tpu.scan <max>, %rev3A_979 masked %broadcast_in_dim3A_981 : vector<16xf32>, vector<16xi1> -> vector<16xf32>
      %add3A_983 = arith.addf %add3A_676, %masked_cummax3A_982 : vector<16xf32>
      %jit3A_984 = arith.constant 0.000000e+00 : f32
      %broadcast_in_dim3A_985 = vector.broadcast %jit3A_984 : f32 to vector<16xf32>
      %select_n3A_986 = arith.select %eq3A_911, %broadcast_in_dim3A_985, %masked_cummax3A_956 : vector<16xi1>, vector<16xf32>
      %rev3A_987 = arith.constant 15 : i32
      %rev3A_988 = vector.broadcast %rev3A_987 : i32 to vector<16xi32>
      %rev3A_989 = tpu.iota {dimensions = array<i32: 0>} : vector<16xi32>
      %rev3A_990 = arith.subi %rev3A_988, %rev3A_989 : vector<16xi32>
      %rev3A_991 = tpu.dynamic_gather %select_n3A_986[%rev3A_990] in [0] : vector<16xf32>, vector<16xi32> -> vector<16xf32>
      %broadcast_in_dim3A_992 = arith.constant true
      %broadcast_in_dim3A_993 = vector.broadcast %broadcast_in_dim3A_992 : i1 to vector<16xi1>
      %masked_cummax3A_994 = tpu.scan <max>, %rev3A_991 masked %broadcast_in_dim3A_993 : vector<16xf32>, vector<16xi1> -> vector<16xf32>
      %add3A_995 = arith.addf %add3A_676, %masked_cummax3A_994 : vector<16xf32>
      %select_n3A_996 = arith.select %eq3A_926, %select_n3A_690, %add3A_995 : vector<16xi1>, vector<16xf32>
      %select_n3A_997 = arith.select %ne3A_951, %add3A_983, %select_n3A_996 : vector<16xi1>, vector<16xf32>
      %mul3A_998 = arith.mulf %mul3A_972, %gather3A_885 : vector<16xf32>
      %mul3A_999 = arith.mulf %mul3A_972, %gather3A_889 : vector<16xf32>
      %mul3A_1000 = arith.mulf %mul3A_972, %gather3A_893 : vector<16xf32>
      %mul3A_1001 = arith.mulf %mul3A_972, %get3A_867 : vector<16xf32>
      %add3A_1002 = arith.addf %add3A_676, %masked_cummax3A_956 : vector<16xf32>
      %select_n3A_1003 = arith.select %eq3A_911, %select_n3A_707, %add3A_1002 : vector<16xi1>, vector<16xf32>
      %add3A_1004 = arith.addf %add3A_676, %masked_cumsum3A_954 : vector<16xf32>
      %sub3A_1005 = arith.subf %add3A_1004, %select_n3A_1003 : vector<16xf32>
      %mul3A_1006 = arith.constant 8 : i32
      %mul3A_1007 = vector.broadcast %mul3A_1006 : i32 to vector<16xi32>
      %mul3A_1008 = arith.muli %get3A_871, %mul3A_1007 : vector<16xi32>
      %add3A_1009 = arith.constant 0 : i32
      %add3A_1010 = vector.broadcast %add3A_1009 : i32 to vector<16xi32>
      %add3A_1011 = arith.addi %mul3A_1008, %add3A_1010 : vector<16xi32>
      tpu.vector_store_idx %arg19[%add3A_1011], %sub3A_1005 masked %ne3A_895 {add = true} : memref<32896xf32, #tpu.memory_space<vmem>>[vector<16xi32>], vector<16xf32>, vector<16xi1>
      %add3A_1012 = arith.addf %add3A_676, %masked_cummax3A_994 : vector<16xf32>
      %select_n3A_1013 = arith.select %eq3A_926, %select_n3A_707, %add3A_1012 : vector<16xi1>, vector<16xf32>
      %select_n3A_1014 = arith.select %ne3A_951, %add3A_983, %select_n3A_1013 : vector<16xi1>, vector<16xf32>
      %broadcast_in_dim3A_1015 = arith.constant true
      %broadcast_in_dim3A_1016 = vector.broadcast %broadcast_in_dim3A_1015 : i1 to vector<16xi1>
      %masked_cumsum3A_1017 = tpu.scan <sum>, %mul3A_998 masked %broadcast_in_dim3A_1016 : vector<16xf32>, vector<16xi1> -> vector<16xf32>
      %sub3A_1018 = arith.subf %masked_cumsum3A_1017, %mul3A_998 : vector<16xf32>
      %masked_cummax3A_1019 = tpu.scan <max>, %sub3A_1018 masked %ne3A_894 : vector<16xf32>, vector<16xi1> -> vector<16xf32>
      %add3A_1020 = arith.addf %add3A_731, %masked_cummax3A_1019 : vector<16xf32>
      %select_n3A_1021 = arith.select %eq3A_911, %select_n3A_745, %add3A_1020 : vector<16xi1>, vector<16xf32>
      %add3A_1022 = arith.addf %add3A_731, %masked_cumsum3A_1017 : vector<16xf32>
      %sub3A_1023 = arith.subf %add3A_1022, %select_n3A_1021 : vector<16xf32>
      %mul3A_1024 = arith.constant 8 : i32
      %mul3A_1025 = vector.broadcast %mul3A_1024 : i32 to vector<16xi32>
      %mul3A_1026 = arith.muli %get3A_871, %mul3A_1025 : vector<16xi32>
      %add3A_1027 = arith.constant 1 : i32
      %add3A_1028 = vector.broadcast %add3A_1027 : i32 to vector<16xi32>
      %add3A_1029 = arith.addi %mul3A_1026, %add3A_1028 : vector<16xi32>
      tpu.vector_store_idx %arg19[%add3A_1029], %sub3A_1023 masked %ne3A_895 {add = true} : memref<32896xf32, #tpu.memory_space<vmem>>[vector<16xi32>], vector<16xf32>, vector<16xi1>
      %rev3A_1030 = arith.constant 15 : i32
      %rev3A_1031 = vector.broadcast %rev3A_1030 : i32 to vector<16xi32>
      %rev3A_1032 = tpu.iota {dimensions = array<i32: 0>} : vector<16xi32>
      %rev3A_1033 = arith.subi %rev3A_1031, %rev3A_1032 : vector<16xi32>
      %rev3A_1034 = tpu.dynamic_gather %masked_cumsum3A_1017[%rev3A_1033] in [0] : vector<16xf32>, vector<16xi32> -> vector<16xf32>
      %broadcast_in_dim3A_1035 = arith.constant true
      %broadcast_in_dim3A_1036 = vector.broadcast %broadcast_in_dim3A_1035 : i1 to vector<16xi1>
      %masked_cummax3A_1037 = tpu.scan <max>, %rev3A_1034 masked %broadcast_in_dim3A_1036 : vector<16xf32>, vector<16xi1> -> vector<16xf32>
      %add3A_1038 = arith.addf %add3A_731, %masked_cummax3A_1037 : vector<16xf32>
      %jit3A_1039 = arith.constant 0.000000e+00 : f32
      %broadcast_in_dim3A_1040 = vector.broadcast %jit3A_1039 : f32 to vector<16xf32>
      %select_n3A_1041 = arith.select %eq3A_911, %broadcast_in_dim3A_1040, %masked_cummax3A_1019 : vector<16xi1>, vector<16xf32>
      %rev3A_1042 = arith.constant 15 : i32
      %rev3A_1043 = vector.broadcast %rev3A_1042 : i32 to vector<16xi32>
      %rev3A_1044 = tpu.iota {dimensions = array<i32: 0>} : vector<16xi32>
      %rev3A_1045 = arith.subi %rev3A_1043, %rev3A_1044 : vector<16xi32>
      %rev3A_1046 = tpu.dynamic_gather %select_n3A_1041[%rev3A_1045] in [0] : vector<16xf32>, vector<16xi32> -> vector<16xf32>
      %broadcast_in_dim3A_1047 = arith.constant true
      %broadcast_in_dim3A_1048 = vector.broadcast %broadcast_in_dim3A_1047 : i1 to vector<16xi1>
      %masked_cummax3A_1049 = tpu.scan <max>, %rev3A_1046 masked %broadcast_in_dim3A_1048 : vector<16xf32>, vector<16xi1> -> vector<16xf32>
      %add3A_1050 = arith.addf %add3A_731, %masked_cummax3A_1049 : vector<16xf32>
      %select_n3A_1051 = arith.select %eq3A_926, %select_n3A_745, %add3A_1050 : vector<16xi1>, vector<16xf32>
      %select_n3A_1052 = arith.select %ne3A_951, %add3A_1038, %select_n3A_1051 : vector<16xi1>, vector<16xf32>
      %broadcast_in_dim3A_1053 = arith.constant true
      %broadcast_in_dim3A_1054 = vector.broadcast %broadcast_in_dim3A_1053 : i1 to vector<16xi1>
      %masked_cumsum3A_1055 = tpu.scan <sum>, %mul3A_999 masked %broadcast_in_dim3A_1054 : vector<16xf32>, vector<16xi1> -> vector<16xf32>
      %sub3A_1056 = arith.subf %masked_cumsum3A_1055, %mul3A_999 : vector<16xf32>
      %masked_cummax3A_1057 = tpu.scan <max>, %sub3A_1056 masked %ne3A_894 : vector<16xf32>, vector<16xi1> -> vector<16xf32>
      %add3A_1058 = arith.addf %add3A_769, %masked_cummax3A_1057 : vector<16xf32>
      %select_n3A_1059 = arith.select %eq3A_911, %select_n3A_783, %add3A_1058 : vector<16xi1>, vector<16xf32>
      %add3A_1060 = arith.addf %add3A_769, %masked_cumsum3A_1055 : vector<16xf32>
      %sub3A_1061 = arith.subf %add3A_1060, %select_n3A_1059 : vector<16xf32>
      %mul3A_1062 = arith.constant 8 : i32
      %mul3A_1063 = vector.broadcast %mul3A_1062 : i32 to vector<16xi32>
      %mul3A_1064 = arith.muli %get3A_871, %mul3A_1063 : vector<16xi32>
      %add3A_1065 = arith.constant 2 : i32
      %add3A_1066 = vector.broadcast %add3A_1065 : i32 to vector<16xi32>
      %add3A_1067 = arith.addi %mul3A_1064, %add3A_1066 : vector<16xi32>
      tpu.vector_store_idx %arg19[%add3A_1067], %sub3A_1061 masked %ne3A_895 {add = true} : memref<32896xf32, #tpu.memory_space<vmem>>[vector<16xi32>], vector<16xf32>, vector<16xi1>
      %rev3A_1068 = arith.constant 15 : i32
      %rev3A_1069 = vector.broadcast %rev3A_1068 : i32 to vector<16xi32>
      %rev3A_1070 = tpu.iota {dimensions = array<i32: 0>} : vector<16xi32>
      %rev3A_1071 = arith.subi %rev3A_1069, %rev3A_1070 : vector<16xi32>
      %rev3A_1072 = tpu.dynamic_gather %masked_cumsum3A_1055[%rev3A_1071] in [0] : vector<16xf32>, vector<16xi32> -> vector<16xf32>
      %broadcast_in_dim3A_1073 = arith.constant true
      %broadcast_in_dim3A_1074 = vector.broadcast %broadcast_in_dim3A_1073 : i1 to vector<16xi1>
      %masked_cummax3A_1075 = tpu.scan <max>, %rev3A_1072 masked %broadcast_in_dim3A_1074 : vector<16xf32>, vector<16xi1> -> vector<16xf32>
      %add3A_1076 = arith.addf %add3A_769, %masked_cummax3A_1075 : vector<16xf32>
      %jit3A_1077 = arith.constant 0.000000e+00 : f32
      %broadcast_in_dim3A_1078 = vector.broadcast %jit3A_1077 : f32 to vector<16xf32>
      %select_n3A_1079 = arith.select %eq3A_911, %broadcast_in_dim3A_1078, %masked_cummax3A_1057 : vector<16xi1>, vector<16xf32>
      %rev3A_1080 = arith.constant 15 : i32
      %rev3A_1081 = vector.broadcast %rev3A_1080 : i32 to vector<16xi32>
      %rev3A_1082 = tpu.iota {dimensions = array<i32: 0>} : vector<16xi32>
      %rev3A_1083 = arith.subi %rev3A_1081, %rev3A_1082 : vector<16xi32>
      %rev3A_1084 = tpu.dynamic_gather %select_n3A_1079[%rev3A_1083] in [0] : vector<16xf32>, vector<16xi32> -> vector<16xf32>
      %broadcast_in_dim3A_1085 = arith.constant true
      %broadcast_in_dim3A_1086 = vector.broadcast %broadcast_in_dim3A_1085 : i1 to vector<16xi1>
      %masked_cummax3A_1087 = tpu.scan <max>, %rev3A_1084 masked %broadcast_in_dim3A_1086 : vector<16xf32>, vector<16xi1> -> vector<16xf32>
      %add3A_1088 = arith.addf %add3A_769, %masked_cummax3A_1087 : vector<16xf32>
      %select_n3A_1089 = arith.select %eq3A_926, %select_n3A_783, %add3A_1088 : vector<16xi1>, vector<16xf32>
      %select_n3A_1090 = arith.select %ne3A_951, %add3A_1076, %select_n3A_1089 : vector<16xi1>, vector<16xf32>
      %broadcast_in_dim3A_1091 = arith.constant true
      %broadcast_in_dim3A_1092 = vector.broadcast %broadcast_in_dim3A_1091 : i1 to vector<16xi1>
      %masked_cumsum3A_1093 = tpu.scan <sum>, %mul3A_1000 masked %broadcast_in_dim3A_1092 : vector<16xf32>, vector<16xi1> -> vector<16xf32>
      %sub3A_1094 = arith.subf %masked_cumsum3A_1093, %mul3A_1000 : vector<16xf32>
      %masked_cummax3A_1095 = tpu.scan <max>, %sub3A_1094 masked %ne3A_894 : vector<16xf32>, vector<16xi1> -> vector<16xf32>
      %add3A_1096 = arith.addf %add3A_807, %masked_cummax3A_1095 : vector<16xf32>
      %select_n3A_1097 = arith.select %eq3A_911, %select_n3A_821, %add3A_1096 : vector<16xi1>, vector<16xf32>
      %add3A_1098 = arith.addf %add3A_807, %masked_cumsum3A_1093 : vector<16xf32>
      %sub3A_1099 = arith.subf %add3A_1098, %select_n3A_1097 : vector<16xf32>
      %mul3A_1100 = arith.constant 8 : i32
      %mul3A_1101 = vector.broadcast %mul3A_1100 : i32 to vector<16xi32>
      %mul3A_1102 = arith.muli %get3A_871, %mul3A_1101 : vector<16xi32>
      %add3A_1103 = arith.constant 3 : i32
      %add3A_1104 = vector.broadcast %add3A_1103 : i32 to vector<16xi32>
      %add3A_1105 = arith.addi %mul3A_1102, %add3A_1104 : vector<16xi32>
      tpu.vector_store_idx %arg19[%add3A_1105], %sub3A_1099 masked %ne3A_895 {add = true} : memref<32896xf32, #tpu.memory_space<vmem>>[vector<16xi32>], vector<16xf32>, vector<16xi1>
      %rev3A_1106 = arith.constant 15 : i32
      %rev3A_1107 = vector.broadcast %rev3A_1106 : i32 to vector<16xi32>
      %rev3A_1108 = tpu.iota {dimensions = array<i32: 0>} : vector<16xi32>
      %rev3A_1109 = arith.subi %rev3A_1107, %rev3A_1108 : vector<16xi32>
      %rev3A_1110 = tpu.dynamic_gather %masked_cumsum3A_1093[%rev3A_1109] in [0] : vector<16xf32>, vector<16xi32> -> vector<16xf32>
      %broadcast_in_dim3A_1111 = arith.constant true
      %broadcast_in_dim3A_1112 = vector.broadcast %broadcast_in_dim3A_1111 : i1 to vector<16xi1>
      %masked_cummax3A_1113 = tpu.scan <max>, %rev3A_1110 masked %broadcast_in_dim3A_1112 : vector<16xf32>, vector<16xi1> -> vector<16xf32>
      %add3A_1114 = arith.addf %add3A_807, %masked_cummax3A_1113 : vector<16xf32>
      %jit3A_1115 = arith.constant 0.000000e+00 : f32
      %broadcast_in_dim3A_1116 = vector.broadcast %jit3A_1115 : f32 to vector<16xf32>
      %select_n3A_1117 = arith.select %eq3A_911, %broadcast_in_dim3A_1116, %masked_cummax3A_1095 : vector<16xi1>, vector<16xf32>
      %rev3A_1118 = arith.constant 15 : i32
      %rev3A_1119 = vector.broadcast %rev3A_1118 : i32 to vector<16xi32>
      %rev3A_1120 = tpu.iota {dimensions = array<i32: 0>} : vector<16xi32>
      %rev3A_1121 = arith.subi %rev3A_1119, %rev3A_1120 : vector<16xi32>
      %rev3A_1122 = tpu.dynamic_gather %select_n3A_1117[%rev3A_1121] in [0] : vector<16xf32>, vector<16xi32> -> vector<16xf32>
      %broadcast_in_dim3A_1123 = arith.constant true
      %broadcast_in_dim3A_1124 = vector.broadcast %broadcast_in_dim3A_1123 : i1 to vector<16xi1>
      %masked_cummax3A_1125 = tpu.scan <max>, %rev3A_1122 masked %broadcast_in_dim3A_1124 : vector<16xf32>, vector<16xi1> -> vector<16xf32>
      %add3A_1126 = arith.addf %add3A_807, %masked_cummax3A_1125 : vector<16xf32>
      %select_n3A_1127 = arith.select %eq3A_926, %select_n3A_821, %add3A_1126 : vector<16xi1>, vector<16xf32>
      %select_n3A_1128 = arith.select %ne3A_951, %add3A_1114, %select_n3A_1127 : vector<16xi1>, vector<16xf32>
      %broadcast_in_dim3A_1129 = arith.constant true
      %broadcast_in_dim3A_1130 = vector.broadcast %broadcast_in_dim3A_1129 : i1 to vector<16xi1>
      %masked_cumsum3A_1131 = tpu.scan <sum>, %mul3A_1001 masked %broadcast_in_dim3A_1130 : vector<16xf32>, vector<16xi1> -> vector<16xf32>
      %sub3A_1132 = arith.subf %masked_cumsum3A_1131, %mul3A_1001 : vector<16xf32>
      %masked_cummax3A_1133 = tpu.scan <max>, %sub3A_1132 masked %ne3A_894 : vector<16xf32>, vector<16xi1> -> vector<16xf32>
      %add3A_1134 = arith.addf %add3A_845, %masked_cummax3A_1133 : vector<16xf32>
      %select_n3A_1135 = arith.select %eq3A_911, %select_n3A_859, %add3A_1134 : vector<16xi1>, vector<16xf32>
      %add3A_1136 = arith.addf %add3A_845, %masked_cumsum3A_1131 : vector<16xf32>
      %sub3A_1137 = arith.subf %add3A_1136, %select_n3A_1135 : vector<16xf32>
      %mul3A_1138 = arith.constant 8 : i32
      %mul3A_1139 = vector.broadcast %mul3A_1138 : i32 to vector<16xi32>
      %mul3A_1140 = arith.muli %get3A_871, %mul3A_1139 : vector<16xi32>
      %add3A_1141 = arith.constant 4 : i32
      %add3A_1142 = vector.broadcast %add3A_1141 : i32 to vector<16xi32>
      %add3A_1143 = arith.addi %mul3A_1140, %add3A_1142 : vector<16xi32>
      tpu.vector_store_idx %arg19[%add3A_1143], %sub3A_1137 masked %ne3A_895 {add = true} : memref<32896xf32, #tpu.memory_space<vmem>>[vector<16xi32>], vector<16xf32>, vector<16xi1>
      %rev3A_1144 = arith.constant 15 : i32
      %rev3A_1145 = vector.broadcast %rev3A_1144 : i32 to vector<16xi32>
      %rev3A_1146 = tpu.iota {dimensions = array<i32: 0>} : vector<16xi32>
      %rev3A_1147 = arith.subi %rev3A_1145, %rev3A_1146 : vector<16xi32>
      %rev3A_1148 = tpu.dynamic_gather %masked_cumsum3A_1131[%rev3A_1147] in [0] : vector<16xf32>, vector<16xi32> -> vector<16xf32>
      %broadcast_in_dim3A_1149 = arith.constant true
      %broadcast_in_dim3A_1150 = vector.broadcast %broadcast_in_dim3A_1149 : i1 to vector<16xi1>
      %masked_cummax3A_1151 = tpu.scan <max>, %rev3A_1148 masked %broadcast_in_dim3A_1150 : vector<16xf32>, vector<16xi1> -> vector<16xf32>
      %add3A_1152 = arith.addf %add3A_845, %masked_cummax3A_1151 : vector<16xf32>
      %jit3A_1153 = arith.constant 0.000000e+00 : f32
      %broadcast_in_dim3A_1154 = vector.broadcast %jit3A_1153 : f32 to vector<16xf32>
      %select_n3A_1155 = arith.select %eq3A_911, %broadcast_in_dim3A_1154, %masked_cummax3A_1133 : vector<16xi1>, vector<16xf32>
      %rev3A_1156 = arith.constant 15 : i32
      %rev3A_1157 = vector.broadcast %rev3A_1156 : i32 to vector<16xi32>
      %rev3A_1158 = tpu.iota {dimensions = array<i32: 0>} : vector<16xi32>
      %rev3A_1159 = arith.subi %rev3A_1157, %rev3A_1158 : vector<16xi32>
      %rev3A_1160 = tpu.dynamic_gather %select_n3A_1155[%rev3A_1159] in [0] : vector<16xf32>, vector<16xi32> -> vector<16xf32>
      %broadcast_in_dim3A_1161 = arith.constant true
      %broadcast_in_dim3A_1162 = vector.broadcast %broadcast_in_dim3A_1161 : i1 to vector<16xi1>
      %masked_cummax3A_1163 = tpu.scan <max>, %rev3A_1160 masked %broadcast_in_dim3A_1162 : vector<16xf32>, vector<16xi1> -> vector<16xf32>
      %add3A_1164 = arith.addf %add3A_845, %masked_cummax3A_1163 : vector<16xf32>
      %select_n3A_1165 = arith.select %eq3A_926, %select_n3A_859, %add3A_1164 : vector<16xi1>, vector<16xf32>
      %select_n3A_1166 = arith.select %ne3A_951, %add3A_1152, %select_n3A_1165 : vector<16xi1>, vector<16xf32>
      %scan3A_1167 = arith.constant 3 : i32
      %scan3A_1168 = arith.addi %scan3A_241, %scan3A_1167 : i32
      %mul3A_1169 = arith.constant 16 : i32
      %mul3A_1170 = arith.muli %scan3A_1168, %mul3A_1169 : i32
      %get3A_1171 = arith.index_cast %mul3A_1170 : i32 to index
      %get3A_1172 = tpu.vector_load %arg11[%get3A_1171] {strides = array<i32>} : memref<8192xf32, #tpu.memory_space<vmem>>, vector<16xf32>,
      %get3A_1173 = arith.index_cast %mul3A_1170 : i32 to index
      %get3A_1174 = tpu.vector_load %arg13[%get3A_1173] {strides = array<i32>} : memref<8192xf32, #tpu.memory_space<vmem>>, vector<16xf32>,
      %add3A_1175 = arith.constant 8 : i32
      %add3A_1176 = arith.addi %mul3A_1170, %add3A_1175 : i32
      %get3A_1177 = arith.index_cast %add3A_1176 : i32 to index
      %get3A_1178 = tpu.vector_load %arg16[%get3A_1177] {strides = array<i32>} : memref<8216xi32, #tpu.memory_space<vmem>>, vector<16xi32>,
      %add3A_1179 = arith.constant 7 : i32
      %add3A_1180 = arith.addi %mul3A_1170, %add3A_1179 : i32
      %get3A_1181 = arith.index_cast %add3A_1180 : i32 to index
      %get3A_1182 = tpu.vector_load %arg16[%get3A_1181] {strides = array<i32>} : memref<8216xi32, #tpu.memory_space<vmem>>, vector<16xi32>,
      %add3A_1183 = arith.constant 9 : i32
      %add3A_1184 = arith.addi %mul3A_1170, %add3A_1183 : i32
      %get3A_1185 = arith.index_cast %add3A_1184 : i32 to index
      %get3A_1186 = tpu.vector_load %arg16[%get3A_1185] {strides = array<i32>} : memref<8216xi32, #tpu.memory_space<vmem>>, vector<16xi32>,
      %add3A_1187 = vector.broadcast %mul3A_1170 : i32 to vector<16xi32>
      %add3A_1188 = arith.addi %add3A_1187, %iota3A : vector<16xi32>
      %mul3A_1189 = arith.constant 3 : i32
      %mul3A_1190 = vector.broadcast %mul3A_1189 : i32 to vector<16xi32>
      %mul3A_1191 = arith.muli %add3A_1188, %mul3A_1190 : vector<16xi32>
      %gather3A_1192 = tpu.vector_load_idx %arg15[%mul3A_1191] : memref<24576xf32, #tpu.memory_space<vmem>>[vector<16xi32>], vector<16xf32>,
      %add3A_1193 = arith.constant 1 : i32
      %add3A_1194 = vector.broadcast %add3A_1193 : i32 to vector<16xi32>
      %add3A_1195 = arith.addi %mul3A_1191, %add3A_1194 : vector<16xi32>
      %gather3A_1196 = tpu.vector_load_idx %arg15[%add3A_1195] : memref<24576xf32, #tpu.memory_space<vmem>>[vector<16xi32>], vector<16xf32>,
      %add3A_1197 = arith.constant 2 : i32
      %add3A_1198 = vector.broadcast %add3A_1197 : i32 to vector<16xi32>
      %add3A_1199 = arith.addi %mul3A_1191, %add3A_1198 : vector<16xi32>
      %gather3A_1200 = tpu.vector_load_idx %arg15[%add3A_1199] : memref<24576xf32, #tpu.memory_space<vmem>>[vector<16xi32>], vector<16xf32>,
      %ne3A_1201 = arith.cmpi ne, %get3A_1178, %get3A_1182 : vector<16xi32>
      %ne3A_1202 = arith.cmpi ne, %get3A_1178, %get3A_1186 : vector<16xi32>
      %add3A_1203 = arith.constant 1 : i32
      %add3A_1204 = vector.broadcast %add3A_1203 : i32 to vector<16xi32>
      %add3A_1205 = arith.addi %iota3A, %add3A_1204 : vector<16xi32>
      %jit3A_1206 = arith.constant 0 : i32
      %broadcast_in_dim3A_1207 = vector.broadcast %jit3A_1206 : i32 to vector<16xi32>
      %select_n3A_1208 = arith.select %ne3A_1201, %add3A_1205, %broadcast_in_dim3A_1207 : vector<16xi1>, vector<16xi32>
      %broadcast_in_dim3A_1209 = arith.constant true
      %broadcast_in_dim3A_1210 = vector.broadcast %broadcast_in_dim3A_1209 : i1 to vector<16xi1>
      %masked_cummax3A_1211 = arith.constant -2147483648 : i32
      %masked_cummax3A_1212 = vector.broadcast %masked_cummax3A_1211 : i32 to vector<16xi32>
      %masked_cummax3A_1213 = arith.xori %select_n3A_1208, %masked_cummax3A_1212 : vector<16xi32>
      %masked_cummax3A_1214 = tpu.scan <max>, %masked_cummax3A_1213 masked %broadcast_in_dim3A_1210 : vector<16xi32>, vector<16xi1> -> vector<16xi32>
      %masked_cummax3A_1215 = arith.xori %masked_cummax3A_1214, %masked_cummax3A_1212 : vector<16xi32>
      %eq3A_1216 = arith.constant 0 : i32
      %eq3A_1217 = vector.broadcast %eq3A_1216 : i32 to vector<16xi32>
      %eq3A_1218 = arith.cmpi eq, %masked_cummax3A_1215, %eq3A_1217 : vector<16xi32>
      %rev3A_1219 = arith.constant 15 : i32
      %rev3A_1220 = vector.broadcast %rev3A_1219 : i32 to vector<16xi32>
      %rev3A_1221 = tpu.iota {dimensions = array<i32: 0>} : vector<16xi32>
      %rev3A_1222 = arith.subi %rev3A_1220, %rev3A_1221 : vector<16xi32>
      %rev3A_1223 = tpu.dynamic_gather %masked_cummax3A_1215[%rev3A_1222] in [0] : vector<16xi32>, vector<16xi32> -> vector<16xi32>
      %broadcast_in_dim3A_1224 = arith.constant true
      %broadcast_in_dim3A_1225 = vector.broadcast %broadcast_in_dim3A_1224 : i1 to vector<16xi1>
      %masked_cummax3A_1226 = arith.constant -2147483648 : i32
      %masked_cummax3A_1227 = vector.broadcast %masked_cummax3A_1226 : i32 to vector<16xi32>
      %masked_cummax3A_1228 = arith.xori %rev3A_1223, %masked_cummax3A_1227 : vector<16xi32>
      %masked_cummax3A_1229 = tpu.scan <max>, %masked_cummax3A_1228 masked %broadcast_in_dim3A_1225 : vector<16xi32>, vector<16xi1> -> vector<16xi32>
      %masked_cummax3A_1230 = arith.xori %masked_cummax3A_1229, %masked_cummax3A_1227 : vector<16xi32>
      %eq3A_1231 = arith.constant 0 : i32
      %eq3A_1232 = vector.broadcast %eq3A_1231 : i32 to vector<16xi32>
      %eq3A_1233 = arith.cmpi eq, %masked_cummax3A_1230, %eq3A_1232 : vector<16xi32>
      %rev3A_1234 = arith.constant 15 : i32
      %rev3A_1235 = vector.broadcast %rev3A_1234 : i32 to vector<16xi32>
      %rev3A_1236 = tpu.iota {dimensions = array<i32: 0>} : vector<16xi32>
      %rev3A_1237 = arith.subi %rev3A_1235, %rev3A_1236 : vector<16xi32>
      %rev3A_1238 = tpu.dynamic_gather %get3A_1178[%rev3A_1237] in [0] : vector<16xi32>, vector<16xi32> -> vector<16xi32>
      %broadcast_in_dim3A_1239 = arith.constant true
      %broadcast_in_dim3A_1240 = vector.broadcast %broadcast_in_dim3A_1239 : i1 to vector<16xi1>
      %masked_cummax3A_1241 = arith.constant -2147483648 : i32
      %masked_cummax3A_1242 = vector.broadcast %masked_cummax3A_1241 : i32 to vector<16xi32>
      %masked_cummax3A_1243 = arith.xori %rev3A_1238, %masked_cummax3A_1242 : vector<16xi32>
      %masked_cummax3A_1244 = tpu.scan <max>, %masked_cummax3A_1243 masked %broadcast_in_dim3A_1240 : vector<16xi32>, vector<16xi1> -> vector<16xi32>
      %masked_cummax3A_1245 = arith.xori %masked_cummax3A_1244, %masked_cummax3A_1242 : vector<16xi32>
      %rev3A_1246 = arith.constant 15 : i32
      %rev3A_1247 = vector.broadcast %rev3A_1246 : i32 to vector<16xi32>
      %rev3A_1248 = tpu.iota {dimensions = array<i32: 0>} : vector<16xi32>
      %rev3A_1249 = arith.subi %rev3A_1247, %rev3A_1248 : vector<16xi32>
      %rev3A_1250 = tpu.dynamic_gather %get3A_1186[%rev3A_1249] in [0] : vector<16xi32>, vector<16xi32> -> vector<16xi32>
      %broadcast_in_dim3A_1251 = arith.constant true
      %broadcast_in_dim3A_1252 = vector.broadcast %broadcast_in_dim3A_1251 : i1 to vector<16xi1>
      %masked_cummax3A_1253 = arith.constant -2147483648 : i32
      %masked_cummax3A_1254 = vector.broadcast %masked_cummax3A_1253 : i32 to vector<16xi32>
      %masked_cummax3A_1255 = arith.xori %rev3A_1250, %masked_cummax3A_1254 : vector<16xi32>
      %masked_cummax3A_1256 = tpu.scan <max>, %masked_cummax3A_1255 masked %broadcast_in_dim3A_1252 : vector<16xi32>, vector<16xi1> -> vector<16xi32>
      %masked_cummax3A_1257 = arith.xori %masked_cummax3A_1256, %masked_cummax3A_1254 : vector<16xi32>
      %ne3A_1258 = arith.cmpi ne, %masked_cummax3A_1245, %masked_cummax3A_1257 : vector<16xi32>
      %broadcast_in_dim3A_1259 = arith.constant true
      %broadcast_in_dim3A_1260 = vector.broadcast %broadcast_in_dim3A_1259 : i1 to vector<16xi1>
      %masked_cumsum3A_1261 = tpu.scan <sum>, %get3A_1172 masked %broadcast_in_dim3A_1260 : vector<16xf32>, vector<16xi1> -> vector<16xf32>
      %sub3A_1262 = arith.subf %masked_cumsum3A_1261, %get3A_1172 : vector<16xf32>
      %masked_cummax3A_1263 = tpu.scan <max>, %sub3A_1262 masked %ne3A_1201 : vector<16xf32>, vector<16xi1> -> vector<16xf32>
      %sub3A_1264 = arith.subf %add3A_983, %select_n3A_997 : vector<16xf32>
      %add3A_1265 = arith.addf %sub3A_1262, %sub3A_1264 : vector<16xf32>
      %sub3A_1266 = arith.subf %sub3A_1262, %masked_cummax3A_1263 : vector<16xf32>
      %select_n3A_1267 = arith.select %eq3A_1218, %add3A_1265, %sub3A_1266 : vector<16xi1>, vector<16xf32>
      %neg3A_1268 = arith.constant 0.000000e+00 : f32
      %neg3A_1269 = vector.broadcast %neg3A_1268 : f32 to vector<16xf32>
      %neg3A_1270 = arith.subf %neg3A_1269, %select_n3A_1267 : vector<16xf32>
      %exp3A_1271 = math.exp %neg3A_1270 : vector<16xf32>
      %neg3A_1272 = arith.constant 0.000000e+00 : f32
      %neg3A_1273 = vector.broadcast %neg3A_1272 : f32 to vector<16xf32>
      %neg3A_1274 = arith.subf %neg3A_1273, %get3A_1172 : vector<16xf32>
      %exp3A_1275 = math.exp %neg3A_1274 : vector<16xf32>
      %sub3A_1276 = arith.constant 1.000000e+00 : f32
      %sub3A_1277 = vector.broadcast %sub3A_1276 : f32 to vector<16xf32>
      %sub3A_1278 = arith.subf %sub3A_1277, %exp3A_1275 : vector<16xf32>
      %mul3A_1279 = arith.mulf %exp3A_1271, %sub3A_1278 : vector<16xf32>
      %swap3A_1280 = arith.index_cast %mul3A_1170 : i32 to index
      %swap3A_1281 = tpu.vector_load %arg14[%swap3A_1280] {strides = array<i32>} : memref<8192xf32, #tpu.memory_space<vmem>>, vector<16xf32>,
      tpu.vector_store %arg14[%swap3A_1280], %mul3A_1279 {strides = array<i32>} : memref<8192xf32, #tpu.memory_space<vmem>>, vector<16xf32>,
      %rev3A_1282 = arith.constant 15 : i32
      %rev3A_1283 = vector.broadcast %rev3A_1282 : i32 to vector<16xi32>
      %rev3A_1284 = tpu.iota {dimensions = array<i32: 0>} : vector<16xi32>
      %rev3A_1285 = arith.subi %rev3A_1283, %rev3A_1284 : vector<16xi32>
      %rev3A_1286 = tpu.dynamic_gather %masked_cumsum3A_1261[%rev3A_1285] in [0] : vector<16xf32>, vector<16xi32> -> vector<16xf32>
      %broadcast_in_dim3A_1287 = arith.constant true
      %broadcast_in_dim3A_1288 = vector.broadcast %broadcast_in_dim3A_1287 : i1 to vector<16xi1>
      %masked_cummax3A_1289 = tpu.scan <max>, %rev3A_1286 masked %broadcast_in_dim3A_1288 : vector<16xf32>, vector<16xi1> -> vector<16xf32>
      %add3A_1290 = arith.addf %add3A_983, %masked_cummax3A_1289 : vector<16xf32>
      %jit3A_1291 = arith.constant 0.000000e+00 : f32
      %broadcast_in_dim3A_1292 = vector.broadcast %jit3A_1291 : f32 to vector<16xf32>
      %select_n3A_1293 = arith.select %eq3A_1218, %broadcast_in_dim3A_1292, %masked_cummax3A_1263 : vector<16xi1>, vector<16xf32>
      %rev3A_1294 = arith.constant 15 : i32
      %rev3A_1295 = vector.broadcast %rev3A_1294 : i32 to vector<16xi32>
      %rev3A_1296 = tpu.iota {dimensions = array<i32: 0>} : vector<16xi32>
      %rev3A_1297 = arith.subi %rev3A_1295, %rev3A_1296 : vector<16xi32>
      %rev3A_1298 = tpu.dynamic_gather %select_n3A_1293[%rev3A_1297] in [0] : vector<16xf32>, vector<16xi32> -> vector<16xf32>
      %broadcast_in_dim3A_1299 = arith.constant true
      %broadcast_in_dim3A_1300 = vector.broadcast %broadcast_in_dim3A_1299 : i1 to vector<16xi1>
      %masked_cummax3A_1301 = tpu.scan <max>, %rev3A_1298 masked %broadcast_in_dim3A_1300 : vector<16xf32>, vector<16xi1> -> vector<16xf32>
      %add3A_1302 = arith.addf %add3A_983, %masked_cummax3A_1301 : vector<16xf32>
      %select_n3A_1303 = arith.select %eq3A_1233, %select_n3A_997, %add3A_1302 : vector<16xi1>, vector<16xf32>
      %select_n3A_1304 = arith.select %ne3A_1258, %add3A_1290, %select_n3A_1303 : vector<16xi1>, vector<16xf32>
      %mul3A_1305 = arith.mulf %mul3A_1279, %gather3A_1192 : vector<16xf32>
      %mul3A_1306 = arith.mulf %mul3A_1279, %gather3A_1196 : vector<16xf32>
      %mul3A_1307 = arith.mulf %mul3A_1279, %gather3A_1200 : vector<16xf32>
      %mul3A_1308 = arith.mulf %mul3A_1279, %get3A_1174 : vector<16xf32>
      %add3A_1309 = arith.addf %add3A_983, %masked_cummax3A_1263 : vector<16xf32>
      %select_n3A_1310 = arith.select %eq3A_1218, %select_n3A_1014, %add3A_1309 : vector<16xi1>, vector<16xf32>
      %add3A_1311 = arith.addf %add3A_983, %masked_cumsum3A_1261 : vector<16xf32>
      %sub3A_1312 = arith.subf %add3A_1311, %select_n3A_1310 : vector<16xf32>
      %mul3A_1313 = arith.constant 8 : i32
      %mul3A_1314 = vector.broadcast %mul3A_1313 : i32 to vector<16xi32>
      %mul3A_1315 = arith.muli %get3A_1178, %mul3A_1314 : vector<16xi32>
      %add3A_1316 = arith.constant 0 : i32
      %add3A_1317 = vector.broadcast %add3A_1316 : i32 to vector<16xi32>
      %add3A_1318 = arith.addi %mul3A_1315, %add3A_1317 : vector<16xi32>
      tpu.vector_store_idx %arg19[%add3A_1318], %sub3A_1312 masked %ne3A_1202 {add = true} : memref<32896xf32, #tpu.memory_space<vmem>>[vector<16xi32>], vector<16xf32>, vector<16xi1>
      %add3A_1319 = arith.addf %add3A_983, %masked_cummax3A_1301 : vector<16xf32>
      %select_n3A_1320 = arith.select %eq3A_1233, %select_n3A_1014, %add3A_1319 : vector<16xi1>, vector<16xf32>
      %select_n3A_1321 = arith.select %ne3A_1258, %add3A_1290, %select_n3A_1320 : vector<16xi1>, vector<16xf32>
      %broadcast_in_dim3A_1322 = arith.constant true
      %broadcast_in_dim3A_1323 = vector.broadcast %broadcast_in_dim3A_1322 : i1 to vector<16xi1>
      %masked_cumsum3A_1324 = tpu.scan <sum>, %mul3A_1305 masked %broadcast_in_dim3A_1323 : vector<16xf32>, vector<16xi1> -> vector<16xf32>
      %sub3A_1325 = arith.subf %masked_cumsum3A_1324, %mul3A_1305 : vector<16xf32>
      %masked_cummax3A_1326 = tpu.scan <max>, %sub3A_1325 masked %ne3A_1201 : vector<16xf32>, vector<16xi1> -> vector<16xf32>
      %add3A_1327 = arith.addf %add3A_1038, %masked_cummax3A_1326 : vector<16xf32>
      %select_n3A_1328 = arith.select %eq3A_1218, %select_n3A_1052, %add3A_1327 : vector<16xi1>, vector<16xf32>
      %add3A_1329 = arith.addf %add3A_1038, %masked_cumsum3A_1324 : vector<16xf32>
      %sub3A_1330 = arith.subf %add3A_1329, %select_n3A_1328 : vector<16xf32>
      %mul3A_1331 = arith.constant 8 : i32
      %mul3A_1332 = vector.broadcast %mul3A_1331 : i32 to vector<16xi32>
      %mul3A_1333 = arith.muli %get3A_1178, %mul3A_1332 : vector<16xi32>
      %add3A_1334 = arith.constant 1 : i32
      %add3A_1335 = vector.broadcast %add3A_1334 : i32 to vector<16xi32>
      %add3A_1336 = arith.addi %mul3A_1333, %add3A_1335 : vector<16xi32>
      tpu.vector_store_idx %arg19[%add3A_1336], %sub3A_1330 masked %ne3A_1202 {add = true} : memref<32896xf32, #tpu.memory_space<vmem>>[vector<16xi32>], vector<16xf32>, vector<16xi1>
      %rev3A_1337 = arith.constant 15 : i32
      %rev3A_1338 = vector.broadcast %rev3A_1337 : i32 to vector<16xi32>
      %rev3A_1339 = tpu.iota {dimensions = array<i32: 0>} : vector<16xi32>
      %rev3A_1340 = arith.subi %rev3A_1338, %rev3A_1339 : vector<16xi32>
      %rev3A_1341 = tpu.dynamic_gather %masked_cumsum3A_1324[%rev3A_1340] in [0] : vector<16xf32>, vector<16xi32> -> vector<16xf32>
      %broadcast_in_dim3A_1342 = arith.constant true
      %broadcast_in_dim3A_1343 = vector.broadcast %broadcast_in_dim3A_1342 : i1 to vector<16xi1>
      %masked_cummax3A_1344 = tpu.scan <max>, %rev3A_1341 masked %broadcast_in_dim3A_1343 : vector<16xf32>, vector<16xi1> -> vector<16xf32>
      %add3A_1345 = arith.addf %add3A_1038, %masked_cummax3A_1344 : vector<16xf32>
      %jit3A_1346 = arith.constant 0.000000e+00 : f32
      %broadcast_in_dim3A_1347 = vector.broadcast %jit3A_1346 : f32 to vector<16xf32>
      %select_n3A_1348 = arith.select %eq3A_1218, %broadcast_in_dim3A_1347, %masked_cummax3A_1326 : vector<16xi1>, vector<16xf32>
      %rev3A_1349 = arith.constant 15 : i32
      %rev3A_1350 = vector.broadcast %rev3A_1349 : i32 to vector<16xi32>
      %rev3A_1351 = tpu.iota {dimensions = array<i32: 0>} : vector<16xi32>
      %rev3A_1352 = arith.subi %rev3A_1350, %rev3A_1351 : vector<16xi32>
      %rev3A_1353 = tpu.dynamic_gather %select_n3A_1348[%rev3A_1352] in [0] : vector<16xf32>, vector<16xi32> -> vector<16xf32>
      %broadcast_in_dim3A_1354 = arith.constant true
      %broadcast_in_dim3A_1355 = vector.broadcast %broadcast_in_dim3A_1354 : i1 to vector<16xi1>
      %masked_cummax3A_1356 = tpu.scan <max>, %rev3A_1353 masked %broadcast_in_dim3A_1355 : vector<16xf32>, vector<16xi1> -> vector<16xf32>
      %add3A_1357 = arith.addf %add3A_1038, %masked_cummax3A_1356 : vector<16xf32>
      %select_n3A_1358 = arith.select %eq3A_1233, %select_n3A_1052, %add3A_1357 : vector<16xi1>, vector<16xf32>
      %select_n3A_1359 = arith.select %ne3A_1258, %add3A_1345, %select_n3A_1358 : vector<16xi1>, vector<16xf32>
      %broadcast_in_dim3A_1360 = arith.constant true
      %broadcast_in_dim3A_1361 = vector.broadcast %broadcast_in_dim3A_1360 : i1 to vector<16xi1>
      %masked_cumsum3A_1362 = tpu.scan <sum>, %mul3A_1306 masked %broadcast_in_dim3A_1361 : vector<16xf32>, vector<16xi1> -> vector<16xf32>
      %sub3A_1363 = arith.subf %masked_cumsum3A_1362, %mul3A_1306 : vector<16xf32>
      %masked_cummax3A_1364 = tpu.scan <max>, %sub3A_1363 masked %ne3A_1201 : vector<16xf32>, vector<16xi1> -> vector<16xf32>
      %add3A_1365 = arith.addf %add3A_1076, %masked_cummax3A_1364 : vector<16xf32>
      %select_n3A_1366 = arith.select %eq3A_1218, %select_n3A_1090, %add3A_1365 : vector<16xi1>, vector<16xf32>
      %add3A_1367 = arith.addf %add3A_1076, %masked_cumsum3A_1362 : vector<16xf32>
      %sub3A_1368 = arith.subf %add3A_1367, %select_n3A_1366 : vector<16xf32>
      %mul3A_1369 = arith.constant 8 : i32
      %mul3A_1370 = vector.broadcast %mul3A_1369 : i32 to vector<16xi32>
      %mul3A_1371 = arith.muli %get3A_1178, %mul3A_1370 : vector<16xi32>
      %add3A_1372 = arith.constant 2 : i32
      %add3A_1373 = vector.broadcast %add3A_1372 : i32 to vector<16xi32>
      %add3A_1374 = arith.addi %mul3A_1371, %add3A_1373 : vector<16xi32>
      tpu.vector_store_idx %arg19[%add3A_1374], %sub3A_1368 masked %ne3A_1202 {add = true} : memref<32896xf32, #tpu.memory_space<vmem>>[vector<16xi32>], vector<16xf32>, vector<16xi1>
      %rev3A_1375 = arith.constant 15 : i32
      %rev3A_1376 = vector.broadcast %rev3A_1375 : i32 to vector<16xi32>
      %rev3A_1377 = tpu.iota {dimensions = array<i32: 0>} : vector<16xi32>
      %rev3A_1378 = arith.subi %rev3A_1376, %rev3A_1377 : vector<16xi32>
      %rev3A_1379 = tpu.dynamic_gather %masked_cumsum3A_1362[%rev3A_1378] in [0] : vector<16xf32>, vector<16xi32> -> vector<16xf32>
      %broadcast_in_dim3A_1380 = arith.constant true
      %broadcast_in_dim3A_1381 = vector.broadcast %broadcast_in_dim3A_1380 : i1 to vector<16xi1>
      %masked_cummax3A_1382 = tpu.scan <max>, %rev3A_1379 masked %broadcast_in_dim3A_1381 : vector<16xf32>, vector<16xi1> -> vector<16xf32>
      %add3A_1383 = arith.addf %add3A_1076, %masked_cummax3A_1382 : vector<16xf32>
      %jit3A_1384 = arith.constant 0.000000e+00 : f32
      %broadcast_in_dim3A_1385 = vector.broadcast %jit3A_1384 : f32 to vector<16xf32>
      %select_n3A_1386 = arith.select %eq3A_1218, %broadcast_in_dim3A_1385, %masked_cummax3A_1364 : vector<16xi1>, vector<16xf32>
      %rev3A_1387 = arith.constant 15 : i32
      %rev3A_1388 = vector.broadcast %rev3A_1387 : i32 to vector<16xi32>
      %rev3A_1389 = tpu.iota {dimensions = array<i32: 0>} : vector<16xi32>
      %rev3A_1390 = arith.subi %rev3A_1388, %rev3A_1389 : vector<16xi32>
      %rev3A_1391 = tpu.dynamic_gather %select_n3A_1386[%rev3A_1390] in [0] : vector<16xf32>, vector<16xi32> -> vector<16xf32>
      %broadcast_in_dim3A_1392 = arith.constant true
      %broadcast_in_dim3A_1393 = vector.broadcast %broadcast_in_dim3A_1392 : i1 to vector<16xi1>
      %masked_cummax3A_1394 = tpu.scan <max>, %rev3A_1391 masked %broadcast_in_dim3A_1393 : vector<16xf32>, vector<16xi1> -> vector<16xf32>
      %add3A_1395 = arith.addf %add3A_1076, %masked_cummax3A_1394 : vector<16xf32>
      %select_n3A_1396 = arith.select %eq3A_1233, %select_n3A_1090, %add3A_1395 : vector<16xi1>, vector<16xf32>
      %select_n3A_1397 = arith.select %ne3A_1258, %add3A_1383, %select_n3A_1396 : vector<16xi1>, vector<16xf32>
      %broadcast_in_dim3A_1398 = arith.constant true
      %broadcast_in_dim3A_1399 = vector.broadcast %broadcast_in_dim3A_1398 : i1 to vector<16xi1>
      %masked_cumsum3A_1400 = tpu.scan <sum>, %mul3A_1307 masked %broadcast_in_dim3A_1399 : vector<16xf32>, vector<16xi1> -> vector<16xf32>
      %sub3A_1401 = arith.subf %masked_cumsum3A_1400, %mul3A_1307 : vector<16xf32>
      %masked_cummax3A_1402 = tpu.scan <max>, %sub3A_1401 masked %ne3A_1201 : vector<16xf32>, vector<16xi1> -> vector<16xf32>
      %add3A_1403 = arith.addf %add3A_1114, %masked_cummax3A_1402 : vector<16xf32>
      %select_n3A_1404 = arith.select %eq3A_1218, %select_n3A_1128, %add3A_1403 : vector<16xi1>, vector<16xf32>
      %add3A_1405 = arith.addf %add3A_1114, %masked_cumsum3A_1400 : vector<16xf32>
      %sub3A_1406 = arith.subf %add3A_1405, %select_n3A_1404 : vector<16xf32>
      %mul3A_1407 = arith.constant 8 : i32
      %mul3A_1408 = vector.broadcast %mul3A_1407 : i32 to vector<16xi32>
      %mul3A_1409 = arith.muli %get3A_1178, %mul3A_1408 : vector<16xi32>
      %add3A_1410 = arith.constant 3 : i32
      %add3A_1411 = vector.broadcast %add3A_1410 : i32 to vector<16xi32>
      %add3A_1412 = arith.addi %mul3A_1409, %add3A_1411 : vector<16xi32>
      tpu.vector_store_idx %arg19[%add3A_1412], %sub3A_1406 masked %ne3A_1202 {add = true} : memref<32896xf32, #tpu.memory_space<vmem>>[vector<16xi32>], vector<16xf32>, vector<16xi1>
      %rev3A_1413 = arith.constant 15 : i32
      %rev3A_1414 = vector.broadcast %rev3A_1413 : i32 to vector<16xi32>
      %rev3A_1415 = tpu.iota {dimensions = array<i32: 0>} : vector<16xi32>
      %rev3A_1416 = arith.subi %rev3A_1414, %rev3A_1415 : vector<16xi32>
      %rev3A_1417 = tpu.dynamic_gather %masked_cumsum3A_1400[%rev3A_1416] in [0] : vector<16xf32>, vector<16xi32> -> vector<16xf32>
      %broadcast_in_dim3A_1418 = arith.constant true
      %broadcast_in_dim3A_1419 = vector.broadcast %broadcast_in_dim3A_1418 : i1 to vector<16xi1>
      %masked_cummax3A_1420 = tpu.scan <max>, %rev3A_1417 masked %broadcast_in_dim3A_1419 : vector<16xf32>, vector<16xi1> -> vector<16xf32>
      %add3A_1421 = arith.addf %add3A_1114, %masked_cummax3A_1420 : vector<16xf32>
      %jit3A_1422 = arith.constant 0.000000e+00 : f32
      %broadcast_in_dim3A_1423 = vector.broadcast %jit3A_1422 : f32 to vector<16xf32>
      %select_n3A_1424 = arith.select %eq3A_1218, %broadcast_in_dim3A_1423, %masked_cummax3A_1402 : vector<16xi1>, vector<16xf32>
      %rev3A_1425 = arith.constant 15 : i32
      %rev3A_1426 = vector.broadcast %rev3A_1425 : i32 to vector<16xi32>
      %rev3A_1427 = tpu.iota {dimensions = array<i32: 0>} : vector<16xi32>
      %rev3A_1428 = arith.subi %rev3A_1426, %rev3A_1427 : vector<16xi32>
      %rev3A_1429 = tpu.dynamic_gather %select_n3A_1424[%rev3A_1428] in [0] : vector<16xf32>, vector<16xi32> -> vector<16xf32>
      %broadcast_in_dim3A_1430 = arith.constant true
      %broadcast_in_dim3A_1431 = vector.broadcast %broadcast_in_dim3A_1430 : i1 to vector<16xi1>
      %masked_cummax3A_1432 = tpu.scan <max>, %rev3A_1429 masked %broadcast_in_dim3A_1431 : vector<16xf32>, vector<16xi1> -> vector<16xf32>
      %add3A_1433 = arith.addf %add3A_1114, %masked_cummax3A_1432 : vector<16xf32>
      %select_n3A_1434 = arith.select %eq3A_1233, %select_n3A_1128, %add3A_1433 : vector<16xi1>, vector<16xf32>
      %select_n3A_1435 = arith.select %ne3A_1258, %add3A_1421, %select_n3A_1434 : vector<16xi1>, vector<16xf32>
      %broadcast_in_dim3A_1436 = arith.constant true
      %broadcast_in_dim3A_1437 = vector.broadcast %broadcast_in_dim3A_1436 : i1 to vector<16xi1>
      %masked_cumsum3A_1438 = tpu.scan <sum>, %mul3A_1308 masked %broadcast_in_dim3A_1437 : vector<16xf32>, vector<16xi1> -> vector<16xf32>
      %sub3A_1439 = arith.subf %masked_cumsum3A_1438, %mul3A_1308 : vector<16xf32>
      %masked_cummax3A_1440 = tpu.scan <max>, %sub3A_1439 masked %ne3A_1201 : vector<16xf32>, vector<16xi1> -> vector<16xf32>
      %add3A_1441 = arith.addf %add3A_1152, %masked_cummax3A_1440 : vector<16xf32>
      %select_n3A_1442 = arith.select %eq3A_1218, %select_n3A_1166, %add3A_1441 : vector<16xi1>, vector<16xf32>
      %add3A_1443 = arith.addf %add3A_1152, %masked_cumsum3A_1438 : vector<16xf32>
      %sub3A_1444 = arith.subf %add3A_1443, %select_n3A_1442 : vector<16xf32>
      %mul3A_1445 = arith.constant 8 : i32
      %mul3A_1446 = vector.broadcast %mul3A_1445 : i32 to vector<16xi32>
      %mul3A_1447 = arith.muli %get3A_1178, %mul3A_1446 : vector<16xi32>
      %add3A_1448 = arith.constant 4 : i32
      %add3A_1449 = vector.broadcast %add3A_1448 : i32 to vector<16xi32>
      %add3A_1450 = arith.addi %mul3A_1447, %add3A_1449 : vector<16xi32>
      tpu.vector_store_idx %arg19[%add3A_1450], %sub3A_1444 masked %ne3A_1202 {add = true} : memref<32896xf32, #tpu.memory_space<vmem>>[vector<16xi32>], vector<16xf32>, vector<16xi1>
      %rev3A_1451 = arith.constant 15 : i32
      %rev3A_1452 = vector.broadcast %rev3A_1451 : i32 to vector<16xi32>
      %rev3A_1453 = tpu.iota {dimensions = array<i32: 0>} : vector<16xi32>
      %rev3A_1454 = arith.subi %rev3A_1452, %rev3A_1453 : vector<16xi32>
      %rev3A_1455 = tpu.dynamic_gather %masked_cumsum3A_1438[%rev3A_1454] in [0] : vector<16xf32>, vector<16xi32> -> vector<16xf32>
      %broadcast_in_dim3A_1456 = arith.constant true
      %broadcast_in_dim3A_1457 = vector.broadcast %broadcast_in_dim3A_1456 : i1 to vector<16xi1>
      %masked_cummax3A_1458 = tpu.scan <max>, %rev3A_1455 masked %broadcast_in_dim3A_1457 : vector<16xf32>, vector<16xi1> -> vector<16xf32>
      %add3A_1459 = arith.addf %add3A_1152, %masked_cummax3A_1458 : vector<16xf32>
      %jit3A_1460 = arith.constant 0.000000e+00 : f32
      %broadcast_in_dim3A_1461 = vector.broadcast %jit3A_1460 : f32 to vector<16xf32>
      %select_n3A_1462 = arith.select %eq3A_1218, %broadcast_in_dim3A_1461, %masked_cummax3A_1440 : vector<16xi1>, vector<16xf32>
      %rev3A_1463 = arith.constant 15 : i32
      %rev3A_1464 = vector.broadcast %rev3A_1463 : i32 to vector<16xi32>
      %rev3A_1465 = tpu.iota {dimensions = array<i32: 0>} : vector<16xi32>
      %rev3A_1466 = arith.subi %rev3A_1464, %rev3A_1465 : vector<16xi32>
      %rev3A_1467 = tpu.dynamic_gather %select_n3A_1462[%rev3A_1466] in [0] : vector<16xf32>, vector<16xi32> -> vector<16xf32>
      %broadcast_in_dim3A_1468 = arith.constant true
      %broadcast_in_dim3A_1469 = vector.broadcast %broadcast_in_dim3A_1468 : i1 to vector<16xi1>
      %masked_cummax3A_1470 = tpu.scan <max>, %rev3A_1467 masked %broadcast_in_dim3A_1469 : vector<16xf32>, vector<16xi1> -> vector<16xf32>
      %add3A_1471 = arith.addf %add3A_1152, %masked_cummax3A_1470 : vector<16xf32>
      %select_n3A_1472 = arith.select %eq3A_1233, %select_n3A_1166, %add3A_1471 : vector<16xi1>, vector<16xf32>
      %select_n3A_1473 = arith.select %ne3A_1258, %add3A_1459, %select_n3A_1472 : vector<16xi1>, vector<16xf32>
      scf.yield %select_n3A_1304, %add3A_1290, %select_n3A_1321, %add3A_1345, %select_n3A_1359, %add3A_1383, %select_n3A_1397, %add3A_1421, %select_n3A_1435, %add3A_1459, %select_n3A_1473 : vector<16xf32>, vector<16xf32>, vector<16xf32>, vector<16xf32>, vector<16xf32>, vector<16xf32>, vector<16xf32>, vector<16xf32>, vector<16xf32>, vector<16xf32>, vector<16xf32>
    }
    %scan3A_202 = arith.constant 512 : i32
    %get3A_203 = arith.constant 8184 : index
    %get3A_204 = tpu.vector_load %arg16[%get3A_203] {strides = array<i32>} : memref<8216xi32, #tpu.memory_space<vmem>>, vector<16xi32>,
    %slice3A_205 = vector.extract_strided_slice %get3A_204 {offsets = [15], sizes = [1], strides = [1]} : vector<16xi32> to vector<1xi32>
    %squeeze3A_206 = vector.extract %slice3A_205[0] : i32 from vector<1xi32>
    %iota3A_207 = tpu.iota {dimensions = array<i32: 0>} : vector<16xi32>
    %eq3A_208 = arith.constant 0 : i32
    %eq3A_209 = vector.broadcast %eq3A_208 : i32 to vector<16xi32>
    %eq3A_210 = arith.cmpi eq, %iota3A_207, %eq3A_209 : vector<16xi32>
    %mul3A_211 = arith.constant 8 : i32
    %mul3A_212 = arith.muli %squeeze3A_206, %mul3A_211 : i32
    %add3A_213 = arith.constant 0 : i32
    %add3A_214 = arith.addi %mul3A_212, %add3A_213 : i32
    %broadcast_in_dim3A_215 = vector.broadcast %add3A_214 : i32 to vector<16xi32>
    %sub3A_216 = arith.subf %scan3A_201#1, %scan3A_201#2 : vector<16xf32>
    tpu.vector_store_idx %arg19[%broadcast_in_dim3A_215], %sub3A_216 masked %eq3A_210 {add = true} : memref<32896xf32, #tpu.memory_space<vmem>>[vector<16xi32>], vector<16xf32>, vector<16xi1>
    %mul3A_217 = arith.constant 8 : i32
    %mul3A_218 = arith.muli %squeeze3A_206, %mul3A_217 : i32
    %add3A_219 = arith.constant 1 : i32
    %add3A_220 = arith.addi %mul3A_218, %add3A_219 : i32
    %broadcast_in_dim3A_221 = vector.broadcast %add3A_220 : i32 to vector<16xi32>
    %sub3A_222 = arith.subf %scan3A_201#3, %scan3A_201#4 : vector<16xf32>
    tpu.vector_store_idx %arg19[%broadcast_in_dim3A_221], %sub3A_222 masked %eq3A_210 {add = true} : memref<32896xf32, #tpu.memory_space<vmem>>[vector<16xi32>], vector<16xf32>, vector<16xi1>
    %mul3A_223 = arith.constant 8 : i32
    %mul3A_224 = arith.muli %squeeze3A_206, %mul3A_223 : i32
    %add3A_225 = arith.constant 2 : i32
    %add3A_226 = arith.addi %mul3A_224, %add3A_225 : i32
    %broadcast_in_dim3A_227 = vector.broadcast %add3A_226 : i32 to vector<16xi32>
    %sub3A_228 = arith.subf %scan3A_201#5, %scan3A_201#6 : vector<16xf32>
    tpu.vector_store_idx %arg19[%broadcast_in_dim3A_227], %sub3A_228 masked %eq3A_210 {add = true} : memref<32896xf32, #tpu.memory_space<vmem>>[vector<16xi32>], vector<16xf32>, vector<16xi1>
    %mul3A_229 = arith.constant 8 : i32
    %mul3A_230 = arith.muli %squeeze3A_206, %mul3A_229 : i32
    %add3A_231 = arith.constant 3 : i32
    %add3A_232 = arith.addi %mul3A_230, %add3A_231 : i32
    %broadcast_in_dim3A_233 = vector.broadcast %add3A_232 : i32 to vector<16xi32>
    %sub3A_234 = arith.subf %scan3A_201#7, %scan3A_201#8 : vector<16xf32>
    tpu.vector_store_idx %arg19[%broadcast_in_dim3A_233], %sub3A_234 masked %eq3A_210 {add = true} : memref<32896xf32, #tpu.memory_space<vmem>>[vector<16xi32>], vector<16xf32>, vector<16xi1>
    %mul3A_235 = arith.constant 8 : i32
    %mul3A_236 = arith.muli %squeeze3A_206, %mul3A_235 : i32
    %add3A_237 = arith.constant 4 : i32
    %add3A_238 = arith.addi %mul3A_236, %add3A_237 : i32
    %broadcast_in_dim3A_239 = vector.broadcast %add3A_238 : i32 to vector<16xi32>
    %sub3A_240 = arith.subf %scan3A_201#9, %scan3A_201#10 : vector<16xf32>
    tpu.vector_store_idx %arg19[%broadcast_in_dim3A_239], %sub3A_240 masked %eq3A_210 {add = true} : memref<32896xf32, #tpu.memory_space<vmem>>[vector<16xi32>], vector<16xf32>, vector<16xi1>
    "tpu.region"() ({
      %run_scoped3A = tpu.sem_alloc : memref<!tpu.dma_semaphore, #tpu.memory_space<semaphore_mem>>
      %dma_start3A = tpu.memref_slice %arg9[%mul3A_2] : memref<262144xf32, #tpu.memory_space<hbm>> -> memref<8192xf32, #tpu.memory_space<hbm>>
      %dma_start3A_241 = tpu.memref_slice %arg9[%mul3A_2] : memref<262144xf32, #tpu.memory_space<hbm>> -> memref<8192xf32, #tpu.memory_space<hbm>>
      tpu.enqueue_dma source(%arg14 : memref<8192xf32, #tpu.memory_space<vmem>>) target(%dma_start3A_241 : memref<8192xf32, #tpu.memory_space<hbm>>) target_semaphore(%run_scoped3A : memref<!tpu.dma_semaphore, #tpu.memory_space<semaphore_mem>>)
      %dma_wait3A = tpu.memref_slice %arg9[%mul3A_2] : memref<262144xf32, #tpu.memory_space<hbm>> -> memref<8192xf32, #tpu.memory_space<hbm>>
      %dma_wait3A_242 = tpu.memref_slice %arg9[%mul3A_2] : memref<262144xf32, #tpu.memory_space<hbm>> -> memref<8192xf32, #tpu.memory_space<hbm>>
      tpu.wait_dma2 semaphore(%run_scoped3A : memref<!tpu.dma_semaphore, #tpu.memory_space<semaphore_mem>>) src(%arg14 : memref<8192xf32, #tpu.memory_space<vmem>>) dst(%dma_wait3A_242 : memref<8192xf32, #tpu.memory_space<hbm>>)
      tpu.yield
    }) : () -> ()
    "tpu.region"() ({
      %run_scoped3A = tpu.sem_alloc : memref<!tpu.dma_semaphore, #tpu.memory_space<semaphore_mem>>
      %dma_start3A = arith.constant 0 : i32
      %dma_start3A_241 = tpu.memref_slice %arg19[%dma_start3A] : memref<32896xf32, #tpu.memory_space<vmem>> -> memref<32768xf32, #tpu.memory_space<vmem>>
      %dma_start3A_242 = arith.constant 0 : i32
      %dma_start3A_243 = tpu.memref_slice %arg10[%add3A, %dma_start3A_242] : memref<32x32768xf32, #tpu.memory_space<hbm>> -> memref<1x32768xf32, #tpu.memory_space<hbm>>
      %dma_start3A_244 = tpu.memref_squeeze %dma_start3A_243 : memref<1x32768xf32, #tpu.memory_space<hbm>> -> memref<32768xf32, #tpu.memory_space<hbm>>
      %dma_start3A_245 = arith.constant 0 : i32
      %dma_start3A_246 = tpu.memref_slice %arg10[%add3A, %dma_start3A_245] : memref<32x32768xf32, #tpu.memory_space<hbm>> -> memref<1x32768xf32, #tpu.memory_space<hbm>>
      %dma_start3A_247 = tpu.memref_squeeze %dma_start3A_246 : memref<1x32768xf32, #tpu.memory_space<hbm>> -> memref<32768xf32, #tpu.memory_space<hbm>>
      %dma_start3A_248 = arith.constant 0 : i32
      %dma_start3A_249 = tpu.memref_slice %arg19[%dma_start3A_248] : memref<32896xf32, #tpu.memory_space<vmem>> -> memref<32768xf32, #tpu.memory_space<vmem>>
      tpu.enqueue_dma source(%dma_start3A_249 : memref<32768xf32, #tpu.memory_space<vmem>>) target(%dma_start3A_247 : memref<32768xf32, #tpu.memory_space<hbm>>) target_semaphore(%run_scoped3A : memref<!tpu.dma_semaphore, #tpu.memory_space<semaphore_mem>>)
      %dma_wait3A = arith.constant 0 : i32
      %dma_wait3A_250 = tpu.memref_slice %arg19[%dma_wait3A] : memref<32896xf32, #tpu.memory_space<vmem>> -> memref<32768xf32, #tpu.memory_space<vmem>>
      %dma_wait3A_251 = arith.constant 0 : i32
      %dma_wait3A_252 = tpu.memref_slice %arg10[%add3A, %dma_wait3A_251] : memref<32x32768xf32, #tpu.memory_space<hbm>> -> memref<1x32768xf32, #tpu.memory_space<hbm>>
      %dma_wait3A_253 = tpu.memref_squeeze %dma_wait3A_252 : memref<1x32768xf32, #tpu.memory_space<hbm>> -> memref<32768xf32, #tpu.memory_space<hbm>>
      %dma_wait3A_254 = arith.constant 0 : i32
      %dma_wait3A_255 = tpu.memref_slice %arg10[%add3A, %dma_wait3A_254] : memref<32x32768xf32, #tpu.memory_space<hbm>> -> memref<1x32768xf32, #tpu.memory_space<hbm>>
      %dma_wait3A_256 = tpu.memref_squeeze %dma_wait3A_255 : memref<1x32768xf32, #tpu.memory_space<hbm>> -> memref<32768xf32, #tpu.memory_space<hbm>>
      %dma_wait3A_257 = arith.constant 0 : i32
      %dma_wait3A_258 = tpu.memref_slice %arg19[%dma_wait3A_257] : memref<32896xf32, #tpu.memory_space<vmem>> -> memref<32768xf32, #tpu.memory_space<vmem>>
      tpu.wait_dma2 semaphore(%run_scoped3A : memref<!tpu.dma_semaphore, #tpu.memory_space<semaphore_mem>>) src(%dma_wait3A_258 : memref<32768xf32, #tpu.memory_space<vmem>>) dst(%dma_wait3A_256 : memref<32768xf32, #tpu.memory_space<hbm>>)
      tpu.yield
    }) : () -> ()
    return
  }
}

#map = affine_map<(d0, d1) -> (0)>
#map1 = affine_map<(d0, d1) -> (0, 0)>
module attributes {stable_mosaic.version = 14 : i64} {
  func.func @_l1_body(%arg0: i32, %arg1: i32, %arg2: memref<262144xf32, #tpu.memory_space<hbm>>, %arg3: memref<262144xf32, #tpu.memory_space<hbm>>, %arg4: memref<262144xi32, #tpu.memory_space<hbm>>, %arg5: memref<262144xf32, #tpu.memory_space<hbm>>, %arg6: memref<262144xf32, #tpu.memory_space<hbm>>, %arg7: memref<32x4096xf32, #tpu.memory_space<hbm>>, %arg8: memref<512xf32, #tpu.memory_space<hbm>>, %arg9: memref<8192xf32, #tpu.memory_space<vmem>>, %arg10: memref<8192xf32, #tpu.memory_space<vmem>>, %arg11: memref<8192xf32, #tpu.memory_space<vmem>>, %arg12: memref<8192xf32, #tpu.memory_space<vmem>>, %arg13: memref<8200xi32, #tpu.memory_space<vmem>>, %arg14: memref<4112xf32, #tpu.memory_space<vmem>>, %arg15: memref<16xf32, #tpu.memory_space<vmem>>) attributes {dimension_semantics = [#tpu.dimension_semantics<core_parallel>, #tpu.dimension_semantics<subcore_parallel>], iteration_bounds = array<i64: 2, 16>, scalar_prefetch = 0 : i64, scratch_operands = 7 : i64, tpu.core_type = #tpu.core_type<sc_vector_subcore>, window_params = [{transform_indices = #map}, {transform_indices = #map}, {transform_indices = #map}, {transform_indices = #map}, {transform_indices = #map}, {transform_indices = #map1}, {transform_indices = #map}]} {
    %mul3A = arith.constant 16 : i32
    %mul3A_0 = arith.muli %arg0, %mul3A : i32
    %add3A = arith.addi %mul3A_0, %arg1 : i32
    %mul3A_1 = arith.constant 8192 : i32
    %mul3A_2 = arith.muli %add3A, %mul3A_1 : i32
    %iota3A = tpu.iota {dimensions = array<i32: 0>} : vector<16xi32>
    %broadcast_in_dim3A = arith.constant -1 : i32
    %broadcast_in_dim3A_3 = vector.broadcast %broadcast_in_dim3A : i32 to vector<16xi32>
    %swap3A = arith.constant 0 : index
    %swap3A_4 = tpu.vector_load %arg13[%swap3A] {strides = array<i32>} : memref<8200xi32, #tpu.memory_space<vmem>>, vector<16xi32>,
    tpu.vector_store %arg13[%swap3A], %broadcast_in_dim3A_3 {strides = array<i32>} : memref<8200xi32, #tpu.memory_space<vmem>>, vector<16xi32>,
    %gt3A = arith.constant 0 : i32
    %gt3A_5 = arith.cmpi sgt, %add3A, %gt3A : i32
    %convert_element_type3A = arith.extui %gt3A_5 : i1 to i32
    %cond3A = arith.constant 0 : i32
    %cond3A_6 = arith.cmpi ne, %convert_element_type3A, %cond3A : i32
    scf.if %cond3A_6 {
      %sub3A_124 = arith.constant 8 : i32
      %sub3A_125 = arith.subi %mul3A_2, %sub3A_124 : i32
      "tpu.region"() ({
        %run_scoped3A = tpu.sem_alloc : memref<!tpu.dma_semaphore, #tpu.memory_space<semaphore_mem>>
        %dma_start3A = arith.constant 0 : i32
        %dma_start3A_126 = tpu.memref_slice %arg13[%dma_start3A] : memref<8200xi32, #tpu.memory_space<vmem>> -> memref<8xi32, #tpu.memory_space<vmem>>
        %dma_start3A_127 = tpu.memref_slice %arg4[%sub3A_125] : memref<262144xi32, #tpu.memory_space<hbm>> -> memref<8xi32, #tpu.memory_space<hbm>>
        %dma_start3A_128 = arith.constant 0 : i32
        %dma_start3A_129 = tpu.memref_slice %arg13[%dma_start3A_128] : memref<8200xi32, #tpu.memory_space<vmem>> -> memref<8xi32, #tpu.memory_space<vmem>>
        %dma_start3A_130 = tpu.memref_slice %arg4[%sub3A_125] : memref<262144xi32, #tpu.memory_space<hbm>> -> memref<8xi32, #tpu.memory_space<hbm>>
        tpu.enqueue_dma source(%dma_start3A_130 : memref<8xi32, #tpu.memory_space<hbm>>) target(%dma_start3A_129 : memref<8xi32, #tpu.memory_space<vmem>>) target_semaphore(%run_scoped3A : memref<!tpu.dma_semaphore, #tpu.memory_space<semaphore_mem>>)
        %dma_wait3A = arith.constant 0 : i32
        %dma_wait3A_131 = tpu.memref_slice %arg13[%dma_wait3A] : memref<8200xi32, #tpu.memory_space<vmem>> -> memref<8xi32, #tpu.memory_space<vmem>>
        %dma_wait3A_132 = tpu.memref_slice %arg4[%sub3A_125] : memref<262144xi32, #tpu.memory_space<hbm>> -> memref<8xi32, #tpu.memory_space<hbm>>
        %dma_wait3A_133 = arith.constant 0 : i32
        %dma_wait3A_134 = tpu.memref_slice %arg13[%dma_wait3A_133] : memref<8200xi32, #tpu.memory_space<vmem>> -> memref<8xi32, #tpu.memory_space<vmem>>
        %dma_wait3A_135 = tpu.memref_slice %arg4[%sub3A_125] : memref<262144xi32, #tpu.memory_space<hbm>> -> memref<8xi32, #tpu.memory_space<hbm>>
        tpu.wait_dma2 semaphore(%run_scoped3A : memref<!tpu.dma_semaphore, #tpu.memory_space<semaphore_mem>>) src(%dma_wait3A_135 : memref<8xi32, #tpu.memory_space<hbm>>) dst(%dma_wait3A_134 : memref<8xi32, #tpu.memory_space<vmem>>)
        tpu.yield
      }) : () -> ()
    } else {
    }
    "tpu.region"() ({
      %run_scoped3A = tpu.sem_alloc : memref<!tpu.dma_semaphore, #tpu.memory_space<semaphore_mem>>
      %dma_start3A = arith.constant 8 : i32
      %dma_start3A_124 = tpu.memref_slice %arg13[%dma_start3A] : memref<8200xi32, #tpu.memory_space<vmem>> -> memref<8192xi32, #tpu.memory_space<vmem>>
      %dma_start3A_125 = tpu.memref_slice %arg4[%mul3A_2] : memref<262144xi32, #tpu.memory_space<hbm>> -> memref<8192xi32, #tpu.memory_space<hbm>>
      %dma_start3A_126 = arith.constant 8 : i32
      %dma_start3A_127 = tpu.memref_slice %arg13[%dma_start3A_126] : memref<8200xi32, #tpu.memory_space<vmem>> -> memref<8192xi32, #tpu.memory_space<vmem>>
      %dma_start3A_128 = tpu.memref_slice %arg4[%mul3A_2] : memref<262144xi32, #tpu.memory_space<hbm>> -> memref<8192xi32, #tpu.memory_space<hbm>>
      tpu.enqueue_dma source(%dma_start3A_128 : memref<8192xi32, #tpu.memory_space<hbm>>) target(%dma_start3A_127 : memref<8192xi32, #tpu.memory_space<vmem>>) target_semaphore(%run_scoped3A : memref<!tpu.dma_semaphore, #tpu.memory_space<semaphore_mem>>)
      %dma_wait3A = arith.constant 8 : i32
      %dma_wait3A_129 = tpu.memref_slice %arg13[%dma_wait3A] : memref<8200xi32, #tpu.memory_space<vmem>> -> memref<8192xi32, #tpu.memory_space<vmem>>
      %dma_wait3A_130 = tpu.memref_slice %arg4[%mul3A_2] : memref<262144xi32, #tpu.memory_space<hbm>> -> memref<8192xi32, #tpu.memory_space<hbm>>
      %dma_wait3A_131 = arith.constant 8 : i32
      %dma_wait3A_132 = tpu.memref_slice %arg13[%dma_wait3A_131] : memref<8200xi32, #tpu.memory_space<vmem>> -> memref<8192xi32, #tpu.memory_space<vmem>>
      %dma_wait3A_133 = tpu.memref_slice %arg4[%mul3A_2] : memref<262144xi32, #tpu.memory_space<hbm>> -> memref<8192xi32, #tpu.memory_space<hbm>>
      tpu.wait_dma2 semaphore(%run_scoped3A : memref<!tpu.dma_semaphore, #tpu.memory_space<semaphore_mem>>) src(%dma_wait3A_133 : memref<8192xi32, #tpu.memory_space<hbm>>) dst(%dma_wait3A_132 : memref<8192xi32, #tpu.memory_space<vmem>>)
      tpu.yield
    }) : () -> ()
    "tpu.region"() ({
      %run_scoped3A = tpu.sem_alloc : memref<!tpu.dma_semaphore, #tpu.memory_space<semaphore_mem>>
      %dma_start3A = tpu.memref_slice %arg2[%mul3A_2] : memref<262144xf32, #tpu.memory_space<hbm>> -> memref<8192xf32, #tpu.memory_space<hbm>>
      %dma_start3A_124 = tpu.memref_slice %arg2[%mul3A_2] : memref<262144xf32, #tpu.memory_space<hbm>> -> memref<8192xf32, #tpu.memory_space<hbm>>
      tpu.enqueue_dma source(%dma_start3A_124 : memref<8192xf32, #tpu.memory_space<hbm>>) target(%arg9 : memref<8192xf32, #tpu.memory_space<vmem>>) target_semaphore(%run_scoped3A : memref<!tpu.dma_semaphore, #tpu.memory_space<semaphore_mem>>)
      %dma_wait3A = tpu.memref_slice %arg2[%mul3A_2] : memref<262144xf32, #tpu.memory_space<hbm>> -> memref<8192xf32, #tpu.memory_space<hbm>>
      %dma_wait3A_125 = tpu.memref_slice %arg2[%mul3A_2] : memref<262144xf32, #tpu.memory_space<hbm>> -> memref<8192xf32, #tpu.memory_space<hbm>>
      tpu.wait_dma2 semaphore(%run_scoped3A : memref<!tpu.dma_semaphore, #tpu.memory_space<semaphore_mem>>) src(%dma_wait3A_125 : memref<8192xf32, #tpu.memory_space<hbm>>) dst(%arg9 : memref<8192xf32, #tpu.memory_space<vmem>>)
      tpu.yield
    }) : () -> ()
    "tpu.region"() ({
      %run_scoped3A = tpu.sem_alloc : memref<!tpu.dma_semaphore, #tpu.memory_space<semaphore_mem>>
      %dma_start3A = tpu.memref_slice %arg3[%mul3A_2] : memref<262144xf32, #tpu.memory_space<hbm>> -> memref<8192xf32, #tpu.memory_space<hbm>>
      %dma_start3A_124 = tpu.memref_slice %arg3[%mul3A_2] : memref<262144xf32, #tpu.memory_space<hbm>> -> memref<8192xf32, #tpu.memory_space<hbm>>
      tpu.enqueue_dma source(%dma_start3A_124 : memref<8192xf32, #tpu.memory_space<hbm>>) target(%arg10 : memref<8192xf32, #tpu.memory_space<vmem>>) target_semaphore(%run_scoped3A : memref<!tpu.dma_semaphore, #tpu.memory_space<semaphore_mem>>)
      %dma_wait3A = tpu.memref_slice %arg3[%mul3A_2] : memref<262144xf32, #tpu.memory_space<hbm>> -> memref<8192xf32, #tpu.memory_space<hbm>>
      %dma_wait3A_125 = tpu.memref_slice %arg3[%mul3A_2] : memref<262144xf32, #tpu.memory_space<hbm>> -> memref<8192xf32, #tpu.memory_space<hbm>>
      tpu.wait_dma2 semaphore(%run_scoped3A : memref<!tpu.dma_semaphore, #tpu.memory_space<semaphore_mem>>) src(%dma_wait3A_125 : memref<8192xf32, #tpu.memory_space<hbm>>) dst(%arg10 : memref<8192xf32, #tpu.memory_space<vmem>>)
      tpu.yield
    }) : () -> ()
    %broadcast_in_dim3A_7 = arith.constant 0.000000e+00 : f32
    %broadcast_in_dim3A_8 = vector.broadcast %broadcast_in_dim3A_7 : f32 to vector<16xf32>
    %get3A = arith.constant 0 : index
    %get3A_9 = tpu.vector_load %arg13[%get3A] {strides = array<i32>} : memref<8200xi32, #tpu.memory_space<vmem>>, vector<16xi32>,
    %get3A_10 = arith.constant 8184 : index
    %get3A_11 = tpu.vector_load %arg13[%get3A_10] {strides = array<i32>} : memref<8200xi32, #tpu.memory_space<vmem>>, vector<16xi32>,
    %slice3A = vector.extract_strided_slice %get3A_9 {offsets = [8], sizes = [1], strides = [1]} : vector<16xi32> to vector<1xi32>
    %squeeze3A = vector.extract %slice3A[0] : i32 from vector<1xi32>
    %slice3A_12 = vector.extract_strided_slice %get3A_11 {offsets = [15], sizes = [1], strides = [1]} : vector<16xi32> to vector<1xi32>
    %squeeze3A_13 = vector.extract %slice3A_12[0] : i32 from vector<1xi32>
    %sub3A = arith.subi %squeeze3A_13, %squeeze3A : i32
    %jit3A = arith.constant 16 : i32
    %div3A = arith.divsi %sub3A, %jit3A : i32
    %sign3A = arith.constant 0 : i32
    %sign3A_14 = arith.cmpi sgt, %sub3A, %sign3A : i32
    %sign3A_15 = arith.extui %sign3A_14 : i1 to i32
    %sign3A_16 = arith.constant 0 : i32
    %sign3A_17 = arith.cmpi slt, %sub3A, %sign3A_16 : i32
    %sign3A_18 = arith.extui %sign3A_17 : i1 to i32
    %sign3A_19 = arith.subi %sign3A_15, %sign3A_18 : i32
    %sign3A_20 = arith.constant 0 : i32
    %sign3A_21 = arith.cmpi sgt, %jit3A, %sign3A_20 : i32
    %sign3A_22 = arith.extui %sign3A_21 : i1 to i32
    %sign3A_23 = arith.constant 0 : i32
    %sign3A_24 = arith.cmpi slt, %jit3A, %sign3A_23 : i32
    %sign3A_25 = arith.extui %sign3A_24 : i1 to i32
    %sign3A_26 = arith.subi %sign3A_22, %sign3A_25 : i32
    %ne3A = arith.cmpi ne, %sign3A_19, %sign3A_26 : i32
    %rem3A = arith.remsi %sub3A, %jit3A : i32
    %ne3A_27 = arith.constant 0 : i32
    %ne3A_28 = arith.cmpi ne, %rem3A, %ne3A_27 : i32
    %and3A = arith.andi %ne3A, %ne3A_28 : i1
    %sub3A_29 = arith.constant 1 : i32
    %sub3A_30 = arith.subi %div3A, %sub3A_29 : i32
    %select_n3A = arith.select %and3A, %sub3A_30, %div3A : i32
    %add3A_31 = arith.constant 1 : i32
    %add3A_32 = arith.addi %select_n3A, %add3A_31 : i32
    %while3A = arith.constant 0 : i32
    %while3A_33 = arith.constant 0 : i32
    %while3A_34 = arith.subi %add3A_32, %while3A : i32
    %while3A_35 = arith.addi %while3A, %while3A_34 : i32
    %while3A_36 = arith.constant 1 : i32
    %while3A_37 = arith.divsi %while3A_34, %while3A_36 : i32
    %while3A_38 = arith.muli %while3A_37, %while3A_36 : i32
    %while3A_39 = arith.addi %while3A, %while3A_38 : i32
    %while3A_40 = arith.constant 1 : i32
    %while3A_41 = scf.for %while3A_124 = %while3A to %while3A_39 step %while3A_40 iter_args(%while3A_125 = %while3A_33) -> (i32)  : i32 {
      %mul3A_126 = arith.constant 16 : i32
      %mul3A_127 = arith.muli %while3A_124, %mul3A_126 : i32
      %add3A_128 = arith.addi %squeeze3A, %mul3A_127 : i32
      %swap3A_129 = arith.index_cast %add3A_128 : i32 to index
      %swap3A_130 = tpu.vector_load %arg14[%swap3A_129] {strides = array<i32>} : memref<4112xf32, #tpu.memory_space<vmem>>, vector<16xf32>,
      tpu.vector_store %arg14[%swap3A_129], %broadcast_in_dim3A_8 {strides = array<i32>} : memref<4112xf32, #tpu.memory_space<vmem>>, vector<16xf32>,
      %while3A_131 = arith.constant 0 : i32
      scf.yield %while3A_131 : i32
    }
    %while3A_42 = arith.constant 1 : i32
    %while3A_43 = scf.for %while3A_124 = %while3A_39 to %while3A_35 step %while3A_42 iter_args(%while3A_125 = %while3A_41) -> (i32)  : i32 {
      %mul3A_126 = arith.constant 16 : i32
      %mul3A_127 = arith.muli %while3A_124, %mul3A_126 : i32
      %add3A_128 = arith.addi %squeeze3A, %mul3A_127 : i32
      %swap3A_129 = arith.index_cast %add3A_128 : i32 to index
      %swap3A_130 = tpu.vector_load %arg14[%swap3A_129] {strides = array<i32>} : memref<4112xf32, #tpu.memory_space<vmem>>, vector<16xf32>,
      tpu.vector_store %arg14[%swap3A_129], %broadcast_in_dim3A_8 {strides = array<i32>} : memref<4112xf32, #tpu.memory_space<vmem>>, vector<16xf32>,
      %while3A_131 = arith.constant 0 : i32
      scf.yield %while3A_131 : i32
    }
    %sub3A_44 = arith.constant 1.000000e+00 : f32
    %sub3A_45 = vector.broadcast %sub3A_44 : f32 to vector<16xf32>
    %sub3A_46 = arith.subf %broadcast_in_dim3A_8, %sub3A_45 : vector<16xf32>
    %scan3A = arith.constant 0 : i32
    %scan3A_47 = arith.constant 512 : i32
    %scan3A_48 = arith.addi %scan3A, %scan3A_47 : i32
    %scan3A_49 = arith.constant 4 : i32
    %scan3A_50:3 = scf.for %scan3A_124 = %scan3A to %scan3A_48 step %scan3A_49 iter_args(%scan3A_125 = %broadcast_in_dim3A_8, %scan3A_126 = %broadcast_in_dim3A_8, %scan3A_127 = %sub3A_46) -> (vector<16xf32>, vector<16xf32>, vector<16xf32>)  : i32 {
      %mul3A_128 = arith.constant 16 : i32
      %mul3A_129 = arith.muli %scan3A_124, %mul3A_128 : i32
      %get3A_130 = arith.index_cast %mul3A_129 : i32 to index
      %get3A_131 = tpu.vector_load %arg9[%get3A_130] {strides = array<i32>} : memref<8192xf32, #tpu.memory_space<vmem>>, vector<16xf32>,
      %get3A_132 = arith.index_cast %mul3A_129 : i32 to index
      %get3A_133 = tpu.vector_load %arg10[%get3A_132] {strides = array<i32>} : memref<8192xf32, #tpu.memory_space<vmem>>, vector<16xf32>,
      %mul3A_134 = arith.mulf %get3A_131, %get3A_133 : vector<16xf32>
      %swap3A_135 = arith.index_cast %mul3A_129 : i32 to index
      %swap3A_136 = tpu.vector_load %arg11[%swap3A_135] {strides = array<i32>} : memref<8192xf32, #tpu.memory_space<vmem>>, vector<16xf32>,
      tpu.vector_store %arg11[%swap3A_135], %mul3A_134 {strides = array<i32>} : memref<8192xf32, #tpu.memory_space<vmem>>, vector<16xf32>,
      %broadcast_in_dim3A_137 = arith.constant true
      %broadcast_in_dim3A_138 = vector.broadcast %broadcast_in_dim3A_137 : i1 to vector<16xi1>
      %masked_cumsum3A = tpu.scan <sum>, %mul3A_134 masked %broadcast_in_dim3A_138 : vector<16xf32>, vector<16xi1> -> vector<16xf32>
      %sub3A_139 = arith.subf %masked_cumsum3A, %mul3A_134 : vector<16xf32>
      %add3A_140 = arith.addf %scan3A_125, %sub3A_139 : vector<16xf32>
      %swap3A_141 = arith.index_cast %mul3A_129 : i32 to index
      %swap3A_142 = tpu.vector_load %arg12[%swap3A_141] {strides = array<i32>} : memref<8192xf32, #tpu.memory_space<vmem>>, vector<16xf32>,
      tpu.vector_store %arg12[%swap3A_141], %add3A_140 {strides = array<i32>} : memref<8192xf32, #tpu.memory_space<vmem>>, vector<16xf32>,
      %add3A_143 = arith.constant 8 : i32
      %add3A_144 = arith.addi %mul3A_129, %add3A_143 : i32
      %get3A_145 = arith.index_cast %add3A_144 : i32 to index
      %get3A_146 = tpu.vector_load %arg13[%get3A_145] {strides = array<i32>} : memref<8200xi32, #tpu.memory_space<vmem>>, vector<16xi32>,
      %add3A_147 = arith.constant 7 : i32
      %add3A_148 = arith.addi %mul3A_129, %add3A_147 : i32
      %get3A_149 = arith.index_cast %add3A_148 : i32 to index
      %get3A_150 = tpu.vector_load %arg13[%get3A_149] {strides = array<i32>} : memref<8200xi32, #tpu.memory_space<vmem>>, vector<16xi32>,
      %ne3A_151 = arith.cmpi ne, %get3A_146, %get3A_150 : vector<16xi32>
      tpu.vector_store_idx %arg14[%get3A_146], %add3A_140 masked %ne3A_151 : memref<4112xf32, #tpu.memory_space<vmem>>[vector<16xi32>], vector<16xf32>, vector<16xi1>
      %rev3A = arith.constant 15 : i32
      %rev3A_152 = vector.broadcast %rev3A : i32 to vector<16xi32>
      %rev3A_153 = tpu.iota {dimensions = array<i32: 0>} : vector<16xi32>
      %rev3A_154 = arith.subi %rev3A_152, %rev3A_153 : vector<16xi32>
      %rev3A_155 = tpu.dynamic_gather %masked_cumsum3A[%rev3A_154] in [0] : vector<16xf32>, vector<16xi32> -> vector<16xf32>
      %broadcast_in_dim3A_156 = arith.constant true
      %broadcast_in_dim3A_157 = vector.broadcast %broadcast_in_dim3A_156 : i1 to vector<16xi1>
      %masked_cummax3A = tpu.scan <max>, %rev3A_155 masked %broadcast_in_dim3A_157 : vector<16xf32>, vector<16xi1> -> vector<16xf32>
      %add3A_158 = arith.addf %scan3A_125, %masked_cummax3A : vector<16xf32>
      %convert_element_type3A_159 = arith.extui %ne3A_151 : vector<16xi1> to vector<16xi32>
      %convert_element_type3A_160 = arith.sitofp %convert_element_type3A_159 : vector<16xi32> to vector<16xf32>
      %max3A = arith.maximumf %scan3A_126, %convert_element_type3A_160 : vector<16xf32>
      %jit3A_161 = arith.constant -1.000000e+00 : f32
      %broadcast_in_dim3A_162 = vector.broadcast %jit3A_161 : f32 to vector<16xf32>
      %select_n3A_163 = arith.select %ne3A_151, %add3A_140, %broadcast_in_dim3A_162 : vector<16xi1>, vector<16xf32>
      %max3A_164 = arith.maximumf %scan3A_127, %select_n3A_163 : vector<16xf32>
      %scan3A_165 = arith.constant 1 : i32
      %scan3A_166 = arith.addi %scan3A_124, %scan3A_165 : i32
      %mul3A_167 = arith.constant 16 : i32
      %mul3A_168 = arith.muli %scan3A_166, %mul3A_167 : i32
      %get3A_169 = arith.index_cast %mul3A_168 : i32 to index
      %get3A_170 = tpu.vector_load %arg9[%get3A_169] {strides = array<i32>} : memref<8192xf32, #tpu.memory_space<vmem>>, vector<16xf32>,
      %get3A_171 = arith.index_cast %mul3A_168 : i32 to index
      %get3A_172 = tpu.vector_load %arg10[%get3A_171] {strides = array<i32>} : memref<8192xf32, #tpu.memory_space<vmem>>, vector<16xf32>,
      %mul3A_173 = arith.mulf %get3A_170, %get3A_172 : vector<16xf32>
      %swap3A_174 = arith.index_cast %mul3A_168 : i32 to index
      %swap3A_175 = tpu.vector_load %arg11[%swap3A_174] {strides = array<i32>} : memref<8192xf32, #tpu.memory_space<vmem>>, vector<16xf32>,
      tpu.vector_store %arg11[%swap3A_174], %mul3A_173 {strides = array<i32>} : memref<8192xf32, #tpu.memory_space<vmem>>, vector<16xf32>,
      %broadcast_in_dim3A_176 = arith.constant true
      %broadcast_in_dim3A_177 = vector.broadcast %broadcast_in_dim3A_176 : i1 to vector<16xi1>
      %masked_cumsum3A_178 = tpu.scan <sum>, %mul3A_173 masked %broadcast_in_dim3A_177 : vector<16xf32>, vector<16xi1> -> vector<16xf32>
      %sub3A_179 = arith.subf %masked_cumsum3A_178, %mul3A_173 : vector<16xf32>
      %add3A_180 = arith.addf %add3A_158, %sub3A_179 : vector<16xf32>
      %swap3A_181 = arith.index_cast %mul3A_168 : i32 to index
      %swap3A_182 = tpu.vector_load %arg12[%swap3A_181] {strides = array<i32>} : memref<8192xf32, #tpu.memory_space<vmem>>, vector<16xf32>,
      tpu.vector_store %arg12[%swap3A_181], %add3A_180 {strides = array<i32>} : memref<8192xf32, #tpu.memory_space<vmem>>, vector<16xf32>,
      %add3A_183 = arith.constant 8 : i32
      %add3A_184 = arith.addi %mul3A_168, %add3A_183 : i32
      %get3A_185 = arith.index_cast %add3A_184 : i32 to index
      %get3A_186 = tpu.vector_load %arg13[%get3A_185] {strides = array<i32>} : memref<8200xi32, #tpu.memory_space<vmem>>, vector<16xi32>,
      %add3A_187 = arith.constant 7 : i32
      %add3A_188 = arith.addi %mul3A_168, %add3A_187 : i32
      %get3A_189 = arith.index_cast %add3A_188 : i32 to index
      %get3A_190 = tpu.vector_load %arg13[%get3A_189] {strides = array<i32>} : memref<8200xi32, #tpu.memory_space<vmem>>, vector<16xi32>,
      %ne3A_191 = arith.cmpi ne, %get3A_186, %get3A_190 : vector<16xi32>
      tpu.vector_store_idx %arg14[%get3A_186], %add3A_180 masked %ne3A_191 : memref<4112xf32, #tpu.memory_space<vmem>>[vector<16xi32>], vector<16xf32>, vector<16xi1>
      %rev3A_192 = arith.constant 15 : i32
      %rev3A_193 = vector.broadcast %rev3A_192 : i32 to vector<16xi32>
      %rev3A_194 = tpu.iota {dimensions = array<i32: 0>} : vector<16xi32>
      %rev3A_195 = arith.subi %rev3A_193, %rev3A_194 : vector<16xi32>
      %rev3A_196 = tpu.dynamic_gather %masked_cumsum3A_178[%rev3A_195] in [0] : vector<16xf32>, vector<16xi32> -> vector<16xf32>
      %broadcast_in_dim3A_197 = arith.constant true
      %broadcast_in_dim3A_198 = vector.broadcast %broadcast_in_dim3A_197 : i1 to vector<16xi1>
      %masked_cummax3A_199 = tpu.scan <max>, %rev3A_196 masked %broadcast_in_dim3A_198 : vector<16xf32>, vector<16xi1> -> vector<16xf32>
      %add3A_200 = arith.addf %add3A_158, %masked_cummax3A_199 : vector<16xf32>
      %convert_element_type3A_201 = arith.extui %ne3A_191 : vector<16xi1> to vector<16xi32>
      %convert_element_type3A_202 = arith.sitofp %convert_element_type3A_201 : vector<16xi32> to vector<16xf32>
      %max3A_203 = arith.maximumf %max3A, %convert_element_type3A_202 : vector<16xf32>
      %jit3A_204 = arith.constant -1.000000e+00 : f32
      %broadcast_in_dim3A_205 = vector.broadcast %jit3A_204 : f32 to vector<16xf32>
      %select_n3A_206 = arith.select %ne3A_191, %add3A_180, %broadcast_in_dim3A_205 : vector<16xi1>, vector<16xf32>
      %max3A_207 = arith.maximumf %max3A_164, %select_n3A_206 : vector<16xf32>
      %scan3A_208 = arith.constant 2 : i32
      %scan3A_209 = arith.addi %scan3A_124, %scan3A_208 : i32
      %mul3A_210 = arith.constant 16 : i32
      %mul3A_211 = arith.muli %scan3A_209, %mul3A_210 : i32
      %get3A_212 = arith.index_cast %mul3A_211 : i32 to index
      %get3A_213 = tpu.vector_load %arg9[%get3A_212] {strides = array<i32>} : memref<8192xf32, #tpu.memory_space<vmem>>, vector<16xf32>,
      %get3A_214 = arith.index_cast %mul3A_211 : i32 to index
      %get3A_215 = tpu.vector_load %arg10[%get3A_214] {strides = array<i32>} : memref<8192xf32, #tpu.memory_space<vmem>>, vector<16xf32>,
      %mul3A_216 = arith.mulf %get3A_213, %get3A_215 : vector<16xf32>
      %swap3A_217 = arith.index_cast %mul3A_211 : i32 to index
      %swap3A_218 = tpu.vector_load %arg11[%swap3A_217] {strides = array<i32>} : memref<8192xf32, #tpu.memory_space<vmem>>, vector<16xf32>,
      tpu.vector_store %arg11[%swap3A_217], %mul3A_216 {strides = array<i32>} : memref<8192xf32, #tpu.memory_space<vmem>>, vector<16xf32>,
      %broadcast_in_dim3A_219 = arith.constant true
      %broadcast_in_dim3A_220 = vector.broadcast %broadcast_in_dim3A_219 : i1 to vector<16xi1>
      %masked_cumsum3A_221 = tpu.scan <sum>, %mul3A_216 masked %broadcast_in_dim3A_220 : vector<16xf32>, vector<16xi1> -> vector<16xf32>
      %sub3A_222 = arith.subf %masked_cumsum3A_221, %mul3A_216 : vector<16xf32>
      %add3A_223 = arith.addf %add3A_200, %sub3A_222 : vector<16xf32>
      %swap3A_224 = arith.index_cast %mul3A_211 : i32 to index
      %swap3A_225 = tpu.vector_load %arg12[%swap3A_224] {strides = array<i32>} : memref<8192xf32, #tpu.memory_space<vmem>>, vector<16xf32>,
      tpu.vector_store %arg12[%swap3A_224], %add3A_223 {strides = array<i32>} : memref<8192xf32, #tpu.memory_space<vmem>>, vector<16xf32>,
      %add3A_226 = arith.constant 8 : i32
      %add3A_227 = arith.addi %mul3A_211, %add3A_226 : i32
      %get3A_228 = arith.index_cast %add3A_227 : i32 to index
      %get3A_229 = tpu.vector_load %arg13[%get3A_228] {strides = array<i32>} : memref<8200xi32, #tpu.memory_space<vmem>>, vector<16xi32>,
      %add3A_230 = arith.constant 7 : i32
      %add3A_231 = arith.addi %mul3A_211, %add3A_230 : i32
      %get3A_232 = arith.index_cast %add3A_231 : i32 to index
      %get3A_233 = tpu.vector_load %arg13[%get3A_232] {strides = array<i32>} : memref<8200xi32, #tpu.memory_space<vmem>>, vector<16xi32>,
      %ne3A_234 = arith.cmpi ne, %get3A_229, %get3A_233 : vector<16xi32>
      tpu.vector_store_idx %arg14[%get3A_229], %add3A_223 masked %ne3A_234 : memref<4112xf32, #tpu.memory_space<vmem>>[vector<16xi32>], vector<16xf32>, vector<16xi1>
      %rev3A_235 = arith.constant 15 : i32
      %rev3A_236 = vector.broadcast %rev3A_235 : i32 to vector<16xi32>
      %rev3A_237 = tpu.iota {dimensions = array<i32: 0>} : vector<16xi32>
      %rev3A_238 = arith.subi %rev3A_236, %rev3A_237 : vector<16xi32>
      %rev3A_239 = tpu.dynamic_gather %masked_cumsum3A_221[%rev3A_238] in [0] : vector<16xf32>, vector<16xi32> -> vector<16xf32>
      %broadcast_in_dim3A_240 = arith.constant true
      %broadcast_in_dim3A_241 = vector.broadcast %broadcast_in_dim3A_240 : i1 to vector<16xi1>
      %masked_cummax3A_242 = tpu.scan <max>, %rev3A_239 masked %broadcast_in_dim3A_241 : vector<16xf32>, vector<16xi1> -> vector<16xf32>
      %add3A_243 = arith.addf %add3A_200, %masked_cummax3A_242 : vector<16xf32>
      %convert_element_type3A_244 = arith.extui %ne3A_234 : vector<16xi1> to vector<16xi32>
      %convert_element_type3A_245 = arith.sitofp %convert_element_type3A_244 : vector<16xi32> to vector<16xf32>
      %max3A_246 = arith.maximumf %max3A_203, %convert_element_type3A_245 : vector<16xf32>
      %jit3A_247 = arith.constant -1.000000e+00 : f32
      %broadcast_in_dim3A_248 = vector.broadcast %jit3A_247 : f32 to vector<16xf32>
      %select_n3A_249 = arith.select %ne3A_234, %add3A_223, %broadcast_in_dim3A_248 : vector<16xi1>, vector<16xf32>
      %max3A_250 = arith.maximumf %max3A_207, %select_n3A_249 : vector<16xf32>
      %scan3A_251 = arith.constant 3 : i32
      %scan3A_252 = arith.addi %scan3A_124, %scan3A_251 : i32
      %mul3A_253 = arith.constant 16 : i32
      %mul3A_254 = arith.muli %scan3A_252, %mul3A_253 : i32
      %get3A_255 = arith.index_cast %mul3A_254 : i32 to index
      %get3A_256 = tpu.vector_load %arg9[%get3A_255] {strides = array<i32>} : memref<8192xf32, #tpu.memory_space<vmem>>, vector<16xf32>,
      %get3A_257 = arith.index_cast %mul3A_254 : i32 to index
      %get3A_258 = tpu.vector_load %arg10[%get3A_257] {strides = array<i32>} : memref<8192xf32, #tpu.memory_space<vmem>>, vector<16xf32>,
      %mul3A_259 = arith.mulf %get3A_256, %get3A_258 : vector<16xf32>
      %swap3A_260 = arith.index_cast %mul3A_254 : i32 to index
      %swap3A_261 = tpu.vector_load %arg11[%swap3A_260] {strides = array<i32>} : memref<8192xf32, #tpu.memory_space<vmem>>, vector<16xf32>,
      tpu.vector_store %arg11[%swap3A_260], %mul3A_259 {strides = array<i32>} : memref<8192xf32, #tpu.memory_space<vmem>>, vector<16xf32>,
      %broadcast_in_dim3A_262 = arith.constant true
      %broadcast_in_dim3A_263 = vector.broadcast %broadcast_in_dim3A_262 : i1 to vector<16xi1>
      %masked_cumsum3A_264 = tpu.scan <sum>, %mul3A_259 masked %broadcast_in_dim3A_263 : vector<16xf32>, vector<16xi1> -> vector<16xf32>
      %sub3A_265 = arith.subf %masked_cumsum3A_264, %mul3A_259 : vector<16xf32>
      %add3A_266 = arith.addf %add3A_243, %sub3A_265 : vector<16xf32>
      %swap3A_267 = arith.index_cast %mul3A_254 : i32 to index
      %swap3A_268 = tpu.vector_load %arg12[%swap3A_267] {strides = array<i32>} : memref<8192xf32, #tpu.memory_space<vmem>>, vector<16xf32>,
      tpu.vector_store %arg12[%swap3A_267], %add3A_266 {strides = array<i32>} : memref<8192xf32, #tpu.memory_space<vmem>>, vector<16xf32>,
      %add3A_269 = arith.constant 8 : i32
      %add3A_270 = arith.addi %mul3A_254, %add3A_269 : i32
      %get3A_271 = arith.index_cast %add3A_270 : i32 to index
      %get3A_272 = tpu.vector_load %arg13[%get3A_271] {strides = array<i32>} : memref<8200xi32, #tpu.memory_space<vmem>>, vector<16xi32>,
      %add3A_273 = arith.constant 7 : i32
      %add3A_274 = arith.addi %mul3A_254, %add3A_273 : i32
      %get3A_275 = arith.index_cast %add3A_274 : i32 to index
      %get3A_276 = tpu.vector_load %arg13[%get3A_275] {strides = array<i32>} : memref<8200xi32, #tpu.memory_space<vmem>>, vector<16xi32>,
      %ne3A_277 = arith.cmpi ne, %get3A_272, %get3A_276 : vector<16xi32>
      tpu.vector_store_idx %arg14[%get3A_272], %add3A_266 masked %ne3A_277 : memref<4112xf32, #tpu.memory_space<vmem>>[vector<16xi32>], vector<16xf32>, vector<16xi1>
      %rev3A_278 = arith.constant 15 : i32
      %rev3A_279 = vector.broadcast %rev3A_278 : i32 to vector<16xi32>
      %rev3A_280 = tpu.iota {dimensions = array<i32: 0>} : vector<16xi32>
      %rev3A_281 = arith.subi %rev3A_279, %rev3A_280 : vector<16xi32>
      %rev3A_282 = tpu.dynamic_gather %masked_cumsum3A_264[%rev3A_281] in [0] : vector<16xf32>, vector<16xi32> -> vector<16xf32>
      %broadcast_in_dim3A_283 = arith.constant true
      %broadcast_in_dim3A_284 = vector.broadcast %broadcast_in_dim3A_283 : i1 to vector<16xi1>
      %masked_cummax3A_285 = tpu.scan <max>, %rev3A_282 masked %broadcast_in_dim3A_284 : vector<16xf32>, vector<16xi1> -> vector<16xf32>
      %add3A_286 = arith.addf %add3A_243, %masked_cummax3A_285 : vector<16xf32>
      %convert_element_type3A_287 = arith.extui %ne3A_277 : vector<16xi1> to vector<16xi32>
      %convert_element_type3A_288 = arith.sitofp %convert_element_type3A_287 : vector<16xi32> to vector<16xf32>
      %max3A_289 = arith.maximumf %max3A_246, %convert_element_type3A_288 : vector<16xf32>
      %jit3A_290 = arith.constant -1.000000e+00 : f32
      %broadcast_in_dim3A_291 = vector.broadcast %jit3A_290 : f32 to vector<16xf32>
      %select_n3A_292 = arith.select %ne3A_277, %add3A_266, %broadcast_in_dim3A_291 : vector<16xi1>, vector<16xf32>
      %max3A_293 = arith.maximumf %max3A_250, %select_n3A_292 : vector<16xf32>
      scf.yield %add3A_286, %max3A_289, %max3A_293 : vector<16xf32>, vector<16xf32>, vector<16xf32>
    }
    %scan3A_51 = arith.constant 512 : i32
    %slice3A_52 = vector.extract_strided_slice %scan3A_50#0 {offsets = [0], sizes = [1], strides = [1]} : vector<16xf32> to vector<1xf32>
    %squeeze3A_53 = vector.extract %slice3A_52[0] : f32 from vector<1xf32>
    %reduce_max3A = arith.constant true
    %reduce_max3A_54 = vector.broadcast %reduce_max3A : i1 to vector<16xi1>
    %reduce_max3A_55 = tpu.scan <max>, %scan3A_50#1 masked %reduce_max3A_54 : vector<16xf32>, vector<16xi1> -> vector<16xf32>
    %reduce_max3A_56 = vector.extract %reduce_max3A_55[15] : f32 from vector<16xf32>
    %reduce_max3A_57 = arith.constant true
    %reduce_max3A_58 = vector.broadcast %reduce_max3A_57 : i1 to vector<16xi1>
    %reduce_max3A_59 = tpu.scan <max>, %scan3A_50#2 masked %reduce_max3A_58 : vector<16xf32>, vector<16xi1> -> vector<16xf32>
    %reduce_max3A_60 = vector.extract %reduce_max3A_59[15] : f32 from vector<16xf32>
    "tpu.region"() ({
      %run_scoped3A = tpu.sem_alloc : memref<!tpu.dma_semaphore, #tpu.memory_space<semaphore_mem>>
      %dma_start3A = tpu.memref_slice %arg5[%mul3A_2] : memref<262144xf32, #tpu.memory_space<hbm>> -> memref<8192xf32, #tpu.memory_space<hbm>>
      %dma_start3A_124 = tpu.memref_slice %arg5[%mul3A_2] : memref<262144xf32, #tpu.memory_space<hbm>> -> memref<8192xf32, #tpu.memory_space<hbm>>
      tpu.enqueue_dma source(%arg11 : memref<8192xf32, #tpu.memory_space<vmem>>) target(%dma_start3A_124 : memref<8192xf32, #tpu.memory_space<hbm>>) target_semaphore(%run_scoped3A : memref<!tpu.dma_semaphore, #tpu.memory_space<semaphore_mem>>)
      %dma_wait3A = tpu.memref_slice %arg5[%mul3A_2] : memref<262144xf32, #tpu.memory_space<hbm>> -> memref<8192xf32, #tpu.memory_space<hbm>>
      %dma_wait3A_125 = tpu.memref_slice %arg5[%mul3A_2] : memref<262144xf32, #tpu.memory_space<hbm>> -> memref<8192xf32, #tpu.memory_space<hbm>>
      tpu.wait_dma2 semaphore(%run_scoped3A : memref<!tpu.dma_semaphore, #tpu.memory_space<semaphore_mem>>) src(%arg11 : memref<8192xf32, #tpu.memory_space<vmem>>) dst(%dma_wait3A_125 : memref<8192xf32, #tpu.memory_space<hbm>>)
      tpu.yield
    }) : () -> ()
    "tpu.region"() ({
      %run_scoped3A = tpu.sem_alloc : memref<!tpu.dma_semaphore, #tpu.memory_space<semaphore_mem>>
      %dma_start3A = tpu.memref_slice %arg6[%mul3A_2] : memref<262144xf32, #tpu.memory_space<hbm>> -> memref<8192xf32, #tpu.memory_space<hbm>>
      %dma_start3A_124 = tpu.memref_slice %arg6[%mul3A_2] : memref<262144xf32, #tpu.memory_space<hbm>> -> memref<8192xf32, #tpu.memory_space<hbm>>
      tpu.enqueue_dma source(%arg12 : memref<8192xf32, #tpu.memory_space<vmem>>) target(%dma_start3A_124 : memref<8192xf32, #tpu.memory_space<hbm>>) target_semaphore(%run_scoped3A : memref<!tpu.dma_semaphore, #tpu.memory_space<semaphore_mem>>)
      %dma_wait3A = tpu.memref_slice %arg6[%mul3A_2] : memref<262144xf32, #tpu.memory_space<hbm>> -> memref<8192xf32, #tpu.memory_space<hbm>>
      %dma_wait3A_125 = tpu.memref_slice %arg6[%mul3A_2] : memref<262144xf32, #tpu.memory_space<hbm>> -> memref<8192xf32, #tpu.memory_space<hbm>>
      tpu.wait_dma2 semaphore(%run_scoped3A : memref<!tpu.dma_semaphore, #tpu.memory_space<semaphore_mem>>) src(%arg12 : memref<8192xf32, #tpu.memory_space<vmem>>) dst(%dma_wait3A_125 : memref<8192xf32, #tpu.memory_space<hbm>>)
      tpu.yield
    }) : () -> ()
    "tpu.region"() ({
      %run_scoped3A = tpu.sem_alloc : memref<!tpu.dma_semaphore, #tpu.memory_space<semaphore_mem>>
      %dma_start3A = arith.constant 0 : i32
      %dma_start3A_124 = tpu.memref_slice %arg14[%dma_start3A] : memref<4112xf32, #tpu.memory_space<vmem>> -> memref<4096xf32, #tpu.memory_space<vmem>>
      %dma_start3A_125 = arith.constant 0 : i32
      %dma_start3A_126 = tpu.memref_slice %arg7[%add3A, %dma_start3A_125] : memref<32x4096xf32, #tpu.memory_space<hbm>> -> memref<1x4096xf32, #tpu.memory_space<hbm>>
      %dma_start3A_127 = tpu.memref_squeeze %dma_start3A_126 : memref<1x4096xf32, #tpu.memory_space<hbm>> -> memref<4096xf32, #tpu.memory_space<hbm>>
      %dma_start3A_128 = arith.constant 0 : i32
      %dma_start3A_129 = tpu.memref_slice %arg7[%add3A, %dma_start3A_128] : memref<32x4096xf32, #tpu.memory_space<hbm>> -> memref<1x4096xf32, #tpu.memory_space<hbm>>
      %dma_start3A_130 = tpu.memref_squeeze %dma_start3A_129 : memref<1x4096xf32, #tpu.memory_space<hbm>> -> memref<4096xf32, #tpu.memory_space<hbm>>
      %dma_start3A_131 = arith.constant 0 : i32
      %dma_start3A_132 = tpu.memref_slice %arg14[%dma_start3A_131] : memref<4112xf32, #tpu.memory_space<vmem>> -> memref<4096xf32, #tpu.memory_space<vmem>>
      tpu.enqueue_dma source(%dma_start3A_132 : memref<4096xf32, #tpu.memory_space<vmem>>) target(%dma_start3A_130 : memref<4096xf32, #tpu.memory_space<hbm>>) target_semaphore(%run_scoped3A : memref<!tpu.dma_semaphore, #tpu.memory_space<semaphore_mem>>)
      %dma_wait3A = arith.constant 0 : i32
      %dma_wait3A_133 = tpu.memref_slice %arg14[%dma_wait3A] : memref<4112xf32, #tpu.memory_space<vmem>> -> memref<4096xf32, #tpu.memory_space<vmem>>
      %dma_wait3A_134 = arith.constant 0 : i32
      %dma_wait3A_135 = tpu.memref_slice %arg7[%add3A, %dma_wait3A_134] : memref<32x4096xf32, #tpu.memory_space<hbm>> -> memref<1x4096xf32, #tpu.memory_space<hbm>>
      %dma_wait3A_136 = tpu.memref_squeeze %dma_wait3A_135 : memref<1x4096xf32, #tpu.memory_space<hbm>> -> memref<4096xf32, #tpu.memory_space<hbm>>
      %dma_wait3A_137 = arith.constant 0 : i32
      %dma_wait3A_138 = tpu.memref_slice %arg7[%add3A, %dma_wait3A_137] : memref<32x4096xf32, #tpu.memory_space<hbm>> -> memref<1x4096xf32, #tpu.memory_space<hbm>>
      %dma_wait3A_139 = tpu.memref_squeeze %dma_wait3A_138 : memref<1x4096xf32, #tpu.memory_space<hbm>> -> memref<4096xf32, #tpu.memory_space<hbm>>
      %dma_wait3A_140 = arith.constant 0 : i32
      %dma_wait3A_141 = tpu.memref_slice %arg14[%dma_wait3A_140] : memref<4112xf32, #tpu.memory_space<vmem>> -> memref<4096xf32, #tpu.memory_space<vmem>>
      tpu.wait_dma2 semaphore(%run_scoped3A : memref<!tpu.dma_semaphore, #tpu.memory_space<semaphore_mem>>) src(%dma_wait3A_141 : memref<4096xf32, #tpu.memory_space<vmem>>) dst(%dma_wait3A_139 : memref<4096xf32, #tpu.memory_space<hbm>>)
      tpu.yield
    }) : () -> ()
    %slice3A_61 = vector.extract_strided_slice %get3A_9 {offsets = [7], sizes = [1], strides = [1]} : vector<16xi32> to vector<1xi32>
    %squeeze3A_62 = vector.extract %slice3A_61[0] : i32 from vector<1xi32>
    %slice3A_63 = vector.extract_strided_slice %get3A_9 {offsets = [8], sizes = [1], strides = [1]} : vector<16xi32> to vector<1xi32>
    %squeeze3A_64 = vector.extract %slice3A_63[0] : i32 from vector<1xi32>
    %ne3A_65 = arith.cmpi ne, %squeeze3A_62, %squeeze3A_64 : i32
    %convert_element_type3A_66 = arith.extui %ne3A_65 : i1 to i32
    %convert_element_type3A_67 = arith.sitofp %convert_element_type3A_66 : i32 to f32
    %eq3A = arith.constant 0 : i32
    %eq3A_68 = vector.broadcast %eq3A : i32 to vector<16xi32>
    %eq3A_69 = arith.cmpi eq, %iota3A, %eq3A_68 : vector<16xi32>
    %jit3A_70 = arith.constant 0.000000e+00 : f32
    %broadcast_in_dim3A_71 = vector.broadcast %squeeze3A_53 : f32 to vector<16xf32>
    %broadcast_in_dim3A_72 = vector.broadcast %jit3A_70 : f32 to vector<16xf32>
    %select_n3A_73 = arith.select %eq3A_69, %broadcast_in_dim3A_71, %broadcast_in_dim3A_72 : vector<16xi1>, vector<16xf32>
    %eq3A_74 = arith.constant 1 : i32
    %eq3A_75 = vector.broadcast %eq3A_74 : i32 to vector<16xi32>
    %eq3A_76 = arith.cmpi eq, %iota3A, %eq3A_75 : vector<16xi32>
    %jit3A_77 = arith.constant 0.000000e+00 : f32
    %broadcast_in_dim3A_78 = vector.broadcast %reduce_max3A_56 : f32 to vector<16xf32>
    %broadcast_in_dim3A_79 = vector.broadcast %jit3A_77 : f32 to vector<16xf32>
    %select_n3A_80 = arith.select %eq3A_76, %broadcast_in_dim3A_78, %broadcast_in_dim3A_79 : vector<16xi1>, vector<16xf32>
    %add3A_81 = arith.addf %select_n3A_73, %select_n3A_80 : vector<16xf32>
    %eq3A_82 = arith.constant 2 : i32
    %eq3A_83 = vector.broadcast %eq3A_82 : i32 to vector<16xi32>
    %eq3A_84 = arith.cmpi eq, %iota3A, %eq3A_83 : vector<16xi32>
    %jit3A_85 = arith.constant 0.000000e+00 : f32
    %broadcast_in_dim3A_86 = vector.broadcast %reduce_max3A_60 : f32 to vector<16xf32>
    %broadcast_in_dim3A_87 = vector.broadcast %jit3A_85 : f32 to vector<16xf32>
    %select_n3A_88 = arith.select %eq3A_84, %broadcast_in_dim3A_86, %broadcast_in_dim3A_87 : vector<16xi1>, vector<16xf32>
    %add3A_89 = arith.addf %add3A_81, %select_n3A_88 : vector<16xf32>
    %eq3A_90 = arith.constant 3 : i32
    %eq3A_91 = vector.broadcast %eq3A_90 : i32 to vector<16xi32>
    %eq3A_92 = arith.cmpi eq, %iota3A, %eq3A_91 : vector<16xi32>
    %jit3A_93 = arith.constant 0.000000e+00 : f32
    %broadcast_in_dim3A_94 = vector.broadcast %convert_element_type3A_67 : f32 to vector<16xf32>
    %broadcast_in_dim3A_95 = vector.broadcast %jit3A_93 : f32 to vector<16xf32>
    %select_n3A_96 = arith.select %eq3A_92, %broadcast_in_dim3A_94, %broadcast_in_dim3A_95 : vector<16xi1>, vector<16xf32>
    %add3A_97 = arith.addf %add3A_89, %select_n3A_96 : vector<16xf32>
    %eq3A_98 = arith.constant 4 : i32
    %eq3A_99 = vector.broadcast %eq3A_98 : i32 to vector<16xi32>
    %eq3A_100 = arith.cmpi eq, %iota3A, %eq3A_99 : vector<16xi32>
    %slice3A_101 = vector.extract_strided_slice %get3A_9 {offsets = [8], sizes = [1], strides = [1]} : vector<16xi32> to vector<1xi32>
    %squeeze3A_102 = vector.extract %slice3A_101[0] : i32 from vector<1xi32>
    %convert_element_type3A_103 = arith.sitofp %squeeze3A_102 : i32 to f32
    %jit3A_104 = arith.constant 0.000000e+00 : f32
    %broadcast_in_dim3A_105 = vector.broadcast %convert_element_type3A_103 : f32 to vector<16xf32>
    %broadcast_in_dim3A_106 = vector.broadcast %jit3A_104 : f32 to vector<16xf32>
    %select_n3A_107 = arith.select %eq3A_100, %broadcast_in_dim3A_105, %broadcast_in_dim3A_106 : vector<16xi1>, vector<16xf32>
    %add3A_108 = arith.addf %add3A_97, %select_n3A_107 : vector<16xf32>
    %eq3A_109 = arith.constant 5 : i32
    %eq3A_110 = vector.broadcast %eq3A_109 : i32 to vector<16xi32>
    %eq3A_111 = arith.cmpi eq, %iota3A, %eq3A_110 : vector<16xi32>
    %slice3A_112 = vector.extract_strided_slice %get3A_11 {offsets = [15], sizes = [1], strides = [1]} : vector<16xi32> to vector<1xi32>
    %squeeze3A_113 = vector.extract %slice3A_112[0] : i32 from vector<1xi32>
    %convert_element_type3A_114 = arith.sitofp %squeeze3A_113 : i32 to f32
    %jit3A_115 = arith.constant 0.000000e+00 : f32
    %broadcast_in_dim3A_116 = vector.broadcast %convert_element_type3A_114 : f32 to vector<16xf32>
    %broadcast_in_dim3A_117 = vector.broadcast %jit3A_115 : f32 to vector<16xf32>
    %select_n3A_118 = arith.select %eq3A_111, %broadcast_in_dim3A_116, %broadcast_in_dim3A_117 : vector<16xi1>, vector<16xf32>
    %add3A_119 = arith.addf %add3A_108, %select_n3A_118 : vector<16xf32>
    %swap3A_120 = arith.constant 0 : index
    %swap3A_121 = tpu.vector_load %arg15[%swap3A_120] {strides = array<i32>} : memref<16xf32, #tpu.memory_space<vmem>>, vector<16xf32>,
    tpu.vector_store %arg15[%swap3A_120], %add3A_119 {strides = array<i32>} : memref<16xf32, #tpu.memory_space<vmem>>, vector<16xf32>,
    %mul3A_122 = arith.constant 16 : i32
    %mul3A_123 = arith.muli %add3A, %mul3A_122 : i32
    "tpu.region"() ({
      %run_scoped3A = tpu.sem_alloc : memref<!tpu.dma_semaphore, #tpu.memory_space<semaphore_mem>>
      %dma_start3A = tpu.memref_slice %arg8[%mul3A_123] : memref<512xf32, #tpu.memory_space<hbm>> -> memref<16xf32, #tpu.memory_space<hbm>>
      %dma_start3A_124 = tpu.memref_slice %arg8[%mul3A_123] : memref<512xf32, #tpu.memory_space<hbm>> -> memref<16xf32, #tpu.memory_space<hbm>>
      tpu.enqueue_dma source(%arg15 : memref<16xf32, #tpu.memory_space<vmem>>) target(%dma_start3A_124 : memref<16xf32, #tpu.memory_space<hbm>>) target_semaphore(%run_scoped3A : memref<!tpu.dma_semaphore, #tpu.memory_space<semaphore_mem>>)
      %dma_wait3A = tpu.memref_slice %arg8[%mul3A_123] : memref<512xf32, #tpu.memory_space<hbm>> -> memref<16xf32, #tpu.memory_space<hbm>>
      %dma_wait3A_125 = tpu.memref_slice %arg8[%mul3A_123] : memref<512xf32, #tpu.memory_space<hbm>> -> memref<16xf32, #tpu.memory_space<hbm>>
      tpu.wait_dma2 semaphore(%run_scoped3A : memref<!tpu.dma_semaphore, #tpu.memory_space<semaphore_mem>>) src(%arg15 : memref<16xf32, #tpu.memory_space<vmem>>) dst(%dma_wait3A_125 : memref<16xf32, #tpu.memory_space<hbm>>)
      tpu.yield
    }) : () -> ()
    return
  }
}

#map = affine_map<(d0, d1) -> (0, 0)>
#map1 = affine_map<(d0, d1) -> (0)>
module attributes {stable_mosaic.version = 14 : i64} {
  func.func @_l3_body(%arg0: i32, %arg1: i32, %arg2: memref<32x32768xf32, #tpu.memory_space<hbm>>, %arg3: memref<4096xf32, #tpu.memory_space<hbm>>, %arg4: memref<16xf32, #tpu.memory_space<hbm>>, %arg5: memref<512xf32, #tpu.memory_space<hbm>>, %arg6: memref<12288xf32, #tpu.memory_space<hbm>>, %arg7: memref<4096xf32, #tpu.memory_space<hbm>>, %arg8: memref<4096xf32, #tpu.memory_space<hbm>>, %arg9: memref<1024xf32, #tpu.memory_space<vmem>>, %arg10: memref<640xf32, #tpu.memory_space<vmem>>, %arg11: memref<128xf32, #tpu.memory_space<vmem>>, %arg12: memref<16xf32, #tpu.memory_space<vmem>>, %arg13: memref<384xf32, #tpu.memory_space<vmem>>, %arg14: memref<128xf32, #tpu.memory_space<vmem>>, %arg15: memref<128xf32, #tpu.memory_space<vmem>>, %arg16: memref<512xf32, #tpu.memory_space<vmem>>) attributes {dimension_semantics = [#tpu.dimension_semantics<core_parallel>, #tpu.dimension_semantics<subcore_parallel>], iteration_bounds = array<i64: 2, 16>, scalar_prefetch = 0 : i64, scratch_operands = 8 : i64, tpu.core_type = #tpu.core_type<sc_vector_subcore>, window_params = [{transform_indices = #map}, {transform_indices = #map1}, {transform_indices = #map1}, {transform_indices = #map1}, {transform_indices = #map1}, {transform_indices = #map1}, {transform_indices = #map1}]} {
    %mul3A = arith.constant 16 : i32
    %mul3A_0 = arith.muli %arg0, %mul3A : i32
    %add3A = arith.addi %mul3A_0, %arg1 : i32
    %mul3A_1 = arith.constant 128 : i32
    %mul3A_2 = arith.muli %add3A, %mul3A_1 : i32
    %iota3A = tpu.iota {dimensions = array<i32: 0>} : vector<16xi32>
    %broadcast_in_dim3A = arith.constant 0.000000e+00 : f32
    %broadcast_in_dim3A_3 = vector.broadcast %broadcast_in_dim3A : f32 to vector<16xf32>
    %swap3A = arith.constant 0 : index
    %swap3A_4 = tpu.vector_load %arg10[%swap3A] {strides = array<i32>} : memref<640xf32, #tpu.memory_space<vmem>>, vector<16xf32>,
    tpu.vector_store %arg10[%swap3A], %broadcast_in_dim3A_3 {strides = array<i32>} : memref<640xf32, #tpu.memory_space<vmem>>, vector<16xf32>,
    %broadcast_in_dim3A_5 = arith.constant 0.000000e+00 : f32
    %broadcast_in_dim3A_6 = vector.broadcast %broadcast_in_dim3A_5 : f32 to vector<16xf32>
    %swap3A_7 = arith.constant 16 : index
    %swap3A_8 = tpu.vector_load %arg10[%swap3A_7] {strides = array<i32>} : memref<640xf32, #tpu.memory_space<vmem>>, vector<16xf32>,
    tpu.vector_store %arg10[%swap3A_7], %broadcast_in_dim3A_6 {strides = array<i32>} : memref<640xf32, #tpu.memory_space<vmem>>, vector<16xf32>,
    %broadcast_in_dim3A_9 = arith.constant 0.000000e+00 : f32
    %broadcast_in_dim3A_10 = vector.broadcast %broadcast_in_dim3A_9 : f32 to vector<16xf32>
    %swap3A_11 = arith.constant 32 : index
    %swap3A_12 = tpu.vector_load %arg10[%swap3A_11] {strides = array<i32>} : memref<640xf32, #tpu.memory_space<vmem>>, vector<16xf32>,
    tpu.vector_store %arg10[%swap3A_11], %broadcast_in_dim3A_10 {strides = array<i32>} : memref<640xf32, #tpu.memory_space<vmem>>, vector<16xf32>,
    %broadcast_in_dim3A_13 = arith.constant 0.000000e+00 : f32
    %broadcast_in_dim3A_14 = vector.broadcast %broadcast_in_dim3A_13 : f32 to vector<16xf32>
    %swap3A_15 = arith.constant 48 : index
    %swap3A_16 = tpu.vector_load %arg10[%swap3A_15] {strides = array<i32>} : memref<640xf32, #tpu.memory_space<vmem>>, vector<16xf32>,
    tpu.vector_store %arg10[%swap3A_15], %broadcast_in_dim3A_14 {strides = array<i32>} : memref<640xf32, #tpu.memory_space<vmem>>, vector<16xf32>,
    %broadcast_in_dim3A_17 = arith.constant 0.000000e+00 : f32
    %broadcast_in_dim3A_18 = vector.broadcast %broadcast_in_dim3A_17 : f32 to vector<16xf32>
    %swap3A_19 = arith.constant 64 : index
    %swap3A_20 = tpu.vector_load %arg10[%swap3A_19] {strides = array<i32>} : memref<640xf32, #tpu.memory_space<vmem>>, vector<16xf32>,
    tpu.vector_store %arg10[%swap3A_19], %broadcast_in_dim3A_18 {strides = array<i32>} : memref<640xf32, #tpu.memory_space<vmem>>, vector<16xf32>,
    %broadcast_in_dim3A_21 = arith.constant 0.000000e+00 : f32
    %broadcast_in_dim3A_22 = vector.broadcast %broadcast_in_dim3A_21 : f32 to vector<16xf32>
    %swap3A_23 = arith.constant 80 : index
    %swap3A_24 = tpu.vector_load %arg10[%swap3A_23] {strides = array<i32>} : memref<640xf32, #tpu.memory_space<vmem>>, vector<16xf32>,
    tpu.vector_store %arg10[%swap3A_23], %broadcast_in_dim3A_22 {strides = array<i32>} : memref<640xf32, #tpu.memory_space<vmem>>, vector<16xf32>,
    %broadcast_in_dim3A_25 = arith.constant 0.000000e+00 : f32
    %broadcast_in_dim3A_26 = vector.broadcast %broadcast_in_dim3A_25 : f32 to vector<16xf32>
    %swap3A_27 = arith.constant 96 : index
    %swap3A_28 = tpu.vector_load %arg10[%swap3A_27] {strides = array<i32>} : memref<640xf32, #tpu.memory_space<vmem>>, vector<16xf32>,
    tpu.vector_store %arg10[%swap3A_27], %broadcast_in_dim3A_26 {strides = array<i32>} : memref<640xf32, #tpu.memory_space<vmem>>, vector<16xf32>,
    %broadcast_in_dim3A_29 = arith.constant 0.000000e+00 : f32
    %broadcast_in_dim3A_30 = vector.broadcast %broadcast_in_dim3A_29 : f32 to vector<16xf32>
    %swap3A_31 = arith.constant 112 : index
    %swap3A_32 = tpu.vector_load %arg10[%swap3A_31] {strides = array<i32>} : memref<640xf32, #tpu.memory_space<vmem>>, vector<16xf32>,
    tpu.vector_store %arg10[%swap3A_31], %broadcast_in_dim3A_30 {strides = array<i32>} : memref<640xf32, #tpu.memory_space<vmem>>, vector<16xf32>,
    %broadcast_in_dim3A_33 = arith.constant 0.000000e+00 : f32
    %broadcast_in_dim3A_34 = vector.broadcast %broadcast_in_dim3A_33 : f32 to vector<16xf32>
    %swap3A_35 = arith.constant 128 : index
    %swap3A_36 = tpu.vector_load %arg10[%swap3A_35] {strides = array<i32>} : memref<640xf32, #tpu.memory_space<vmem>>, vector<16xf32>,
    tpu.vector_store %arg10[%swap3A_35], %broadcast_in_dim3A_34 {strides = array<i32>} : memref<640xf32, #tpu.memory_space<vmem>>, vector<16xf32>,
    %broadcast_in_dim3A_37 = arith.constant 0.000000e+00 : f32
    %broadcast_in_dim3A_38 = vector.broadcast %broadcast_in_dim3A_37 : f32 to vector<16xf32>
    %swap3A_39 = arith.constant 144 : index
    %swap3A_40 = tpu.vector_load %arg10[%swap3A_39] {strides = array<i32>} : memref<640xf32, #tpu.memory_space<vmem>>, vector<16xf32>,
    tpu.vector_store %arg10[%swap3A_39], %broadcast_in_dim3A_38 {strides = array<i32>} : memref<640xf32, #tpu.memory_space<vmem>>, vector<16xf32>,
    %broadcast_in_dim3A_41 = arith.constant 0.000000e+00 : f32
    %broadcast_in_dim3A_42 = vector.broadcast %broadcast_in_dim3A_41 : f32 to vector<16xf32>
    %swap3A_43 = arith.constant 160 : index
    %swap3A_44 = tpu.vector_load %arg10[%swap3A_43] {strides = array<i32>} : memref<640xf32, #tpu.memory_space<vmem>>, vector<16xf32>,
    tpu.vector_store %arg10[%swap3A_43], %broadcast_in_dim3A_42 {strides = array<i32>} : memref<640xf32, #tpu.memory_space<vmem>>, vector<16xf32>,
    %broadcast_in_dim3A_45 = arith.constant 0.000000e+00 : f32
    %broadcast_in_dim3A_46 = vector.broadcast %broadcast_in_dim3A_45 : f32 to vector<16xf32>
    %swap3A_47 = arith.constant 176 : index
    %swap3A_48 = tpu.vector_load %arg10[%swap3A_47] {strides = array<i32>} : memref<640xf32, #tpu.memory_space<vmem>>, vector<16xf32>,
    tpu.vector_store %arg10[%swap3A_47], %broadcast_in_dim3A_46 {strides = array<i32>} : memref<640xf32, #tpu.memory_space<vmem>>, vector<16xf32>,
    %broadcast_in_dim3A_49 = arith.constant 0.000000e+00 : f32
    %broadcast_in_dim3A_50 = vector.broadcast %broadcast_in_dim3A_49 : f32 to vector<16xf32>
    %swap3A_51 = arith.constant 192 : index
    %swap3A_52 = tpu.vector_load %arg10[%swap3A_51] {strides = array<i32>} : memref<640xf32, #tpu.memory_space<vmem>>, vector<16xf32>,
    tpu.vector_store %arg10[%swap3A_51], %broadcast_in_dim3A_50 {strides = array<i32>} : memref<640xf32, #tpu.memory_space<vmem>>, vector<16xf32>,
    %broadcast_in_dim3A_53 = arith.constant 0.000000e+00 : f32
    %broadcast_in_dim3A_54 = vector.broadcast %broadcast_in_dim3A_53 : f32 to vector<16xf32>
    %swap3A_55 = arith.constant 208 : index
    %swap3A_56 = tpu.vector_load %arg10[%swap3A_55] {strides = array<i32>} : memref<640xf32, #tpu.memory_space<vmem>>, vector<16xf32>,
    tpu.vector_store %arg10[%swap3A_55], %broadcast_in_dim3A_54 {strides = array<i32>} : memref<640xf32, #tpu.memory_space<vmem>>, vector<16xf32>,
    %broadcast_in_dim3A_57 = arith.constant 0.000000e+00 : f32
    %broadcast_in_dim3A_58 = vector.broadcast %broadcast_in_dim3A_57 : f32 to vector<16xf32>
    %swap3A_59 = arith.constant 224 : index
    %swap3A_60 = tpu.vector_load %arg10[%swap3A_59] {strides = array<i32>} : memref<640xf32, #tpu.memory_space<vmem>>, vector<16xf32>,
    tpu.vector_store %arg10[%swap3A_59], %broadcast_in_dim3A_58 {strides = array<i32>} : memref<640xf32, #tpu.memory_space<vmem>>, vector<16xf32>,
    %broadcast_in_dim3A_61 = arith.constant 0.000000e+00 : f32
    %broadcast_in_dim3A_62 = vector.broadcast %broadcast_in_dim3A_61 : f32 to vector<16xf32>
    %swap3A_63 = arith.constant 240 : index
    %swap3A_64 = tpu.vector_load %arg10[%swap3A_63] {strides = array<i32>} : memref<640xf32, #tpu.memory_space<vmem>>, vector<16xf32>,
    tpu.vector_store %arg10[%swap3A_63], %broadcast_in_dim3A_62 {strides = array<i32>} : memref<640xf32, #tpu.memory_space<vmem>>, vector<16xf32>,
    %broadcast_in_dim3A_65 = arith.constant 0.000000e+00 : f32
    %broadcast_in_dim3A_66 = vector.broadcast %broadcast_in_dim3A_65 : f32 to vector<16xf32>
    %swap3A_67 = arith.constant 256 : index
    %swap3A_68 = tpu.vector_load %arg10[%swap3A_67] {strides = array<i32>} : memref<640xf32, #tpu.memory_space<vmem>>, vector<16xf32>,
    tpu.vector_store %arg10[%swap3A_67], %broadcast_in_dim3A_66 {strides = array<i32>} : memref<640xf32, #tpu.memory_space<vmem>>, vector<16xf32>,
    %broadcast_in_dim3A_69 = arith.constant 0.000000e+00 : f32
    %broadcast_in_dim3A_70 = vector.broadcast %broadcast_in_dim3A_69 : f32 to vector<16xf32>
    %swap3A_71 = arith.constant 272 : index
    %swap3A_72 = tpu.vector_load %arg10[%swap3A_71] {strides = array<i32>} : memref<640xf32, #tpu.memory_space<vmem>>, vector<16xf32>,
    tpu.vector_store %arg10[%swap3A_71], %broadcast_in_dim3A_70 {strides = array<i32>} : memref<640xf32, #tpu.memory_space<vmem>>, vector<16xf32>,
    %broadcast_in_dim3A_73 = arith.constant 0.000000e+00 : f32
    %broadcast_in_dim3A_74 = vector.broadcast %broadcast_in_dim3A_73 : f32 to vector<16xf32>
    %swap3A_75 = arith.constant 288 : index
    %swap3A_76 = tpu.vector_load %arg10[%swap3A_75] {strides = array<i32>} : memref<640xf32, #tpu.memory_space<vmem>>, vector<16xf32>,
    tpu.vector_store %arg10[%swap3A_75], %broadcast_in_dim3A_74 {strides = array<i32>} : memref<640xf32, #tpu.memory_space<vmem>>, vector<16xf32>,
    %broadcast_in_dim3A_77 = arith.constant 0.000000e+00 : f32
    %broadcast_in_dim3A_78 = vector.broadcast %broadcast_in_dim3A_77 : f32 to vector<16xf32>
    %swap3A_79 = arith.constant 304 : index
    %swap3A_80 = tpu.vector_load %arg10[%swap3A_79] {strides = array<i32>} : memref<640xf32, #tpu.memory_space<vmem>>, vector<16xf32>,
    tpu.vector_store %arg10[%swap3A_79], %broadcast_in_dim3A_78 {strides = array<i32>} : memref<640xf32, #tpu.memory_space<vmem>>, vector<16xf32>,
    %broadcast_in_dim3A_81 = arith.constant 0.000000e+00 : f32
    %broadcast_in_dim3A_82 = vector.broadcast %broadcast_in_dim3A_81 : f32 to vector<16xf32>
    %swap3A_83 = arith.constant 320 : index
    %swap3A_84 = tpu.vector_load %arg10[%swap3A_83] {strides = array<i32>} : memref<640xf32, #tpu.memory_space<vmem>>, vector<16xf32>,
    tpu.vector_store %arg10[%swap3A_83], %broadcast_in_dim3A_82 {strides = array<i32>} : memref<640xf32, #tpu.memory_space<vmem>>, vector<16xf32>,
    %broadcast_in_dim3A_85 = arith.constant 0.000000e+00 : f32
    %broadcast_in_dim3A_86 = vector.broadcast %broadcast_in_dim3A_85 : f32 to vector<16xf32>
    %swap3A_87 = arith.constant 336 : index
    %swap3A_88 = tpu.vector_load %arg10[%swap3A_87] {strides = array<i32>} : memref<640xf32, #tpu.memory_space<vmem>>, vector<16xf32>,
    tpu.vector_store %arg10[%swap3A_87], %broadcast_in_dim3A_86 {strides = array<i32>} : memref<640xf32, #tpu.memory_space<vmem>>, vector<16xf32>,
    %broadcast_in_dim3A_89 = arith.constant 0.000000e+00 : f32
    %broadcast_in_dim3A_90 = vector.broadcast %broadcast_in_dim3A_89 : f32 to vector<16xf32>
    %swap3A_91 = arith.constant 352 : index
    %swap3A_92 = tpu.vector_load %arg10[%swap3A_91] {strides = array<i32>} : memref<640xf32, #tpu.memory_space<vmem>>, vector<16xf32>,
    tpu.vector_store %arg10[%swap3A_91], %broadcast_in_dim3A_90 {strides = array<i32>} : memref<640xf32, #tpu.memory_space<vmem>>, vector<16xf32>,
    %broadcast_in_dim3A_93 = arith.constant 0.000000e+00 : f32
    %broadcast_in_dim3A_94 = vector.broadcast %broadcast_in_dim3A_93 : f32 to vector<16xf32>
    %swap3A_95 = arith.constant 368 : index
    %swap3A_96 = tpu.vector_load %arg10[%swap3A_95] {strides = array<i32>} : memref<640xf32, #tpu.memory_space<vmem>>, vector<16xf32>,
    tpu.vector_store %arg10[%swap3A_95], %broadcast_in_dim3A_94 {strides = array<i32>} : memref<640xf32, #tpu.memory_space<vmem>>, vector<16xf32>,
    %broadcast_in_dim3A_97 = arith.constant 0.000000e+00 : f32
    %broadcast_in_dim3A_98 = vector.broadcast %broadcast_in_dim3A_97 : f32 to vector<16xf32>
    %swap3A_99 = arith.constant 384 : index
    %swap3A_100 = tpu.vector_load %arg10[%swap3A_99] {strides = array<i32>} : memref<640xf32, #tpu.memory_space<vmem>>, vector<16xf32>,
    tpu.vector_store %arg10[%swap3A_99], %broadcast_in_dim3A_98 {strides = array<i32>} : memref<640xf32, #tpu.memory_space<vmem>>, vector<16xf32>,
    %broadcast_in_dim3A_101 = arith.constant 0.000000e+00 : f32
    %broadcast_in_dim3A_102 = vector.broadcast %broadcast_in_dim3A_101 : f32 to vector<16xf32>
    %swap3A_103 = arith.constant 400 : index
    %swap3A_104 = tpu.vector_load %arg10[%swap3A_103] {strides = array<i32>} : memref<640xf32, #tpu.memory_space<vmem>>, vector<16xf32>,
    tpu.vector_store %arg10[%swap3A_103], %broadcast_in_dim3A_102 {strides = array<i32>} : memref<640xf32, #tpu.memory_space<vmem>>, vector<16xf32>,
    %broadcast_in_dim3A_105 = arith.constant 0.000000e+00 : f32
    %broadcast_in_dim3A_106 = vector.broadcast %broadcast_in_dim3A_105 : f32 to vector<16xf32>
    %swap3A_107 = arith.constant 416 : index
    %swap3A_108 = tpu.vector_load %arg10[%swap3A_107] {strides = array<i32>} : memref<640xf32, #tpu.memory_space<vmem>>, vector<16xf32>,
    tpu.vector_store %arg10[%swap3A_107], %broadcast_in_dim3A_106 {strides = array<i32>} : memref<640xf32, #tpu.memory_space<vmem>>, vector<16xf32>,
    %broadcast_in_dim3A_109 = arith.constant 0.000000e+00 : f32
    %broadcast_in_dim3A_110 = vector.broadcast %broadcast_in_dim3A_109 : f32 to vector<16xf32>
    %swap3A_111 = arith.constant 432 : index
    %swap3A_112 = tpu.vector_load %arg10[%swap3A_111] {strides = array<i32>} : memref<640xf32, #tpu.memory_space<vmem>>, vector<16xf32>,
    tpu.vector_store %arg10[%swap3A_111], %broadcast_in_dim3A_110 {strides = array<i32>} : memref<640xf32, #tpu.memory_space<vmem>>, vector<16xf32>,
    %broadcast_in_dim3A_113 = arith.constant 0.000000e+00 : f32
    %broadcast_in_dim3A_114 = vector.broadcast %broadcast_in_dim3A_113 : f32 to vector<16xf32>
    %swap3A_115 = arith.constant 448 : index
    %swap3A_116 = tpu.vector_load %arg10[%swap3A_115] {strides = array<i32>} : memref<640xf32, #tpu.memory_space<vmem>>, vector<16xf32>,
    tpu.vector_store %arg10[%swap3A_115], %broadcast_in_dim3A_114 {strides = array<i32>} : memref<640xf32, #tpu.memory_space<vmem>>, vector<16xf32>,
    %broadcast_in_dim3A_117 = arith.constant 0.000000e+00 : f32
    %broadcast_in_dim3A_118 = vector.broadcast %broadcast_in_dim3A_117 : f32 to vector<16xf32>
    %swap3A_119 = arith.constant 464 : index
    %swap3A_120 = tpu.vector_load %arg10[%swap3A_119] {strides = array<i32>} : memref<640xf32, #tpu.memory_space<vmem>>, vector<16xf32>,
    tpu.vector_store %arg10[%swap3A_119], %broadcast_in_dim3A_118 {strides = array<i32>} : memref<640xf32, #tpu.memory_space<vmem>>, vector<16xf32>,
    %broadcast_in_dim3A_121 = arith.constant 0.000000e+00 : f32
    %broadcast_in_dim3A_122 = vector.broadcast %broadcast_in_dim3A_121 : f32 to vector<16xf32>
    %swap3A_123 = arith.constant 480 : index
    %swap3A_124 = tpu.vector_load %arg10[%swap3A_123] {strides = array<i32>} : memref<640xf32, #tpu.memory_space<vmem>>, vector<16xf32>,
    tpu.vector_store %arg10[%swap3A_123], %broadcast_in_dim3A_122 {strides = array<i32>} : memref<640xf32, #tpu.memory_space<vmem>>, vector<16xf32>,
    %broadcast_in_dim3A_125 = arith.constant 0.000000e+00 : f32
    %broadcast_in_dim3A_126 = vector.broadcast %broadcast_in_dim3A_125 : f32 to vector<16xf32>
    %swap3A_127 = arith.constant 496 : index
    %swap3A_128 = tpu.vector_load %arg10[%swap3A_127] {strides = array<i32>} : memref<640xf32, #tpu.memory_space<vmem>>, vector<16xf32>,
    tpu.vector_store %arg10[%swap3A_127], %broadcast_in_dim3A_126 {strides = array<i32>} : memref<640xf32, #tpu.memory_space<vmem>>, vector<16xf32>,
    %broadcast_in_dim3A_129 = arith.constant 0.000000e+00 : f32
    %broadcast_in_dim3A_130 = vector.broadcast %broadcast_in_dim3A_129 : f32 to vector<16xf32>
    %swap3A_131 = arith.constant 512 : index
    %swap3A_132 = tpu.vector_load %arg10[%swap3A_131] {strides = array<i32>} : memref<640xf32, #tpu.memory_space<vmem>>, vector<16xf32>,
    tpu.vector_store %arg10[%swap3A_131], %broadcast_in_dim3A_130 {strides = array<i32>} : memref<640xf32, #tpu.memory_space<vmem>>, vector<16xf32>,
    %broadcast_in_dim3A_133 = arith.constant 0.000000e+00 : f32
    %broadcast_in_dim3A_134 = vector.broadcast %broadcast_in_dim3A_133 : f32 to vector<16xf32>
    %swap3A_135 = arith.constant 528 : index
    %swap3A_136 = tpu.vector_load %arg10[%swap3A_135] {strides = array<i32>} : memref<640xf32, #tpu.memory_space<vmem>>, vector<16xf32>,
    tpu.vector_store %arg10[%swap3A_135], %broadcast_in_dim3A_134 {strides = array<i32>} : memref<640xf32, #tpu.memory_space<vmem>>, vector<16xf32>,
    %broadcast_in_dim3A_137 = arith.constant 0.000000e+00 : f32
    %broadcast_in_dim3A_138 = vector.broadcast %broadcast_in_dim3A_137 : f32 to vector<16xf32>
    %swap3A_139 = arith.constant 544 : index
    %swap3A_140 = tpu.vector_load %arg10[%swap3A_139] {strides = array<i32>} : memref<640xf32, #tpu.memory_space<vmem>>, vector<16xf32>,
    tpu.vector_store %arg10[%swap3A_139], %broadcast_in_dim3A_138 {strides = array<i32>} : memref<640xf32, #tpu.memory_space<vmem>>, vector<16xf32>,
    %broadcast_in_dim3A_141 = arith.constant 0.000000e+00 : f32
    %broadcast_in_dim3A_142 = vector.broadcast %broadcast_in_dim3A_141 : f32 to vector<16xf32>
    %swap3A_143 = arith.constant 560 : index
    %swap3A_144 = tpu.vector_load %arg10[%swap3A_143] {strides = array<i32>} : memref<640xf32, #tpu.memory_space<vmem>>, vector<16xf32>,
    tpu.vector_store %arg10[%swap3A_143], %broadcast_in_dim3A_142 {strides = array<i32>} : memref<640xf32, #tpu.memory_space<vmem>>, vector<16xf32>,
    %broadcast_in_dim3A_145 = arith.constant 0.000000e+00 : f32
    %broadcast_in_dim3A_146 = vector.broadcast %broadcast_in_dim3A_145 : f32 to vector<16xf32>
    %swap3A_147 = arith.constant 576 : index
    %swap3A_148 = tpu.vector_load %arg10[%swap3A_147] {strides = array<i32>} : memref<640xf32, #tpu.memory_space<vmem>>, vector<16xf32>,
    tpu.vector_store %arg10[%swap3A_147], %broadcast_in_dim3A_146 {strides = array<i32>} : memref<640xf32, #tpu.memory_space<vmem>>, vector<16xf32>,
    %broadcast_in_dim3A_149 = arith.constant 0.000000e+00 : f32
    %broadcast_in_dim3A_150 = vector.broadcast %broadcast_in_dim3A_149 : f32 to vector<16xf32>
    %swap3A_151 = arith.constant 592 : index
    %swap3A_152 = tpu.vector_load %arg10[%swap3A_151] {strides = array<i32>} : memref<640xf32, #tpu.memory_space<vmem>>, vector<16xf32>,
    tpu.vector_store %arg10[%swap3A_151], %broadcast_in_dim3A_150 {strides = array<i32>} : memref<640xf32, #tpu.memory_space<vmem>>, vector<16xf32>,
    %broadcast_in_dim3A_153 = arith.constant 0.000000e+00 : f32
    %broadcast_in_dim3A_154 = vector.broadcast %broadcast_in_dim3A_153 : f32 to vector<16xf32>
    %swap3A_155 = arith.constant 608 : index
    %swap3A_156 = tpu.vector_load %arg10[%swap3A_155] {strides = array<i32>} : memref<640xf32, #tpu.memory_space<vmem>>, vector<16xf32>,
    tpu.vector_store %arg10[%swap3A_155], %broadcast_in_dim3A_154 {strides = array<i32>} : memref<640xf32, #tpu.memory_space<vmem>>, vector<16xf32>,
    %broadcast_in_dim3A_157 = arith.constant 0.000000e+00 : f32
    %broadcast_in_dim3A_158 = vector.broadcast %broadcast_in_dim3A_157 : f32 to vector<16xf32>
    %swap3A_159 = arith.constant 624 : index
    %swap3A_160 = tpu.vector_load %arg10[%swap3A_159] {strides = array<i32>} : memref<640xf32, #tpu.memory_space<vmem>>, vector<16xf32>,
    tpu.vector_store %arg10[%swap3A_159], %broadcast_in_dim3A_158 {strides = array<i32>} : memref<640xf32, #tpu.memory_space<vmem>>, vector<16xf32>,
    "tpu.region"() ({
      %run_scoped3A = tpu.sem_alloc : memref<!tpu.dma_semaphore, #tpu.memory_space<semaphore_mem>>
      %dma_start3A = tpu.memref_slice %arg3[%mul3A_2] : memref<4096xf32, #tpu.memory_space<hbm>> -> memref<128xf32, #tpu.memory_space<hbm>>
      %dma_start3A_492 = tpu.memref_slice %arg3[%mul3A_2] : memref<4096xf32, #tpu.memory_space<hbm>> -> memref<128xf32, #tpu.memory_space<hbm>>
      tpu.enqueue_dma source(%dma_start3A_492 : memref<128xf32, #tpu.memory_space<hbm>>) target(%arg11 : memref<128xf32, #tpu.memory_space<vmem>>) target_semaphore(%run_scoped3A : memref<!tpu.dma_semaphore, #tpu.memory_space<semaphore_mem>>)
      %dma_wait3A = tpu.memref_slice %arg3[%mul3A_2] : memref<4096xf32, #tpu.memory_space<hbm>> -> memref<128xf32, #tpu.memory_space<hbm>>
      %dma_wait3A_493 = tpu.memref_slice %arg3[%mul3A_2] : memref<4096xf32, #tpu.memory_space<hbm>> -> memref<128xf32, #tpu.memory_space<hbm>>
      tpu.wait_dma2 semaphore(%run_scoped3A : memref<!tpu.dma_semaphore, #tpu.memory_space<semaphore_mem>>) src(%dma_wait3A_493 : memref<128xf32, #tpu.memory_space<hbm>>) dst(%arg11 : memref<128xf32, #tpu.memory_space<vmem>>)
      tpu.yield
    }) : () -> ()
    "tpu.region"() ({
      %run_scoped3A = tpu.sem_alloc : memref<!tpu.dma_semaphore, #tpu.memory_space<semaphore_mem>>
      tpu.enqueue_dma source(%arg4 : memref<16xf32, #tpu.memory_space<hbm>>) target(%arg12 : memref<16xf32, #tpu.memory_space<vmem>>) target_semaphore(%run_scoped3A : memref<!tpu.dma_semaphore, #tpu.memory_space<semaphore_mem>>)
      tpu.wait_dma2 semaphore(%run_scoped3A : memref<!tpu.dma_semaphore, #tpu.memory_space<semaphore_mem>>) src(%arg4 : memref<16xf32, #tpu.memory_space<hbm>>) dst(%arg12 : memref<16xf32, #tpu.memory_space<vmem>>)
      tpu.yield
    }) : () -> ()
    "tpu.region"() ({
      %run_scoped3A = tpu.sem_alloc : memref<!tpu.dma_semaphore, #tpu.memory_space<semaphore_mem>>
      tpu.enqueue_dma source(%arg5 : memref<512xf32, #tpu.memory_space<hbm>>) target(%arg16 : memref<512xf32, #tpu.memory_space<vmem>>) target_semaphore(%run_scoped3A : memref<!tpu.dma_semaphore, #tpu.memory_space<semaphore_mem>>)
      tpu.wait_dma2 semaphore(%run_scoped3A : memref<!tpu.dma_semaphore, #tpu.memory_space<semaphore_mem>>) src(%arg5 : memref<512xf32, #tpu.memory_space<hbm>>) dst(%arg16 : memref<512xf32, #tpu.memory_space<vmem>>)
      tpu.yield
    }) : () -> ()
    %mul3A_161 = arith.constant 128 : i32
    %mul3A_162 = arith.muli %add3A, %mul3A_161 : i32
    %convert_element_type3A = arith.sitofp %mul3A_162 : i32 to f32
    %add3A_163 = arith.constant 1.270000e+02 : f32
    %add3A_164 = arith.addf %convert_element_type3A, %add3A_163 : f32
    %add3A_165 = arith.constant 0 : i32
    %add3A_166 = arith.addi %mul3A_2, %add3A_165 : i32
    %add3A_167 = vector.broadcast %add3A_166 : i32 to vector<16xi32>
    %add3A_168 = arith.addi %add3A_167, %iota3A : vector<16xi32>
    %convert_element_type3A_169 = arith.sitofp %add3A_168 : vector<16xi32> to vector<16xf32>
    %add3A_170 = arith.constant 16 : i32
    %add3A_171 = arith.addi %mul3A_2, %add3A_170 : i32
    %add3A_172 = vector.broadcast %add3A_171 : i32 to vector<16xi32>
    %add3A_173 = arith.addi %add3A_172, %iota3A : vector<16xi32>
    %convert_element_type3A_174 = arith.sitofp %add3A_173 : vector<16xi32> to vector<16xf32>
    %add3A_175 = arith.constant 32 : i32
    %add3A_176 = arith.addi %mul3A_2, %add3A_175 : i32
    %add3A_177 = vector.broadcast %add3A_176 : i32 to vector<16xi32>
    %add3A_178 = arith.addi %add3A_177, %iota3A : vector<16xi32>
    %convert_element_type3A_179 = arith.sitofp %add3A_178 : vector<16xi32> to vector<16xf32>
    %add3A_180 = arith.constant 48 : i32
    %add3A_181 = arith.addi %mul3A_2, %add3A_180 : i32
    %add3A_182 = vector.broadcast %add3A_181 : i32 to vector<16xi32>
    %add3A_183 = arith.addi %add3A_182, %iota3A : vector<16xi32>
    %convert_element_type3A_184 = arith.sitofp %add3A_183 : vector<16xi32> to vector<16xf32>
    %add3A_185 = arith.constant 64 : i32
    %add3A_186 = arith.addi %mul3A_2, %add3A_185 : i32
    %add3A_187 = vector.broadcast %add3A_186 : i32 to vector<16xi32>
    %add3A_188 = arith.addi %add3A_187, %iota3A : vector<16xi32>
    %convert_element_type3A_189 = arith.sitofp %add3A_188 : vector<16xi32> to vector<16xf32>
    %add3A_190 = arith.constant 80 : i32
    %add3A_191 = arith.addi %mul3A_2, %add3A_190 : i32
    %add3A_192 = vector.broadcast %add3A_191 : i32 to vector<16xi32>
    %add3A_193 = arith.addi %add3A_192, %iota3A : vector<16xi32>
    %convert_element_type3A_194 = arith.sitofp %add3A_193 : vector<16xi32> to vector<16xf32>
    %add3A_195 = arith.constant 96 : i32
    %add3A_196 = arith.addi %mul3A_2, %add3A_195 : i32
    %add3A_197 = vector.broadcast %add3A_196 : i32 to vector<16xi32>
    %add3A_198 = arith.addi %add3A_197, %iota3A : vector<16xi32>
    %convert_element_type3A_199 = arith.sitofp %add3A_198 : vector<16xi32> to vector<16xf32>
    %add3A_200 = arith.constant 112 : i32
    %add3A_201 = arith.addi %mul3A_2, %add3A_200 : i32
    %add3A_202 = vector.broadcast %add3A_201 : i32 to vector<16xi32>
    %add3A_203 = arith.addi %add3A_202, %iota3A : vector<16xi32>
    %convert_element_type3A_204 = arith.sitofp %add3A_203 : vector<16xi32> to vector<16xf32>
    %scan3A = arith.constant 0 : i32
    %scan3A_205 = arith.constant 0 : i32
    %scan3A_206 = arith.constant 32 : i32
    %scan3A_207 = arith.addi %scan3A_205, %scan3A_206 : i32
    %scan3A_208 = arith.constant 1 : i32
    %scan3A_209 = scf.for %scan3A_492 = %scan3A_205 to %scan3A_207 step %scan3A_208 iter_args(%scan3A_493 = %scan3A) -> (i32)  : i32 {
      %mul3A_494 = arith.constant 16 : i32
      %mul3A_495 = arith.muli %scan3A_492, %mul3A_494 : i32
      %get3A_496 = arith.index_cast %mul3A_495 : i32 to index
      %get3A_497 = tpu.vector_load %arg16[%get3A_496] {strides = array<i32>} : memref<512xf32, #tpu.memory_space<vmem>>, vector<16xf32>,
      %slice3A = vector.extract_strided_slice %get3A_497 {offsets = [4], sizes = [1], strides = [1]} : vector<16xf32> to vector<1xf32>
      %squeeze3A = vector.extract %slice3A[0] : f32 from vector<1xf32>
      %slice3A_498 = vector.extract_strided_slice %get3A_497 {offsets = [5], sizes = [1], strides = [1]} : vector<16xf32> to vector<1xf32>
      %squeeze3A_499 = vector.extract %slice3A_498[0] : f32 from vector<1xf32>
      %le3A = arith.cmpf ole, %squeeze3A, %add3A_164 : f32
      %ge3A = arith.cmpf oge, %squeeze3A_499, %convert_element_type3A : f32
      %and3A = arith.andi %le3A, %ge3A : i1
      %convert_element_type3A_500 = arith.extui %and3A : i1 to i32
      %cond3A = arith.constant 0 : i32
      %cond3A_501 = arith.cmpi ne, %convert_element_type3A_500, %cond3A : i32
      scf.if %cond3A_501 {
        %mul3A_503 = arith.constant 8 : i32
        %mul3A_504 = arith.muli %mul3A_2, %mul3A_503 : i32
        "tpu.region"() ({
          %run_scoped3A = tpu.sem_alloc : memref<!tpu.dma_semaphore, #tpu.memory_space<semaphore_mem>>
          %dma_start3A = tpu.memref_slice %arg2[%scan3A_492, %mul3A_504] : memref<32x32768xf32, #tpu.memory_space<hbm>> -> memref<1x1024xf32, #tpu.memory_space<hbm>>
          %dma_start3A_1262 = tpu.memref_squeeze %dma_start3A : memref<1x1024xf32, #tpu.memory_space<hbm>> -> memref<1024xf32, #tpu.memory_space<hbm>>
          %dma_start3A_1263 = tpu.memref_slice %arg2[%scan3A_492, %mul3A_504] : memref<32x32768xf32, #tpu.memory_space<hbm>> -> memref<1x1024xf32, #tpu.memory_space<hbm>>
          %dma_start3A_1264 = tpu.memref_squeeze %dma_start3A_1263 : memref<1x1024xf32, #tpu.memory_space<hbm>> -> memref<1024xf32, #tpu.memory_space<hbm>>
          tpu.enqueue_dma source(%dma_start3A_1264 : memref<1024xf32, #tpu.memory_space<hbm>>) target(%arg9 : memref<1024xf32, #tpu.memory_space<vmem>>) target_semaphore(%run_scoped3A : memref<!tpu.dma_semaphore, #tpu.memory_space<semaphore_mem>>)
          %dma_wait3A = tpu.memref_slice %arg2[%scan3A_492, %mul3A_504] : memref<32x32768xf32, #tpu.memory_space<hbm>> -> memref<1x1024xf32, #tpu.memory_space<hbm>>
          %dma_wait3A_1265 = tpu.memref_squeeze %dma_wait3A : memref<1x1024xf32, #tpu.memory_space<hbm>> -> memref<1024xf32, #tpu.memory_space<hbm>>
          %dma_wait3A_1266 = tpu.memref_slice %arg2[%scan3A_492, %mul3A_504] : memref<32x32768xf32, #tpu.memory_space<hbm>> -> memref<1x1024xf32, #tpu.memory_space<hbm>>
          %dma_wait3A_1267 = tpu.memref_squeeze %dma_wait3A_1266 : memref<1x1024xf32, #tpu.memory_space<hbm>> -> memref<1024xf32, #tpu.memory_space<hbm>>
          tpu.wait_dma2 semaphore(%run_scoped3A : memref<!tpu.dma_semaphore, #tpu.memory_space<semaphore_mem>>) src(%dma_wait3A_1267 : memref<1024xf32, #tpu.memory_space<hbm>>) dst(%arg9 : memref<1024xf32, #tpu.memory_space<vmem>>)
          tpu.yield
        }) : () -> ()
        %ge3A_505 = vector.broadcast %squeeze3A : f32 to vector<16xf32>
        %ge3A_506 = arith.cmpf oge, %convert_element_type3A_169, %ge3A_505 : vector<16xf32>
        %le3A_507 = vector.broadcast %squeeze3A_499 : f32 to vector<16xf32>
        %le3A_508 = arith.cmpf ole, %convert_element_type3A_169, %le3A_507 : vector<16xf32>
        %and3A_509 = arith.andi %ge3A_506, %le3A_508 : vector<16xi1>
        %add3A_510 = arith.constant 0 : i32
        %add3A_511 = vector.broadcast %add3A_510 : i32 to vector<16xi32>
        %add3A_512 = arith.addi %iota3A, %add3A_511 : vector<16xi32>
        %mul3A_513 = arith.constant 8 : i32
        %mul3A_514 = vector.broadcast %mul3A_513 : i32 to vector<16xi32>
        %mul3A_515 = arith.muli %add3A_512, %mul3A_514 : vector<16xi32>
        %add3A_516 = arith.constant 0 : i32
        %add3A_517 = vector.broadcast %add3A_516 : i32 to vector<16xi32>
        %add3A_518 = arith.addi %mul3A_515, %add3A_517 : vector<16xi32>
        %gather3A = tpu.vector_load_idx %arg9[%add3A_518] : memref<1024xf32, #tpu.memory_space<vmem>>[vector<16xi32>], vector<16xf32>,
        %get3A_519 = arith.constant 0 : index
        %get3A_520 = tpu.vector_load %arg10[%get3A_519] {strides = array<i32>} : memref<640xf32, #tpu.memory_space<vmem>>, vector<16xf32>,
        %jit3A = arith.constant 0.000000e+00 : f32
        %broadcast_in_dim3A_521 = vector.broadcast %jit3A : f32 to vector<16xf32>
        %select_n3A = arith.select %and3A_509, %gather3A, %broadcast_in_dim3A_521 : vector<16xi1>, vector<16xf32>
        %add3A_522 = arith.addf %get3A_520, %select_n3A : vector<16xf32>
        %swap3A_523 = arith.constant 0 : index
        %swap3A_524 = tpu.vector_load %arg10[%swap3A_523] {strides = array<i32>} : memref<640xf32, #tpu.memory_space<vmem>>, vector<16xf32>,
        tpu.vector_store %arg10[%swap3A_523], %add3A_522 {strides = array<i32>} : memref<640xf32, #tpu.memory_space<vmem>>, vector<16xf32>,
        %add3A_525 = arith.constant 0 : i32
        %add3A_526 = vector.broadcast %add3A_525 : i32 to vector<16xi32>
        %add3A_527 = arith.addi %iota3A, %add3A_526 : vector<16xi32>
        %mul3A_528 = arith.constant 8 : i32
        %mul3A_529 = vector.broadcast %mul3A_528 : i32 to vector<16xi32>
        %mul3A_530 = arith.muli %add3A_527, %mul3A_529 : vector<16xi32>
        %add3A_531 = arith.constant 1 : i32
        %add3A_532 = vector.broadcast %add3A_531 : i32 to vector<16xi32>
        %add3A_533 = arith.addi %mul3A_530, %add3A_532 : vector<16xi32>
        %gather3A_534 = tpu.vector_load_idx %arg9[%add3A_533] : memref<1024xf32, #tpu.memory_space<vmem>>[vector<16xi32>], vector<16xf32>,
        %get3A_535 = arith.constant 128 : index
        %get3A_536 = tpu.vector_load %arg10[%get3A_535] {strides = array<i32>} : memref<640xf32, #tpu.memory_space<vmem>>, vector<16xf32>,
        %jit3A_537 = arith.constant 0.000000e+00 : f32
        %broadcast_in_dim3A_538 = vector.broadcast %jit3A_537 : f32 to vector<16xf32>
        %select_n3A_539 = arith.select %and3A_509, %gather3A_534, %broadcast_in_dim3A_538 : vector<16xi1>, vector<16xf32>
        %add3A_540 = arith.addf %get3A_536, %select_n3A_539 : vector<16xf32>
        %swap3A_541 = arith.constant 128 : index
        %swap3A_542 = tpu.vector_load %arg10[%swap3A_541] {strides = array<i32>} : memref<640xf32, #tpu.memory_space<vmem>>, vector<16xf32>,
        tpu.vector_store %arg10[%swap3A_541], %add3A_540 {strides = array<i32>} : memref<640xf32, #tpu.memory_space<vmem>>, vector<16xf32>,
        %add3A_543 = arith.constant 0 : i32
        %add3A_544 = vector.broadcast %add3A_543 : i32 to vector<16xi32>
        %add3A_545 = arith.addi %iota3A, %add3A_544 : vector<16xi32>
        %mul3A_546 = arith.constant 8 : i32
        %mul3A_547 = vector.broadcast %mul3A_546 : i32 to vector<16xi32>
        %mul3A_548 = arith.muli %add3A_545, %mul3A_547 : vector<16xi32>
        %add3A_549 = arith.constant 2 : i32
        %add3A_550 = vector.broadcast %add3A_549 : i32 to vector<16xi32>
        %add3A_551 = arith.addi %mul3A_548, %add3A_550 : vector<16xi32>
        %gather3A_552 = tpu.vector_load_idx %arg9[%add3A_551] : memref<1024xf32, #tpu.memory_space<vmem>>[vector<16xi32>], vector<16xf32>,
        %get3A_553 = arith.constant 256 : index
        %get3A_554 = tpu.vector_load %arg10[%get3A_553] {strides = array<i32>} : memref<640xf32, #tpu.memory_space<vmem>>, vector<16xf32>,
        %jit3A_555 = arith.constant 0.000000e+00 : f32
        %broadcast_in_dim3A_556 = vector.broadcast %jit3A_555 : f32 to vector<16xf32>
        %select_n3A_557 = arith.select %and3A_509, %gather3A_552, %broadcast_in_dim3A_556 : vector<16xi1>, vector<16xf32>
        %add3A_558 = arith.addf %get3A_554, %select_n3A_557 : vector<16xf32>
        %swap3A_559 = arith.constant 256 : index
        %swap3A_560 = tpu.vector_load %arg10[%swap3A_559] {strides = array<i32>} : memref<640xf32, #tpu.memory_space<vmem>>, vector<16xf32>,
        tpu.vector_store %arg10[%swap3A_559], %add3A_558 {strides = array<i32>} : memref<640xf32, #tpu.memory_space<vmem>>, vector<16xf32>,
        %add3A_561 = arith.constant 0 : i32
        %add3A_562 = vector.broadcast %add3A_561 : i32 to vector<16xi32>
        %add3A_563 = arith.addi %iota3A, %add3A_562 : vector<16xi32>
        %mul3A_564 = arith.constant 8 : i32
        %mul3A_565 = vector.broadcast %mul3A_564 : i32 to vector<16xi32>
        %mul3A_566 = arith.muli %add3A_563, %mul3A_565 : vector<16xi32>
        %add3A_567 = arith.constant 3 : i32
        %add3A_568 = vector.broadcast %add3A_567 : i32 to vector<16xi32>
        %add3A_569 = arith.addi %mul3A_566, %add3A_568 : vector<16xi32>
        %gather3A_570 = tpu.vector_load_idx %arg9[%add3A_569] : memref<1024xf32, #tpu.memory_space<vmem>>[vector<16xi32>], vector<16xf32>,
        %get3A_571 = arith.constant 384 : index
        %get3A_572 = tpu.vector_load %arg10[%get3A_571] {strides = array<i32>} : memref<640xf32, #tpu.memory_space<vmem>>, vector<16xf32>,
        %jit3A_573 = arith.constant 0.000000e+00 : f32
        %broadcast_in_dim3A_574 = vector.broadcast %jit3A_573 : f32 to vector<16xf32>
        %select_n3A_575 = arith.select %and3A_509, %gather3A_570, %broadcast_in_dim3A_574 : vector<16xi1>, vector<16xf32>
        %add3A_576 = arith.addf %get3A_572, %select_n3A_575 : vector<16xf32>
        %swap3A_577 = arith.constant 384 : index
        %swap3A_578 = tpu.vector_load %arg10[%swap3A_577] {strides = array<i32>} : memref<640xf32, #tpu.memory_space<vmem>>, vector<16xf32>,
        tpu.vector_store %arg10[%swap3A_577], %add3A_576 {strides = array<i32>} : memref<640xf32, #tpu.memory_space<vmem>>, vector<16xf32>,
        %add3A_579 = arith.constant 0 : i32
        %add3A_580 = vector.broadcast %add3A_579 : i32 to vector<16xi32>
        %add3A_581 = arith.addi %iota3A, %add3A_580 : vector<16xi32>
        %mul3A_582 = arith.constant 8 : i32
        %mul3A_583 = vector.broadcast %mul3A_582 : i32 to vector<16xi32>
        %mul3A_584 = arith.muli %add3A_581, %mul3A_583 : vector<16xi32>
        %add3A_585 = arith.constant 4 : i32
        %add3A_586 = vector.broadcast %add3A_585 : i32 to vector<16xi32>
        %add3A_587 = arith.addi %mul3A_584, %add3A_586 : vector<16xi32>
        %gather3A_588 = tpu.vector_load_idx %arg9[%add3A_587] : memref<1024xf32, #tpu.memory_space<vmem>>[vector<16xi32>], vector<16xf32>,
        %get3A_589 = arith.constant 512 : index
        %get3A_590 = tpu.vector_load %arg10[%get3A_589] {strides = array<i32>} : memref<640xf32, #tpu.memory_space<vmem>>, vector<16xf32>,
        %jit3A_591 = arith.constant 0.000000e+00 : f32
        %broadcast_in_dim3A_592 = vector.broadcast %jit3A_591 : f32 to vector<16xf32>
        %select_n3A_593 = arith.select %and3A_509, %gather3A_588, %broadcast_in_dim3A_592 : vector<16xi1>, vector<16xf32>
        %add3A_594 = arith.addf %get3A_590, %select_n3A_593 : vector<16xf32>
        %swap3A_595 = arith.constant 512 : index
        %swap3A_596 = tpu.vector_load %arg10[%swap3A_595] {strides = array<i32>} : memref<640xf32, #tpu.memory_space<vmem>>, vector<16xf32>,
        tpu.vector_store %arg10[%swap3A_595], %add3A_594 {strides = array<i32>} : memref<640xf32, #tpu.memory_space<vmem>>, vector<16xf32>,
        %ge3A_597 = vector.broadcast %squeeze3A : f32 to vector<16xf32>
        %ge3A_598 = arith.cmpf oge, %convert_element_type3A_174, %ge3A_597 : vector<16xf32>
        %le3A_599 = vector.broadcast %squeeze3A_499 : f32 to vector<16xf32>
        %le3A_600 = arith.cmpf ole, %convert_element_type3A_174, %le3A_599 : vector<16xf32>
        %and3A_601 = arith.andi %ge3A_598, %le3A_600 : vector<16xi1>
        %add3A_602 = arith.constant 16 : i32
        %add3A_603 = vector.broadcast %add3A_602 : i32 to vector<16xi32>
        %add3A_604 = arith.addi %iota3A, %add3A_603 : vector<16xi32>
        %mul3A_605 = arith.constant 8 : i32
        %mul3A_606 = vector.broadcast %mul3A_605 : i32 to vector<16xi32>
        %mul3A_607 = arith.muli %add3A_604, %mul3A_606 : vector<16xi32>
        %add3A_608 = arith.constant 0 : i32
        %add3A_609 = vector.broadcast %add3A_608 : i32 to vector<16xi32>
        %add3A_610 = arith.addi %mul3A_607, %add3A_609 : vector<16xi32>
        %gather3A_611 = tpu.vector_load_idx %arg9[%add3A_610] : memref<1024xf32, #tpu.memory_space<vmem>>[vector<16xi32>], vector<16xf32>,
        %get3A_612 = arith.constant 16 : index
        %get3A_613 = tpu.vector_load %arg10[%get3A_612] {strides = array<i32>} : memref<640xf32, #tpu.memory_space<vmem>>, vector<16xf32>,
        %jit3A_614 = arith.constant 0.000000e+00 : f32
        %broadcast_in_dim3A_615 = vector.broadcast %jit3A_614 : f32 to vector<16xf32>
        %select_n3A_616 = arith.select %and3A_601, %gather3A_611, %broadcast_in_dim3A_615 : vector<16xi1>, vector<16xf32>
        %add3A_617 = arith.addf %get3A_613, %select_n3A_616 : vector<16xf32>
        %swap3A_618 = arith.constant 16 : index
        %swap3A_619 = tpu.vector_load %arg10[%swap3A_618] {strides = array<i32>} : memref<640xf32, #tpu.memory_space<vmem>>, vector<16xf32>,
        tpu.vector_store %arg10[%swap3A_618], %add3A_617 {strides = array<i32>} : memref<640xf32, #tpu.memory_space<vmem>>, vector<16xf32>,
        %add3A_620 = arith.constant 16 : i32
        %add3A_621 = vector.broadcast %add3A_620 : i32 to vector<16xi32>
        %add3A_622 = arith.addi %iota3A, %add3A_621 : vector<16xi32>
        %mul3A_623 = arith.constant 8 : i32
        %mul3A_624 = vector.broadcast %mul3A_623 : i32 to vector<16xi32>
        %mul3A_625 = arith.muli %add3A_622, %mul3A_624 : vector<16xi32>
        %add3A_626 = arith.constant 1 : i32
        %add3A_627 = vector.broadcast %add3A_626 : i32 to vector<16xi32>
        %add3A_628 = arith.addi %mul3A_625, %add3A_627 : vector<16xi32>
        %gather3A_629 = tpu.vector_load_idx %arg9[%add3A_628] : memref<1024xf32, #tpu.memory_space<vmem>>[vector<16xi32>], vector<16xf32>,
        %get3A_630 = arith.constant 144 : index
        %get3A_631 = tpu.vector_load %arg10[%get3A_630] {strides = array<i32>} : memref<640xf32, #tpu.memory_space<vmem>>, vector<16xf32>,
        %jit3A_632 = arith.constant 0.000000e+00 : f32
        %broadcast_in_dim3A_633 = vector.broadcast %jit3A_632 : f32 to vector<16xf32>
        %select_n3A_634 = arith.select %and3A_601, %gather3A_629, %broadcast_in_dim3A_633 : vector<16xi1>, vector<16xf32>
        %add3A_635 = arith.addf %get3A_631, %select_n3A_634 : vector<16xf32>
        %swap3A_636 = arith.constant 144 : index
        %swap3A_637 = tpu.vector_load %arg10[%swap3A_636] {strides = array<i32>} : memref<640xf32, #tpu.memory_space<vmem>>, vector<16xf32>,
        tpu.vector_store %arg10[%swap3A_636], %add3A_635 {strides = array<i32>} : memref<640xf32, #tpu.memory_space<vmem>>, vector<16xf32>,
        %add3A_638 = arith.constant 16 : i32
        %add3A_639 = vector.broadcast %add3A_638 : i32 to vector<16xi32>
        %add3A_640 = arith.addi %iota3A, %add3A_639 : vector<16xi32>
        %mul3A_641 = arith.constant 8 : i32
        %mul3A_642 = vector.broadcast %mul3A_641 : i32 to vector<16xi32>
        %mul3A_643 = arith.muli %add3A_640, %mul3A_642 : vector<16xi32>
        %add3A_644 = arith.constant 2 : i32
        %add3A_645 = vector.broadcast %add3A_644 : i32 to vector<16xi32>
        %add3A_646 = arith.addi %mul3A_643, %add3A_645 : vector<16xi32>
        %gather3A_647 = tpu.vector_load_idx %arg9[%add3A_646] : memref<1024xf32, #tpu.memory_space<vmem>>[vector<16xi32>], vector<16xf32>,
        %get3A_648 = arith.constant 272 : index
        %get3A_649 = tpu.vector_load %arg10[%get3A_648] {strides = array<i32>} : memref<640xf32, #tpu.memory_space<vmem>>, vector<16xf32>,
        %jit3A_650 = arith.constant 0.000000e+00 : f32
        %broadcast_in_dim3A_651 = vector.broadcast %jit3A_650 : f32 to vector<16xf32>
        %select_n3A_652 = arith.select %and3A_601, %gather3A_647, %broadcast_in_dim3A_651 : vector<16xi1>, vector<16xf32>
        %add3A_653 = arith.addf %get3A_649, %select_n3A_652 : vector<16xf32>
        %swap3A_654 = arith.constant 272 : index
        %swap3A_655 = tpu.vector_load %arg10[%swap3A_654] {strides = array<i32>} : memref<640xf32, #tpu.memory_space<vmem>>, vector<16xf32>,
        tpu.vector_store %arg10[%swap3A_654], %add3A_653 {strides = array<i32>} : memref<640xf32, #tpu.memory_space<vmem>>, vector<16xf32>,
        %add3A_656 = arith.constant 16 : i32
        %add3A_657 = vector.broadcast %add3A_656 : i32 to vector<16xi32>
        %add3A_658 = arith.addi %iota3A, %add3A_657 : vector<16xi32>
        %mul3A_659 = arith.constant 8 : i32
        %mul3A_660 = vector.broadcast %mul3A_659 : i32 to vector<16xi32>
        %mul3A_661 = arith.muli %add3A_658, %mul3A_660 : vector<16xi32>
        %add3A_662 = arith.constant 3 : i32
        %add3A_663 = vector.broadcast %add3A_662 : i32 to vector<16xi32>
        %add3A_664 = arith.addi %mul3A_661, %add3A_663 : vector<16xi32>
        %gather3A_665 = tpu.vector_load_idx %arg9[%add3A_664] : memref<1024xf32, #tpu.memory_space<vmem>>[vector<16xi32>], vector<16xf32>,
        %get3A_666 = arith.constant 400 : index
        %get3A_667 = tpu.vector_load %arg10[%get3A_666] {strides = array<i32>} : memref<640xf32, #tpu.memory_space<vmem>>, vector<16xf32>,
        %jit3A_668 = arith.constant 0.000000e+00 : f32
        %broadcast_in_dim3A_669 = vector.broadcast %jit3A_668 : f32 to vector<16xf32>
        %select_n3A_670 = arith.select %and3A_601, %gather3A_665, %broadcast_in_dim3A_669 : vector<16xi1>, vector<16xf32>
        %add3A_671 = arith.addf %get3A_667, %select_n3A_670 : vector<16xf32>
        %swap3A_672 = arith.constant 400 : index
        %swap3A_673 = tpu.vector_load %arg10[%swap3A_672] {strides = array<i32>} : memref<640xf32, #tpu.memory_space<vmem>>, vector<16xf32>,
        tpu.vector_store %arg10[%swap3A_672], %add3A_671 {strides = array<i32>} : memref<640xf32, #tpu.memory_space<vmem>>, vector<16xf32>,
        %add3A_674 = arith.constant 16 : i32
        %add3A_675 = vector.broadcast %add3A_674 : i32 to vector<16xi32>
        %add3A_676 = arith.addi %iota3A, %add3A_675 : vector<16xi32>
        %mul3A_677 = arith.constant 8 : i32
        %mul3A_678 = vector.broadcast %mul3A_677 : i32 to vector<16xi32>
        %mul3A_679 = arith.muli %add3A_676, %mul3A_678 : vector<16xi32>
        %add3A_680 = arith.constant 4 : i32
        %add3A_681 = vector.broadcast %add3A_680 : i32 to vector<16xi32>
        %add3A_682 = arith.addi %mul3A_679, %add3A_681 : vector<16xi32>
        %gather3A_683 = tpu.vector_load_idx %arg9[%add3A_682] : memref<1024xf32, #tpu.memory_space<vmem>>[vector<16xi32>], vector<16xf32>,
        %get3A_684 = arith.constant 528 : index
        %get3A_685 = tpu.vector_load %arg10[%get3A_684] {strides = array<i32>} : memref<640xf32, #tpu.memory_space<vmem>>, vector<16xf32>,
        %jit3A_686 = arith.constant 0.000000e+00 : f32
        %broadcast_in_dim3A_687 = vector.broadcast %jit3A_686 : f32 to vector<16xf32>
        %select_n3A_688 = arith.select %and3A_601, %gather3A_683, %broadcast_in_dim3A_687 : vector<16xi1>, vector<16xf32>
        %add3A_689 = arith.addf %get3A_685, %select_n3A_688 : vector<16xf32>
        %swap3A_690 = arith.constant 528 : index
        %swap3A_691 = tpu.vector_load %arg10[%swap3A_690] {strides = array<i32>} : memref<640xf32, #tpu.memory_space<vmem>>, vector<16xf32>,
        tpu.vector_store %arg10[%swap3A_690], %add3A_689 {strides = array<i32>} : memref<640xf32, #tpu.memory_space<vmem>>, vector<16xf32>,
        %ge3A_692 = vector.broadcast %squeeze3A : f32 to vector<16xf32>
        %ge3A_693 = arith.cmpf oge, %convert_element_type3A_179, %ge3A_692 : vector<16xf32>
        %le3A_694 = vector.broadcast %squeeze3A_499 : f32 to vector<16xf32>
        %le3A_695 = arith.cmpf ole, %convert_element_type3A_179, %le3A_694 : vector<16xf32>
        %and3A_696 = arith.andi %ge3A_693, %le3A_695 : vector<16xi1>
        %add3A_697 = arith.constant 32 : i32
        %add3A_698 = vector.broadcast %add3A_697 : i32 to vector<16xi32>
        %add3A_699 = arith.addi %iota3A, %add3A_698 : vector<16xi32>
        %mul3A_700 = arith.constant 8 : i32
        %mul3A_701 = vector.broadcast %mul3A_700 : i32 to vector<16xi32>
        %mul3A_702 = arith.muli %add3A_699, %mul3A_701 : vector<16xi32>
        %add3A_703 = arith.constant 0 : i32
        %add3A_704 = vector.broadcast %add3A_703 : i32 to vector<16xi32>
        %add3A_705 = arith.addi %mul3A_702, %add3A_704 : vector<16xi32>
        %gather3A_706 = tpu.vector_load_idx %arg9[%add3A_705] : memref<1024xf32, #tpu.memory_space<vmem>>[vector<16xi32>], vector<16xf32>,
        %get3A_707 = arith.constant 32 : index
        %get3A_708 = tpu.vector_load %arg10[%get3A_707] {strides = array<i32>} : memref<640xf32, #tpu.memory_space<vmem>>, vector<16xf32>,
        %jit3A_709 = arith.constant 0.000000e+00 : f32
        %broadcast_in_dim3A_710 = vector.broadcast %jit3A_709 : f32 to vector<16xf32>
        %select_n3A_711 = arith.select %and3A_696, %gather3A_706, %broadcast_in_dim3A_710 : vector<16xi1>, vector<16xf32>
        %add3A_712 = arith.addf %get3A_708, %select_n3A_711 : vector<16xf32>
        %swap3A_713 = arith.constant 32 : index
        %swap3A_714 = tpu.vector_load %arg10[%swap3A_713] {strides = array<i32>} : memref<640xf32, #tpu.memory_space<vmem>>, vector<16xf32>,
        tpu.vector_store %arg10[%swap3A_713], %add3A_712 {strides = array<i32>} : memref<640xf32, #tpu.memory_space<vmem>>, vector<16xf32>,
        %add3A_715 = arith.constant 32 : i32
        %add3A_716 = vector.broadcast %add3A_715 : i32 to vector<16xi32>
        %add3A_717 = arith.addi %iota3A, %add3A_716 : vector<16xi32>
        %mul3A_718 = arith.constant 8 : i32
        %mul3A_719 = vector.broadcast %mul3A_718 : i32 to vector<16xi32>
        %mul3A_720 = arith.muli %add3A_717, %mul3A_719 : vector<16xi32>
        %add3A_721 = arith.constant 1 : i32
        %add3A_722 = vector.broadcast %add3A_721 : i32 to vector<16xi32>
        %add3A_723 = arith.addi %mul3A_720, %add3A_722 : vector<16xi32>
        %gather3A_724 = tpu.vector_load_idx %arg9[%add3A_723] : memref<1024xf32, #tpu.memory_space<vmem>>[vector<16xi32>], vector<16xf32>,
        %get3A_725 = arith.constant 160 : index
        %get3A_726 = tpu.vector_load %arg10[%get3A_725] {strides = array<i32>} : memref<640xf32, #tpu.memory_space<vmem>>, vector<16xf32>,
        %jit3A_727 = arith.constant 0.000000e+00 : f32
        %broadcast_in_dim3A_728 = vector.broadcast %jit3A_727 : f32 to vector<16xf32>
        %select_n3A_729 = arith.select %and3A_696, %gather3A_724, %broadcast_in_dim3A_728 : vector<16xi1>, vector<16xf32>
        %add3A_730 = arith.addf %get3A_726, %select_n3A_729 : vector<16xf32>
        %swap3A_731 = arith.constant 160 : index
        %swap3A_732 = tpu.vector_load %arg10[%swap3A_731] {strides = array<i32>} : memref<640xf32, #tpu.memory_space<vmem>>, vector<16xf32>,
        tpu.vector_store %arg10[%swap3A_731], %add3A_730 {strides = array<i32>} : memref<640xf32, #tpu.memory_space<vmem>>, vector<16xf32>,
        %add3A_733 = arith.constant 32 : i32
        %add3A_734 = vector.broadcast %add3A_733 : i32 to vector<16xi32>
        %add3A_735 = arith.addi %iota3A, %add3A_734 : vector<16xi32>
        %mul3A_736 = arith.constant 8 : i32
        %mul3A_737 = vector.broadcast %mul3A_736 : i32 to vector<16xi32>
        %mul3A_738 = arith.muli %add3A_735, %mul3A_737 : vector<16xi32>
        %add3A_739 = arith.constant 2 : i32
        %add3A_740 = vector.broadcast %add3A_739 : i32 to vector<16xi32>
        %add3A_741 = arith.addi %mul3A_738, %add3A_740 : vector<16xi32>
        %gather3A_742 = tpu.vector_load_idx %arg9[%add3A_741] : memref<1024xf32, #tpu.memory_space<vmem>>[vector<16xi32>], vector<16xf32>,
        %get3A_743 = arith.constant 288 : index
        %get3A_744 = tpu.vector_load %arg10[%get3A_743] {strides = array<i32>} : memref<640xf32, #tpu.memory_space<vmem>>, vector<16xf32>,
        %jit3A_745 = arith.constant 0.000000e+00 : f32
        %broadcast_in_dim3A_746 = vector.broadcast %jit3A_745 : f32 to vector<16xf32>
        %select_n3A_747 = arith.select %and3A_696, %gather3A_742, %broadcast_in_dim3A_746 : vector<16xi1>, vector<16xf32>
        %add3A_748 = arith.addf %get3A_744, %select_n3A_747 : vector<16xf32>
        %swap3A_749 = arith.constant 288 : index
        %swap3A_750 = tpu.vector_load %arg10[%swap3A_749] {strides = array<i32>} : memref<640xf32, #tpu.memory_space<vmem>>, vector<16xf32>,
        tpu.vector_store %arg10[%swap3A_749], %add3A_748 {strides = array<i32>} : memref<640xf32, #tpu.memory_space<vmem>>, vector<16xf32>,
        %add3A_751 = arith.constant 32 : i32
        %add3A_752 = vector.broadcast %add3A_751 : i32 to vector<16xi32>
        %add3A_753 = arith.addi %iota3A, %add3A_752 : vector<16xi32>
        %mul3A_754 = arith.constant 8 : i32
        %mul3A_755 = vector.broadcast %mul3A_754 : i32 to vector<16xi32>
        %mul3A_756 = arith.muli %add3A_753, %mul3A_755 : vector<16xi32>
        %add3A_757 = arith.constant 3 : i32
        %add3A_758 = vector.broadcast %add3A_757 : i32 to vector<16xi32>
        %add3A_759 = arith.addi %mul3A_756, %add3A_758 : vector<16xi32>
        %gather3A_760 = tpu.vector_load_idx %arg9[%add3A_759] : memref<1024xf32, #tpu.memory_space<vmem>>[vector<16xi32>], vector<16xf32>,
        %get3A_761 = arith.constant 416 : index
        %get3A_762 = tpu.vector_load %arg10[%get3A_761] {strides = array<i32>} : memref<640xf32, #tpu.memory_space<vmem>>, vector<16xf32>,
        %jit3A_763 = arith.constant 0.000000e+00 : f32
        %broadcast_in_dim3A_764 = vector.broadcast %jit3A_763 : f32 to vector<16xf32>
        %select_n3A_765 = arith.select %and3A_696, %gather3A_760, %broadcast_in_dim3A_764 : vector<16xi1>, vector<16xf32>
        %add3A_766 = arith.addf %get3A_762, %select_n3A_765 : vector<16xf32>
        %swap3A_767 = arith.constant 416 : index
        %swap3A_768 = tpu.vector_load %arg10[%swap3A_767] {strides = array<i32>} : memref<640xf32, #tpu.memory_space<vmem>>, vector<16xf32>,
        tpu.vector_store %arg10[%swap3A_767], %add3A_766 {strides = array<i32>} : memref<640xf32, #tpu.memory_space<vmem>>, vector<16xf32>,
        %add3A_769 = arith.constant 32 : i32
        %add3A_770 = vector.broadcast %add3A_769 : i32 to vector<16xi32>
        %add3A_771 = arith.addi %iota3A, %add3A_770 : vector<16xi32>
        %mul3A_772 = arith.constant 8 : i32
        %mul3A_773 = vector.broadcast %mul3A_772 : i32 to vector<16xi32>
        %mul3A_774 = arith.muli %add3A_771, %mul3A_773 : vector<16xi32>
        %add3A_775 = arith.constant 4 : i32
        %add3A_776 = vector.broadcast %add3A_775 : i32 to vector<16xi32>
        %add3A_777 = arith.addi %mul3A_774, %add3A_776 : vector<16xi32>
        %gather3A_778 = tpu.vector_load_idx %arg9[%add3A_777] : memref<1024xf32, #tpu.memory_space<vmem>>[vector<16xi32>], vector<16xf32>,
        %get3A_779 = arith.constant 544 : index
        %get3A_780 = tpu.vector_load %arg10[%get3A_779] {strides = array<i32>} : memref<640xf32, #tpu.memory_space<vmem>>, vector<16xf32>,
        %jit3A_781 = arith.constant 0.000000e+00 : f32
        %broadcast_in_dim3A_782 = vector.broadcast %jit3A_781 : f32 to vector<16xf32>
        %select_n3A_783 = arith.select %and3A_696, %gather3A_778, %broadcast_in_dim3A_782 : vector<16xi1>, vector<16xf32>
        %add3A_784 = arith.addf %get3A_780, %select_n3A_783 : vector<16xf32>
        %swap3A_785 = arith.constant 544 : index
        %swap3A_786 = tpu.vector_load %arg10[%swap3A_785] {strides = array<i32>} : memref<640xf32, #tpu.memory_space<vmem>>, vector<16xf32>,
        tpu.vector_store %arg10[%swap3A_785], %add3A_784 {strides = array<i32>} : memref<640xf32, #tpu.memory_space<vmem>>, vector<16xf32>,
        %ge3A_787 = vector.broadcast %squeeze3A : f32 to vector<16xf32>
        %ge3A_788 = arith.cmpf oge, %convert_element_type3A_184, %ge3A_787 : vector<16xf32>
        %le3A_789 = vector.broadcast %squeeze3A_499 : f32 to vector<16xf32>
        %le3A_790 = arith.cmpf ole, %convert_element_type3A_184, %le3A_789 : vector<16xf32>
        %and3A_791 = arith.andi %ge3A_788, %le3A_790 : vector<16xi1>
        %add3A_792 = arith.constant 48 : i32
        %add3A_793 = vector.broadcast %add3A_792 : i32 to vector<16xi32>
        %add3A_794 = arith.addi %iota3A, %add3A_793 : vector<16xi32>
        %mul3A_795 = arith.constant 8 : i32
        %mul3A_796 = vector.broadcast %mul3A_795 : i32 to vector<16xi32>
        %mul3A_797 = arith.muli %add3A_794, %mul3A_796 : vector<16xi32>
        %add3A_798 = arith.constant 0 : i32
        %add3A_799 = vector.broadcast %add3A_798 : i32 to vector<16xi32>
        %add3A_800 = arith.addi %mul3A_797, %add3A_799 : vector<16xi32>
        %gather3A_801 = tpu.vector_load_idx %arg9[%add3A_800] : memref<1024xf32, #tpu.memory_space<vmem>>[vector<16xi32>], vector<16xf32>,
        %get3A_802 = arith.constant 48 : index
        %get3A_803 = tpu.vector_load %arg10[%get3A_802] {strides = array<i32>} : memref<640xf32, #tpu.memory_space<vmem>>, vector<16xf32>,
        %jit3A_804 = arith.constant 0.000000e+00 : f32
        %broadcast_in_dim3A_805 = vector.broadcast %jit3A_804 : f32 to vector<16xf32>
        %select_n3A_806 = arith.select %and3A_791, %gather3A_801, %broadcast_in_dim3A_805 : vector<16xi1>, vector<16xf32>
        %add3A_807 = arith.addf %get3A_803, %select_n3A_806 : vector<16xf32>
        %swap3A_808 = arith.constant 48 : index
        %swap3A_809 = tpu.vector_load %arg10[%swap3A_808] {strides = array<i32>} : memref<640xf32, #tpu.memory_space<vmem>>, vector<16xf32>,
        tpu.vector_store %arg10[%swap3A_808], %add3A_807 {strides = array<i32>} : memref<640xf32, #tpu.memory_space<vmem>>, vector<16xf32>,
        %add3A_810 = arith.constant 48 : i32
        %add3A_811 = vector.broadcast %add3A_810 : i32 to vector<16xi32>
        %add3A_812 = arith.addi %iota3A, %add3A_811 : vector<16xi32>
        %mul3A_813 = arith.constant 8 : i32
        %mul3A_814 = vector.broadcast %mul3A_813 : i32 to vector<16xi32>
        %mul3A_815 = arith.muli %add3A_812, %mul3A_814 : vector<16xi32>
        %add3A_816 = arith.constant 1 : i32
        %add3A_817 = vector.broadcast %add3A_816 : i32 to vector<16xi32>
        %add3A_818 = arith.addi %mul3A_815, %add3A_817 : vector<16xi32>
        %gather3A_819 = tpu.vector_load_idx %arg9[%add3A_818] : memref<1024xf32, #tpu.memory_space<vmem>>[vector<16xi32>], vector<16xf32>,
        %get3A_820 = arith.constant 176 : index
        %get3A_821 = tpu.vector_load %arg10[%get3A_820] {strides = array<i32>} : memref<640xf32, #tpu.memory_space<vmem>>, vector<16xf32>,
        %jit3A_822 = arith.constant 0.000000e+00 : f32
        %broadcast_in_dim3A_823 = vector.broadcast %jit3A_822 : f32 to vector<16xf32>
        %select_n3A_824 = arith.select %and3A_791, %gather3A_819, %broadcast_in_dim3A_823 : vector<16xi1>, vector<16xf32>
        %add3A_825 = arith.addf %get3A_821, %select_n3A_824 : vector<16xf32>
        %swap3A_826 = arith.constant 176 : index
        %swap3A_827 = tpu.vector_load %arg10[%swap3A_826] {strides = array<i32>} : memref<640xf32, #tpu.memory_space<vmem>>, vector<16xf32>,
        tpu.vector_store %arg10[%swap3A_826], %add3A_825 {strides = array<i32>} : memref<640xf32, #tpu.memory_space<vmem>>, vector<16xf32>,
        %add3A_828 = arith.constant 48 : i32
        %add3A_829 = vector.broadcast %add3A_828 : i32 to vector<16xi32>
        %add3A_830 = arith.addi %iota3A, %add3A_829 : vector<16xi32>
        %mul3A_831 = arith.constant 8 : i32
        %mul3A_832 = vector.broadcast %mul3A_831 : i32 to vector<16xi32>
        %mul3A_833 = arith.muli %add3A_830, %mul3A_832 : vector<16xi32>
        %add3A_834 = arith.constant 2 : i32
        %add3A_835 = vector.broadcast %add3A_834 : i32 to vector<16xi32>
        %add3A_836 = arith.addi %mul3A_833, %add3A_835 : vector<16xi32>
        %gather3A_837 = tpu.vector_load_idx %arg9[%add3A_836] : memref<1024xf32, #tpu.memory_space<vmem>>[vector<16xi32>], vector<16xf32>,
        %get3A_838 = arith.constant 304 : index
        %get3A_839 = tpu.vector_load %arg10[%get3A_838] {strides = array<i32>} : memref<640xf32, #tpu.memory_space<vmem>>, vector<16xf32>,
        %jit3A_840 = arith.constant 0.000000e+00 : f32
        %broadcast_in_dim3A_841 = vector.broadcast %jit3A_840 : f32 to vector<16xf32>
        %select_n3A_842 = arith.select %and3A_791, %gather3A_837, %broadcast_in_dim3A_841 : vector<16xi1>, vector<16xf32>
        %add3A_843 = arith.addf %get3A_839, %select_n3A_842 : vector<16xf32>
        %swap3A_844 = arith.constant 304 : index
        %swap3A_845 = tpu.vector_load %arg10[%swap3A_844] {strides = array<i32>} : memref<640xf32, #tpu.memory_space<vmem>>, vector<16xf32>,
        tpu.vector_store %arg10[%swap3A_844], %add3A_843 {strides = array<i32>} : memref<640xf32, #tpu.memory_space<vmem>>, vector<16xf32>,
        %add3A_846 = arith.constant 48 : i32
        %add3A_847 = vector.broadcast %add3A_846 : i32 to vector<16xi32>
        %add3A_848 = arith.addi %iota3A, %add3A_847 : vector<16xi32>
        %mul3A_849 = arith.constant 8 : i32
        %mul3A_850 = vector.broadcast %mul3A_849 : i32 to vector<16xi32>
        %mul3A_851 = arith.muli %add3A_848, %mul3A_850 : vector<16xi32>
        %add3A_852 = arith.constant 3 : i32
        %add3A_853 = vector.broadcast %add3A_852 : i32 to vector<16xi32>
        %add3A_854 = arith.addi %mul3A_851, %add3A_853 : vector<16xi32>
        %gather3A_855 = tpu.vector_load_idx %arg9[%add3A_854] : memref<1024xf32, #tpu.memory_space<vmem>>[vector<16xi32>], vector<16xf32>,
        %get3A_856 = arith.constant 432 : index
        %get3A_857 = tpu.vector_load %arg10[%get3A_856] {strides = array<i32>} : memref<640xf32, #tpu.memory_space<vmem>>, vector<16xf32>,
        %jit3A_858 = arith.constant 0.000000e+00 : f32
        %broadcast_in_dim3A_859 = vector.broadcast %jit3A_858 : f32 to vector<16xf32>
        %select_n3A_860 = arith.select %and3A_791, %gather3A_855, %broadcast_in_dim3A_859 : vector<16xi1>, vector<16xf32>
        %add3A_861 = arith.addf %get3A_857, %select_n3A_860 : vector<16xf32>
        %swap3A_862 = arith.constant 432 : index
        %swap3A_863 = tpu.vector_load %arg10[%swap3A_862] {strides = array<i32>} : memref<640xf32, #tpu.memory_space<vmem>>, vector<16xf32>,
        tpu.vector_store %arg10[%swap3A_862], %add3A_861 {strides = array<i32>} : memref<640xf32, #tpu.memory_space<vmem>>, vector<16xf32>,
        %add3A_864 = arith.constant 48 : i32
        %add3A_865 = vector.broadcast %add3A_864 : i32 to vector<16xi32>
        %add3A_866 = arith.addi %iota3A, %add3A_865 : vector<16xi32>
        %mul3A_867 = arith.constant 8 : i32
        %mul3A_868 = vector.broadcast %mul3A_867 : i32 to vector<16xi32>
        %mul3A_869 = arith.muli %add3A_866, %mul3A_868 : vector<16xi32>
        %add3A_870 = arith.constant 4 : i32
        %add3A_871 = vector.broadcast %add3A_870 : i32 to vector<16xi32>
        %add3A_872 = arith.addi %mul3A_869, %add3A_871 : vector<16xi32>
        %gather3A_873 = tpu.vector_load_idx %arg9[%add3A_872] : memref<1024xf32, #tpu.memory_space<vmem>>[vector<16xi32>], vector<16xf32>,
        %get3A_874 = arith.constant 560 : index
        %get3A_875 = tpu.vector_load %arg10[%get3A_874] {strides = array<i32>} : memref<640xf32, #tpu.memory_space<vmem>>, vector<16xf32>,
        %jit3A_876 = arith.constant 0.000000e+00 : f32
        %broadcast_in_dim3A_877 = vector.broadcast %jit3A_876 : f32 to vector<16xf32>
        %select_n3A_878 = arith.select %and3A_791, %gather3A_873, %broadcast_in_dim3A_877 : vector<16xi1>, vector<16xf32>
        %add3A_879 = arith.addf %get3A_875, %select_n3A_878 : vector<16xf32>
        %swap3A_880 = arith.constant 560 : index
        %swap3A_881 = tpu.vector_load %arg10[%swap3A_880] {strides = array<i32>} : memref<640xf32, #tpu.memory_space<vmem>>, vector<16xf32>,
        tpu.vector_store %arg10[%swap3A_880], %add3A_879 {strides = array<i32>} : memref<640xf32, #tpu.memory_space<vmem>>, vector<16xf32>,
        %ge3A_882 = vector.broadcast %squeeze3A : f32 to vector<16xf32>
        %ge3A_883 = arith.cmpf oge, %convert_element_type3A_189, %ge3A_882 : vector<16xf32>
        %le3A_884 = vector.broadcast %squeeze3A_499 : f32 to vector<16xf32>
        %le3A_885 = arith.cmpf ole, %convert_element_type3A_189, %le3A_884 : vector<16xf32>
        %and3A_886 = arith.andi %ge3A_883, %le3A_885 : vector<16xi1>
        %add3A_887 = arith.constant 64 : i32
        %add3A_888 = vector.broadcast %add3A_887 : i32 to vector<16xi32>
        %add3A_889 = arith.addi %iota3A, %add3A_888 : vector<16xi32>
        %mul3A_890 = arith.constant 8 : i32
        %mul3A_891 = vector.broadcast %mul3A_890 : i32 to vector<16xi32>
        %mul3A_892 = arith.muli %add3A_889, %mul3A_891 : vector<16xi32>
        %add3A_893 = arith.constant 0 : i32
        %add3A_894 = vector.broadcast %add3A_893 : i32 to vector<16xi32>
        %add3A_895 = arith.addi %mul3A_892, %add3A_894 : vector<16xi32>
        %gather3A_896 = tpu.vector_load_idx %arg9[%add3A_895] : memref<1024xf32, #tpu.memory_space<vmem>>[vector<16xi32>], vector<16xf32>,
        %get3A_897 = arith.constant 64 : index
        %get3A_898 = tpu.vector_load %arg10[%get3A_897] {strides = array<i32>} : memref<640xf32, #tpu.memory_space<vmem>>, vector<16xf32>,
        %jit3A_899 = arith.constant 0.000000e+00 : f32
        %broadcast_in_dim3A_900 = vector.broadcast %jit3A_899 : f32 to vector<16xf32>
        %select_n3A_901 = arith.select %and3A_886, %gather3A_896, %broadcast_in_dim3A_900 : vector<16xi1>, vector<16xf32>
        %add3A_902 = arith.addf %get3A_898, %select_n3A_901 : vector<16xf32>
        %swap3A_903 = arith.constant 64 : index
        %swap3A_904 = tpu.vector_load %arg10[%swap3A_903] {strides = array<i32>} : memref<640xf32, #tpu.memory_space<vmem>>, vector<16xf32>,
        tpu.vector_store %arg10[%swap3A_903], %add3A_902 {strides = array<i32>} : memref<640xf32, #tpu.memory_space<vmem>>, vector<16xf32>,
        %add3A_905 = arith.constant 64 : i32
        %add3A_906 = vector.broadcast %add3A_905 : i32 to vector<16xi32>
        %add3A_907 = arith.addi %iota3A, %add3A_906 : vector<16xi32>
        %mul3A_908 = arith.constant 8 : i32
        %mul3A_909 = vector.broadcast %mul3A_908 : i32 to vector<16xi32>
        %mul3A_910 = arith.muli %add3A_907, %mul3A_909 : vector<16xi32>
        %add3A_911 = arith.constant 1 : i32
        %add3A_912 = vector.broadcast %add3A_911 : i32 to vector<16xi32>
        %add3A_913 = arith.addi %mul3A_910, %add3A_912 : vector<16xi32>
        %gather3A_914 = tpu.vector_load_idx %arg9[%add3A_913] : memref<1024xf32, #tpu.memory_space<vmem>>[vector<16xi32>], vector<16xf32>,
        %get3A_915 = arith.constant 192 : index
        %get3A_916 = tpu.vector_load %arg10[%get3A_915] {strides = array<i32>} : memref<640xf32, #tpu.memory_space<vmem>>, vector<16xf32>,
        %jit3A_917 = arith.constant 0.000000e+00 : f32
        %broadcast_in_dim3A_918 = vector.broadcast %jit3A_917 : f32 to vector<16xf32>
        %select_n3A_919 = arith.select %and3A_886, %gather3A_914, %broadcast_in_dim3A_918 : vector<16xi1>, vector<16xf32>
        %add3A_920 = arith.addf %get3A_916, %select_n3A_919 : vector<16xf32>
        %swap3A_921 = arith.constant 192 : index
        %swap3A_922 = tpu.vector_load %arg10[%swap3A_921] {strides = array<i32>} : memref<640xf32, #tpu.memory_space<vmem>>, vector<16xf32>,
        tpu.vector_store %arg10[%swap3A_921], %add3A_920 {strides = array<i32>} : memref<640xf32, #tpu.memory_space<vmem>>, vector<16xf32>,
        %add3A_923 = arith.constant 64 : i32
        %add3A_924 = vector.broadcast %add3A_923 : i32 to vector<16xi32>
        %add3A_925 = arith.addi %iota3A, %add3A_924 : vector<16xi32>
        %mul3A_926 = arith.constant 8 : i32
        %mul3A_927 = vector.broadcast %mul3A_926 : i32 to vector<16xi32>
        %mul3A_928 = arith.muli %add3A_925, %mul3A_927 : vector<16xi32>
        %add3A_929 = arith.constant 2 : i32
        %add3A_930 = vector.broadcast %add3A_929 : i32 to vector<16xi32>
        %add3A_931 = arith.addi %mul3A_928, %add3A_930 : vector<16xi32>
        %gather3A_932 = tpu.vector_load_idx %arg9[%add3A_931] : memref<1024xf32, #tpu.memory_space<vmem>>[vector<16xi32>], vector<16xf32>,
        %get3A_933 = arith.constant 320 : index
        %get3A_934 = tpu.vector_load %arg10[%get3A_933] {strides = array<i32>} : memref<640xf32, #tpu.memory_space<vmem>>, vector<16xf32>,
        %jit3A_935 = arith.constant 0.000000e+00 : f32
        %broadcast_in_dim3A_936 = vector.broadcast %jit3A_935 : f32 to vector<16xf32>
        %select_n3A_937 = arith.select %and3A_886, %gather3A_932, %broadcast_in_dim3A_936 : vector<16xi1>, vector<16xf32>
        %add3A_938 = arith.addf %get3A_934, %select_n3A_937 : vector<16xf32>
        %swap3A_939 = arith.constant 320 : index
        %swap3A_940 = tpu.vector_load %arg10[%swap3A_939] {strides = array<i32>} : memref<640xf32, #tpu.memory_space<vmem>>, vector<16xf32>,
        tpu.vector_store %arg10[%swap3A_939], %add3A_938 {strides = array<i32>} : memref<640xf32, #tpu.memory_space<vmem>>, vector<16xf32>,
        %add3A_941 = arith.constant 64 : i32
        %add3A_942 = vector.broadcast %add3A_941 : i32 to vector<16xi32>
        %add3A_943 = arith.addi %iota3A, %add3A_942 : vector<16xi32>
        %mul3A_944 = arith.constant 8 : i32
        %mul3A_945 = vector.broadcast %mul3A_944 : i32 to vector<16xi32>
        %mul3A_946 = arith.muli %add3A_943, %mul3A_945 : vector<16xi32>
        %add3A_947 = arith.constant 3 : i32
        %add3A_948 = vector.broadcast %add3A_947 : i32 to vector<16xi32>
        %add3A_949 = arith.addi %mul3A_946, %add3A_948 : vector<16xi32>
        %gather3A_950 = tpu.vector_load_idx %arg9[%add3A_949] : memref<1024xf32, #tpu.memory_space<vmem>>[vector<16xi32>], vector<16xf32>,
        %get3A_951 = arith.constant 448 : index
        %get3A_952 = tpu.vector_load %arg10[%get3A_951] {strides = array<i32>} : memref<640xf32, #tpu.memory_space<vmem>>, vector<16xf32>,
        %jit3A_953 = arith.constant 0.000000e+00 : f32
        %broadcast_in_dim3A_954 = vector.broadcast %jit3A_953 : f32 to vector<16xf32>
        %select_n3A_955 = arith.select %and3A_886, %gather3A_950, %broadcast_in_dim3A_954 : vector<16xi1>, vector<16xf32>
        %add3A_956 = arith.addf %get3A_952, %select_n3A_955 : vector<16xf32>
        %swap3A_957 = arith.constant 448 : index
        %swap3A_958 = tpu.vector_load %arg10[%swap3A_957] {strides = array<i32>} : memref<640xf32, #tpu.memory_space<vmem>>, vector<16xf32>,
        tpu.vector_store %arg10[%swap3A_957], %add3A_956 {strides = array<i32>} : memref<640xf32, #tpu.memory_space<vmem>>, vector<16xf32>,
        %add3A_959 = arith.constant 64 : i32
        %add3A_960 = vector.broadcast %add3A_959 : i32 to vector<16xi32>
        %add3A_961 = arith.addi %iota3A, %add3A_960 : vector<16xi32>
        %mul3A_962 = arith.constant 8 : i32
        %mul3A_963 = vector.broadcast %mul3A_962 : i32 to vector<16xi32>
        %mul3A_964 = arith.muli %add3A_961, %mul3A_963 : vector<16xi32>
        %add3A_965 = arith.constant 4 : i32
        %add3A_966 = vector.broadcast %add3A_965 : i32 to vector<16xi32>
        %add3A_967 = arith.addi %mul3A_964, %add3A_966 : vector<16xi32>
        %gather3A_968 = tpu.vector_load_idx %arg9[%add3A_967] : memref<1024xf32, #tpu.memory_space<vmem>>[vector<16xi32>], vector<16xf32>,
        %get3A_969 = arith.constant 576 : index
        %get3A_970 = tpu.vector_load %arg10[%get3A_969] {strides = array<i32>} : memref<640xf32, #tpu.memory_space<vmem>>, vector<16xf32>,
        %jit3A_971 = arith.constant 0.000000e+00 : f32
        %broadcast_in_dim3A_972 = vector.broadcast %jit3A_971 : f32 to vector<16xf32>
        %select_n3A_973 = arith.select %and3A_886, %gather3A_968, %broadcast_in_dim3A_972 : vector<16xi1>, vector<16xf32>
        %add3A_974 = arith.addf %get3A_970, %select_n3A_973 : vector<16xf32>
        %swap3A_975 = arith.constant 576 : index
        %swap3A_976 = tpu.vector_load %arg10[%swap3A_975] {strides = array<i32>} : memref<640xf32, #tpu.memory_space<vmem>>, vector<16xf32>,
        tpu.vector_store %arg10[%swap3A_975], %add3A_974 {strides = array<i32>} : memref<640xf32, #tpu.memory_space<vmem>>, vector<16xf32>,
        %ge3A_977 = vector.broadcast %squeeze3A : f32 to vector<16xf32>
        %ge3A_978 = arith.cmpf oge, %convert_element_type3A_194, %ge3A_977 : vector<16xf32>
        %le3A_979 = vector.broadcast %squeeze3A_499 : f32 to vector<16xf32>
        %le3A_980 = arith.cmpf ole, %convert_element_type3A_194, %le3A_979 : vector<16xf32>
        %and3A_981 = arith.andi %ge3A_978, %le3A_980 : vector<16xi1>
        %add3A_982 = arith.constant 80 : i32
        %add3A_983 = vector.broadcast %add3A_982 : i32 to vector<16xi32>
        %add3A_984 = arith.addi %iota3A, %add3A_983 : vector<16xi32>
        %mul3A_985 = arith.constant 8 : i32
        %mul3A_986 = vector.broadcast %mul3A_985 : i32 to vector<16xi32>
        %mul3A_987 = arith.muli %add3A_984, %mul3A_986 : vector<16xi32>
        %add3A_988 = arith.constant 0 : i32
        %add3A_989 = vector.broadcast %add3A_988 : i32 to vector<16xi32>
        %add3A_990 = arith.addi %mul3A_987, %add3A_989 : vector<16xi32>
        %gather3A_991 = tpu.vector_load_idx %arg9[%add3A_990] : memref<1024xf32, #tpu.memory_space<vmem>>[vector<16xi32>], vector<16xf32>,
        %get3A_992 = arith.constant 80 : index
        %get3A_993 = tpu.vector_load %arg10[%get3A_992] {strides = array<i32>} : memref<640xf32, #tpu.memory_space<vmem>>, vector<16xf32>,
        %jit3A_994 = arith.constant 0.000000e+00 : f32
        %broadcast_in_dim3A_995 = vector.broadcast %jit3A_994 : f32 to vector<16xf32>
        %select_n3A_996 = arith.select %and3A_981, %gather3A_991, %broadcast_in_dim3A_995 : vector<16xi1>, vector<16xf32>
        %add3A_997 = arith.addf %get3A_993, %select_n3A_996 : vector<16xf32>
        %swap3A_998 = arith.constant 80 : index
        %swap3A_999 = tpu.vector_load %arg10[%swap3A_998] {strides = array<i32>} : memref<640xf32, #tpu.memory_space<vmem>>, vector<16xf32>,
        tpu.vector_store %arg10[%swap3A_998], %add3A_997 {strides = array<i32>} : memref<640xf32, #tpu.memory_space<vmem>>, vector<16xf32>,
        %add3A_1000 = arith.constant 80 : i32
        %add3A_1001 = vector.broadcast %add3A_1000 : i32 to vector<16xi32>
        %add3A_1002 = arith.addi %iota3A, %add3A_1001 : vector<16xi32>
        %mul3A_1003 = arith.constant 8 : i32
        %mul3A_1004 = vector.broadcast %mul3A_1003 : i32 to vector<16xi32>
        %mul3A_1005 = arith.muli %add3A_1002, %mul3A_1004 : vector<16xi32>
        %add3A_1006 = arith.constant 1 : i32
        %add3A_1007 = vector.broadcast %add3A_1006 : i32 to vector<16xi32>
        %add3A_1008 = arith.addi %mul3A_1005, %add3A_1007 : vector<16xi32>
        %gather3A_1009 = tpu.vector_load_idx %arg9[%add3A_1008] : memref<1024xf32, #tpu.memory_space<vmem>>[vector<16xi32>], vector<16xf32>,
        %get3A_1010 = arith.constant 208 : index
        %get3A_1011 = tpu.vector_load %arg10[%get3A_1010] {strides = array<i32>} : memref<640xf32, #tpu.memory_space<vmem>>, vector<16xf32>,
        %jit3A_1012 = arith.constant 0.000000e+00 : f32
        %broadcast_in_dim3A_1013 = vector.broadcast %jit3A_1012 : f32 to vector<16xf32>
        %select_n3A_1014 = arith.select %and3A_981, %gather3A_1009, %broadcast_in_dim3A_1013 : vector<16xi1>, vector<16xf32>
        %add3A_1015 = arith.addf %get3A_1011, %select_n3A_1014 : vector<16xf32>
        %swap3A_1016 = arith.constant 208 : index
        %swap3A_1017 = tpu.vector_load %arg10[%swap3A_1016] {strides = array<i32>} : memref<640xf32, #tpu.memory_space<vmem>>, vector<16xf32>,
        tpu.vector_store %arg10[%swap3A_1016], %add3A_1015 {strides = array<i32>} : memref<640xf32, #tpu.memory_space<vmem>>, vector<16xf32>,
        %add3A_1018 = arith.constant 80 : i32
        %add3A_1019 = vector.broadcast %add3A_1018 : i32 to vector<16xi32>
        %add3A_1020 = arith.addi %iota3A, %add3A_1019 : vector<16xi32>
        %mul3A_1021 = arith.constant 8 : i32
        %mul3A_1022 = vector.broadcast %mul3A_1021 : i32 to vector<16xi32>
        %mul3A_1023 = arith.muli %add3A_1020, %mul3A_1022 : vector<16xi32>
        %add3A_1024 = arith.constant 2 : i32
        %add3A_1025 = vector.broadcast %add3A_1024 : i32 to vector<16xi32>
        %add3A_1026 = arith.addi %mul3A_1023, %add3A_1025 : vector<16xi32>
        %gather3A_1027 = tpu.vector_load_idx %arg9[%add3A_1026] : memref<1024xf32, #tpu.memory_space<vmem>>[vector<16xi32>], vector<16xf32>,
        %get3A_1028 = arith.constant 336 : index
        %get3A_1029 = tpu.vector_load %arg10[%get3A_1028] {strides = array<i32>} : memref<640xf32, #tpu.memory_space<vmem>>, vector<16xf32>,
        %jit3A_1030 = arith.constant 0.000000e+00 : f32
        %broadcast_in_dim3A_1031 = vector.broadcast %jit3A_1030 : f32 to vector<16xf32>
        %select_n3A_1032 = arith.select %and3A_981, %gather3A_1027, %broadcast_in_dim3A_1031 : vector<16xi1>, vector<16xf32>
        %add3A_1033 = arith.addf %get3A_1029, %select_n3A_1032 : vector<16xf32>
        %swap3A_1034 = arith.constant 336 : index
        %swap3A_1035 = tpu.vector_load %arg10[%swap3A_1034] {strides = array<i32>} : memref<640xf32, #tpu.memory_space<vmem>>, vector<16xf32>,
        tpu.vector_store %arg10[%swap3A_1034], %add3A_1033 {strides = array<i32>} : memref<640xf32, #tpu.memory_space<vmem>>, vector<16xf32>,
        %add3A_1036 = arith.constant 80 : i32
        %add3A_1037 = vector.broadcast %add3A_1036 : i32 to vector<16xi32>
        %add3A_1038 = arith.addi %iota3A, %add3A_1037 : vector<16xi32>
        %mul3A_1039 = arith.constant 8 : i32
        %mul3A_1040 = vector.broadcast %mul3A_1039 : i32 to vector<16xi32>
        %mul3A_1041 = arith.muli %add3A_1038, %mul3A_1040 : vector<16xi32>
        %add3A_1042 = arith.constant 3 : i32
        %add3A_1043 = vector.broadcast %add3A_1042 : i32 to vector<16xi32>
        %add3A_1044 = arith.addi %mul3A_1041, %add3A_1043 : vector<16xi32>
        %gather3A_1045 = tpu.vector_load_idx %arg9[%add3A_1044] : memref<1024xf32, #tpu.memory_space<vmem>>[vector<16xi32>], vector<16xf32>,
        %get3A_1046 = arith.constant 464 : index
        %get3A_1047 = tpu.vector_load %arg10[%get3A_1046] {strides = array<i32>} : memref<640xf32, #tpu.memory_space<vmem>>, vector<16xf32>,
        %jit3A_1048 = arith.constant 0.000000e+00 : f32
        %broadcast_in_dim3A_1049 = vector.broadcast %jit3A_1048 : f32 to vector<16xf32>
        %select_n3A_1050 = arith.select %and3A_981, %gather3A_1045, %broadcast_in_dim3A_1049 : vector<16xi1>, vector<16xf32>
        %add3A_1051 = arith.addf %get3A_1047, %select_n3A_1050 : vector<16xf32>
        %swap3A_1052 = arith.constant 464 : index
        %swap3A_1053 = tpu.vector_load %arg10[%swap3A_1052] {strides = array<i32>} : memref<640xf32, #tpu.memory_space<vmem>>, vector<16xf32>,
        tpu.vector_store %arg10[%swap3A_1052], %add3A_1051 {strides = array<i32>} : memref<640xf32, #tpu.memory_space<vmem>>, vector<16xf32>,
        %add3A_1054 = arith.constant 80 : i32
        %add3A_1055 = vector.broadcast %add3A_1054 : i32 to vector<16xi32>
        %add3A_1056 = arith.addi %iota3A, %add3A_1055 : vector<16xi32>
        %mul3A_1057 = arith.constant 8 : i32
        %mul3A_1058 = vector.broadcast %mul3A_1057 : i32 to vector<16xi32>
        %mul3A_1059 = arith.muli %add3A_1056, %mul3A_1058 : vector<16xi32>
        %add3A_1060 = arith.constant 4 : i32
        %add3A_1061 = vector.broadcast %add3A_1060 : i32 to vector<16xi32>
        %add3A_1062 = arith.addi %mul3A_1059, %add3A_1061 : vector<16xi32>
        %gather3A_1063 = tpu.vector_load_idx %arg9[%add3A_1062] : memref<1024xf32, #tpu.memory_space<vmem>>[vector<16xi32>], vector<16xf32>,
        %get3A_1064 = arith.constant 592 : index
        %get3A_1065 = tpu.vector_load %arg10[%get3A_1064] {strides = array<i32>} : memref<640xf32, #tpu.memory_space<vmem>>, vector<16xf32>,
        %jit3A_1066 = arith.constant 0.000000e+00 : f32
        %broadcast_in_dim3A_1067 = vector.broadcast %jit3A_1066 : f32 to vector<16xf32>
        %select_n3A_1068 = arith.select %and3A_981, %gather3A_1063, %broadcast_in_dim3A_1067 : vector<16xi1>, vector<16xf32>
        %add3A_1069 = arith.addf %get3A_1065, %select_n3A_1068 : vector<16xf32>
        %swap3A_1070 = arith.constant 592 : index
        %swap3A_1071 = tpu.vector_load %arg10[%swap3A_1070] {strides = array<i32>} : memref<640xf32, #tpu.memory_space<vmem>>, vector<16xf32>,
        tpu.vector_store %arg10[%swap3A_1070], %add3A_1069 {strides = array<i32>} : memref<640xf32, #tpu.memory_space<vmem>>, vector<16xf32>,
        %ge3A_1072 = vector.broadcast %squeeze3A : f32 to vector<16xf32>
        %ge3A_1073 = arith.cmpf oge, %convert_element_type3A_199, %ge3A_1072 : vector<16xf32>
        %le3A_1074 = vector.broadcast %squeeze3A_499 : f32 to vector<16xf32>
        %le3A_1075 = arith.cmpf ole, %convert_element_type3A_199, %le3A_1074 : vector<16xf32>
        %and3A_1076 = arith.andi %ge3A_1073, %le3A_1075 : vector<16xi1>
        %add3A_1077 = arith.constant 96 : i32
        %add3A_1078 = vector.broadcast %add3A_1077 : i32 to vector<16xi32>
        %add3A_1079 = arith.addi %iota3A, %add3A_1078 : vector<16xi32>
        %mul3A_1080 = arith.constant 8 : i32
        %mul3A_1081 = vector.broadcast %mul3A_1080 : i32 to vector<16xi32>
        %mul3A_1082 = arith.muli %add3A_1079, %mul3A_1081 : vector<16xi32>
        %add3A_1083 = arith.constant 0 : i32
        %add3A_1084 = vector.broadcast %add3A_1083 : i32 to vector<16xi32>
        %add3A_1085 = arith.addi %mul3A_1082, %add3A_1084 : vector<16xi32>
        %gather3A_1086 = tpu.vector_load_idx %arg9[%add3A_1085] : memref<1024xf32, #tpu.memory_space<vmem>>[vector<16xi32>], vector<16xf32>,
        %get3A_1087 = arith.constant 96 : index
        %get3A_1088 = tpu.vector_load %arg10[%get3A_1087] {strides = array<i32>} : memref<640xf32, #tpu.memory_space<vmem>>, vector<16xf32>,
        %jit3A_1089 = arith.constant 0.000000e+00 : f32
        %broadcast_in_dim3A_1090 = vector.broadcast %jit3A_1089 : f32 to vector<16xf32>
        %select_n3A_1091 = arith.select %and3A_1076, %gather3A_1086, %broadcast_in_dim3A_1090 : vector<16xi1>, vector<16xf32>
        %add3A_1092 = arith.addf %get3A_1088, %select_n3A_1091 : vector<16xf32>
        %swap3A_1093 = arith.constant 96 : index
        %swap3A_1094 = tpu.vector_load %arg10[%swap3A_1093] {strides = array<i32>} : memref<640xf32, #tpu.memory_space<vmem>>, vector<16xf32>,
        tpu.vector_store %arg10[%swap3A_1093], %add3A_1092 {strides = array<i32>} : memref<640xf32, #tpu.memory_space<vmem>>, vector<16xf32>,
        %add3A_1095 = arith.constant 96 : i32
        %add3A_1096 = vector.broadcast %add3A_1095 : i32 to vector<16xi32>
        %add3A_1097 = arith.addi %iota3A, %add3A_1096 : vector<16xi32>
        %mul3A_1098 = arith.constant 8 : i32
        %mul3A_1099 = vector.broadcast %mul3A_1098 : i32 to vector<16xi32>
        %mul3A_1100 = arith.muli %add3A_1097, %mul3A_1099 : vector<16xi32>
        %add3A_1101 = arith.constant 1 : i32
        %add3A_1102 = vector.broadcast %add3A_1101 : i32 to vector<16xi32>
        %add3A_1103 = arith.addi %mul3A_1100, %add3A_1102 : vector<16xi32>
        %gather3A_1104 = tpu.vector_load_idx %arg9[%add3A_1103] : memref<1024xf32, #tpu.memory_space<vmem>>[vector<16xi32>], vector<16xf32>,
        %get3A_1105 = arith.constant 224 : index
        %get3A_1106 = tpu.vector_load %arg10[%get3A_1105] {strides = array<i32>} : memref<640xf32, #tpu.memory_space<vmem>>, vector<16xf32>,
        %jit3A_1107 = arith.constant 0.000000e+00 : f32
        %broadcast_in_dim3A_1108 = vector.broadcast %jit3A_1107 : f32 to vector<16xf32>
        %select_n3A_1109 = arith.select %and3A_1076, %gather3A_1104, %broadcast_in_dim3A_1108 : vector<16xi1>, vector<16xf32>
        %add3A_1110 = arith.addf %get3A_1106, %select_n3A_1109 : vector<16xf32>
        %swap3A_1111 = arith.constant 224 : index
        %swap3A_1112 = tpu.vector_load %arg10[%swap3A_1111] {strides = array<i32>} : memref<640xf32, #tpu.memory_space<vmem>>, vector<16xf32>,
        tpu.vector_store %arg10[%swap3A_1111], %add3A_1110 {strides = array<i32>} : memref<640xf32, #tpu.memory_space<vmem>>, vector<16xf32>,
        %add3A_1113 = arith.constant 96 : i32
        %add3A_1114 = vector.broadcast %add3A_1113 : i32 to vector<16xi32>
        %add3A_1115 = arith.addi %iota3A, %add3A_1114 : vector<16xi32>
        %mul3A_1116 = arith.constant 8 : i32
        %mul3A_1117 = vector.broadcast %mul3A_1116 : i32 to vector<16xi32>
        %mul3A_1118 = arith.muli %add3A_1115, %mul3A_1117 : vector<16xi32>
        %add3A_1119 = arith.constant 2 : i32
        %add3A_1120 = vector.broadcast %add3A_1119 : i32 to vector<16xi32>
        %add3A_1121 = arith.addi %mul3A_1118, %add3A_1120 : vector<16xi32>
        %gather3A_1122 = tpu.vector_load_idx %arg9[%add3A_1121] : memref<1024xf32, #tpu.memory_space<vmem>>[vector<16xi32>], vector<16xf32>,
        %get3A_1123 = arith.constant 352 : index
        %get3A_1124 = tpu.vector_load %arg10[%get3A_1123] {strides = array<i32>} : memref<640xf32, #tpu.memory_space<vmem>>, vector<16xf32>,
        %jit3A_1125 = arith.constant 0.000000e+00 : f32
        %broadcast_in_dim3A_1126 = vector.broadcast %jit3A_1125 : f32 to vector<16xf32>
        %select_n3A_1127 = arith.select %and3A_1076, %gather3A_1122, %broadcast_in_dim3A_1126 : vector<16xi1>, vector<16xf32>
        %add3A_1128 = arith.addf %get3A_1124, %select_n3A_1127 : vector<16xf32>
        %swap3A_1129 = arith.constant 352 : index
        %swap3A_1130 = tpu.vector_load %arg10[%swap3A_1129] {strides = array<i32>} : memref<640xf32, #tpu.memory_space<vmem>>, vector<16xf32>,
        tpu.vector_store %arg10[%swap3A_1129], %add3A_1128 {strides = array<i32>} : memref<640xf32, #tpu.memory_space<vmem>>, vector<16xf32>,
        %add3A_1131 = arith.constant 96 : i32
        %add3A_1132 = vector.broadcast %add3A_1131 : i32 to vector<16xi32>
        %add3A_1133 = arith.addi %iota3A, %add3A_1132 : vector<16xi32>
        %mul3A_1134 = arith.constant 8 : i32
        %mul3A_1135 = vector.broadcast %mul3A_1134 : i32 to vector<16xi32>
        %mul3A_1136 = arith.muli %add3A_1133, %mul3A_1135 : vector<16xi32>
        %add3A_1137 = arith.constant 3 : i32
        %add3A_1138 = vector.broadcast %add3A_1137 : i32 to vector<16xi32>
        %add3A_1139 = arith.addi %mul3A_1136, %add3A_1138 : vector<16xi32>
        %gather3A_1140 = tpu.vector_load_idx %arg9[%add3A_1139] : memref<1024xf32, #tpu.memory_space<vmem>>[vector<16xi32>], vector<16xf32>,
        %get3A_1141 = arith.constant 480 : index
        %get3A_1142 = tpu.vector_load %arg10[%get3A_1141] {strides = array<i32>} : memref<640xf32, #tpu.memory_space<vmem>>, vector<16xf32>,
        %jit3A_1143 = arith.constant 0.000000e+00 : f32
        %broadcast_in_dim3A_1144 = vector.broadcast %jit3A_1143 : f32 to vector<16xf32>
        %select_n3A_1145 = arith.select %and3A_1076, %gather3A_1140, %broadcast_in_dim3A_1144 : vector<16xi1>, vector<16xf32>
        %add3A_1146 = arith.addf %get3A_1142, %select_n3A_1145 : vector<16xf32>
        %swap3A_1147 = arith.constant 480 : index
        %swap3A_1148 = tpu.vector_load %arg10[%swap3A_1147] {strides = array<i32>} : memref<640xf32, #tpu.memory_space<vmem>>, vector<16xf32>,
        tpu.vector_store %arg10[%swap3A_1147], %add3A_1146 {strides = array<i32>} : memref<640xf32, #tpu.memory_space<vmem>>, vector<16xf32>,
        %add3A_1149 = arith.constant 96 : i32
        %add3A_1150 = vector.broadcast %add3A_1149 : i32 to vector<16xi32>
        %add3A_1151 = arith.addi %iota3A, %add3A_1150 : vector<16xi32>
        %mul3A_1152 = arith.constant 8 : i32
        %mul3A_1153 = vector.broadcast %mul3A_1152 : i32 to vector<16xi32>
        %mul3A_1154 = arith.muli %add3A_1151, %mul3A_1153 : vector<16xi32>
        %add3A_1155 = arith.constant 4 : i32
        %add3A_1156 = vector.broadcast %add3A_1155 : i32 to vector<16xi32>
        %add3A_1157 = arith.addi %mul3A_1154, %add3A_1156 : vector<16xi32>
        %gather3A_1158 = tpu.vector_load_idx %arg9[%add3A_1157] : memref<1024xf32, #tpu.memory_space<vmem>>[vector<16xi32>], vector<16xf32>,
        %get3A_1159 = arith.constant 608 : index
        %get3A_1160 = tpu.vector_load %arg10[%get3A_1159] {strides = array<i32>} : memref<640xf32, #tpu.memory_space<vmem>>, vector<16xf32>,
        %jit3A_1161 = arith.constant 0.000000e+00 : f32
        %broadcast_in_dim3A_1162 = vector.broadcast %jit3A_1161 : f32 to vector<16xf32>
        %select_n3A_1163 = arith.select %and3A_1076, %gather3A_1158, %broadcast_in_dim3A_1162 : vector<16xi1>, vector<16xf32>
        %add3A_1164 = arith.addf %get3A_1160, %select_n3A_1163 : vector<16xf32>
        %swap3A_1165 = arith.constant 608 : index
        %swap3A_1166 = tpu.vector_load %arg10[%swap3A_1165] {strides = array<i32>} : memref<640xf32, #tpu.memory_space<vmem>>, vector<16xf32>,
        tpu.vector_store %arg10[%swap3A_1165], %add3A_1164 {strides = array<i32>} : memref<640xf32, #tpu.memory_space<vmem>>, vector<16xf32>,
        %ge3A_1167 = vector.broadcast %squeeze3A : f32 to vector<16xf32>
        %ge3A_1168 = arith.cmpf oge, %convert_element_type3A_204, %ge3A_1167 : vector<16xf32>
        %le3A_1169 = vector.broadcast %squeeze3A_499 : f32 to vector<16xf32>
        %le3A_1170 = arith.cmpf ole, %convert_element_type3A_204, %le3A_1169 : vector<16xf32>
        %and3A_1171 = arith.andi %ge3A_1168, %le3A_1170 : vector<16xi1>
        %add3A_1172 = arith.constant 112 : i32
        %add3A_1173 = vector.broadcast %add3A_1172 : i32 to vector<16xi32>
        %add3A_1174 = arith.addi %iota3A, %add3A_1173 : vector<16xi32>
        %mul3A_1175 = arith.constant 8 : i32
        %mul3A_1176 = vector.broadcast %mul3A_1175 : i32 to vector<16xi32>
        %mul3A_1177 = arith.muli %add3A_1174, %mul3A_1176 : vector<16xi32>
        %add3A_1178 = arith.constant 0 : i32
        %add3A_1179 = vector.broadcast %add3A_1178 : i32 to vector<16xi32>
        %add3A_1180 = arith.addi %mul3A_1177, %add3A_1179 : vector<16xi32>
        %gather3A_1181 = tpu.vector_load_idx %arg9[%add3A_1180] : memref<1024xf32, #tpu.memory_space<vmem>>[vector<16xi32>], vector<16xf32>,
        %get3A_1182 = arith.constant 112 : index
        %get3A_1183 = tpu.vector_load %arg10[%get3A_1182] {strides = array<i32>} : memref<640xf32, #tpu.memory_space<vmem>>, vector<16xf32>,
        %jit3A_1184 = arith.constant 0.000000e+00 : f32
        %broadcast_in_dim3A_1185 = vector.broadcast %jit3A_1184 : f32 to vector<16xf32>
        %select_n3A_1186 = arith.select %and3A_1171, %gather3A_1181, %broadcast_in_dim3A_1185 : vector<16xi1>, vector<16xf32>
        %add3A_1187 = arith.addf %get3A_1183, %select_n3A_1186 : vector<16xf32>
        %swap3A_1188 = arith.constant 112 : index
        %swap3A_1189 = tpu.vector_load %arg10[%swap3A_1188] {strides = array<i32>} : memref<640xf32, #tpu.memory_space<vmem>>, vector<16xf32>,
        tpu.vector_store %arg10[%swap3A_1188], %add3A_1187 {strides = array<i32>} : memref<640xf32, #tpu.memory_space<vmem>>, vector<16xf32>,
        %add3A_1190 = arith.constant 112 : i32
        %add3A_1191 = vector.broadcast %add3A_1190 : i32 to vector<16xi32>
        %add3A_1192 = arith.addi %iota3A, %add3A_1191 : vector<16xi32>
        %mul3A_1193 = arith.constant 8 : i32
        %mul3A_1194 = vector.broadcast %mul3A_1193 : i32 to vector<16xi32>
        %mul3A_1195 = arith.muli %add3A_1192, %mul3A_1194 : vector<16xi32>
        %add3A_1196 = arith.constant 1 : i32
        %add3A_1197 = vector.broadcast %add3A_1196 : i32 to vector<16xi32>
        %add3A_1198 = arith.addi %mul3A_1195, %add3A_1197 : vector<16xi32>
        %gather3A_1199 = tpu.vector_load_idx %arg9[%add3A_1198] : memref<1024xf32, #tpu.memory_space<vmem>>[vector<16xi32>], vector<16xf32>,
        %get3A_1200 = arith.constant 240 : index
        %get3A_1201 = tpu.vector_load %arg10[%get3A_1200] {strides = array<i32>} : memref<640xf32, #tpu.memory_space<vmem>>, vector<16xf32>,
        %jit3A_1202 = arith.constant 0.000000e+00 : f32
        %broadcast_in_dim3A_1203 = vector.broadcast %jit3A_1202 : f32 to vector<16xf32>
        %select_n3A_1204 = arith.select %and3A_1171, %gather3A_1199, %broadcast_in_dim3A_1203 : vector<16xi1>, vector<16xf32>
        %add3A_1205 = arith.addf %get3A_1201, %select_n3A_1204 : vector<16xf32>
        %swap3A_1206 = arith.constant 240 : index
        %swap3A_1207 = tpu.vector_load %arg10[%swap3A_1206] {strides = array<i32>} : memref<640xf32, #tpu.memory_space<vmem>>, vector<16xf32>,
        tpu.vector_store %arg10[%swap3A_1206], %add3A_1205 {strides = array<i32>} : memref<640xf32, #tpu.memory_space<vmem>>, vector<16xf32>,
        %add3A_1208 = arith.constant 112 : i32
        %add3A_1209 = vector.broadcast %add3A_1208 : i32 to vector<16xi32>
        %add3A_1210 = arith.addi %iota3A, %add3A_1209 : vector<16xi32>
        %mul3A_1211 = arith.constant 8 : i32
        %mul3A_1212 = vector.broadcast %mul3A_1211 : i32 to vector<16xi32>
        %mul3A_1213 = arith.muli %add3A_1210, %mul3A_1212 : vector<16xi32>
        %add3A_1214 = arith.constant 2 : i32
        %add3A_1215 = vector.broadcast %add3A_1214 : i32 to vector<16xi32>
        %add3A_1216 = arith.addi %mul3A_1213, %add3A_1215 : vector<16xi32>
        %gather3A_1217 = tpu.vector_load_idx %arg9[%add3A_1216] : memref<1024xf32, #tpu.memory_space<vmem>>[vector<16xi32>], vector<16xf32>,
        %get3A_1218 = arith.constant 368 : index
        %get3A_1219 = tpu.vector_load %arg10[%get3A_1218] {strides = array<i32>} : memref<640xf32, #tpu.memory_space<vmem>>, vector<16xf32>,
        %jit3A_1220 = arith.constant 0.000000e+00 : f32
        %broadcast_in_dim3A_1221 = vector.broadcast %jit3A_1220 : f32 to vector<16xf32>
        %select_n3A_1222 = arith.select %and3A_1171, %gather3A_1217, %broadcast_in_dim3A_1221 : vector<16xi1>, vector<16xf32>
        %add3A_1223 = arith.addf %get3A_1219, %select_n3A_1222 : vector<16xf32>
        %swap3A_1224 = arith.constant 368 : index
        %swap3A_1225 = tpu.vector_load %arg10[%swap3A_1224] {strides = array<i32>} : memref<640xf32, #tpu.memory_space<vmem>>, vector<16xf32>,
        tpu.vector_store %arg10[%swap3A_1224], %add3A_1223 {strides = array<i32>} : memref<640xf32, #tpu.memory_space<vmem>>, vector<16xf32>,
        %add3A_1226 = arith.constant 112 : i32
        %add3A_1227 = vector.broadcast %add3A_1226 : i32 to vector<16xi32>
        %add3A_1228 = arith.addi %iota3A, %add3A_1227 : vector<16xi32>
        %mul3A_1229 = arith.constant 8 : i32
        %mul3A_1230 = vector.broadcast %mul3A_1229 : i32 to vector<16xi32>
        %mul3A_1231 = arith.muli %add3A_1228, %mul3A_1230 : vector<16xi32>
        %add3A_1232 = arith.constant 3 : i32
        %add3A_1233 = vector.broadcast %add3A_1232 : i32 to vector<16xi32>
        %add3A_1234 = arith.addi %mul3A_1231, %add3A_1233 : vector<16xi32>
        %gather3A_1235 = tpu.vector_load_idx %arg9[%add3A_1234] : memref<1024xf32, #tpu.memory_space<vmem>>[vector<16xi32>], vector<16xf32>,
        %get3A_1236 = arith.constant 496 : index
        %get3A_1237 = tpu.vector_load %arg10[%get3A_1236] {strides = array<i32>} : memref<640xf32, #tpu.memory_space<vmem>>, vector<16xf32>,
        %jit3A_1238 = arith.constant 0.000000e+00 : f32
        %broadcast_in_dim3A_1239 = vector.broadcast %jit3A_1238 : f32 to vector<16xf32>
        %select_n3A_1240 = arith.select %and3A_1171, %gather3A_1235, %broadcast_in_dim3A_1239 : vector<16xi1>, vector<16xf32>
        %add3A_1241 = arith.addf %get3A_1237, %select_n3A_1240 : vector<16xf32>
        %swap3A_1242 = arith.constant 496 : index
        %swap3A_1243 = tpu.vector_load %arg10[%swap3A_1242] {strides = array<i32>} : memref<640xf32, #tpu.memory_space<vmem>>, vector<16xf32>,
        tpu.vector_store %arg10[%swap3A_1242], %add3A_1241 {strides = array<i32>} : memref<640xf32, #tpu.memory_space<vmem>>, vector<16xf32>,
        %add3A_1244 = arith.constant 112 : i32
        %add3A_1245 = vector.broadcast %add3A_1244 : i32 to vector<16xi32>
        %add3A_1246 = arith.addi %iota3A, %add3A_1245 : vector<16xi32>
        %mul3A_1247 = arith.constant 8 : i32
        %mul3A_1248 = vector.broadcast %mul3A_1247 : i32 to vector<16xi32>
        %mul3A_1249 = arith.muli %add3A_1246, %mul3A_1248 : vector<16xi32>
        %add3A_1250 = arith.constant 4 : i32
        %add3A_1251 = vector.broadcast %add3A_1250 : i32 to vector<16xi32>
        %add3A_1252 = arith.addi %mul3A_1249, %add3A_1251 : vector<16xi32>
        %gather3A_1253 = tpu.vector_load_idx %arg9[%add3A_1252] : memref<1024xf32, #tpu.memory_space<vmem>>[vector<16xi32>], vector<16xf32>,
        %get3A_1254 = arith.constant 624 : index
        %get3A_1255 = tpu.vector_load %arg10[%get3A_1254] {strides = array<i32>} : memref<640xf32, #tpu.memory_space<vmem>>, vector<16xf32>,
        %jit3A_1256 = arith.constant 0.000000e+00 : f32
        %broadcast_in_dim3A_1257 = vector.broadcast %jit3A_1256 : f32 to vector<16xf32>
        %select_n3A_1258 = arith.select %and3A_1171, %gather3A_1253, %broadcast_in_dim3A_1257 : vector<16xi1>, vector<16xf32>
        %add3A_1259 = arith.addf %get3A_1255, %select_n3A_1258 : vector<16xf32>
        %swap3A_1260 = arith.constant 624 : index
        %swap3A_1261 = tpu.vector_load %arg10[%swap3A_1260] {strides = array<i32>} : memref<640xf32, #tpu.memory_space<vmem>>, vector<16xf32>,
        tpu.vector_store %arg10[%swap3A_1260], %add3A_1259 {strides = array<i32>} : memref<640xf32, #tpu.memory_space<vmem>>, vector<16xf32>,
      } else {
      }
      %scan3A_502 = arith.constant 0 : i32
      scf.yield %scan3A_502 : i32
    }
    %scan3A_210 = arith.constant 32 : i32
    %get3A = arith.constant 0 : index
    %get3A_211 = tpu.vector_load %arg12[%get3A] {strides = array<i32>} : memref<16xf32, #tpu.memory_space<vmem>>, vector<16xf32>,
    %get3A_212 = arith.constant 0 : index
    %get3A_213 = tpu.vector_load %arg10[%get3A_212] {strides = array<i32>} : memref<640xf32, #tpu.memory_space<vmem>>, vector<16xf32>,
    %get3A_214 = arith.constant 128 : index
    %get3A_215 = tpu.vector_load %arg10[%get3A_214] {strides = array<i32>} : memref<640xf32, #tpu.memory_space<vmem>>, vector<16xf32>,
    %get3A_216 = arith.constant 256 : index
    %get3A_217 = tpu.vector_load %arg10[%get3A_216] {strides = array<i32>} : memref<640xf32, #tpu.memory_space<vmem>>, vector<16xf32>,
    %get3A_218 = arith.constant 384 : index
    %get3A_219 = tpu.vector_load %arg10[%get3A_218] {strides = array<i32>} : memref<640xf32, #tpu.memory_space<vmem>>, vector<16xf32>,
    %get3A_220 = arith.constant 512 : index
    %get3A_221 = tpu.vector_load %arg10[%get3A_220] {strides = array<i32>} : memref<640xf32, #tpu.memory_space<vmem>>, vector<16xf32>,
    %neg3A = arith.constant 0.000000e+00 : f32
    %neg3A_222 = vector.broadcast %neg3A : f32 to vector<16xf32>
    %neg3A_223 = arith.subf %neg3A_222, %get3A_213 : vector<16xf32>
    %exp3A = math.exp %neg3A_223 : vector<16xf32>
    %mul3A_224 = arith.mulf %get3A_211, %exp3A : vector<16xf32>
    %get3A_225 = arith.constant 0 : index
    %get3A_226 = tpu.vector_load %arg11[%get3A_225] {strides = array<i32>} : memref<128xf32, #tpu.memory_space<vmem>>, vector<16xf32>,
    %mul3A_227 = arith.mulf %mul3A_224, %get3A_226 : vector<16xf32>
    %add3A_228 = arith.addf %get3A_221, %mul3A_227 : vector<16xf32>
    %swap3A_229 = arith.constant 0 : index
    %swap3A_230 = tpu.vector_load %arg15[%swap3A_229] {strides = array<i32>} : memref<128xf32, #tpu.memory_space<vmem>>, vector<16xf32>,
    tpu.vector_store %arg15[%swap3A_229], %exp3A {strides = array<i32>} : memref<128xf32, #tpu.memory_space<vmem>>, vector<16xf32>,
    %swap3A_231 = arith.constant 0 : index
    %swap3A_232 = tpu.vector_load %arg14[%swap3A_231] {strides = array<i32>} : memref<128xf32, #tpu.memory_space<vmem>>, vector<16xf32>,
    tpu.vector_store %arg14[%swap3A_231], %add3A_228 {strides = array<i32>} : memref<128xf32, #tpu.memory_space<vmem>>, vector<16xf32>,
    %add3A_233 = arith.constant 0 : i32
    %add3A_234 = vector.broadcast %add3A_233 : i32 to vector<16xi32>
    %add3A_235 = arith.addi %iota3A, %add3A_234 : vector<16xi32>
    %mul3A_236 = arith.constant 3 : i32
    %mul3A_237 = vector.broadcast %mul3A_236 : i32 to vector<16xi32>
    %mul3A_238 = arith.muli %add3A_235, %mul3A_237 : vector<16xi32>
    tpu.vector_store_idx %arg13[%mul3A_238], %get3A_215 : memref<384xf32, #tpu.memory_space<vmem>>[vector<16xi32>], vector<16xf32>,
    %add3A_239 = arith.constant 1 : i32
    %add3A_240 = vector.broadcast %add3A_239 : i32 to vector<16xi32>
    %add3A_241 = arith.addi %mul3A_238, %add3A_240 : vector<16xi32>
    tpu.vector_store_idx %arg13[%add3A_241], %get3A_217 : memref<384xf32, #tpu.memory_space<vmem>>[vector<16xi32>], vector<16xf32>,
    %add3A_242 = arith.constant 2 : i32
    %add3A_243 = vector.broadcast %add3A_242 : i32 to vector<16xi32>
    %add3A_244 = arith.addi %mul3A_238, %add3A_243 : vector<16xi32>
    tpu.vector_store_idx %arg13[%add3A_244], %get3A_219 : memref<384xf32, #tpu.memory_space<vmem>>[vector<16xi32>], vector<16xf32>,
    %get3A_245 = arith.constant 16 : index
    %get3A_246 = tpu.vector_load %arg10[%get3A_245] {strides = array<i32>} : memref<640xf32, #tpu.memory_space<vmem>>, vector<16xf32>,
    %get3A_247 = arith.constant 144 : index
    %get3A_248 = tpu.vector_load %arg10[%get3A_247] {strides = array<i32>} : memref<640xf32, #tpu.memory_space<vmem>>, vector<16xf32>,
    %get3A_249 = arith.constant 272 : index
    %get3A_250 = tpu.vector_load %arg10[%get3A_249] {strides = array<i32>} : memref<640xf32, #tpu.memory_space<vmem>>, vector<16xf32>,
    %get3A_251 = arith.constant 400 : index
    %get3A_252 = tpu.vector_load %arg10[%get3A_251] {strides = array<i32>} : memref<640xf32, #tpu.memory_space<vmem>>, vector<16xf32>,
    %get3A_253 = arith.constant 528 : index
    %get3A_254 = tpu.vector_load %arg10[%get3A_253] {strides = array<i32>} : memref<640xf32, #tpu.memory_space<vmem>>, vector<16xf32>,
    %neg3A_255 = arith.constant 0.000000e+00 : f32
    %neg3A_256 = vector.broadcast %neg3A_255 : f32 to vector<16xf32>
    %neg3A_257 = arith.subf %neg3A_256, %get3A_246 : vector<16xf32>
    %exp3A_258 = math.exp %neg3A_257 : vector<16xf32>
    %mul3A_259 = arith.mulf %get3A_211, %exp3A_258 : vector<16xf32>
    %get3A_260 = arith.constant 16 : index
    %get3A_261 = tpu.vector_load %arg11[%get3A_260] {strides = array<i32>} : memref<128xf32, #tpu.memory_space<vmem>>, vector<16xf32>,
    %mul3A_262 = arith.mulf %mul3A_259, %get3A_261 : vector<16xf32>
    %add3A_263 = arith.addf %get3A_254, %mul3A_262 : vector<16xf32>
    %swap3A_264 = arith.constant 16 : index
    %swap3A_265 = tpu.vector_load %arg15[%swap3A_264] {strides = array<i32>} : memref<128xf32, #tpu.memory_space<vmem>>, vector<16xf32>,
    tpu.vector_store %arg15[%swap3A_264], %exp3A_258 {strides = array<i32>} : memref<128xf32, #tpu.memory_space<vmem>>, vector<16xf32>,
    %swap3A_266 = arith.constant 16 : index
    %swap3A_267 = tpu.vector_load %arg14[%swap3A_266] {strides = array<i32>} : memref<128xf32, #tpu.memory_space<vmem>>, vector<16xf32>,
    tpu.vector_store %arg14[%swap3A_266], %add3A_263 {strides = array<i32>} : memref<128xf32, #tpu.memory_space<vmem>>, vector<16xf32>,
    %add3A_268 = arith.constant 16 : i32
    %add3A_269 = vector.broadcast %add3A_268 : i32 to vector<16xi32>
    %add3A_270 = arith.addi %iota3A, %add3A_269 : vector<16xi32>
    %mul3A_271 = arith.constant 3 : i32
    %mul3A_272 = vector.broadcast %mul3A_271 : i32 to vector<16xi32>
    %mul3A_273 = arith.muli %add3A_270, %mul3A_272 : vector<16xi32>
    tpu.vector_store_idx %arg13[%mul3A_273], %get3A_248 : memref<384xf32, #tpu.memory_space<vmem>>[vector<16xi32>], vector<16xf32>,
    %add3A_274 = arith.constant 1 : i32
    %add3A_275 = vector.broadcast %add3A_274 : i32 to vector<16xi32>
    %add3A_276 = arith.addi %mul3A_273, %add3A_275 : vector<16xi32>
    tpu.vector_store_idx %arg13[%add3A_276], %get3A_250 : memref<384xf32, #tpu.memory_space<vmem>>[vector<16xi32>], vector<16xf32>,
    %add3A_277 = arith.constant 2 : i32
    %add3A_278 = vector.broadcast %add3A_277 : i32 to vector<16xi32>
    %add3A_279 = arith.addi %mul3A_273, %add3A_278 : vector<16xi32>
    tpu.vector_store_idx %arg13[%add3A_279], %get3A_252 : memref<384xf32, #tpu.memory_space<vmem>>[vector<16xi32>], vector<16xf32>,
    %get3A_280 = arith.constant 32 : index
    %get3A_281 = tpu.vector_load %arg10[%get3A_280] {strides = array<i32>} : memref<640xf32, #tpu.memory_space<vmem>>, vector<16xf32>,
    %get3A_282 = arith.constant 160 : index
    %get3A_283 = tpu.vector_load %arg10[%get3A_282] {strides = array<i32>} : memref<640xf32, #tpu.memory_space<vmem>>, vector<16xf32>,
    %get3A_284 = arith.constant 288 : index
    %get3A_285 = tpu.vector_load %arg10[%get3A_284] {strides = array<i32>} : memref<640xf32, #tpu.memory_space<vmem>>, vector<16xf32>,
    %get3A_286 = arith.constant 416 : index
    %get3A_287 = tpu.vector_load %arg10[%get3A_286] {strides = array<i32>} : memref<640xf32, #tpu.memory_space<vmem>>, vector<16xf32>,
    %get3A_288 = arith.constant 544 : index
    %get3A_289 = tpu.vector_load %arg10[%get3A_288] {strides = array<i32>} : memref<640xf32, #tpu.memory_space<vmem>>, vector<16xf32>,
    %neg3A_290 = arith.constant 0.000000e+00 : f32
    %neg3A_291 = vector.broadcast %neg3A_290 : f32 to vector<16xf32>
    %neg3A_292 = arith.subf %neg3A_291, %get3A_281 : vector<16xf32>
    %exp3A_293 = math.exp %neg3A_292 : vector<16xf32>
    %mul3A_294 = arith.mulf %get3A_211, %exp3A_293 : vector<16xf32>
    %get3A_295 = arith.constant 32 : index
    %get3A_296 = tpu.vector_load %arg11[%get3A_295] {strides = array<i32>} : memref<128xf32, #tpu.memory_space<vmem>>, vector<16xf32>,
    %mul3A_297 = arith.mulf %mul3A_294, %get3A_296 : vector<16xf32>
    %add3A_298 = arith.addf %get3A_289, %mul3A_297 : vector<16xf32>
    %swap3A_299 = arith.constant 32 : index
    %swap3A_300 = tpu.vector_load %arg15[%swap3A_299] {strides = array<i32>} : memref<128xf32, #tpu.memory_space<vmem>>, vector<16xf32>,
    tpu.vector_store %arg15[%swap3A_299], %exp3A_293 {strides = array<i32>} : memref<128xf32, #tpu.memory_space<vmem>>, vector<16xf32>,
    %swap3A_301 = arith.constant 32 : index
    %swap3A_302 = tpu.vector_load %arg14[%swap3A_301] {strides = array<i32>} : memref<128xf32, #tpu.memory_space<vmem>>, vector<16xf32>,
    tpu.vector_store %arg14[%swap3A_301], %add3A_298 {strides = array<i32>} : memref<128xf32, #tpu.memory_space<vmem>>, vector<16xf32>,
    %add3A_303 = arith.constant 32 : i32
    %add3A_304 = vector.broadcast %add3A_303 : i32 to vector<16xi32>
    %add3A_305 = arith.addi %iota3A, %add3A_304 : vector<16xi32>
    %mul3A_306 = arith.constant 3 : i32
    %mul3A_307 = vector.broadcast %mul3A_306 : i32 to vector<16xi32>
    %mul3A_308 = arith.muli %add3A_305, %mul3A_307 : vector<16xi32>
    tpu.vector_store_idx %arg13[%mul3A_308], %get3A_283 : memref<384xf32, #tpu.memory_space<vmem>>[vector<16xi32>], vector<16xf32>,
    %add3A_309 = arith.constant 1 : i32
    %add3A_310 = vector.broadcast %add3A_309 : i32 to vector<16xi32>
    %add3A_311 = arith.addi %mul3A_308, %add3A_310 : vector<16xi32>
    tpu.vector_store_idx %arg13[%add3A_311], %get3A_285 : memref<384xf32, #tpu.memory_space<vmem>>[vector<16xi32>], vector<16xf32>,
    %add3A_312 = arith.constant 2 : i32
    %add3A_313 = vector.broadcast %add3A_312 : i32 to vector<16xi32>
    %add3A_314 = arith.addi %mul3A_308, %add3A_313 : vector<16xi32>
    tpu.vector_store_idx %arg13[%add3A_314], %get3A_287 : memref<384xf32, #tpu.memory_space<vmem>>[vector<16xi32>], vector<16xf32>,
    %get3A_315 = arith.constant 48 : index
    %get3A_316 = tpu.vector_load %arg10[%get3A_315] {strides = array<i32>} : memref<640xf32, #tpu.memory_space<vmem>>, vector<16xf32>,
    %get3A_317 = arith.constant 176 : index
    %get3A_318 = tpu.vector_load %arg10[%get3A_317] {strides = array<i32>} : memref<640xf32, #tpu.memory_space<vmem>>, vector<16xf32>,
    %get3A_319 = arith.constant 304 : index
    %get3A_320 = tpu.vector_load %arg10[%get3A_319] {strides = array<i32>} : memref<640xf32, #tpu.memory_space<vmem>>, vector<16xf32>,
    %get3A_321 = arith.constant 432 : index
    %get3A_322 = tpu.vector_load %arg10[%get3A_321] {strides = array<i32>} : memref<640xf32, #tpu.memory_space<vmem>>, vector<16xf32>,
    %get3A_323 = arith.constant 560 : index
    %get3A_324 = tpu.vector_load %arg10[%get3A_323] {strides = array<i32>} : memref<640xf32, #tpu.memory_space<vmem>>, vector<16xf32>,
    %neg3A_325 = arith.constant 0.000000e+00 : f32
    %neg3A_326 = vector.broadcast %neg3A_325 : f32 to vector<16xf32>
    %neg3A_327 = arith.subf %neg3A_326, %get3A_316 : vector<16xf32>
    %exp3A_328 = math.exp %neg3A_327 : vector<16xf32>
    %mul3A_329 = arith.mulf %get3A_211, %exp3A_328 : vector<16xf32>
    %get3A_330 = arith.constant 48 : index
    %get3A_331 = tpu.vector_load %arg11[%get3A_330] {strides = array<i32>} : memref<128xf32, #tpu.memory_space<vmem>>, vector<16xf32>,
    %mul3A_332 = arith.mulf %mul3A_329, %get3A_331 : vector<16xf32>
    %add3A_333 = arith.addf %get3A_324, %mul3A_332 : vector<16xf32>
    %swap3A_334 = arith.constant 48 : index
    %swap3A_335 = tpu.vector_load %arg15[%swap3A_334] {strides = array<i32>} : memref<128xf32, #tpu.memory_space<vmem>>, vector<16xf32>,
    tpu.vector_store %arg15[%swap3A_334], %exp3A_328 {strides = array<i32>} : memref<128xf32, #tpu.memory_space<vmem>>, vector<16xf32>,
    %swap3A_336 = arith.constant 48 : index
    %swap3A_337 = tpu.vector_load %arg14[%swap3A_336] {strides = array<i32>} : memref<128xf32, #tpu.memory_space<vmem>>, vector<16xf32>,
    tpu.vector_store %arg14[%swap3A_336], %add3A_333 {strides = array<i32>} : memref<128xf32, #tpu.memory_space<vmem>>, vector<16xf32>,
    %add3A_338 = arith.constant 48 : i32
    %add3A_339 = vector.broadcast %add3A_338 : i32 to vector<16xi32>
    %add3A_340 = arith.addi %iota3A, %add3A_339 : vector<16xi32>
    %mul3A_341 = arith.constant 3 : i32
    %mul3A_342 = vector.broadcast %mul3A_341 : i32 to vector<16xi32>
    %mul3A_343 = arith.muli %add3A_340, %mul3A_342 : vector<16xi32>
    tpu.vector_store_idx %arg13[%mul3A_343], %get3A_318 : memref<384xf32, #tpu.memory_space<vmem>>[vector<16xi32>], vector<16xf32>,
    %add3A_344 = arith.constant 1 : i32
    %add3A_345 = vector.broadcast %add3A_344 : i32 to vector<16xi32>
    %add3A_346 = arith.addi %mul3A_343, %add3A_345 : vector<16xi32>
    tpu.vector_store_idx %arg13[%add3A_346], %get3A_320 : memref<384xf32, #tpu.memory_space<vmem>>[vector<16xi32>], vector<16xf32>,
    %add3A_347 = arith.constant 2 : i32
    %add3A_348 = vector.broadcast %add3A_347 : i32 to vector<16xi32>
    %add3A_349 = arith.addi %mul3A_343, %add3A_348 : vector<16xi32>
    tpu.vector_store_idx %arg13[%add3A_349], %get3A_322 : memref<384xf32, #tpu.memory_space<vmem>>[vector<16xi32>], vector<16xf32>,
    %get3A_350 = arith.constant 64 : index
    %get3A_351 = tpu.vector_load %arg10[%get3A_350] {strides = array<i32>} : memref<640xf32, #tpu.memory_space<vmem>>, vector<16xf32>,
    %get3A_352 = arith.constant 192 : index
    %get3A_353 = tpu.vector_load %arg10[%get3A_352] {strides = array<i32>} : memref<640xf32, #tpu.memory_space<vmem>>, vector<16xf32>,
    %get3A_354 = arith.constant 320 : index
    %get3A_355 = tpu.vector_load %arg10[%get3A_354] {strides = array<i32>} : memref<640xf32, #tpu.memory_space<vmem>>, vector<16xf32>,
    %get3A_356 = arith.constant 448 : index
    %get3A_357 = tpu.vector_load %arg10[%get3A_356] {strides = array<i32>} : memref<640xf32, #tpu.memory_space<vmem>>, vector<16xf32>,
    %get3A_358 = arith.constant 576 : index
    %get3A_359 = tpu.vector_load %arg10[%get3A_358] {strides = array<i32>} : memref<640xf32, #tpu.memory_space<vmem>>, vector<16xf32>,
    %neg3A_360 = arith.constant 0.000000e+00 : f32
    %neg3A_361 = vector.broadcast %neg3A_360 : f32 to vector<16xf32>
    %neg3A_362 = arith.subf %neg3A_361, %get3A_351 : vector<16xf32>
    %exp3A_363 = math.exp %neg3A_362 : vector<16xf32>
    %mul3A_364 = arith.mulf %get3A_211, %exp3A_363 : vector<16xf32>
    %get3A_365 = arith.constant 64 : index
    %get3A_366 = tpu.vector_load %arg11[%get3A_365] {strides = array<i32>} : memref<128xf32, #tpu.memory_space<vmem>>, vector<16xf32>,
    %mul3A_367 = arith.mulf %mul3A_364, %get3A_366 : vector<16xf32>
    %add3A_368 = arith.addf %get3A_359, %mul3A_367 : vector<16xf32>
    %swap3A_369 = arith.constant 64 : index
    %swap3A_370 = tpu.vector_load %arg15[%swap3A_369] {strides = array<i32>} : memref<128xf32, #tpu.memory_space<vmem>>, vector<16xf32>,
    tpu.vector_store %arg15[%swap3A_369], %exp3A_363 {strides = array<i32>} : memref<128xf32, #tpu.memory_space<vmem>>, vector<16xf32>,
    %swap3A_371 = arith.constant 64 : index
    %swap3A_372 = tpu.vector_load %arg14[%swap3A_371] {strides = array<i32>} : memref<128xf32, #tpu.memory_space<vmem>>, vector<16xf32>,
    tpu.vector_store %arg14[%swap3A_371], %add3A_368 {strides = array<i32>} : memref<128xf32, #tpu.memory_space<vmem>>, vector<16xf32>,
    %add3A_373 = arith.constant 64 : i32
    %add3A_374 = vector.broadcast %add3A_373 : i32 to vector<16xi32>
    %add3A_375 = arith.addi %iota3A, %add3A_374 : vector<16xi32>
    %mul3A_376 = arith.constant 3 : i32
    %mul3A_377 = vector.broadcast %mul3A_376 : i32 to vector<16xi32>
    %mul3A_378 = arith.muli %add3A_375, %mul3A_377 : vector<16xi32>
    tpu.vector_store_idx %arg13[%mul3A_378], %get3A_353 : memref<384xf32, #tpu.memory_space<vmem>>[vector<16xi32>], vector<16xf32>,
    %add3A_379 = arith.constant 1 : i32
    %add3A_380 = vector.broadcast %add3A_379 : i32 to vector<16xi32>
    %add3A_381 = arith.addi %mul3A_378, %add3A_380 : vector<16xi32>
    tpu.vector_store_idx %arg13[%add3A_381], %get3A_355 : memref<384xf32, #tpu.memory_space<vmem>>[vector<16xi32>], vector<16xf32>,
    %add3A_382 = arith.constant 2 : i32
    %add3A_383 = vector.broadcast %add3A_382 : i32 to vector<16xi32>
    %add3A_384 = arith.addi %mul3A_378, %add3A_383 : vector<16xi32>
    tpu.vector_store_idx %arg13[%add3A_384], %get3A_357 : memref<384xf32, #tpu.memory_space<vmem>>[vector<16xi32>], vector<16xf32>,
    %get3A_385 = arith.constant 80 : index
    %get3A_386 = tpu.vector_load %arg10[%get3A_385] {strides = array<i32>} : memref<640xf32, #tpu.memory_space<vmem>>, vector<16xf32>,
    %get3A_387 = arith.constant 208 : index
    %get3A_388 = tpu.vector_load %arg10[%get3A_387] {strides = array<i32>} : memref<640xf32, #tpu.memory_space<vmem>>, vector<16xf32>,
    %get3A_389 = arith.constant 336 : index
    %get3A_390 = tpu.vector_load %arg10[%get3A_389] {strides = array<i32>} : memref<640xf32, #tpu.memory_space<vmem>>, vector<16xf32>,
    %get3A_391 = arith.constant 464 : index
    %get3A_392 = tpu.vector_load %arg10[%get3A_391] {strides = array<i32>} : memref<640xf32, #tpu.memory_space<vmem>>, vector<16xf32>,
    %get3A_393 = arith.constant 592 : index
    %get3A_394 = tpu.vector_load %arg10[%get3A_393] {strides = array<i32>} : memref<640xf32, #tpu.memory_space<vmem>>, vector<16xf32>,
    %neg3A_395 = arith.constant 0.000000e+00 : f32
    %neg3A_396 = vector.broadcast %neg3A_395 : f32 to vector<16xf32>
    %neg3A_397 = arith.subf %neg3A_396, %get3A_386 : vector<16xf32>
    %exp3A_398 = math.exp %neg3A_397 : vector<16xf32>
    %mul3A_399 = arith.mulf %get3A_211, %exp3A_398 : vector<16xf32>
    %get3A_400 = arith.constant 80 : index
    %get3A_401 = tpu.vector_load %arg11[%get3A_400] {strides = array<i32>} : memref<128xf32, #tpu.memory_space<vmem>>, vector<16xf32>,
    %mul3A_402 = arith.mulf %mul3A_399, %get3A_401 : vector<16xf32>
    %add3A_403 = arith.addf %get3A_394, %mul3A_402 : vector<16xf32>
    %swap3A_404 = arith.constant 80 : index
    %swap3A_405 = tpu.vector_load %arg15[%swap3A_404] {strides = array<i32>} : memref<128xf32, #tpu.memory_space<vmem>>, vector<16xf32>,
    tpu.vector_store %arg15[%swap3A_404], %exp3A_398 {strides = array<i32>} : memref<128xf32, #tpu.memory_space<vmem>>, vector<16xf32>,
    %swap3A_406 = arith.constant 80 : index
    %swap3A_407 = tpu.vector_load %arg14[%swap3A_406] {strides = array<i32>} : memref<128xf32, #tpu.memory_space<vmem>>, vector<16xf32>,
    tpu.vector_store %arg14[%swap3A_406], %add3A_403 {strides = array<i32>} : memref<128xf32, #tpu.memory_space<vmem>>, vector<16xf32>,
    %add3A_408 = arith.constant 80 : i32
    %add3A_409 = vector.broadcast %add3A_408 : i32 to vector<16xi32>
    %add3A_410 = arith.addi %iota3A, %add3A_409 : vector<16xi32>
    %mul3A_411 = arith.constant 3 : i32
    %mul3A_412 = vector.broadcast %mul3A_411 : i32 to vector<16xi32>
    %mul3A_413 = arith.muli %add3A_410, %mul3A_412 : vector<16xi32>
    tpu.vector_store_idx %arg13[%mul3A_413], %get3A_388 : memref<384xf32, #tpu.memory_space<vmem>>[vector<16xi32>], vector<16xf32>,
    %add3A_414 = arith.constant 1 : i32
    %add3A_415 = vector.broadcast %add3A_414 : i32 to vector<16xi32>
    %add3A_416 = arith.addi %mul3A_413, %add3A_415 : vector<16xi32>
    tpu.vector_store_idx %arg13[%add3A_416], %get3A_390 : memref<384xf32, #tpu.memory_space<vmem>>[vector<16xi32>], vector<16xf32>,
    %add3A_417 = arith.constant 2 : i32
    %add3A_418 = vector.broadcast %add3A_417 : i32 to vector<16xi32>
    %add3A_419 = arith.addi %mul3A_413, %add3A_418 : vector<16xi32>
    tpu.vector_store_idx %arg13[%add3A_419], %get3A_392 : memref<384xf32, #tpu.memory_space<vmem>>[vector<16xi32>], vector<16xf32>,
    %get3A_420 = arith.constant 96 : index
    %get3A_421 = tpu.vector_load %arg10[%get3A_420] {strides = array<i32>} : memref<640xf32, #tpu.memory_space<vmem>>, vector<16xf32>,
    %get3A_422 = arith.constant 224 : index
    %get3A_423 = tpu.vector_load %arg10[%get3A_422] {strides = array<i32>} : memref<640xf32, #tpu.memory_space<vmem>>, vector<16xf32>,
    %get3A_424 = arith.constant 352 : index
    %get3A_425 = tpu.vector_load %arg10[%get3A_424] {strides = array<i32>} : memref<640xf32, #tpu.memory_space<vmem>>, vector<16xf32>,
    %get3A_426 = arith.constant 480 : index
    %get3A_427 = tpu.vector_load %arg10[%get3A_426] {strides = array<i32>} : memref<640xf32, #tpu.memory_space<vmem>>, vector<16xf32>,
    %get3A_428 = arith.constant 608 : index
    %get3A_429 = tpu.vector_load %arg10[%get3A_428] {strides = array<i32>} : memref<640xf32, #tpu.memory_space<vmem>>, vector<16xf32>,
    %neg3A_430 = arith.constant 0.000000e+00 : f32
    %neg3A_431 = vector.broadcast %neg3A_430 : f32 to vector<16xf32>
    %neg3A_432 = arith.subf %neg3A_431, %get3A_421 : vector<16xf32>
    %exp3A_433 = math.exp %neg3A_432 : vector<16xf32>
    %mul3A_434 = arith.mulf %get3A_211, %exp3A_433 : vector<16xf32>
    %get3A_435 = arith.constant 96 : index
    %get3A_436 = tpu.vector_load %arg11[%get3A_435] {strides = array<i32>} : memref<128xf32, #tpu.memory_space<vmem>>, vector<16xf32>,
    %mul3A_437 = arith.mulf %mul3A_434, %get3A_436 : vector<16xf32>
    %add3A_438 = arith.addf %get3A_429, %mul3A_437 : vector<16xf32>
    %swap3A_439 = arith.constant 96 : index
    %swap3A_440 = tpu.vector_load %arg15[%swap3A_439] {strides = array<i32>} : memref<128xf32, #tpu.memory_space<vmem>>, vector<16xf32>,
    tpu.vector_store %arg15[%swap3A_439], %exp3A_433 {strides = array<i32>} : memref<128xf32, #tpu.memory_space<vmem>>, vector<16xf32>,
    %swap3A_441 = arith.constant 96 : index
    %swap3A_442 = tpu.vector_load %arg14[%swap3A_441] {strides = array<i32>} : memref<128xf32, #tpu.memory_space<vmem>>, vector<16xf32>,
    tpu.vector_store %arg14[%swap3A_441], %add3A_438 {strides = array<i32>} : memref<128xf32, #tpu.memory_space<vmem>>, vector<16xf32>,
    %add3A_443 = arith.constant 96 : i32
    %add3A_444 = vector.broadcast %add3A_443 : i32 to vector<16xi32>
    %add3A_445 = arith.addi %iota3A, %add3A_444 : vector<16xi32>
    %mul3A_446 = arith.constant 3 : i32
    %mul3A_447 = vector.broadcast %mul3A_446 : i32 to vector<16xi32>
    %mul3A_448 = arith.muli %add3A_445, %mul3A_447 : vector<16xi32>
    tpu.vector_store_idx %arg13[%mul3A_448], %get3A_423 : memref<384xf32, #tpu.memory_space<vmem>>[vector<16xi32>], vector<16xf32>,
    %add3A_449 = arith.constant 1 : i32
    %add3A_450 = vector.broadcast %add3A_449 : i32 to vector<16xi32>
    %add3A_451 = arith.addi %mul3A_448, %add3A_450 : vector<16xi32>
    tpu.vector_store_idx %arg13[%add3A_451], %get3A_425 : memref<384xf32, #tpu.memory_space<vmem>>[vector<16xi32>], vector<16xf32>,
    %add3A_452 = arith.constant 2 : i32
    %add3A_453 = vector.broadcast %add3A_452 : i32 to vector<16xi32>
    %add3A_454 = arith.addi %mul3A_448, %add3A_453 : vector<16xi32>
    tpu.vector_store_idx %arg13[%add3A_454], %get3A_427 : memref<384xf32, #tpu.memory_space<vmem>>[vector<16xi32>], vector<16xf32>,
    %get3A_455 = arith.constant 112 : index
    %get3A_456 = tpu.vector_load %arg10[%get3A_455] {strides = array<i32>} : memref<640xf32, #tpu.memory_space<vmem>>, vector<16xf32>,
    %get3A_457 = arith.constant 240 : index
    %get3A_458 = tpu.vector_load %arg10[%get3A_457] {strides = array<i32>} : memref<640xf32, #tpu.memory_space<vmem>>, vector<16xf32>,
    %get3A_459 = arith.constant 368 : index
    %get3A_460 = tpu.vector_load %arg10[%get3A_459] {strides = array<i32>} : memref<640xf32, #tpu.memory_space<vmem>>, vector<16xf32>,
    %get3A_461 = arith.constant 496 : index
    %get3A_462 = tpu.vector_load %arg10[%get3A_461] {strides = array<i32>} : memref<640xf32, #tpu.memory_space<vmem>>, vector<16xf32>,
    %get3A_463 = arith.constant 624 : index
    %get3A_464 = tpu.vector_load %arg10[%get3A_463] {strides = array<i32>} : memref<640xf32, #tpu.memory_space<vmem>>, vector<16xf32>,
    %neg3A_465 = arith.constant 0.000000e+00 : f32
    %neg3A_466 = vector.broadcast %neg3A_465 : f32 to vector<16xf32>
    %neg3A_467 = arith.subf %neg3A_466, %get3A_456 : vector<16xf32>
    %exp3A_468 = math.exp %neg3A_467 : vector<16xf32>
    %mul3A_469 = arith.mulf %get3A_211, %exp3A_468 : vector<16xf32>
    %get3A_470 = arith.constant 112 : index
    %get3A_471 = tpu.vector_load %arg11[%get3A_470] {strides = array<i32>} : memref<128xf32, #tpu.memory_space<vmem>>, vector<16xf32>,
    %mul3A_472 = arith.mulf %mul3A_469, %get3A_471 : vector<16xf32>
    %add3A_473 = arith.addf %get3A_464, %mul3A_472 : vector<16xf32>
    %swap3A_474 = arith.constant 112 : index
    %swap3A_475 = tpu.vector_load %arg15[%swap3A_474] {strides = array<i32>} : memref<128xf32, #tpu.memory_space<vmem>>, vector<16xf32>,
    tpu.vector_store %arg15[%swap3A_474], %exp3A_468 {strides = array<i32>} : memref<128xf32, #tpu.memory_space<vmem>>, vector<16xf32>,
    %swap3A_476 = arith.constant 112 : index
    %swap3A_477 = tpu.vector_load %arg14[%swap3A_476] {strides = array<i32>} : memref<128xf32, #tpu.memory_space<vmem>>, vector<16xf32>,
    tpu.vector_store %arg14[%swap3A_476], %add3A_473 {strides = array<i32>} : memref<128xf32, #tpu.memory_space<vmem>>, vector<16xf32>,
    %add3A_478 = arith.constant 112 : i32
    %add3A_479 = vector.broadcast %add3A_478 : i32 to vector<16xi32>
    %add3A_480 = arith.addi %iota3A, %add3A_479 : vector<16xi32>
    %mul3A_481 = arith.constant 3 : i32
    %mul3A_482 = vector.broadcast %mul3A_481 : i32 to vector<16xi32>
    %mul3A_483 = arith.muli %add3A_480, %mul3A_482 : vector<16xi32>
    tpu.vector_store_idx %arg13[%mul3A_483], %get3A_458 : memref<384xf32, #tpu.memory_space<vmem>>[vector<16xi32>], vector<16xf32>,
    %add3A_484 = arith.constant 1 : i32
    %add3A_485 = vector.broadcast %add3A_484 : i32 to vector<16xi32>
    %add3A_486 = arith.addi %mul3A_483, %add3A_485 : vector<16xi32>
    tpu.vector_store_idx %arg13[%add3A_486], %get3A_460 : memref<384xf32, #tpu.memory_space<vmem>>[vector<16xi32>], vector<16xf32>,
    %add3A_487 = arith.constant 2 : i32
    %add3A_488 = vector.broadcast %add3A_487 : i32 to vector<16xi32>
    %add3A_489 = arith.addi %mul3A_483, %add3A_488 : vector<16xi32>
    tpu.vector_store_idx %arg13[%add3A_489], %get3A_462 : memref<384xf32, #tpu.memory_space<vmem>>[vector<16xi32>], vector<16xf32>,
    "tpu.region"() ({
      %run_scoped3A = tpu.sem_alloc : memref<!tpu.dma_semaphore, #tpu.memory_space<semaphore_mem>>
      %dma_start3A = tpu.memref_slice %arg8[%mul3A_2] : memref<4096xf32, #tpu.memory_space<hbm>> -> memref<128xf32, #tpu.memory_space<hbm>>
      %dma_start3A_492 = tpu.memref_slice %arg8[%mul3A_2] : memref<4096xf32, #tpu.memory_space<hbm>> -> memref<128xf32, #tpu.memory_space<hbm>>
      tpu.enqueue_dma source(%arg15 : memref<128xf32, #tpu.memory_space<vmem>>) target(%dma_start3A_492 : memref<128xf32, #tpu.memory_space<hbm>>) target_semaphore(%run_scoped3A : memref<!tpu.dma_semaphore, #tpu.memory_space<semaphore_mem>>)
      %dma_wait3A = tpu.memref_slice %arg8[%mul3A_2] : memref<4096xf32, #tpu.memory_space<hbm>> -> memref<128xf32, #tpu.memory_space<hbm>>
      %dma_wait3A_493 = tpu.memref_slice %arg8[%mul3A_2] : memref<4096xf32, #tpu.memory_space<hbm>> -> memref<128xf32, #tpu.memory_space<hbm>>
      tpu.wait_dma2 semaphore(%run_scoped3A : memref<!tpu.dma_semaphore, #tpu.memory_space<semaphore_mem>>) src(%arg15 : memref<128xf32, #tpu.memory_space<vmem>>) dst(%dma_wait3A_493 : memref<128xf32, #tpu.memory_space<hbm>>)
      tpu.yield
    }) : () -> ()
    "tpu.region"() ({
      %run_scoped3A = tpu.sem_alloc : memref<!tpu.dma_semaphore, #tpu.memory_space<semaphore_mem>>
      %dma_start3A = tpu.memref_slice %arg7[%mul3A_2] : memref<4096xf32, #tpu.memory_space<hbm>> -> memref<128xf32, #tpu.memory_space<hbm>>
      %dma_start3A_492 = tpu.memref_slice %arg7[%mul3A_2] : memref<4096xf32, #tpu.memory_space<hbm>> -> memref<128xf32, #tpu.memory_space<hbm>>
      tpu.enqueue_dma source(%arg14 : memref<128xf32, #tpu.memory_space<vmem>>) target(%dma_start3A_492 : memref<128xf32, #tpu.memory_space<hbm>>) target_semaphore(%run_scoped3A : memref<!tpu.dma_semaphore, #tpu.memory_space<semaphore_mem>>)
      %dma_wait3A = tpu.memref_slice %arg7[%mul3A_2] : memref<4096xf32, #tpu.memory_space<hbm>> -> memref<128xf32, #tpu.memory_space<hbm>>
      %dma_wait3A_493 = tpu.memref_slice %arg7[%mul3A_2] : memref<4096xf32, #tpu.memory_space<hbm>> -> memref<128xf32, #tpu.memory_space<hbm>>
      tpu.wait_dma2 semaphore(%run_scoped3A : memref<!tpu.dma_semaphore, #tpu.memory_space<semaphore_mem>>) src(%arg14 : memref<128xf32, #tpu.memory_space<vmem>>) dst(%dma_wait3A_493 : memref<128xf32, #tpu.memory_space<hbm>>)
      tpu.yield
    }) : () -> ()
    %mul3A_490 = arith.constant 3 : i32
    %mul3A_491 = arith.muli %mul3A_2, %mul3A_490 : i32
    "tpu.region"() ({
      %run_scoped3A = tpu.sem_alloc : memref<!tpu.dma_semaphore, #tpu.memory_space<semaphore_mem>>
      %dma_start3A = tpu.memref_slice %arg6[%mul3A_491] : memref<12288xf32, #tpu.memory_space<hbm>> -> memref<384xf32, #tpu.memory_space<hbm>>
      %dma_start3A_492 = tpu.memref_slice %arg6[%mul3A_491] : memref<12288xf32, #tpu.memory_space<hbm>> -> memref<384xf32, #tpu.memory_space<hbm>>
      tpu.enqueue_dma source(%arg13 : memref<384xf32, #tpu.memory_space<vmem>>) target(%dma_start3A_492 : memref<384xf32, #tpu.memory_space<hbm>>) target_semaphore(%run_scoped3A : memref<!tpu.dma_semaphore, #tpu.memory_space<semaphore_mem>>)
      %dma_wait3A = tpu.memref_slice %arg6[%mul3A_491] : memref<12288xf32, #tpu.memory_space<hbm>> -> memref<384xf32, #tpu.memory_space<hbm>>
      %dma_wait3A_493 = tpu.memref_slice %arg6[%mul3A_491] : memref<12288xf32, #tpu.memory_space<hbm>> -> memref<384xf32, #tpu.memory_space<hbm>>
      tpu.wait_dma2 semaphore(%run_scoped3A : memref<!tpu.dma_semaphore, #tpu.memory_space<semaphore_mem>>) src(%arg13 : memref<384xf32, #tpu.memory_space<vmem>>) dst(%dma_wait3A_493 : memref<384xf32, #tpu.memory_space<hbm>>)
      tpu.yield
    }) : () -> ()
    return
  }
}

</mosaic_0001>

<sc_bundles>
// kernel: kernel.11.cloned.1.call-start
scs
__scs_entry_jumppad:
0x0: {  	(pc) =	sbr.rel $0x88, $3  }
0x1: {  	(tag) =	ssettag $0x0;
	lr =	simm.s32 $0x1  }
0x2: {  	[smem:$0x3F9A] =	sst lr;
	_ =	strace $0xD0000000  }
0x3: {  	_ = 	snop  }
0x4: {  	_ = 	snop  }
0x5: {  	_ = 	snop  }
0x6: {  	_ = 	snop  }
0x7: {  	_ = 	snop  }
__scs_overlays_trampoline_lowered:
0x8: {  	[smem:$0x3FA9] =	sst s0  }
0x9: {  	[smem:$0x3FAA] =	sst s1  }
0xa: {  	[smem:$0x3FAB] =	sst s2  }
0xb: {  	[smem:$0x3FAC] =	sst s3  }
0xc: {  	[smem:$0x3FAD] =	sst s4  }
0xd: {  	[smem:$0x3FAE] =	sst s5  }
0xe: {  	[smem:$0x3FAF] =	sst s6  }
0xf: {  	[smem:$0x3FB0] =	sst s7  }
0x10: {  	[smem:$0x3FB1] =	sst s8  }
0x11: {  	[smem:$0x3FB2] =	sst s9;
	s0 =	simm.s32 @!p0 $0x0  }
0x12: {  	s1 =	sld [smem:$0x3F98];
	s0 =	simm.s32 @p0 $0x1  }
0x13: {  	[smem:$0x3FB3] =	sst s0;
	s0 =	simm.s32 @!p1 $0x0  }
0x14: {  	s2 =	sld [smem:$0x3F97];
	s0 =	simm.s32 @p1 $0x1  }
0x15: {  	[smem:$0x3FB4] =	sst s0;
	s0 =	simm.s32 @!p2 $0x0  }
0x16: {  	s3 =	sld [smem:$0x3FDB];
	s0 =	simm.s32 @p2 $0x1  }
0x17: {  	s4 =	simm.s32 $0x1BF5;
	[smem:$0x3FB6] =	sst s0  }
0x18: {  	s0 =	sld [smem:$0x3F99];
	_ =	swait.ge [sflag:s4], $0x0  }
0x19: {  	s7 =	sld [smem:$0x3F9A]  }
0x1a: {  	s8 =	sadd.s32 $0xFFFFE003, lr  }
0x1b: {  	s9 =	sadd.s32 $0xFFFFFEF7, lr;
	s5 =	simm.s32 $0xFFFFFFFF;
	p2 =	slt.u32 s8, $0xFFFFF086  }
0x1c: {  	p1 =	slt.u32 s9, $0xF7A;
	s5 =	simm.s32 @!p2 $0x0  }
0x1d: {  	s5 =	simm.s32 @p1 $0x1;
	p0 =	seq.s32 s7, s2  }
0x1e: {  	s7 =	smul.u32 @!p0 $0xF7A, s2;
	p2 =	seq.s32 @!p0 s5, $0x0  }
0x1f: {  	s9 =	smul.u32 $0xF7A, s1;
	s8 =	simm.s32 @!p0 $0x1BF5;
	p2 =	por !p2, p0  }
0x20: {  	[sflag:s8] =	ssyncset.s32 @!p0 $0xFFFFF086;
	s6 =	sadd.s32 @!p0 s3, s7;
	s7 =	simm.s32 @!p0 $0x108  }
0x21: {  	s3 =	sadd.s32 s3, s9;
	s6 =	sadd.s32 @!p0 $0x88, s6;
	s7 =	simm.s32 @p2 $0x1082  }
0x22: {  	[simem:s7], [sflag:s8] =	dma.local @!p0 [hbm:s6], $0xF7A  }
0x23: {  	s9 =	sor.u32 $0xD0000000, s2;
	s6 =	simm.s32 $0x108;
	_ =	swait.ge @!p0 [sflag:s8], $0x0  }
0x24: {  	s3 =	sadd.s32 $0x88, s3;
	s6 =	simm.s32 @!p1 $0x1082;
	[sflag:s4] =	ssyncset.s32 $0xFFFFF086  }
0x25: {  	[simem:s6], [sflag:s4] =	dma.local [hbm:s3], $0xF7A  }
0x26: {  	[smem:$0x3F9A] =	sst s1;
	(tag) =	ssettag s2;
	_ =	strace s9  }
0x27: {  	s1 =	sld [smem:$0x3FAA]  }
0x28: {  	s2 =	sld [smem:$0x3FAB]  }
0x29: {  	s4 =	sld [smem:$0x3FAD]  }
0x2a: {  	p0 =	seq.s32 s5, $0x0;
	s5 =	sld [smem:$0x3FAE]  }
0x2b: {  	s6 =	sld [smem:$0x3FAF]  }
0x2c: {  	s7 =	sld [smem:$0x3FB0]  }
0x2d: {  	s3 =	simm.s32 $0x108;
	s8 =	sld [smem:$0x3FB1]  }
0x2e: {  	s3 =	simm.s32 @!p0 $0x1082;
	s9 =	sld [smem:$0x3FB2]  }
0x2f: {  	lr =	sadd.s32 s0, s3;
	s0 =	sld [smem:$0x3FA9]  }
0x30: {  	s3 =	sld [smem:$0x3FAC]  }
0x31: {  	[smem:$0x3FB5] =	sst s10  }
0x32: {  	s10 =	sld [smem:$0x3FB3];
	_ =	sdelay $0x3  }
0x33: {  	p0 =	seq.s32 s10, $0x1;
	s10 =	sld [smem:$0x3FB5];
	_ =	sdelay $0x3  }
0x34: {  	[smem:$0x3FB5] =	sst s10  }
0x35: {  	s10 =	sld [smem:$0x3FB4];
	_ =	sdelay $0x3  }
0x36: {  	p1 =	seq.s32 s10, $0x1;
	s10 =	sld [smem:$0x3FB5];
	_ =	sdelay $0x3  }
0x37: {  	[smem:$0x3FB5] =	sst s10  }
0x38: {  	s10 =	sld [smem:$0x3FB6]  }
0x39: {  	_ = 	snop;
	(pc) =	sbr.ind lr, $3  }
0x3a: {  	_ = 	snop  }
0x3b: {  	_ = 	snop  }
0x3c: {  	p2 =	seq.s32 s10, $0x1;
	s10 =	sld [smem:$0x3FB5]  }
0x3d: {  	_ =	shalt  }
0x3e: {  	_ =	shalt  }
0x3f: {  	_ =	shalt  }
0x40: {  	_ =	shalt  }
0x41: {  	_ =	shalt  }
0x42: {  	_ =	shalt  }
0x43: {  	_ =	shalt  }
0x44: {  	_ =	shalt  }
0x45: {  	_ =	shalt  }
0x46: {  	_ =	shalt  }
0x47: {  	_ =	shalt  }
0x48: {  	_ =	shalt  }
0x49: {  	_ =	shalt  }
0x4a: {  	_ =	shalt  }
0x4b: {  	_ =	shalt  }
0x4c: {  	_ =	shalt  }
0x4d: {  	_ =	shalt  }
0x4e: {  	_ =	shalt  }
0x4f: {  	_ =	shalt  }
0x50: {  	_ =	shalt  }
0x51: {  	_ =	shalt  }
0x52: {  	_ =	shalt  }
0x53: {  	_ =	shalt  }
0x54: {  	_ =	shalt  }
0x55: {  	_ =	shalt  }
0x56: {  	_ =	shalt  }
0x57: {  	_ =	shalt  }
0x58: {  	_ =	shalt  }
0x59: {  	_ =	shalt  }
0x5a: {  	_ =	shalt  }
0x5b: {  	_ =	shalt  }
0x5c: {  	_ =	shalt  }
0x5d: {  	_ =	shalt  }
0x5e: {  	_ =	shalt  }
0x5f: {  	_ =	shalt  }
0x60: {  	_ =	shalt  }
0x61: {  	_ =	shalt  }
0x62: {  	_ =	shalt  }
0x63: {  	_ =	shalt  }
0x64: {  	_ =	shalt  }
0x65: {  	_ =	shalt  }
0x66: {  	_ =	shalt  }
0x67: {  	_ =	shalt  }
0x68: {  	_ =	shalt  }
0x69: {  	_ =	shalt  }
0x6a: {  	_ =	shalt  }
0x6b: {  	_ =	shalt  }
0x6c: {  	_ =	shalt  }
0x6d: {  	_ =	shalt  }
0x6e: {  	_ =	shalt  }
0x6f: {  	_ =	shalt  }
0x70: {  	_ =	shalt  }
0x71: {  	_ =	shalt  }
0x72: {  	_ =	shalt  }
0x73: {  	_ =	shalt  }
0x74: {  	_ =	shalt  }
0x75: {  	_ =	shalt  }
0x76: {  	_ =	shalt  }
0x77: {  	_ =	shalt  }
0x78: {  	_ =	shalt  }
0x79: {  	_ =	shalt  }
0x7a: {  	_ =	shalt  }
0x7b: {  	_ =	shalt  }
0x7c: {  	_ =	shalt  }
0x7d: {  	_ =	shalt  }
0x7e: {  	_ =	shalt  }
0x7f: {  	_ =	shalt  }
0x80: {  	_ =	shalt  }
0x81: {  	_ =	shalt  }
0x82: {  	_ =	shalt  }
0x83: {  	_ =	shalt  }
0x84: {  	_ =	shalt  }
0x85: {  	_ =	shalt  }
0x86: {  	_ =	shalt  }
0x87: {  	_ =	shalt  }
.Lfunc_end0:
.L_simem_size_0:
called_computation.2_lowered:
.L_overlay_start_0:
0x88: {  	s2 =	sld [smem:$0x3FD9]  }
0x89: {  	s3 =	sld [smem:$0x3FFE];
	_ =	sdelay $0x1  }
0x8a: {  	s1 =	srdreg.scid  }
0x8b: {  	s0 =	sand.u32 $0x1, s1  }
0x8c: {  	s14 =	sshll.u32 s0, $0xA;
	s2 =	sadd.s32 s3, s2  }
0x8d: {  	s2 =	sadd.s32 s2, s14  }
0x8e: {  	[smem:$0x3FC1] =	sst s2  }
0x8f: {  	_ = 	snop  }
0x90: {  	s2 =	sld [smem:$0x3FD0];
	_ =	sdelay $0x2  }
0x91: {  	s4 =	simm.s32 $0xA;
	s5 =	simm.s32 $0x10;
	s15 =	sld [smem:$0x3FC5]  }
0x92: {  	[smem:s5], [sflag:s4] =	dma.local [hbm:s2], $0x1  }
0x93: {  	_ =	swait.eq [sflag:s4], $0x1  }
0x94: {  	s16 =	sld [smem:$0x10];
	[sflag:s4] =	ssyncset.done $0x0  }
0x95: {  	s17 =	sld [smem:$0x11];
	[sflag:s4] =	ssyncadd.s32 $0xFFFFFFFF  }
0x96: {  	s18 =	sld [smem:$0x12];
	(tm) =	ssettm $0x1  }
0x97: {  	s6 =	sld [smem:$0x3FFB];
	_ =	sdelay $0x3  }
0x98: {  	_ =	strace s6  }
0x99: {  	s6 =	sld [smem:$0x3FFC];
	_ =	sdelay $0x3  }
0x9a: {  	_ =	strace s6  }
0x9b: {  	s6 =	sld [smem:$0x3FFD];
	_ =	sdelay $0x3  }
0x9c: {  	_ =	strace s6  }
0x9d: {  	_ =	strace $0x8FFFFFFF  }
0x9e: {  	s19 =	sld [smem:$0x3FDB];
	_ =	sdelay $0x1  }
0x9f: {  	s7 =	simm.s32 $_scs_section_size  }
0xa0: {  	s8 =	simm.s32 $_size__tile_overlayer_lowered;
	s9 =	simm.s32 $_tile_overlayer_lowered  }
0xa1: {  	s22 =	simm.s32 $0x1BFF;
	s21 =	sshll.u32 s9, $0x1;
	s6 =	sadd.s32 s7, s19  }
0xa2: {  	s10 =	simm.s32 $0x0;
	s20 =	sshll.u32 s8, $0x1;
	s8 =	sadd.s32 s21, s6  }
0xa3: {  	[timem:s10], [sflag:s22] =	dma.local [hbm:s8], s20  }
0xa4: {  	_ =	swait.ge [sflag:s22], s20  }
0xa5: {  	s7 =	ssub.s32 $0x0, s20;
	[sflag:s22] =	ssyncset.done $0x0  }
0xa6: {  	[sflag:s22] =	ssyncadd.s32 s7;
	_ =	sdelay $0x1  }
0xa7: {  	s23 =	simm.s32 $0x1B8B  }
0xa8: {  	_ =	swait.ge [sflag:s23], $0x1  }
0xa9: {  	[sflag:s23] =	ssyncset.done $0x0  }
0xaa: {  	s25 =	simm.s32 $0x1B8E;
	s24 =	sld [smem:$0x3FFE];
	[sflag:s23] =	ssyncadd.s32 $0xFFFFFFFF  }
0xab: {  	s26 =	simm.s32 $execute0_lowered;
	[smem:$0x3FD2] =	sst s25  }
0xac: {  	s8 =	sshll.u32 s26, $0x1;
	_ =	strace $0x8000004C;
	[dreg:$0x1] =	wrdreg $0xFFFFFFFF  }
0xad: {  	s28 =	simm.s32 $_size_execute0_lowered;
	s6 =	sadd.s32 s6, s8;
	[dreg:$0x0] =	wrdreg $0x0  }
0xae: {  	s8 =	sshll.u32 s28, $0x1;
	[dreg:$0x2] =	wrdreg s6  }
0xaf: {  	[dreg:$0x3] =	wrdreg s8  }
0xb0: {  	[dreg:$0x4] =	wrdreg $0xC0  }
0xb1: {  	_ =	task [dreg:s10], $0x5FFFF  }
0xb2: {  	[dreg:$0x1] =	wrdreg $0xFFFFFFFF  }
0xb3: {  	[dreg:$0x0] =	wrdreg $0x60  }
0xb4: {  	[dreg:$0x2] =	wrdreg s24  }
0xb5: {  	[dreg:$0x3] =	wrdreg s15  }
0xb6: {  	[dreg:$0x4] =	wrdreg s16  }
0xb7: {  	[dreg:$0x5] =	wrdreg s17  }
0xb8: {  	[dreg:$0x6] =	wrdreg s18  }
0xb9: {  	[dreg:$0x7] =	wrdreg $0x9  }
0xba: {  	_ =	task.clear_ibuf [dreg:s10], $0x8FFFF;
	_ =	strace $0x9000004C  }
0xbb: {  	s29 =	simm.s32 $0x9;
	_ =	strace $0x8000004E  }
0xbc: {  	_ =	swait.ge [sflag:s29], $0x1  }
0xbd: {  	[sflag:s29] =	ssyncadd.s32 $0xFFFFFFFF  }
0xbe: {  	_ =	strace $0x9000004E  }
0xbf: {  	_ =	sfence  }
0xc0: {  	s30 =	sld [smem:$0x0];
	_ =	sdelay $0x2  }
0xc1: {  	s31 =	sshll.u32 s1, $0xD;
	s1 =	sshrl.u32 s1, $0x2  }
0xc2: {  	s3 =	sand.u32 $0x4000, s31;
	s1 =	sadd.s32 s1, s30  }
0xc3: {  	s0 =	sor.u32 s3, s0;
	s1 =	sshll.u32 s1, $0x11  }
0xc4: {  	s0 =	sor.u32 s1, s0  }
0xc5: {  	s0 =	sadd.s32 $0x8F2B, s0  }
0xc6: {  	[sflag:s0] =	ssyncadd.remote.s32 $0x1  }
0xc7: {  	_ =	sfence.sel $0xFFFF  }
0xc8: {  	[dreg:$0x0] =	wrdreg $0xFFFFFFFF;
	(pc) =	sbr.abs _section_cstart, $3  }
0xc9: {  	[dreg:$0x1] =	wrdreg $0xFFFFFFFF  }
0xca: {  	_ =	task.clear_ibuf [dreg:s10], $0x2FFFF;
	_ =	strace $0x9FFFFFFF  }
0xcb: {  	(tm) =	ssettm $0x7FFFFFFF  }
tec
execute0_lowered:
.L_overlay_start_1:
0x0: {  	(tag) =	ssettag $0x1  }
0x1: {  	v44 =	vlaneseq.u32  }
0x2: {  	v6 =	vmul.u32 $0x8, v44  }
0x3: {  	v9 =	vimm.f32 $0.0e+00  }
0x4: {  	v10 =	vor.u32 $0x1, v6;
	v11 =	vor.u32 $0x2, v6;
	v12 =	vor.u32 $0x3, v6  }
0x5: {  	v13 =	vor.u32 $0x4, v6;
	v14 =	vor.u32 $0x80, v6;
	v15 =	vor.u32 $0x81, v6  }
0x6: {  	v16 =	vor.u32 $0x82, v6;
	v17 =	vor.u32 $0x83, v6;
	v18 =	vor.u32 $0x84, v6  }
0x7: {  	v19 =	vor.u32 $0x100, v6;
	v20 =	vor.u32 $0x101, v6;
	v21 =	vor.u32 $0x102, v6  }
0x8: {  	s0 =	srdreg.scid;
	v22 =	vor.u32 $0x103, v6;
	v23 =	vor.u32 $0x104, v6;
	v24 =	vor.u32 $0x180, v6  }
0x9: {  	s3 =	sand.u32 $0x1, s0;
	v25 =	vor.u32 $0x181, v6;
	v26 =	vor.u32 $0x182, v6;
	v27 =	vor.u32 $0x183, v6  }
0xa: {  	s0 =	stileid.u32;
	s1 =	sshll.u32 s3, $0x4;
	v28 =	vor.u32 $0x184, v6;
	v29 =	vor.u32 $0x200, v6;
	v30 =	vor.u32 $0x201, v6  }
0xb: {  	s4 =	rddreg [dreg:$0x0];
	s7 =	sor.u32 s0, s1;
	v31 =	vor.u32 $0x202, v6;
	v32 =	vor.u32 $0x203, v6;
	v33 =	vor.u32 $0x204, v6  }
0xc: {  	s6 =	rddreg [dreg:$0x1];
	v34 =	vor.u32 $0x280, v6;
	v35 =	vor.u32 $0x281, v6;
	v36 =	vor.u32 $0x282, v6;
	s5 =	sshll.u32 s7, $0x7  }
0xd: {  	s11 =	rddreg [dreg:$0x2];
	v37 =	vor.u32 $0x283, v6;
	v38 =	vor.u32 $0x284, v6;
	v39 =	vor.u32 $0x300, v6;
	s24 =	sor.u32 $0x10, s5;
	s2 =	sor.u32 $0x20, s5  }
0xe: {  	v0 =	vor.u32 s5, v44;
	s25 =	sor.u32 $0x30, s5;
	s26 =	sor.u32 $0x40, s5;
	s28 =	sor.u32 $0x50, s5;
	v1 =	vor.u32 s24, v44;
	v2 =	vor.u32 s2, v44  }
0xf: {  	s10 =	rddreg [dreg:$0x3];
	s29 =	sor.u32 $0x60, s5;
	s30 =	sor.u32 $0x70, s5;
	v3 =	vor.u32 s25, v44;
	v4 =	vor.u32 s26, v44;
	v5 =	vor.u32 s28, v44  }
0x10: {  	s9 =	rddreg [dreg:$0x4];
	s16 =	simm.s32 $0x80;
	s17 =	simm.s32 $0x400;
	v7 =	vor.u32 s29, v44;
	v8 =	vor.u32 s30, v44;
	v44 =	vmul.u32 $0x3, v44  }
0x11: {  	s18 =	simm.s32 $0x780;
	s19 =	simm.s32 $0x980;
	v40 =	vor.u32 $0x301, v6;
	v41 =	vor.u32 $0x302, v6;
	v42 =	vor.u32 $0x303, v6;
	s2 =	simm.s32 $0x0  }
0x12: {  	s20 =	simm.s32 $0x900;
	s21 =	simm.s32 $0x0;
	v43 =	vor.u32 $0x304, v6;
	v45 =	vor.u32 $0x380, v6;
	[smem:$0x7FF] =	sst s2;
	v50 =	vadd.s32 $0x1, v44  }
0x13: {  	s12 =	ssub.s32 $0x2, s3;
	s1 =	rddreg [dreg:$0x5];
	v46 =	vor.u32 $0x381, v6;
	v47 =	vor.u32 $0x382, v6;
	_ =	strace $0x8000004D;
	v57 =	vadd.s32 $0x2, v44;
	[tilespmem:$0x1FF80] =	vst v50  }
0x14: {  	s3 =	sadd.s32 $0x1A00, s4;
	s13 =	sshrl.u32 s12, $0x1;
	v48 =	vor.u32 $0x383, v6;
	v49 =	vor.u32 $0x384, v6;
	s8 =	sshll.u32 s7, $0xA;
	v58 =	vadd.s32 $0x30, v44;
	[tilespmem:$0x1FF90] =	vst v57  }
0x15: {  	s12 =	ssub.s32 s12, s13;
	s31 =	sshll.u32 s7, $0x4;
	s15 =	smul.u32 $0x30, s7;
	v0 =	vcvt.s32.f32 v0;
	v1 =	vcvt.s32.f32 v1;
	v59 =	vadd.s32 $0x31, v44;
	[tilespmem:$0x1FFA0] =	vst v58  }
.Ltmp0:
0x16: {  	s14 =	sshllo.u32 s7, $0x7;
	s13 =	simm.s32 $0x680;
	v2 =	vcvt.s32.f32 v2;
	v3 =	vcvt.s32.f32 v3;
	v60 =	vadd.s32 $0x32, v44;
	[tilespmem:$0x1FFB0] =	vst v59;
	(pc) =	sbr.rel .LBB2_1-.Ltmp0, $4  }
0x17: {  	s8 =	sadd.s32 s8, s4;
	s4 =	sadd.s32 $0x15A00, s4;
	s5 =	scvt.s32.f32 s5;
	v4 =	vcvt.s32.f32 v4;
	v5 =	vcvt.s32.f32 v5;
	v61 =	vadd.s32 $0x60, v44;
	[tilespmem:$0x1FFC0] =	vst v60  }
0x18: {  	s6 =	sadd.s32 s6, s31;
	s7 =	scvt.s32.f32 s14;
	s9 =	sadd.s32 s9, s31;
	v7 =	vcvt.s32.f32 v7;
	v8 =	vcvt.s32.f32 v8;
	v62 =	vadd.s32 $0x61, v44;
	[tilespmem:$0x1FFD0] =	vst v61  }
0x19: {  	s10 =	sadd.s32 s10, s31;
	s12 =	smax.u32 s12, $0x1;
	s14 =	simm.s32 $0x1;
	v63 =	vadd.s32 $0x62, v44;
	[tilespmem:$0x1FFE0] =	vst v62;
	v58 =	vadd.s32 $0x90, v44;
	v59 =	vadd.s32 $0x91, v44  }
0x1a: {  	s8 =	sadd.s32 $0x15C00, s8;
	s11 =	sadd.s32 s11, s15;
	s15 =	simm.s32 $0x700;
	[tilespmem:$0x1FFF0] =	vst v63;
	v60 =	vadd.s32 $0x92, v44;
	v61 =	vor.u32 $0xC0, v44;
	v62 =	vadd.s32 $0xC1, v44  }
.LBB2_5:
0x1b: {  	v50 =	vld [tilespmem:$0x400];
	_ =	sdelay $0x4  }
0x1c: {  	v50 =	vsub.f32 $0.0e+00, v50;
	_ =	sdelay $0x1  }
0x1d: {  	v50 =	vmul.f32 $1.442695020e+00, v50;
	_ =	sdelay $0x1  }
0x1e: {  	(erf) = vpow2.f32 v50;
	_ =	sdelay $0x4  }
0x1f: {  	v50 =	vld [tilespmem:$0x700];
	_ =	sdelay $0x1  }
0x20: {  	v51 =	vld [tilespmem:$0x680];
	_ =	sdelay $0x1  }
0x21: {  	v52 =	vld [tilespmem:$0x600];
	v63 =	vpop (erf)  }
0x22: {  	v53 =	vmul.f32 v63, v50;
	_ =	sdelay $0x1  }
0x23: {  	v54 =	vld [tilespmem:$0x480];
	v51 =	vmul.f32 v51, v53;
	_ =	sdelay $0x1  }
0x24: {  	v51 =	vadd.f32 v51, v52  }
0x25: {  	v57 =	vld [tilespmem:$0x500];
	[tilespmem:$0x980] =	vst v63  }
0x26: {  	v55 =	vld [tilespmem:$0x580];
	[tilespmem:$0x900] =	vst v51  }
0x27: {  	[tilespmem:v44+s18+$0x0] =	vst.idx.msk $0xffff, v54;
	v54 =	vld [tilespmem:$0x1FF80]  }
0x28: {  	v56 =	vld [tilespmem:$0x1FF90];
	_ =	sdelay $0x6  }
0x29: {  	[tilespmem:v54+s18+$0x0] =	vst.idx.msk $0xffff, v57  }
0x2a: {  	[tilespmem:v56+s18+$0x0] =	vst.idx.msk $0xffff, v55  }
0x2b: {  	v51 =	vld [tilespmem:$0x410];
	_ =	sdelay $0x4  }
0x2c: {  	v51 =	vsub.f32 $0.0e+00, v51;
	_ =	sdelay $0x1  }
0x2d: {  	v51 =	vmul.f32 $1.442695020e+00, v51;
	_ =	sdelay $0x1  }
0x2e: {  	(erf) = vpow2.f32 v51;
	_ =	sdelay $0x7  }
0x2f: {  	v51 =	vld [tilespmem:$0x690]  }
0x30: {  	v52 =	vld [tilespmem:$0x610];
	v57 =	vpop (erf)  }
0x31: {  	v63 =	vmul.f32 v57, v50;
	[tilespmem:$0x990] =	vst v57;
	v57 =	vld [tilespmem:$0x1FFA0];
	_ =	sdelay $0x2  }
0x32: {  	v55 =	vld [tilespmem:$0x490];
	v51 =	vmul.f32 v51, v63;
	_ =	sdelay $0x1  }
0x33: {  	v51 =	vadd.f32 v51, v52  }
0x34: {  	v54 =	vld [tilespmem:$0x510]  }
0x35: {  	v63 =	vld [tilespmem:$0x590];
	[tilespmem:$0x910] =	vst v51  }
0x36: {  	[tilespmem:v57+s18+$0x0] =	vst.idx.msk $0xffff, v55;
	v55 =	vld [tilespmem:$0x1FFB0]  }
0x37: {  	v56 =	vld [tilespmem:$0x1FFC0];
	_ =	sdelay $0x6  }
0x38: {  	[tilespmem:v55+s18+$0x0] =	vst.idx.msk $0xffff, v54  }
0x39: {  	[tilespmem:v56+s18+$0x0] =	vst.idx.msk $0xffff, v63  }
0x3a: {  	v51 =	vld [tilespmem:$0x420];
	_ =	sdelay $0x4  }
0x3b: {  	v51 =	vsub.f32 $0.0e+00, v51;
	_ =	sdelay $0x1  }
0x3c: {  	v51 =	vmul.f32 $1.442695020e+00, v51;
	_ =	sdelay $0x1  }
0x3d: {  	(erf) = vpow2.f32 v51;
	_ =	sdelay $0x7  }
0x3e: {  	v51 =	vld [tilespmem:$0x6A0]  }
0x3f: {  	v52 =	vld [tilespmem:$0x620];
	v57 =	vpop (erf)  }
0x40: {  	v63 =	vmul.f32 v57, v50;
	[tilespmem:$0x9A0] =	vst v57;
	v57 =	vld [tilespmem:$0x1FFD0];
	_ =	sdelay $0x2  }
0x41: {  	v55 =	vld [tilespmem:$0x4A0];
	v51 =	vmul.f32 v51, v63;
	_ =	sdelay $0x1  }
0x42: {  	v51 =	vadd.f32 v51, v52  }
0x43: {  	v54 =	vld [tilespmem:$0x520]  }
0x44: {  	v63 =	vld [tilespmem:$0x5A0];
	[tilespmem:$0x920] =	vst v51  }
0x45: {  	[tilespmem:v57+s18+$0x0] =	vst.idx.msk $0xffff, v55;
	v55 =	vld [tilespmem:$0x1FFE0]  }
0x46: {  	v56 =	vld [tilespmem:$0x1FFF0];
	_ =	sdelay $0x6  }
0x47: {  	[tilespmem:v55+s18+$0x0] =	vst.idx.msk $0xffff, v54  }
0x48: {  	[tilespmem:v56+s18+$0x0] =	vst.idx.msk $0xffff, v63  }
0x49: {  	v51 =	vld [tilespmem:$0x430];
	_ =	sdelay $0x4  }
0x4a: {  	v51 =	vsub.f32 $0.0e+00, v51;
	_ =	sdelay $0x1  }
0x4b: {  	v51 =	vmul.f32 $1.442695020e+00, v51;
	_ =	sdelay $0x1  }
0x4c: {  	(erf) = vpow2.f32 v51;
	_ =	sdelay $0x6  }
0x4d: {  	v57 =	vld [tilespmem:$0x6B0];
	_ =	sdelay $0x1  }
0x4e: {  	v52 =	vld [tilespmem:$0x630];
	v53 =	vpop (erf)  }
0x4f: {  	v63 =	vmul.f32 v53, v50;
	_ =	sdelay $0x1  }
0x50: {  	v55 =	vld [tilespmem:$0x4B0];
	v51 =	vmul.f32 v57, v63  }
0x51: {  	v57 =	vld [tilespmem:$0x530]  }
0x52: {  	v63 =	vld [tilespmem:$0x5B0];
	v51 =	vadd.f32 v51, v52  }
0x53: {  	[tilespmem:$0x9B0] =	vst v53  }
0x54: {  	[tilespmem:$0x930] =	vst v51  }
0x55: {  	[tilespmem:v58+s18+$0x0] =	vst.idx.msk $0xffff, v55  }
0x56: {  	[tilespmem:v59+s18+$0x0] =	vst.idx.msk $0xffff, v57  }
0x57: {  	[tilespmem:v60+s18+$0x0] =	vst.idx.msk $0xffff, v63  }
0x58: {  	v56 =	vld [tilespmem:$0x440];
	_ =	sdelay $0x4  }
0x59: {  	v51 =	vsub.f32 $0.0e+00, v56;
	_ =	sdelay $0x1  }
0x5a: {  	v51 =	vmul.f32 $1.442695020e+00, v51;
	_ =	sdelay $0x1  }
0x5b: {  	(erf) = vpow2.f32 v51;
	_ =	sdelay $0x6  }
0x5c: {  	v51 =	vld [tilespmem:$0x6C0];
	_ =	sdelay $0x1  }
0x5d: {  	v57 =	vld [tilespmem:$0x640];
	v53 =	vpop (erf)  }
0x5e: {  	v63 =	vmul.f32 v53, v50;
	_ =	sdelay $0x1  }
0x5f: {  	v55 =	vld [tilespmem:$0x4C0];
	v51 =	vmul.f32 v51, v63  }
0x60: {  	v54 =	vld [tilespmem:$0x540]  }
0x61: {  	v63 =	vld [tilespmem:$0x5C0];
	v51 =	vadd.f32 v51, v57;
	v57 =	vadd.s32 $0xC2, v44  }
0x62: {  	[tilespmem:$0x9C0] =	vst v53  }
0x63: {  	[tilespmem:$0x940] =	vst v51  }
0x64: {  	[tilespmem:v61+s18+$0x0] =	vst.idx.msk $0xffff, v55  }
0x65: {  	[tilespmem:v62+s18+$0x0] =	vst.idx.msk $0xffff, v54  }
0x66: {  	[tilespmem:v57+s18+$0x0] =	vst.idx.msk $0xffff, v63  }
0x67: {  	v56 =	vld [tilespmem:$0x450];
	_ =	sdelay $0x4  }
0x68: {  	v51 =	vsub.f32 $0.0e+00, v56;
	_ =	sdelay $0x1  }
0x69: {  	v51 =	vmul.f32 $1.442695020e+00, v51;
	_ =	sdelay $0x1  }
0x6a: {  	(erf) = vpow2.f32 v51;
	_ =	sdelay $0x6  }
0x6b: {  	v57 =	vld [tilespmem:$0x6D0];
	_ =	sdelay $0x1  }
0x6c: {  	v52 =	vld [tilespmem:$0x650];
	v53 =	vpop (erf)  }
0x6d: {  	v63 =	vmul.f32 v53, v50;
	_ =	sdelay $0x1  }
0x6e: {  	v54 =	vadd.s32 $0xF0, v44;
	v55 =	vld [tilespmem:$0x4D0];
	v51 =	vmul.f32 v57, v63  }
0x6f: {  	v56 =	vadd.s32 $0xF1, v44;
	v63 =	vld [tilespmem:$0x550]  }
0x70: {  	v57 =	vld [tilespmem:$0x5D0];
	v51 =	vadd.f32 v51, v52;
	v52 =	vadd.s32 $0xF2, v44  }
0x71: {  	[tilespmem:$0x9D0] =	vst v53  }
0x72: {  	[tilespmem:$0x950] =	vst v51  }
0x73: {  	[tilespmem:v54+s18+$0x0] =	vst.idx.msk $0xffff, v55  }
0x74: {  	[tilespmem:v56+s18+$0x0] =	vst.idx.msk $0xffff, v63  }
0x75: {  	[tilespmem:v52+s18+$0x0] =	vst.idx.msk $0xffff, v57  }
0x76: {  	v56 =	vld [tilespmem:$0x460];
	_ =	sdelay $0x4  }
0x77: {  	v51 =	vsub.f32 $0.0e+00, v56;
	_ =	sdelay $0x1  }
0x78: {  	v51 =	vmul.f32 $1.442695020e+00, v51;
	_ =	sdelay $0x1  }
0x79: {  	(erf) = vpow2.f32 v51;
	_ =	sdelay $0x6  }
0x7a: {  	v57 =	vld [tilespmem:$0x6E0];
	_ =	sdelay $0x1  }
0x7b: {  	v52 =	vld [tilespmem:$0x660];
	v53 =	vpop (erf)  }
0x7c: {  	v63 =	vmul.f32 v53, v50;
	_ =	sdelay $0x1  }
0x7d: {  	v54 =	vadd.s32 $0x120, v44;
	v55 =	vld [tilespmem:$0x4E0];
	v51 =	vmul.f32 v57, v63  }
0x7e: {  	v56 =	vld [tilespmem:$0x560];
	v57 =	vadd.s32 $0x121, v44  }
0x7f: {  	v63 =	vld [tilespmem:$0x5E0];
	v51 =	vadd.f32 v51, v52;
	v52 =	vadd.s32 $0x122, v44  }
0x80: {  	[tilespmem:$0x9E0] =	vst v53  }
0x81: {  	[tilespmem:$0x960] =	vst v51  }
0x82: {  	[tilespmem:v54+s18+$0x0] =	vst.idx.msk $0xffff, v55  }
0x83: {  	[tilespmem:v57+s18+$0x0] =	vst.idx.msk $0xffff, v56  }
0x84: {  	[tilespmem:v52+s18+$0x0] =	vst.idx.msk $0xffff, v63  }
0x85: {  	v56 =	vld [tilespmem:$0x470];
	_ =	sdelay $0x4  }
0x86: {  	v51 =	vsub.f32 $0.0e+00, v56;
	_ =	sdelay $0x1  }
0x87: {  	v51 =	vmul.f32 $1.442695020e+00, v51;
	_ =	sdelay $0x1  }
0x88: {  	(erf) = vpow2.f32 v51;
	_ =	sdelay $0x6  }
0x89: {  	v57 =	vld [tilespmem:$0x6F0];
	_ =	sdelay $0x1  }
0x8a: {  	v52 =	vld [tilespmem:$0x670];
	v53 =	vpop (erf)  }
0x8b: {  	v50 =	vmul.f32 v53, v50;
	_ =	sdelay $0x1  }
0x8c: {  	v54 =	vld [tilespmem:$0x4F0];
	v51 =	vadd.s32 $0x150, v44;
	v50 =	vmul.f32 v57, v50  }
0x8d: {  	v55 =	vld [tilespmem:$0x570];
	v56 =	vadd.s32 $0x151, v44  }
0x8e: {  	v63 =	vadd.s32 $0x152, v44;
	v57 =	vld [tilespmem:$0x5F0];
	v50 =	vadd.f32 v50, v52  }
0x8f: {  	[tilespmem:$0x9F0] =	vst v53  }
0x90: {  	[tilespmem:$0x970] =	vst v50  }
0x91: {  	[tilespmem:v51+s18+$0x0] =	vst.idx.msk $0xffff, v54  }
0x92: {  	[tilespmem:v56+s18+$0x0] =	vst.idx.msk $0xffff, v55  }
0x93: {  	[tilespmem:v63+s18+$0x0] =	vst.idx.msk $0xffff, v57  }
0x94: {  	[hbm4b:s9+s2] =	stream.linear.scatter [tilespmem:s19], [sflag:$0x1], $0x80, $0x38;
	[tilespmem:$0xC00] =	vst v63  }
0x95: {  	_ =	swait.ge [sflag:s14], $0x80  }
0x96: {  	[sflag:s14] =	ssyncset.done $0x0  }
0x97: {  	[sflag:s14] =	ssyncadd.s32 $0xFFFFFF80  }
0x98: {  	[hbm4b:s10+s2] =	stream.linear.scatter [tilespmem:s20], [sflag:$0x1], $0x80, $0x38;
	[tilespmem:$0xC00] =	vst v63  }
0x99: {  	s21 =	sadd.s32 $0x1, s21;
	_ =	swait.ge [sflag:s14], $0x80  }
0x9a: {  	p0 =	sne.s32 s21, s12;
	[sflag:s14] =	ssyncset.done $0x0  }
.Ltmp1:
0x9b: {  	[sflag:s14] =	ssyncadd.s32 $0xFFFFFF80;
	(pc) =	sbr.rel @!p0 .LBB2_6-.Ltmp1, $4  }
0x9c: {  	[hbm4b:s11+s2] =	stream.linear.scatter [tilespmem:s18], [sflag:$0x1], $0x180, $0x38;
	[tilespmem:$0xC00] =	vst v63  }
0x9d: {  	_ =	swait.ge [sflag:s14], $0x180  }
0x9e: {  	[sflag:s14] =	ssyncset.done $0x0  }
0x9f: {  	[sflag:s14] =	ssyncadd.s32 $0xFFFFFE80  }
.LBB2_1:
0xa0: {  	[tilespmem:$0x400] =	vst v9  }
0xa1: {  	[tilespmem:$0x410] =	vst v9  }
0xa2: {  	[tilespmem:$0x420] =	vst v9  }
0xa3: {  	[tilespmem:$0x430] =	vst v9  }
0xa4: {  	[tilespmem:$0x440] =	vst v9  }
0xa5: {  	[tilespmem:$0x450] =	vst v9  }
0xa6: {  	[tilespmem:$0x460] =	vst v9  }
0xa7: {  	[tilespmem:$0x470] =	vst v9  }
0xa8: {  	[tilespmem:$0x480] =	vst v9  }
0xa9: {  	[tilespmem:$0x490] =	vst v9  }
0xaa: {  	[tilespmem:$0x4A0] =	vst v9  }
0xab: {  	[tilespmem:$0x4B0] =	vst v9  }
0xac: {  	[tilespmem:$0x4C0] =	vst v9  }
0xad: {  	[tilespmem:$0x4D0] =	vst v9  }
0xae: {  	[tilespmem:$0x4E0] =	vst v9  }
0xaf: {  	[tilespmem:$0x4F0] =	vst v9  }
0xb0: {  	[tilespmem:$0x500] =	vst v9  }
0xb1: {  	[tilespmem:$0x510] =	vst v9  }
0xb2: {  	[tilespmem:$0x520] =	vst v9  }
0xb3: {  	[tilespmem:$0x530] =	vst v9  }
0xb4: {  	[tilespmem:$0x540] =	vst v9  }
0xb5: {  	[tilespmem:$0x550] =	vst v9  }
0xb6: {  	[tilespmem:$0x560] =	vst v9  }
0xb7: {  	[tilespmem:$0x570] =	vst v9  }
0xb8: {  	[tilespmem:$0x580] =	vst v9  }
0xb9: {  	[tilespmem:$0x590] =	vst v9  }
0xba: {  	[tilespmem:$0x5A0] =	vst v9  }
0xbb: {  	[tilespmem:$0x5B0] =	vst v9  }
0xbc: {  	[tilespmem:$0x5C0] =	vst v9  }
0xbd: {  	[tilespmem:$0x5D0] =	vst v9  }
0xbe: {  	[tilespmem:$0x5E0] =	vst v9  }
0xbf: {  	[tilespmem:$0x5F0] =	vst v9  }
0xc0: {  	[tilespmem:$0x600] =	vst v9  }
0xc1: {  	[tilespmem:$0x610] =	vst v9  }
0xc2: {  	[tilespmem:$0x620] =	vst v9  }
0xc3: {  	[tilespmem:$0x630] =	vst v9  }
0xc4: {  	[tilespmem:$0x640] =	vst v9  }
0xc5: {  	[tilespmem:$0x650] =	vst v9  }
0xc6: {  	[tilespmem:$0x660] =	vst v9  }
0xc7: {  	[tilespmem:$0x670] =	vst v9  }
0xc8: {  	[tilespmem:s13], [sflag:$0x1] =	stream.linear.gather [hbm4b:s6+s2], $0x80, $0x38;
	[tilespmem:$0xC00] =	vst v63  }
0xc9: {  	_ =	swait.ge [sflag:s14], $0x80  }
0xca: {  	[sflag:s14] =	ssyncset.done $0x0  }
0xcb: {  	[sflag:s14] =	ssyncadd.s32 $0xFFFFFF80  }
0xcc: {  	[tilespmem:s15], [sflag:$0x1] =	stream.linear.gather [hbm4b:s3+s2], $0x80, $0x38;
	[tilespmem:$0xC00] =	vst v63  }
0xcd: {  	_ =	swait.ge [sflag:s14], $0x80  }
0xce: {  	[sflag:s14] =	ssyncset.done $0x0  }
.Ltmp2:
0xcf: {  	s22 =	simm.s32 $0xA00;
	[sflag:s14] =	ssyncadd.s32 $0xFFFFFF80;
	(pc) =	sbr.rel .LBB2_2-.Ltmp2, $4  }
0xd0: {  	[tilespmem:s22], [sflag:$0x1] =	stream.linear.gather [hbm4b:s4+s2], $0x200, $0x38;
	[tilespmem:$0xC00] =	vst v63  }
0xd1: {  	_ =	swait.ge [sflag:s14], $0x200  }
0xd2: {  	[sflag:s14] =	ssyncset.done $0x0  }
0xd3: {  	s23 =	simm.s32 $0x0;
	s24 =	simm.s32 $0x0;
	[sflag:s14] =	ssyncadd.s32 $0xFFFFFE00  }
.LBB2_4:
0xd4: {  	s24 =	sadd.s32 $0x1000, s24  }
0xd5: {  	p0 =	sne.s32 s24, $0x20000  }
.Ltmp3:
0xd6: {  	_ = 	snop;
	(pc) =	sbr.rel @!p0 .LBB2_5-.Ltmp3, $2  }
0xd7: {  	_ =	sdelay $0x2  }
0xd8: {  	s23 =	sadd.s32 $0x10, s23;
	s22 =	sadd.s32 $0x10, s22  }
.LBB2_2:
0xd9: {  	v50 =	vld [tilespmem:s22+$0x0];
	_ =	sdelay $0x4  }
0xda: {  	(v2sf) =	vpush v50, $0x4;
	_ =	sdelay $0x1  }
0xdb: {  	(v2sf) =	vpush v50, $0x5;
	_ =	sdelay $0xc  }
0xdc: {  	s25 =	spop (v2sf)  }
0xdd: {  	p0 =	sle.f32 s25, s7  }
0xde: {  	s25 =	spop (v2sf)  }
0xdf: {  	p1 =	sge.f32 @p0 s25, s5;
	_ =	sdelay $0x1  }
0xe0: {  	p0 =	por !p0, !p1  }
.Ltmp4:
0xe1: {  	_ = 	snop;
	(pc) =	sbr.rel @p0 .LBB2_4-.Ltmp4, $1  }
0xe2: {  	_ =	sdelay $0x3  }
0xe3: {  	s25 =	sand.u32 $0x18000, s24  }
0xe4: {  	s26 =	sand.u32 $0x70, s23;
	s25 =	sadd.s32 s25, s8  }
0xe5: {  	s25 =	sadd.s32 s26, s25  }
0xe6: {  	[tilespmem:s2], [sflag:$0x1] =	stream.strided.gather [hbm4b:s25+s16], $0x400, s17, s16, $0x38;
	[tilespmem:$0xC00] =	vst v63  }
0xe7: {  	_ =	swait.ge [sflag:s14], $0x400  }
0xe8: {  	[sflag:s14] =	ssyncset.done $0x0  }
0xe9: {  	[sflag:s14] =	ssyncadd.s32 $0xFFFFFC00  }
0xea: {  	v51 =	vld.idx.msk [tilespmem:v6+s2+$0x0], $0xffff  }
0xeb: {  	v63 =	vbroadcast v50, $0x4;
	v50 =	vbroadcast v50, $0x5;
	v52 =	vld [tilespmem:$0x400];
	_ =	sdelay $0x1  }
0xec: {  	vm0 =	vle.f32 v63, v0;
	vm1 =	vge.f32 v50, v0  }
0xed: {  	vm0 =	vmand vm0, vm1  }
0xee: {  	v51 =	vnsel vm0, $0x0, v51  }
0xef: {  	v51 =	vadd.f32 v51, v52;
	_ =	sdelay $0x1  }
0xf0: {  	[tilespmem:$0x400] =	vst v51  }
0xf1: {  	v51 =	vld.idx.msk [tilespmem:v10+s2+$0x0], $0xffff  }
0xf2: {  	v57 =	vld [tilespmem:$0x480];
	_ =	sdelay $0x3  }
0xf3: {  	v51 =	vnsel vm0, $0x0, v51  }
0xf4: {  	v51 =	vadd.f32 v51, v57;
	_ =	sdelay $0x1  }
0xf5: {  	[tilespmem:$0x480] =	vst v51  }
0xf6: {  	v51 =	vld.idx.msk [tilespmem:v11+s2+$0x0], $0xffff  }
0xf7: {  	v56 =	vld [tilespmem:$0x500];
	_ =	sdelay $0x3  }
0xf8: {  	v51 =	vnsel vm0, $0x0, v51  }
0xf9: {  	v51 =	vadd.f32 v51, v56;
	_ =	sdelay $0x1  }
0xfa: {  	[tilespmem:$0x500] =	vst v51  }
0xfb: {  	v51 =	vld.idx.msk [tilespmem:v12+s2+$0x0], $0xffff  }
0xfc: {  	v57 =	vld [tilespmem:$0x580];
	_ =	sdelay $0x3  }
0xfd: {  	v51 =	vnsel vm0, $0x0, v51  }
0xfe: {  	v51 =	vadd.f32 v51, v57;
	_ =	sdelay $0x1  }
0xff: {  	[tilespmem:$0x580] =	vst v51  }
0x100: {  	v51 =	vld.idx.msk [tilespmem:v13+s2+$0x0], $0xffff  }
0x101: {  	v56 =	vld [tilespmem:$0x600];
	_ =	sdelay $0x3  }
0x102: {  	v51 =	vnsel vm0, $0x0, v51  }
0x103: {  	v51 =	vadd.f32 v51, v56;
	_ =	sdelay $0x1  }
0x104: {  	[tilespmem:$0x600] =	vst v51  }
0x105: {  	v51 =	vld.idx.msk [tilespmem:v14+s2+$0x0], $0xffff  }
0x106: {  	v57 =	vld [tilespmem:$0x410];
	_ =	sdelay $0x1  }
0x107: {  	vm14 =	vle.f32 v63, v1;
	vm15 =	vge.f32 v50, v1  }
0x108: {  	vm0 =	vmand vm14, vm15  }
0x109: {  	v51 =	vnsel vm0, $0x0, v51  }
0x10a: {  	v51 =	vadd.f32 v51, v57;
	_ =	sdelay $0x1  }
0x10b: {  	[tilespmem:$0x410] =	vst v51  }
0x10c: {  	v51 =	vld.idx.msk [tilespmem:v15+s2+$0x0], $0xffff  }
0x10d: {  	v56 =	vld [tilespmem:$0x490];
	_ =	sdelay $0x3  }
0x10e: {  	v51 =	vnsel vm0, $0x0, v51  }
0x10f: {  	v51 =	vadd.f32 v51, v56;
	_ =	sdelay $0x1  }
0x110: {  	[tilespmem:$0x490] =	vst v51  }
0x111: {  	v51 =	vld.idx.msk [tilespmem:v16+s2+$0x0], $0xffff  }
0x112: {  	v57 =	vld [tilespmem:$0x510];
	_ =	sdelay $0x3  }
0x113: {  	v51 =	vnsel vm0, $0x0, v51  }
0x114: {  	v51 =	vadd.f32 v51, v57;
	_ =	sdelay $0x1  }
0x115: {  	[tilespmem:$0x510] =	vst v51  }
0x116: {  	v51 =	vld.idx.msk [tilespmem:v17+s2+$0x0], $0xffff  }
0x117: {  	v56 =	vld [tilespmem:$0x590];
	_ =	sdelay $0x3  }
0x118: {  	v51 =	vnsel vm0, $0x0, v51  }
0x119: {  	v51 =	vadd.f32 v51, v56;
	_ =	sdelay $0x1  }
0x11a: {  	[tilespmem:$0x590] =	vst v51  }
0x11b: {  	v51 =	vld.idx.msk [tilespmem:v18+s2+$0x0], $0xffff  }
0x11c: {  	v57 =	vld [tilespmem:$0x610];
	_ =	sdelay $0x3  }
0x11d: {  	v51 =	vnsel vm0, $0x0, v51  }
0x11e: {  	v51 =	vadd.f32 v51, v57;
	_ =	sdelay $0x1  }
0x11f: {  	[tilespmem:$0x610] =	vst v51  }
0x120: {  	v51 =	vld.idx.msk [tilespmem:v19+s2+$0x0], $0xffff  }
0x121: {  	v56 =	vld [tilespmem:$0x420];
	_ =	sdelay $0x1  }
0x122: {  	vm4 =	vle.f32 v63, v2;
	vm5 =	vge.f32 v50, v2  }
0x123: {  	vm0 =	vmand vm4, vm5  }
0x124: {  	v51 =	vnsel vm0, $0x0, v51  }
0x125: {  	v51 =	vadd.f32 v51, v56;
	_ =	sdelay $0x1  }
0x126: {  	[tilespmem:$0x420] =	vst v51  }
0x127: {  	v51 =	vld.idx.msk [tilespmem:v20+s2+$0x0], $0xffff  }
0x128: {  	v57 =	vld [tilespmem:$0x4A0];
	_ =	sdelay $0x3  }
0x129: {  	v51 =	vnsel vm0, $0x0, v51  }
0x12a: {  	v51 =	vadd.f32 v51, v57;
	_ =	sdelay $0x1  }
0x12b: {  	[tilespmem:$0x4A0] =	vst v51  }
0x12c: {  	v51 =	vld.idx.msk [tilespmem:v21+s2+$0x0], $0xffff  }
0x12d: {  	v56 =	vld [tilespmem:$0x520];
	_ =	sdelay $0x3  }
0x12e: {  	v51 =	vnsel vm0, $0x0, v51  }
0x12f: {  	v51 =	vadd.f32 v51, v56;
	_ =	sdelay $0x1  }
0x130: {  	[tilespmem:$0x520] =	vst v51  }
0x131: {  	v51 =	vld.idx.msk [tilespmem:v22+s2+$0x0], $0xffff  }
0x132: {  	v57 =	vld [tilespmem:$0x5A0];
	_ =	sdelay $0x3  }
0x133: {  	v51 =	vnsel vm0, $0x0, v51  }
0x134: {  	v51 =	vadd.f32 v51, v57;
	_ =	sdelay $0x1  }
0x135: {  	[tilespmem:$0x5A0] =	vst v51  }
0x136: {  	v51 =	vld.idx.msk [tilespmem:v23+s2+$0x0], $0xffff  }
0x137: {  	v56 =	vld [tilespmem:$0x620];
	_ =	sdelay $0x3  }
0x138: {  	v51 =	vnsel vm0, $0x0, v51  }
0x139: {  	v51 =	vadd.f32 v51, v56;
	_ =	sdelay $0x1  }
0x13a: {  	[tilespmem:$0x620] =	vst v51  }
0x13b: {  	v51 =	vld.idx.msk [tilespmem:v24+s2+$0x0], $0xffff  }
0x13c: {  	v57 =	vld [tilespmem:$0x430];
	_ =	sdelay $0x1  }
0x13d: {  	vm6 =	vle.f32 v63, v3;
	vm7 =	vge.f32 v50, v3  }
0x13e: {  	vm0 =	vmand vm6, vm7  }
0x13f: {  	v51 =	vnsel vm0, $0x0, v51  }
0x140: {  	v51 =	vadd.f32 v51, v57;
	_ =	sdelay $0x1  }
0x141: {  	[tilespmem:$0x430] =	vst v51  }
0x142: {  	v51 =	vld.idx.msk [tilespmem:v25+s2+$0x0], $0xffff  }
0x143: {  	v56 =	vld [tilespmem:$0x4B0];
	_ =	sdelay $0x3  }
0x144: {  	v51 =	vnsel vm0, $0x0, v51  }
0x145: {  	v51 =	vadd.f32 v51, v56;
	_ =	sdelay $0x1  }
0x146: {  	[tilespmem:$0x4B0] =	vst v51  }
0x147: {  	v51 =	vld.idx.msk [tilespmem:v26+s2+$0x0], $0xffff  }
0x148: {  	v57 =	vld [tilespmem:$0x530];
	_ =	sdelay $0x3  }
0x149: {  	v51 =	vnsel vm0, $0x0, v51  }
0x14a: {  	v51 =	vadd.f32 v51, v57;
	_ =	sdelay $0x1  }
0x14b: {  	[tilespmem:$0x530] =	vst v51  }
0x14c: {  	v51 =	vld.idx.msk [tilespmem:v27+s2+$0x0], $0xffff  }
0x14d: {  	v56 =	vld [tilespmem:$0x5B0];
	_ =	sdelay $0x3  }
0x14e: {  	v51 =	vnsel vm0, $0x0, v51  }
0x14f: {  	v51 =	vadd.f32 v51, v56;
	_ =	sdelay $0x1  }
0x150: {  	[tilespmem:$0x5B0] =	vst v51  }
0x151: {  	v51 =	vld.idx.msk [tilespmem:v28+s2+$0x0], $0xffff  }
0x152: {  	v57 =	vld [tilespmem:$0x630];
	_ =	sdelay $0x3  }
0x153: {  	v51 =	vnsel vm0, $0x0, v51  }
0x154: {  	v51 =	vadd.f32 v51, v57;
	_ =	sdelay $0x1  }
0x155: {  	[tilespmem:$0x630] =	vst v51  }
0x156: {  	v51 =	vld.idx.msk [tilespmem:v29+s2+$0x0], $0xffff  }
0x157: {  	v56 =	vld [tilespmem:$0x440];
	_ =	sdelay $0x1  }
0x158: {  	vm8 =	vle.f32 v63, v4;
	vm9 =	vge.f32 v50, v4  }
0x159: {  	vm0 =	vmand vm8, vm9  }
0x15a: {  	v51 =	vnsel vm0, $0x0, v51  }
0x15b: {  	v51 =	vadd.f32 v51, v56;
	_ =	sdelay $0x1  }
0x15c: {  	[tilespmem:$0x440] =	vst v51  }
0x15d: {  	v51 =	vld.idx.msk [tilespmem:v30+s2+$0x0], $0xffff  }
0x15e: {  	v57 =	vld [tilespmem:$0x4C0];
	_ =	sdelay $0x3  }
0x15f: {  	v51 =	vnsel vm0, $0x0, v51  }
0x160: {  	v51 =	vadd.f32 v51, v57;
	_ =	sdelay $0x1  }
0x161: {  	[tilespmem:$0x4C0] =	vst v51  }
0x162: {  	v51 =	vld.idx.msk [tilespmem:v31+s2+$0x0], $0xffff  }
0x163: {  	v56 =	vld [tilespmem:$0x540];
	_ =	sdelay $0x3  }
0x164: {  	v51 =	vnsel vm0, $0x0, v51  }
0x165: {  	v51 =	vadd.f32 v51, v56;
	_ =	sdelay $0x1  }
0x166: {  	[tilespmem:$0x540] =	vst v51  }
0x167: {  	v51 =	vld.idx.msk [tilespmem:v32+s2+$0x0], $0xffff  }
0x168: {  	v57 =	vld [tilespmem:$0x5C0];
	_ =	sdelay $0x3  }
0x169: {  	v51 =	vnsel vm0, $0x0, v51  }
0x16a: {  	v51 =	vadd.f32 v51, v57;
	_ =	sdelay $0x1  }
0x16b: {  	[tilespmem:$0x5C0] =	vst v51  }
0x16c: {  	v51 =	vld.idx.msk [tilespmem:v33+s2+$0x0], $0xffff  }
0x16d: {  	v56 =	vld [tilespmem:$0x640];
	_ =	sdelay $0x3  }
0x16e: {  	v51 =	vnsel vm0, $0x0, v51  }
0x16f: {  	v51 =	vadd.f32 v51, v56;
	_ =	sdelay $0x1  }
0x170: {  	[tilespmem:$0x640] =	vst v51  }
0x171: {  	v51 =	vld.idx.msk [tilespmem:v34+s2+$0x0], $0xffff  }
0x172: {  	v57 =	vld [tilespmem:$0x450];
	_ =	sdelay $0x1  }
0x173: {  	vm10 =	vle.f32 v63, v5;
	vm11 =	vge.f32 v50, v5  }
0x174: {  	vm0 =	vmand vm10, vm11  }
0x175: {  	v51 =	vnsel vm0, $0x0, v51  }
0x176: {  	v51 =	vadd.f32 v51, v57;
	_ =	sdelay $0x1  }
0x177: {  	[tilespmem:$0x450] =	vst v51  }
0x178: {  	v51 =	vld.idx.msk [tilespmem:v35+s2+$0x0], $0xffff  }
0x179: {  	v56 =	vld [tilespmem:$0x4D0];
	_ =	sdelay $0x3  }
0x17a: {  	v51 =	vnsel vm0, $0x0, v51  }
0x17b: {  	v51 =	vadd.f32 v51, v56;
	_ =	sdelay $0x1  }
0x17c: {  	[tilespmem:$0x4D0] =	vst v51  }
0x17d: {  	v51 =	vld.idx.msk [tilespmem:v36+s2+$0x0], $0xffff  }
0x17e: {  	v57 =	vld [tilespmem:$0x550];
	_ =	sdelay $0x3  }
0x17f: {  	v51 =	vnsel vm0, $0x0, v51  }
0x180: {  	v51 =	vadd.f32 v51, v57;
	_ =	sdelay $0x1  }
0x181: {  	[tilespmem:$0x550] =	vst v51  }
0x182: {  	v51 =	vld.idx.msk [tilespmem:v37+s2+$0x0], $0xffff  }
0x183: {  	v56 =	vld [tilespmem:$0x5D0];
	_ =	sdelay $0x3  }
0x184: {  	v51 =	vnsel vm0, $0x0, v51  }
0x185: {  	v51 =	vadd.f32 v51, v56;
	_ =	sdelay $0x1  }
0x186: {  	[tilespmem:$0x5D0] =	vst v51  }
0x187: {  	v51 =	vld.idx.msk [tilespmem:v38+s2+$0x0], $0xffff  }
0x188: {  	v57 =	vld [tilespmem:$0x650];
	_ =	sdelay $0x3  }
0x189: {  	v51 =	vnsel vm0, $0x0, v51  }
0x18a: {  	v51 =	vadd.f32 v51, v57;
	_ =	sdelay $0x1  }
0x18b: {  	[tilespmem:$0x650] =	vst v51  }
0x18c: {  	v51 =	vld.idx.msk [tilespmem:v39+s2+$0x0], $0xffff  }
0x18d: {  	v56 =	vld [tilespmem:$0x460];
	_ =	sdelay $0x1  }
0x18e: {  	vm12 =	vle.f32 v63, v7;
	vm13 =	vge.f32 v50, v7  }
0x18f: {  	vm0 =	vmand vm12, vm13  }
0x190: {  	v51 =	vnsel vm0, $0x0, v51  }
0x191: {  	v51 =	vadd.f32 v51, v56;
	_ =	sdelay $0x1  }
0x192: {  	[tilespmem:$0x460] =	vst v51  }
0x193: {  	v51 =	vld.idx.msk [tilespmem:v40+s2+$0x0], $0xffff  }
0x194: {  	v57 =	vld [tilespmem:$0x4E0];
	_ =	sdelay $0x3  }
0x195: {  	v51 =	vnsel vm0, $0x0, v51  }
0x196: {  	v51 =	vadd.f32 v51, v57;
	_ =	sdelay $0x1  }
0x197: {  	[tilespmem:$0x4E0] =	vst v51  }
0x198: {  	v51 =	vld.idx.msk [tilespmem:v41+s2+$0x0], $0xffff  }
0x199: {  	v56 =	vld [tilespmem:$0x560];
	_ =	sdelay $0x3  }
0x19a: {  	v51 =	vnsel vm0, $0x0, v51  }
0x19b: {  	v51 =	vadd.f32 v51, v56;
	_ =	sdelay $0x1  }
0x19c: {  	[tilespmem:$0x560] =	vst v51  }
0x19d: {  	v51 =	vld.idx.msk [tilespmem:v42+s2+$0x0], $0xffff  }
0x19e: {  	v57 =	vld [tilespmem:$0x5E0];
	_ =	sdelay $0x3  }
0x19f: {  	v51 =	vnsel vm0, $0x0, v51  }
0x1a0: {  	v51 =	vadd.f32 v51, v57;
	_ =	sdelay $0x1  }
0x1a1: {  	[tilespmem:$0x5E0] =	vst v51  }
0x1a2: {  	v51 =	vld.idx.msk [tilespmem:v43+s2+$0x0], $0xffff  }
0x1a3: {  	v56 =	vld [tilespmem:$0x660];
	_ =	sdelay $0x3  }
0x1a4: {  	v51 =	vnsel vm0, $0x0, v51  }
0x1a5: {  	v51 =	vadd.f32 v51, v56;
	_ =	sdelay $0x1  }
0x1a6: {  	[tilespmem:$0x660] =	vst v51  }
0x1a7: {  	v51 =	vld.idx.msk [tilespmem:v45+s2+$0x0], $0xffff  }
0x1a8: {  	v57 =	vld [tilespmem:$0x470];
	_ =	sdelay $0x1  }
0x1a9: {  	vm14 =	vle.f32 v63, v8;
	vm15 =	vge.f32 v50, v8  }
0x1aa: {  	vm0 =	vmand vm14, vm15  }
0x1ab: {  	v54 =	vnsel vm0, $0x0, v51  }
0x1ac: {  	v50 =	vadd.f32 v54, v57;
	_ =	sdelay $0x1  }
0x1ad: {  	[tilespmem:$0x470] =	vst v50  }
0x1ae: {  	v50 =	vld.idx.msk [tilespmem:v46+s2+$0x0], $0xffff  }
0x1af: {  	v55 =	vld [tilespmem:$0x4F0];
	_ =	sdelay $0x3  }
0x1b0: {  	v50 =	vnsel vm0, $0x0, v50  }
0x1b1: {  	v50 =	vadd.f32 v50, v55;
	_ =	sdelay $0x1  }
0x1b2: {  	[tilespmem:$0x4F0] =	vst v50  }
0x1b3: {  	v50 =	vld.idx.msk [tilespmem:v47+s2+$0x0], $0xffff  }
0x1b4: {  	v56 =	vld [tilespmem:$0x570];
	_ =	sdelay $0x3  }
0x1b5: {  	v50 =	vnsel vm0, $0x0, v50  }
0x1b6: {  	v50 =	vadd.f32 v50, v56;
	_ =	sdelay $0x1  }
0x1b7: {  	[tilespmem:$0x570] =	vst v50  }
0x1b8: {  	v50 =	vld.idx.msk [tilespmem:v48+s2+$0x0], $0xffff  }
0x1b9: {  	v57 =	vld [tilespmem:$0x5F0];
	_ =	sdelay $0x3  }
0x1ba: {  	v50 =	vnsel vm0, $0x0, v50  }
0x1bb: {  	v50 =	vadd.f32 v50, v57;
	_ =	sdelay $0x1  }
0x1bc: {  	[tilespmem:$0x5F0] =	vst v50  }
0x1bd: {  	v50 =	vld.idx.msk [tilespmem:v49+s2+$0x0], $0xffff  }
0x1be: {  	v63 =	vld [tilespmem:$0x670];
	_ =	sdelay $0x2  }
.Ltmp5:
0x1bf: {  	_ = 	snop;
	(pc) =	sbr.rel .LBB2_4-.Ltmp5, $3  }
0x1c0: {  	v50 =	vnsel vm0, $0x0, v50  }
0x1c1: {  	v50 =	vadd.f32 v50, v63;
	_ =	sdelay $0x1  }
0x1c2: {  	[tilespmem:$0x670] =	vst v50  }
.LBB2_6:
0x1c3: {  	_ =	sfence.sel $0x180000  }
0x1c4: {  	[bflag:$0x0] =	sbarrier.arrive $0xFFFF  }
0x1c5: {  	p0 =	sne.s32 s0, $0x0;
	_ =	strace $0x9000004D  }
0x1c6: {  	s0 =	sadd.s32 @!p0 $0x100000, s1;
	[bflag:$0x2] =	sbarrier.arrive $0xFFFF  }
0x1c7: {  	[sflag:s0] =	ssyncadd.tile.s32 @!p0 $0x1;
	_ =	shalt  }
.Lfunc_end2:
_tile_overlayer_lowered:
.L_overlay_start_2:
0x1c8: {  	(tag) =	ssettag $0x2  }
0x1c9: {  	s0 =	rddreg [dreg:$0x0];
	s2 =	stileid.u32  }
0x1ca: {  	s1 =	rddreg [dreg:$0x1];
	p0 =	sne.s32 s2, $0x0  }
0x1cb: {  	s3 =	rddreg [dreg:$0x2];
	[bflag:$0x3] =	sbarrier.arrive $0xFFFF;
	s2 =	simm.s32 @!p0 $0x1C01  }
0x1cc: {  	[timem:s3], [sflag:s2] =	dma.local @!p0 [hbm:s0], s1  }
0x1cd: {  	s0 =	simm.s32 @!p0 $0x1  }
0x1ce: {  	_ =	swait.ge @!p0 [sflag:s0], s1  }
0x1cf: {  	s1 =	ssub.s32 @!p0 $0x0, s1;
	[sflag:s0] =	ssyncset.done @!p0 $0x0  }
0x1d0: {  	[sflag:s0] =	ssyncadd.s32 @!p0 s1  }
0x1d1: {  	[bflag:$0x3] =	sbarrier.arrive $0xFFFF  }
0x1d2: {  	_ =	shalt  }

// kernel: kernel.5.cloned.1.call-start
scs
__scs_entry_jumppad:
0x0: {  	(pc) =	sbr.rel $0x88, $3  }
0x1: {  	(tag) =	ssettag $0x0;
	lr =	simm.s32 $0x1  }
0x2: {  	[smem:$0x3F9A] =	sst lr;
	_ =	strace $0xD0000000  }
0x3: {  	_ = 	snop  }
0x4: {  	_ = 	snop  }
0x5: {  	_ = 	snop  }
0x6: {  	_ = 	snop  }
0x7: {  	_ = 	snop  }
__scs_overlays_trampoline_lowered:
0x8: {  	[smem:$0x3FA9] =	sst s0  }
0x9: {  	[smem:$0x3FAA] =	sst s1  }
0xa: {  	[smem:$0x3FAB] =	sst s2  }
0xb: {  	[smem:$0x3FAC] =	sst s3  }
0xc: {  	[smem:$0x3FAD] =	sst s4  }
0xd: {  	[smem:$0x3FAE] =	sst s5  }
0xe: {  	[smem:$0x3FAF] =	sst s6  }
0xf: {  	[smem:$0x3FB0] =	sst s7  }
0x10: {  	[smem:$0x3FB1] =	sst s8  }
0x11: {  	[smem:$0x3FB2] =	sst s9;
	s0 =	simm.s32 @!p0 $0x0  }
0x12: {  	s1 =	sld [smem:$0x3F98];
	s0 =	simm.s32 @p0 $0x1  }
0x13: {  	[smem:$0x3FB3] =	sst s0;
	s0 =	simm.s32 @!p1 $0x0  }
0x14: {  	s2 =	sld [smem:$0x3F97];
	s0 =	simm.s32 @p1 $0x1  }
0x15: {  	[smem:$0x3FB4] =	sst s0;
	s0 =	simm.s32 @!p2 $0x0  }
0x16: {  	s3 =	sld [smem:$0x3FDB];
	s0 =	simm.s32 @p2 $0x1  }
0x17: {  	s4 =	simm.s32 $0x1BF5;
	[smem:$0x3FB6] =	sst s0  }
0x18: {  	s0 =	sld [smem:$0x3F99];
	_ =	swait.ge [sflag:s4], $0x0  }
0x19: {  	s7 =	sld [smem:$0x3F9A]  }
0x1a: {  	s8 =	sadd.s32 $0xFFFFE003, lr  }
0x1b: {  	s9 =	sadd.s32 $0xFFFFFEF7, lr;
	s5 =	simm.s32 $0xFFFFFFFF;
	p2 =	slt.u32 s8, $0xFFFFF086  }
0x1c: {  	p1 =	slt.u32 s9, $0xF7A;
	s5 =	simm.s32 @!p2 $0x0  }
0x1d: {  	s5 =	simm.s32 @p1 $0x1;
	p0 =	seq.s32 s7, s2  }
0x1e: {  	s7 =	smul.u32 @!p0 $0xF7A, s2;
	p2 =	seq.s32 @!p0 s5, $0x0  }
0x1f: {  	s9 =	smul.u32 $0xF7A, s1;
	s8 =	simm.s32 @!p0 $0x1BF5;
	p2 =	por !p2, p0  }
0x20: {  	[sflag:s8] =	ssyncset.s32 @!p0 $0xFFFFF086;
	s6 =	sadd.s32 @!p0 s3, s7;
	s7 =	simm.s32 @!p0 $0x108  }
0x21: {  	s3 =	sadd.s32 s3, s9;
	s6 =	sadd.s32 @!p0 $0x88, s6;
	s7 =	simm.s32 @p2 $0x1082  }
0x22: {  	[simem:s7], [sflag:s8] =	dma.local @!p0 [hbm:s6], $0xF7A  }
0x23: {  	s9 =	sor.u32 $0xD0000000, s2;
	s6 =	simm.s32 $0x108;
	_ =	swait.ge @!p0 [sflag:s8], $0x0  }
0x24: {  	s3 =	sadd.s32 $0x88, s3;
	s6 =	simm.s32 @!p1 $0x1082;
	[sflag:s4] =	ssyncset.s32 $0xFFFFF086  }
0x25: {  	[simem:s6], [sflag:s4] =	dma.local [hbm:s3], $0xF7A  }
0x26: {  	[smem:$0x3F9A] =	sst s1;
	(tag) =	ssettag s2;
	_ =	strace s9  }
0x27: {  	s1 =	sld [smem:$0x3FAA]  }
0x28: {  	s2 =	sld [smem:$0x3FAB]  }
0x29: {  	s4 =	sld [smem:$0x3FAD]  }
0x2a: {  	p0 =	seq.s32 s5, $0x0;
	s5 =	sld [smem:$0x3FAE]  }
0x2b: {  	s6 =	sld [smem:$0x3FAF]  }
0x2c: {  	s7 =	sld [smem:$0x3FB0]  }
0x2d: {  	s3 =	simm.s32 $0x108;
	s8 =	sld [smem:$0x3FB1]  }
0x2e: {  	s3 =	simm.s32 @!p0 $0x1082;
	s9 =	sld [smem:$0x3FB2]  }
0x2f: {  	lr =	sadd.s32 s0, s3;
	s0 =	sld [smem:$0x3FA9]  }
0x30: {  	s3 =	sld [smem:$0x3FAC]  }
0x31: {  	[smem:$0x3FB5] =	sst s10  }
0x32: {  	s10 =	sld [smem:$0x3FB3];
	_ =	sdelay $0x3  }
0x33: {  	p0 =	seq.s32 s10, $0x1;
	s10 =	sld [smem:$0x3FB5];
	_ =	sdelay $0x3  }
0x34: {  	[smem:$0x3FB5] =	sst s10  }
0x35: {  	s10 =	sld [smem:$0x3FB4];
	_ =	sdelay $0x3  }
0x36: {  	p1 =	seq.s32 s10, $0x1;
	s10 =	sld [smem:$0x3FB5];
	_ =	sdelay $0x3  }
0x37: {  	[smem:$0x3FB5] =	sst s10  }
0x38: {  	s10 =	sld [smem:$0x3FB6]  }
0x39: {  	_ = 	snop;
	(pc) =	sbr.ind lr, $3  }
0x3a: {  	_ = 	snop  }
0x3b: {  	_ = 	snop  }
0x3c: {  	p2 =	seq.s32 s10, $0x1;
	s10 =	sld [smem:$0x3FB5]  }
0x3d: {  	_ =	shalt  }
0x3e: {  	_ =	shalt  }
0x3f: {  	_ =	shalt  }
0x40: {  	_ =	shalt  }
0x41: {  	_ =	shalt  }
0x42: {  	_ =	shalt  }
0x43: {  	_ =	shalt  }
0x44: {  	_ =	shalt  }
0x45: {  	_ =	shalt  }
0x46: {  	_ =	shalt  }
0x47: {  	_ =	shalt  }
0x48: {  	_ =	shalt  }
0x49: {  	_ =	shalt  }
0x4a: {  	_ =	shalt  }
0x4b: {  	_ =	shalt  }
0x4c: {  	_ =	shalt  }
0x4d: {  	_ =	shalt  }
0x4e: {  	_ =	shalt  }
0x4f: {  	_ =	shalt  }
0x50: {  	_ =	shalt  }
0x51: {  	_ =	shalt  }
0x52: {  	_ =	shalt  }
0x53: {  	_ =	shalt  }
0x54: {  	_ =	shalt  }
0x55: {  	_ =	shalt  }
0x56: {  	_ =	shalt  }
0x57: {  	_ =	shalt  }
0x58: {  	_ =	shalt  }
0x59: {  	_ =	shalt  }
0x5a: {  	_ =	shalt  }
0x5b: {  	_ =	shalt  }
0x5c: {  	_ =	shalt  }
0x5d: {  	_ =	shalt  }
0x5e: {  	_ =	shalt  }
0x5f: {  	_ =	shalt  }
0x60: {  	_ =	shalt  }
0x61: {  	_ =	shalt  }
0x62: {  	_ =	shalt  }
0x63: {  	_ =	shalt  }
0x64: {  	_ =	shalt  }
0x65: {  	_ =	shalt  }
0x66: {  	_ =	shalt  }
0x67: {  	_ =	shalt  }
0x68: {  	_ =	shalt  }
0x69: {  	_ =	shalt  }
0x6a: {  	_ =	shalt  }
0x6b: {  	_ =	shalt  }
0x6c: {  	_ =	shalt  }
0x6d: {  	_ =	shalt  }
0x6e: {  	_ =	shalt  }
0x6f: {  	_ =	shalt  }
0x70: {  	_ =	shalt  }
0x71: {  	_ =	shalt  }
0x72: {  	_ =	shalt  }
0x73: {  	_ =	shalt  }
0x74: {  	_ =	shalt  }
0x75: {  	_ =	shalt  }
0x76: {  	_ =	shalt  }
0x77: {  	_ =	shalt  }
0x78: {  	_ =	shalt  }
0x79: {  	_ =	shalt  }
0x7a: {  	_ =	shalt  }
0x7b: {  	_ =	shalt  }
0x7c: {  	_ =	shalt  }
0x7d: {  	_ =	shalt  }
0x7e: {  	_ =	shalt  }
0x7f: {  	_ =	shalt  }
0x80: {  	_ =	shalt  }
0x81: {  	_ =	shalt  }
0x82: {  	_ =	shalt  }
0x83: {  	_ =	shalt  }
0x84: {  	_ =	shalt  }
0x85: {  	_ =	shalt  }
0x86: {  	_ =	shalt  }
0x87: {  	_ =	shalt  }
.Lfunc_end0:
.L_simem_size_0:
called_computation_lowered:
.L_overlay_start_0:
0x88: {  	s2 =	sld [smem:$0x3FD9]  }
0x89: {  	s3 =	sld [smem:$0x3FFE];
	_ =	sdelay $0x1  }
0x8a: {  	s1 =	srdreg.scid  }
0x8b: {  	s0 =	sand.u32 $0x1, s1  }
0x8c: {  	s17 =	sshll.u32 s0, $0xA;
	s2 =	sadd.s32 s3, s2  }
0x8d: {  	s2 =	sadd.s32 s2, s17  }
0x8e: {  	[smem:$0x3FC1] =	sst s2  }
0x8f: {  	_ = 	snop  }
0x90: {  	s2 =	sld [smem:$0x3FC8]  }
0x91: {  	s18 =	sld [smem:$0x3FC6]  }
0x92: {  	s4 =	sld [smem:$0x3FC4];
	(tm) =	ssettm $0x1  }
0x93: {  	s5 =	sld [smem:$0x3FFB];
	_ =	sdelay $0x3  }
0x94: {  	_ =	strace s5  }
0x95: {  	s5 =	sld [smem:$0x3FFC];
	_ =	sdelay $0x3  }
0x96: {  	_ =	strace s5  }
0x97: {  	s5 =	sld [smem:$0x3FFD];
	_ =	sdelay $0x3  }
0x98: {  	_ =	strace s5  }
0x99: {  	_ =	strace $0x8FFFFFFF  }
0x9a: {  	s19 =	sld [smem:$0x3FDB];
	_ =	sdelay $0x1  }
0x9b: {  	s6 =	simm.s32 $_scs_section_size  }
0x9c: {  	s7 =	simm.s32 $_size__tile_overlayer_lowered;
	s8 =	simm.s32 $_tile_overlayer_lowered  }
0x9d: {  	s22 =	simm.s32 $0x1BFF;
	s21 =	sshll.u32 s8, $0x1;
	s5 =	sadd.s32 s6, s19  }
0x9e: {  	s9 =	simm.s32 $0x0;
	s20 =	sshll.u32 s7, $0x1;
	s7 =	sadd.s32 s21, s5  }
0x9f: {  	[timem:s9], [sflag:s22] =	dma.local [hbm:s7], s20  }
0xa0: {  	_ =	swait.ge [sflag:s22], s20  }
0xa1: {  	s6 =	ssub.s32 $0x0, s20;
	[sflag:s22] =	ssyncset.done $0x0  }
0xa2: {  	[sflag:s22] =	ssyncadd.s32 s6;
	_ =	sdelay $0x1  }
0xa3: {  	s23 =	simm.s32 $0x1B8B  }
0xa4: {  	_ =	swait.ge [sflag:s23], $0x1  }
0xa5: {  	[sflag:s23] =	ssyncset.done $0x0  }
0xa6: {  	s25 =	simm.s32 $0x1B8E;
	s24 =	sld [smem:$0x3FFE];
	[sflag:s23] =	ssyncadd.s32 $0xFFFFFFFF  }
0xa7: {  	s26 =	simm.s32 $execute0_lowered;
	[smem:$0x3FD2] =	sst s25  }
0xa8: {  	s7 =	sshll.u32 s26, $0x1;
	_ =	strace $0x80000046;
	[dreg:$0x1] =	wrdreg $0xFFFFFFFF  }
0xa9: {  	s28 =	simm.s32 $_size_execute0_lowered;
	s5 =	sadd.s32 s5, s7;
	[dreg:$0x0] =	wrdreg $0x0  }
0xaa: {  	s7 =	sshll.u32 s28, $0x1;
	[dreg:$0x2] =	wrdreg s5  }
0xab: {  	[dreg:$0x3] =	wrdreg s7  }
0xac: {  	[dreg:$0x4] =	wrdreg $0xC0  }
0xad: {  	_ =	task [dreg:s9], $0x5FFFF  }
0xae: {  	[dreg:$0x1] =	wrdreg $0xFFFFFFFF  }
0xaf: {  	[dreg:$0x0] =	wrdreg $0x60  }
0xb0: {  	[dreg:$0x2] =	wrdreg s2  }
0xb1: {  	[dreg:$0x3] =	wrdreg s18  }
0xb2: {  	[dreg:$0x4] =	wrdreg s4  }
0xb3: {  	[dreg:$0x5] =	wrdreg s24  }
0xb4: {  	[dreg:$0x6] =	wrdreg $0x9  }
0xb5: {  	_ =	task.clear_ibuf [dreg:s9], $0x7FFFF;
	_ =	strace $0x90000046  }
0xb6: {  	s29 =	simm.s32 $0x9;
	_ =	strace $0x80000048  }
0xb7: {  	_ =	swait.ge [sflag:s29], $0x1  }
0xb8: {  	[sflag:s29] =	ssyncadd.s32 $0xFFFFFFFF  }
0xb9: {  	_ =	strace $0x90000048  }
0xba: {  	_ =	sfence  }
0xbb: {  	s30 =	sld [smem:$0x0];
	_ =	sdelay $0x2  }
0xbc: {  	s31 =	sshll.u32 s1, $0xD;
	s1 =	sshrl.u32 s1, $0x2  }
0xbd: {  	s3 =	sand.u32 $0x4000, s31;
	s1 =	sadd.s32 s1, s30  }
0xbe: {  	s0 =	sor.u32 s3, s0;
	s1 =	sshll.u32 s1, $0x11  }
0xbf: {  	s0 =	sor.u32 s1, s0  }
0xc0: {  	s0 =	sadd.s32 $0x8F2B, s0  }
0xc1: {  	[sflag:s0] =	ssyncadd.remote.s32 $0x1  }
0xc2: {  	_ =	sfence.sel $0xFFFF  }
0xc3: {  	[dreg:$0x0] =	wrdreg $0xFFFFFFFF;
	(pc) =	sbr.abs _section_cstart, $3  }
0xc4: {  	[dreg:$0x1] =	wrdreg $0xFFFFFFFF  }
0xc5: {  	_ =	task.clear_ibuf [dreg:s9], $0x2FFFF;
	_ =	strace $0x9FFFFFFF  }
0xc6: {  	(tm) =	ssettm $0x7FFFFFFF  }
0xc7: {  	_ =	shalt  }
tec
execute0_lowered:
.L_overlay_start_1:
0x0: {  	(tag) =	ssettag $0x1  }
0x1: {  	s5 =	rddreg [dreg:$0x0]  }
0x2: {  	s6 =	rddreg [dreg:$0x1]  }
0x3: {  	s4 =	rddreg [dreg:$0x2]  }
0x4: {  	s3 =	rddreg [dreg:$0x3]  }
0x5: {  	s1 =	srdreg.scid;
	s0 =	rddreg [dreg:$0x4];
	s2 =	simm.s32 $0x0  }
0x6: {  	s15 =	simm.s32 $0xA080;
	s16 =	simm.s32 $0x4000;
	s17 =	simm.s32 $0x6000  }
0x7: {  	s18 =	simm.s32 $0x80;
	s19 =	simm.s32 $0x400;
	s20 =	simm.s32 $0xB100  }
0x8: {  	s21 =	simm.s32 $0x0;
	s7 =	sand.u32 $0x1, s1;
	s1 =	stileid.u32  }
0x9: {  	[smem:$0x7FF] =	sst s2;
	s8 =	sshll.u32 s7, $0x4;
	s26 =	sshll.u32 s1, $0x4  }
0xa: {  	_ =	strace $0x80000047;
	s7 =	ssub.s32 $0x2, s7;
	s12 =	sor.u32 s1, s8  }
0xb: {  	s8 =	sand.u32 $0x70, s26;
	s28 =	sshrl.u32 s7, $0x1;
	s9 =	sshll.u32 s12, $0xA  }
0xc: {  	s8 =	sadd.s32 s8, s3;
	s11 =	sshll.u32 s12, $0xD;
	s13 =	sshll.u32 s12, $0x1  }
0xd: {  	s14 =	ssub.s32 s7, s28;
	s29 =	sshll.u32 s12, $0x9;
	p0 =	seq.s32 s12, $0x0  }
0xe: {  	s12 =	simm.s32 $0x8008;
	s10 =	sadd.s32 s9, s3;
	s11 =	sadd.s32 $0xFFFFFFF8, s11  }
0xf: {  	s13 =	sadd.s32 s13, s3;
	s5 =	sadd.s32 s5, s9;
	s30 =	sand.u32 $0x3000, s29  }
0x10: {  	v0 =	vlaneseq.u32;
	v2 =	vimm.s32 $0x0;
	vm0 =	vmmov $0x1;
	s6 =	sadd.s32 s6, s9;
	s11 =	sshrl.u32 s11, $0x3;
	s7 =	sadd.s32 $0x1A00, s10  }
0x11: {  	vm1 =	vcmask $0x704;
	vm2 =	vcmask $0xB08;
	v1 =	vmul.u32 $0xFFFFFFFF, v0;
	s31 =	sadd.s32 s30, s8;
	s8 =	sadd.s32 $0x9A00, s10;
	s10 =	sadd.s32 $0x15A00, s13  }
0x12: {  	vm3 =	vcmask $0xF0C;
	vm4 =	vcmask $0x1310;
	vm5 =	vcmask $0x1714;
	s13 =	simm.s32 $0x1;
	s3 =	sadd.s32 s4, s11;
	s4 =	sadd.s32 s4, s9  }
0x13: {  	v3 =	vimm.f32 $0.0e+00;
	v0 =	vimm.s32 $0xFFFFFFFF;
	v1 =	vadd.s32 $0xF, v1;
	s9 =	sadd.s32 $0x11A00, s31;
	s11 =	smax.u32 s14, $0x1;
	s14 =	simm.s32 $0x2000  }
.LBB2_1:
0x14: {  	[tilespmem:$0x8000] =	vst v0;
	s22 =	simm.s32 @!p0 $0x0;
	s23 =	simm.s32 @!p0 $0x8000  }
0x15: {  	[tilespmem:s23], [sflag:$0x1] =	stream.linear.gather @!p0 [hbm4b:s3+s22], $0x8, $0x38;
	[tilespmem:$0xB180] =	vst v63  }
0x16: {  	s22 =	simm.s32 @!p0 $0x1  }
0x17: {  	_ =	swait.ge @!p0 [sflag:s22], $0x8  }
0x18: {  	[sflag:s22] =	ssyncset.done @!p0 $0x0  }
0x19: {  	[sflag:s22] =	ssyncadd.s32 @!p0 $0xFFFFFFF8  }
0x1a: {  	[tilespmem:s12], [sflag:$0x1] =	stream.linear.gather [hbm4b:s4+s2], $0x2000, $0x38;
	[tilespmem:$0xB180] =	vst v63  }
0x1b: {  	_ =	swait.ge [sflag:s13], $0x2000  }
0x1c: {  	[sflag:s13] =	ssyncset.done $0x0  }
0x1d: {  	[sflag:s13] =	ssyncadd.s32 $0xFFFFE000  }
0x1e: {  	[tilespmem:s2], [sflag:$0x1] =	stream.linear.gather [hbm4b:s5+s2], $0x2000, $0x38;
	[tilespmem:$0xB180] =	vst v63  }
0x1f: {  	_ =	swait.ge [sflag:s13], $0x2000  }
0x20: {  	[sflag:s13] =	ssyncset.done $0x0  }
0x21: {  	[sflag:s13] =	ssyncadd.s32 $0xFFFFE000  }
0x22: {  	[tilespmem:s14], [sflag:$0x1] =	stream.linear.gather [hbm4b:s6+s2], $0x2000, $0x38;
	[tilespmem:$0xB180] =	vst v63  }
0x23: {  	_ =	swait.ge [sflag:s13], $0x2000  }
0x24: {  	[sflag:s13] =	ssyncset.done $0x0  }
0x25: {  	[sflag:s13] =	ssyncadd.s32 $0xFFFFE000  }
0x26: {  	v4 =	vld [tilespmem:$0x8000]  }
0x27: {  	v5 =	vld [tilespmem:$0x9FF8];
	_ =	sdelay $0x3  }
0x28: {  	(v2sf) =	vpush v4, $0x8  }
0x29: {  	(v2sf) =	vpush v5, $0xF;
	_ =	sdelay $0xd  }
0x2a: {  	s23 =	spop (v2sf)  }
0x2b: {  	s22 =	spop (v2sf)  }
0x2c: {  	s25 =	simm.s32 $0x1;
	s24 =	ssub.s32 s22, s23;
	p1 =	sne.s32 s22, s23  }
0x2d: {  	s26 =	sshra.s32 s24, $0x1F;
	s25 =	simm.s32 @!p1 $0x0  }
0x2e: {  	s28 =	sand.u32 $0xF, s24;
	s25 =	sor.u32 s25, s26  }
0x2f: {  	p2 =	sne.s32 s28, $0x0;
	p6 =	sne.s32 s25, $0x1  }
0x30: {  	s31 =	sshrl.u32 s26, $0x1C;
	p1 =	por !p2, !p6  }
0x31: {  	s24 =	sadd.s32 s31, s24;
	s25 =	simm.s32 $0x1;
	p1 =	por !p1, !p1  }
0x32: {  	s24 =	sshra.s32 s24, $0x4;
	s25 =	simm.s32 @!p1 $0x0  }
0x33: {  	s25 =	ssub.s32 s24, s25  }
0x34: {  	p2 =	slt.s32 s25, $0x0  }
.Ltmp0:
0x35: {  	_ = 	snop;
	(pc) =	sbr.rel @p2 .LBB2_4-.Ltmp0, $1  }
0x36: {  	_ =	sdelay $0x3  }
0x37: {  	s25 =	simm.s32 $0xFFFFFFFF  }
0x38: {  	s25 =	simm.s32 @!p1 $0x0  }
0x39: {  	s24 =	sadd.s32 s25, s24  }
0x3a: {  	s25 =	sadd.s32 $0x1, s24  }
0x3b: {  	p1 =	sne.s32 s25, $0x1  }
.Ltmp1:
0x3c: {  	_ = 	snop;
	(pc) =	sbr.rel @!p1 .LBB2_4-.Ltmp1, $3  }
0x3d: {  	_ =	sdelay $0x1  }
0x3e: {  	s24 =	sadd.s32 $0xA080, s23  }
0x3f: {  	s25 =	sadd.s32 $0xFFFFFFFF, s25;
	[tilespmem:s24+$0x0] =	vst v3  }
.LBB2_3:
0x40: {  	p1 =	sne.s32 s25, $0x1  }
.Ltmp2:
0x41: {  	_ = 	snop;
	(pc) =	sbr.rel @p1 .LBB2_3-.Ltmp2, $3  }
0x42: {  	_ =	sdelay $0x1  }
0x43: {  	s25 =	sadd.s32 $0xFFFFFFFF, s25;
	s24 =	sadd.s32 $0x10, s24  }
0x44: {  	[tilespmem:s24+$0x0] =	vst v3  }
.LBB2_4:
0x45: {  	s24 =	simm.s32 $0xFFFFFFFC;
	s25 =	simm.s32 $0x8027;
	s26 =	simm.s32 $0x2020  }
0x46: {  	v6 =	vimm.f32 $0.0e+00;
	v5 =	vimm.f32 $-1.000000000e+00;
	s28 =	simm.s32 $0x4020;
	s29 =	simm.s32 $0x6020;
	s30 =	simm.s32 $0x20;
	v7 =	vimm.f32 $0.0e+00  }
.LBB2_5:
0x47: {  	v8 =	vld [tilespmem:s30+$0xFFFFFFE0]  }
0x48: {  	v9 =	vld [tilespmem:s26+$0xFFFFFFE0];
	_ =	sdelay $0x4  }
0x49: {  	v8 =	vmul.f32 v9, v8;
	_ =	sdelay $0x1  }
0x4a: {  	(xrf2) =	vadd.scan.msk.f32 $0xffff, v8;
	_ =	sdelay $0x9  }
0x4b: {  	v49, _, _ =	vpop (xrf2)  }
0x4c: {  	v10 =	vsub.f32 v49, v8;
	_ =	sdelay $0x1  }
0x4d: {  	v10 =	vadd.f32 v10, v7  }
0x4e: {  	[tilespmem:s28+$0xFFFFFFE0] =	vst v8  }
0x4f: {  	[tilespmem:s29+$0xFFFFFFE0] =	vst v10  }
0x50: {  	v8 =	vld [tilespmem:s25+$0xFFFFFFE1]  }
0x51: {  	v11 =	vld [tilespmem:s25+$0xFFFFFFE0];
	_ =	sdelay $0x4  }
0x52: {  	vm6 =	vne.s32 v8, v11;
	_ =	sdelay $0x5  }
0x53: {  	[tilespmem:v8+s15+$0x0] =	vst.idx.msk vm6, v10  }
0x54: {  	v8 =	vld [tilespmem:s30+$0xFFFFFFF0]  }
0x55: {  	v50 =	vld [tilespmem:s26+$0xFFFFFFF0];
	_ =	sdelay $0x4  }
0x56: {  	v8 =	vmul.f32 v50, v8;
	_ =	sdelay $0x1  }
0x57: {  	(xrf2) =	vadd.scan.msk.f32 $0xffff, v8  }
0x58: {  	v9 =	vperm.xlane v49, v1;
	_ =	sdelay $0x1  }
0x59: {  	(xrf0) =	vmax.scan.msk.f32 $0xffff, v9;
	_ =	sdelay $0x5  }
0x5a: {  	v9, _, _ =	vpop (xrf0)  }
0x5b: {  	v51, _, _ =	vpop (xrf2)  }
0x5c: {  	v7 =	vadd.f32 v9, v7;
	v52 =	vsub.f32 v51, v8;
	_ =	sdelay $0x1  }
0x5d: {  	v9 =	vadd.f32 v52, v7  }
0x5e: {  	[tilespmem:s28+$0xFFFFFFF0] =	vst v8  }
0x5f: {  	[tilespmem:s29+$0xFFFFFFF0] =	vst v9  }
0x60: {  	v8 =	vld [tilespmem:s25+$0xFFFFFFF1]  }
0x61: {  	v12 =	vld [tilespmem:s25+$0xFFFFFFF0];
	_ =	sdelay $0x4  }
0x62: {  	vm7 =	vne.s32 v8, v12;
	_ =	sdelay $0x5  }
0x63: {  	[tilespmem:v8+s15+$0x0] =	vst.idx.msk vm7, v9  }
0x64: {  	v8 =	vld [tilespmem:s30+$0x0]  }
0x65: {  	v53 =	vld [tilespmem:s26+$0x0];
	_ =	sdelay $0x4  }
0x66: {  	v8 =	vmul.f32 v53, v8;
	_ =	sdelay $0x1  }
0x67: {  	(xrf2) =	vadd.scan.msk.f32 $0xffff, v8  }
0x68: {  	v11 =	vperm.xlane v51, v1;
	_ =	sdelay $0x1  }
0x69: {  	(xrf0) =	vmax.scan.msk.f32 $0xffff, v11;
	_ =	sdelay $0x5  }
0x6a: {  	v11, _, _ =	vpop (xrf0)  }
0x6b: {  	v54, _, _ =	vpop (xrf2)  }
0x6c: {  	v7 =	vadd.f32 v11, v7;
	v55 =	vsub.f32 v54, v8;
	_ =	sdelay $0x1  }
0x6d: {  	v11 =	vadd.f32 v55, v7  }
0x6e: {  	[tilespmem:s28+$0x0] =	vst v8  }
0x6f: {  	[tilespmem:s29+$0x0] =	vst v11  }
0x70: {  	v8 =	vld [tilespmem:s25+$0x1]  }
0x71: {  	v13 =	vld [tilespmem:s25+$0x0];
	_ =	sdelay $0x4  }
0x72: {  	vm8 =	vne.s32 v8, v13;
	_ =	sdelay $0x5  }
0x73: {  	[tilespmem:v8+s15+$0x0] =	vst.idx.msk vm8, v11  }
0x74: {  	v8 =	vld [tilespmem:s30+$0x10]  }
0x75: {  	v56 =	vld [tilespmem:s26+$0x10];
	_ =	sdelay $0x4  }
0x76: {  	v8 =	vmul.f32 v56, v8;
	_ =	sdelay $0x1  }
0x77: {  	(xrf2) =	vadd.scan.msk.f32 $0xffff, v8  }
0x78: {  	v12 =	vperm.xlane v54, v1;
	_ =	sdelay $0x1  }
0x79: {  	(xrf0) =	vmax.scan.msk.f32 $0xffff, v12;
	_ =	sdelay $0x5  }
0x7a: {  	v12, _, _ =	vpop (xrf0)  }
0x7b: {  	v57, _, _ =	vpop (xrf2)  }
0x7c: {  	v7 =	vadd.f32 v12, v7;
	v58 =	vsub.f32 v57, v8;
	_ =	sdelay $0x1  }
0x7d: {  	v12 =	vadd.f32 v58, v7  }
0x7e: {  	[tilespmem:s28+$0x10] =	vst v8  }
0x7f: {  	[tilespmem:s29+$0x10] =	vst v12  }
0x80: {  	v8 =	vld [tilespmem:s25+$0x11]  }
0x81: {  	v14 =	vld [tilespmem:s25+$0x10];
	_ =	sdelay $0x2  }
0x82: {  	v13 =	vperm.xlane v57, v1;
	_ =	sdelay $0x1  }
0x83: {  	(xrf0) =	vmax.scan.msk.f32 $0xffff, v13;
	vm9 =	vne.s32 v8, v14  }
0x84: {  	s24 =	sadd.s32 $0x4, s24  }
0x85: {  	p1 =	slt.u32 s24, $0x1FC;
	v59 =	vsel vm6, $0x3F800000, v2;
	v10 =	vnsel vm6, $0xBF800000, v10  }
.Ltmp3:
0x86: {  	v6 =	vmax.f32 v6, v59;
	v5 =	vmax.f32 v5, v10;
	v60 =	vsel vm7, $0x3F800000, v2;
	(pc) =	sbr.rel @p1 .LBB2_5-.Ltmp3, $4  }
0x87: {  	v6 =	vmax.f32 v6, v60;
	v9 =	vnsel vm7, $0xBF800000, v9;
	v61 =	vsel vm8, $0x3F800000, v2  }
0x88: {  	v5 =	vmax.f32 v5, v9;
	v6 =	vmax.f32 v6, v61;
	v11 =	vnsel vm8, $0xBF800000, v11  }
0x89: {  	v5 =	vmax.f32 v5, v11;
	s26 =	sadd.s32 $0x40, s26;
	s30 =	sadd.s32 $0x40, s30;
	v62 =	vsel vm9, $0x3F800000, v2;
	v63 =	vnsel vm9, $0xBF800000, v12;
	[tilespmem:v8+s15+$0x0] =	vst.idx.msk vm9, v12;
	v8, _, _ =	vpop (xrf0)  }
0x8a: {  	s28 =	sadd.s32 $0x40, s28;
	s29 =	sadd.s32 $0x40, s29;
	s25 =	sadd.s32 $0x40, s25;
	v6 =	vmax.f32 v6, v62;
	v5 =	vmax.f32 v5, v63;
	v7 =	vadd.f32 v8, v7  }
0x8b: {  	(xrf0) =	vmax.scan.msk.f32 $0xffff, v6  }
0x8c: {  	(xrf0) =	vmax.scan.msk.f32 $0xffff, v5;
	_ =	sdelay $0x4  }
0x8d: {  	v5, _, _ =	vpop (xrf0)  }
0x8e: {  	[hbm4b:s7+s2] =	stream.linear.scatter [tilespmem:s16], [sflag:$0x1], $0x2000, $0x38;
	v63, _, _ =	vpop (xrf0);
	[tilespmem:$0xB180] =	vst v63  }
0x8f: {  	_ =	swait.ge [sflag:s13], $0x2000  }
0x90: {  	[sflag:s13] =	ssyncset.done $0x0  }
0x91: {  	[sflag:s13] =	ssyncadd.s32 $0xFFFFE000  }
0x92: {  	[hbm4b:s8+s2] =	stream.linear.scatter [tilespmem:s17], [sflag:$0x1], $0x2000, $0x38;
	[tilespmem:$0xB180] =	vst v63  }
0x93: {  	_ =	swait.ge [sflag:s13], $0x2000  }
0x94: {  	[sflag:s13] =	ssyncset.done $0x0  }
0x95: {  	[sflag:s13] =	ssyncadd.s32 $0xFFFFE000  }
0x96: {  	[hbm4b:s9+s18] =	stream.strided.scatter [tilespmem:s15], [sflag:$0x1], $0x1000, s19, s18, $0x38;
	[tilespmem:$0xB180] =	vst v63  }
0x97: {  	_ =	swait.ge [sflag:s13], $0x1000  }
0x98: {  	(v2sf) =	vpush v4, $0x7;
	_ =	sdelay $0xc  }
0x99: {  	v4 =	vbroadcast v5, $0xF;
	_ =	sdelay $0x1  }
0x9a: {  	v6 =	vbroadcast v63, $0xF;
	v5 =	vnsel vm0, $0x0, v7;
	v4 =	vnsel vm1, $0x0, v4;
	s24 =	spop (v2sf)  }
0x9b: {  	v4 =	vadd.f32 v4, v5;
	p1 =	sne.s32 s24, s23;
	s24 =	simm.f32 $1.000000000e+00  }
0x9c: {  	v5 =	vnsel vm2, $0x0, v6;
	s24 =	simm.s32 @!p1 $0x0  }
0x9d: {  	s31 =	scvt.s32.f32 s23;
	v4 =	vadd.f32 v5, v4;
	v5 =	vmov s24  }
0x9e: {  	v5 =	vnsel vm3, $0x0, v5  }
0x9f: {  	s22 =	scvt.s32.f32 s22;
	v4 =	vadd.f32 v4, v5;
	v5 =	vmov s31  }
0xa0: {  	v5 =	vnsel vm4, $0x0, v5  }
0xa1: {  	v4 =	vadd.f32 v4, v5;
	v5 =	vmov s22  }
0xa2: {  	v5 =	vnsel vm5, $0x0, v5  }
0xa3: {  	s21 =	sadd.s32 $0x1, s21;
	[sflag:s13] =	ssyncset.done $0x0;
	v4 =	vadd.f32 v4, v5  }
0xa4: {  	[sflag:s13] =	ssyncadd.s32 $0xFFFFF000;
	p1 =	sne.s32 s21, s11  }
.Ltmp4:
0xa5: {  	[tilespmem:$0xB100] =	vst v4;
	(pc) =	sbr.rel @p1 .LBB2_1-.Ltmp4, $4  }
0xa6: {  	[hbm4b:s10+s2] =	stream.linear.scatter [tilespmem:s20], [sflag:$0x1], $0x10, $0x38;
	[tilespmem:$0xB180] =	vst v63  }
0xa7: {  	_ =	swait.ge [sflag:s13], $0x10  }
0xa8: {  	[sflag:s13] =	ssyncset.done $0x0  }
0xa9: {  	[sflag:s13] =	ssyncadd.s32 $0xFFFFFFF0  }
0xaa: {  	_ =	sfence.sel $0x180000  }
0xab: {  	[bflag:$0x0] =	sbarrier.arrive $0xFFFF  }
0xac: {  	p0 =	sne.s32 s1, $0x0;
	_ =	strace $0x90000047  }
0xad: {  	s0 =	sadd.s32 @!p0 $0x100000, s0;
	[bflag:$0x2] =	sbarrier.arrive $0xFFFF  }
0xae: {  	[sflag:s0] =	ssyncadd.tile.s32 @!p0 $0x1;
	_ =	shalt  }
.Lfunc_end2:
_tile_overlayer_lowered:
.L_overlay_start_2:
0xaf: {  	(tag) =	ssettag $0x2  }
0xb0: {  	s0 =	rddreg [dreg:$0x0];
	s2 =	stileid.u32  }
0xb1: {  	s1 =	rddreg [dreg:$0x1];
	p0 =	sne.s32 s2, $0x0  }
0xb2: {  	s3 =	rddreg [dreg:$0x2];
	[bflag:$0x3] =	sbarrier.arrive $0xFFFF;
	s2 =	simm.s32 @!p0 $0x1C01  }
0xb3: {  	[timem:s3], [sflag:s2] =	dma.local @!p0 [hbm:s0], s1  }
0xb4: {  	s0 =	simm.s32 @!p0 $0x1  }
0xb5: {  	_ =	swait.ge @!p0 [sflag:s0], s1  }
0xb6: {  	s1 =	ssub.s32 @!p0 $0x0, s1;
	[sflag:s0] =	ssyncset.done @!p0 $0x0  }
0xb7: {  	[sflag:s0] =	ssyncadd.s32 @!p0 s1  }
0xb8: {  	[bflag:$0x3] =	sbarrier.arrive $0xFFFF  }
0xb9: {  	_ =	shalt  }

// kernel: kernel.8.cloned.1.call-start
scs
__scs_entry_jumppad:
0x0: {  	(pc) =	sbr.rel $0x88, $3  }
0x1: {  	(tag) =	ssettag $0x0;
	lr =	simm.s32 $0x1  }
0x2: {  	[smem:$0x3F9A] =	sst lr;
	_ =	strace $0xD0000000  }
0x3: {  	_ = 	snop  }
0x4: {  	_ = 	snop  }
0x5: {  	_ = 	snop  }
0x6: {  	_ = 	snop  }
0x7: {  	_ = 	snop  }
__scs_overlays_trampoline_lowered:
0x8: {  	[smem:$0x3FA9] =	sst s0  }
0x9: {  	[smem:$0x3FAA] =	sst s1  }
0xa: {  	[smem:$0x3FAB] =	sst s2  }
0xb: {  	[smem:$0x3FAC] =	sst s3  }
0xc: {  	[smem:$0x3FAD] =	sst s4  }
0xd: {  	[smem:$0x3FAE] =	sst s5  }
0xe: {  	[smem:$0x3FAF] =	sst s6  }
0xf: {  	[smem:$0x3FB0] =	sst s7  }
0x10: {  	[smem:$0x3FB1] =	sst s8  }
0x11: {  	[smem:$0x3FB2] =	sst s9;
	s0 =	simm.s32 @!p0 $0x0  }
0x12: {  	s1 =	sld [smem:$0x3F98];
	s0 =	simm.s32 @p0 $0x1  }
0x13: {  	[smem:$0x3FB3] =	sst s0;
	s0 =	simm.s32 @!p1 $0x0  }
0x14: {  	s2 =	sld [smem:$0x3F97];
	s0 =	simm.s32 @p1 $0x1  }
0x15: {  	[smem:$0x3FB4] =	sst s0;
	s0 =	simm.s32 @!p2 $0x0  }
0x16: {  	s3 =	sld [smem:$0x3FDB];
	s0 =	simm.s32 @p2 $0x1  }
0x17: {  	s4 =	simm.s32 $0x1BF5;
	[smem:$0x3FB6] =	sst s0  }
0x18: {  	s0 =	sld [smem:$0x3F99];
	_ =	swait.ge [sflag:s4], $0x0  }
0x19: {  	s7 =	sld [smem:$0x3F9A]  }
0x1a: {  	s8 =	sadd.s32 $0xFFFFE003, lr  }
0x1b: {  	s9 =	sadd.s32 $0xFFFFFEF7, lr;
	s5 =	simm.s32 $0xFFFFFFFF;
	p2 =	slt.u32 s8, $0xFFFFF086  }
0x1c: {  	p1 =	slt.u32 s9, $0xF7A;
	s5 =	simm.s32 @!p2 $0x0  }
0x1d: {  	s5 =	simm.s32 @p1 $0x1;
	p0 =	seq.s32 s7, s2  }
0x1e: {  	s7 =	smul.u32 @!p0 $0xF7A, s2;
	p2 =	seq.s32 @!p0 s5, $0x0  }
0x1f: {  	s9 =	smul.u32 $0xF7A, s1;
	s8 =	simm.s32 @!p0 $0x1BF5;
	p2 =	por !p2, p0  }
0x20: {  	[sflag:s8] =	ssyncset.s32 @!p0 $0xFFFFF086;
	s6 =	sadd.s32 @!p0 s3, s7;
	s7 =	simm.s32 @!p0 $0x108  }
0x21: {  	s3 =	sadd.s32 s3, s9;
	s6 =	sadd.s32 @!p0 $0x88, s6;
	s7 =	simm.s32 @p2 $0x1082  }
0x22: {  	[simem:s7], [sflag:s8] =	dma.local @!p0 [hbm:s6], $0xF7A  }
0x23: {  	s9 =	sor.u32 $0xD0000000, s2;
	s6 =	simm.s32 $0x108;
	_ =	swait.ge @!p0 [sflag:s8], $0x0  }
0x24: {  	s3 =	sadd.s32 $0x88, s3;
	s6 =	simm.s32 @!p1 $0x1082;
	[sflag:s4] =	ssyncset.s32 $0xFFFFF086  }
0x25: {  	[simem:s6], [sflag:s4] =	dma.local [hbm:s3], $0xF7A  }
0x26: {  	[smem:$0x3F9A] =	sst s1;
	(tag) =	ssettag s2;
	_ =	strace s9  }
0x27: {  	s1 =	sld [smem:$0x3FAA]  }
0x28: {  	s2 =	sld [smem:$0x3FAB]  }
0x29: {  	s4 =	sld [smem:$0x3FAD]  }
0x2a: {  	p0 =	seq.s32 s5, $0x0;
	s5 =	sld [smem:$0x3FAE]  }
0x2b: {  	s6 =	sld [smem:$0x3FAF]  }
0x2c: {  	s7 =	sld [smem:$0x3FB0]  }
0x2d: {  	s3 =	simm.s32 $0x108;
	s8 =	sld [smem:$0x3FB1]  }
0x2e: {  	s3 =	simm.s32 @!p0 $0x1082;
	s9 =	sld [smem:$0x3FB2]  }
0x2f: {  	lr =	sadd.s32 s0, s3;
	s0 =	sld [smem:$0x3FA9]  }
0x30: {  	s3 =	sld [smem:$0x3FAC]  }
0x31: {  	[smem:$0x3FB5] =	sst s10  }
0x32: {  	s10 =	sld [smem:$0x3FB3];
	_ =	sdelay $0x3  }
0x33: {  	p0 =	seq.s32 s10, $0x1;
	s10 =	sld [smem:$0x3FB5];
	_ =	sdelay $0x3  }
0x34: {  	[smem:$0x3FB5] =	sst s10  }
0x35: {  	s10 =	sld [smem:$0x3FB4];
	_ =	sdelay $0x3  }
0x36: {  	p1 =	seq.s32 s10, $0x1;
	s10 =	sld [smem:$0x3FB5];
	_ =	sdelay $0x3  }
0x37: {  	[smem:$0x3FB5] =	sst s10  }
0x38: {  	s10 =	sld [smem:$0x3FB6]  }
0x39: {  	_ = 	snop;
	(pc) =	sbr.ind lr, $3  }
0x3a: {  	_ = 	snop  }
0x3b: {  	_ = 	snop  }
0x3c: {  	p2 =	seq.s32 s10, $0x1;
	s10 =	sld [smem:$0x3FB5]  }
0x3d: {  	_ =	shalt  }
0x3e: {  	_ =	shalt  }
0x3f: {  	_ =	shalt  }
0x40: {  	_ =	shalt  }
0x41: {  	_ =	shalt  }
0x42: {  	_ =	shalt  }
0x43: {  	_ =	shalt  }
0x44: {  	_ =	shalt  }
0x45: {  	_ =	shalt  }
0x46: {  	_ =	shalt  }
0x47: {  	_ =	shalt  }
0x48: {  	_ =	shalt  }
0x49: {  	_ =	shalt  }
0x4a: {  	_ =	shalt  }
0x4b: {  	_ =	shalt  }
0x4c: {  	_ =	shalt  }
0x4d: {  	_ =	shalt  }
0x4e: {  	_ =	shalt  }
0x4f: {  	_ =	shalt  }
0x50: {  	_ =	shalt  }
0x51: {  	_ =	shalt  }
0x52: {  	_ =	shalt  }
0x53: {  	_ =	shalt  }
0x54: {  	_ =	shalt  }
0x55: {  	_ =	shalt  }
0x56: {  	_ =	shalt  }
0x57: {  	_ =	shalt  }
0x58: {  	_ =	shalt  }
0x59: {  	_ =	shalt  }
0x5a: {  	_ =	shalt  }
0x5b: {  	_ =	shalt  }
0x5c: {  	_ =	shalt  }
0x5d: {  	_ =	shalt  }
0x5e: {  	_ =	shalt  }
0x5f: {  	_ =	shalt  }
0x60: {  	_ =	shalt  }
0x61: {  	_ =	shalt  }
0x62: {  	_ =	shalt  }
0x63: {  	_ =	shalt  }
0x64: {  	_ =	shalt  }
0x65: {  	_ =	shalt  }
0x66: {  	_ =	shalt  }
0x67: {  	_ =	shalt  }
0x68: {  	_ =	shalt  }
0x69: {  	_ =	shalt  }
0x6a: {  	_ =	shalt  }
0x6b: {  	_ =	shalt  }
0x6c: {  	_ =	shalt  }
0x6d: {  	_ =	shalt  }
0x6e: {  	_ =	shalt  }
0x6f: {  	_ =	shalt  }
0x70: {  	_ =	shalt  }
0x71: {  	_ =	shalt  }
0x72: {  	_ =	shalt  }
0x73: {  	_ =	shalt  }
0x74: {  	_ =	shalt  }
0x75: {  	_ =	shalt  }
0x76: {  	_ =	shalt  }
0x77: {  	_ =	shalt  }
0x78: {  	_ =	shalt  }
0x79: {  	_ =	shalt  }
0x7a: {  	_ =	shalt  }
0x7b: {  	_ =	shalt  }
0x7c: {  	_ =	shalt  }
0x7d: {  	_ =	shalt  }
0x7e: {  	_ =	shalt  }
0x7f: {  	_ =	shalt  }
0x80: {  	_ =	shalt  }
0x81: {  	_ =	shalt  }
0x82: {  	_ =	shalt  }
0x83: {  	_ =	shalt  }
0x84: {  	_ =	shalt  }
0x85: {  	_ =	shalt  }
0x86: {  	_ =	shalt  }
0x87: {  	_ =	shalt  }
.Lfunc_end0:
.L_simem_size_0:
called_computation.1_lowered:
.L_overlay_start_0:
0x88: {  	s2 =	sld [smem:$0x3FD9]  }
0x89: {  	s3 =	sld [smem:$0x3FFE];
	_ =	sdelay $0x1  }
0x8a: {  	s1 =	srdreg.scid  }
0x8b: {  	s0 =	sand.u32 $0x1, s1  }
0x8c: {  	s14 =	sshll.u32 s0, $0xA;
	s2 =	sadd.s32 s3, s2  }
0x8d: {  	s2 =	sadd.s32 s2, s14  }
0x8e: {  	[smem:$0x3FC1] =	sst s2  }
0x8f: {  	_ = 	snop  }
0x90: {  	s2 =	sld [smem:$0x3FD0];
	_ =	sdelay $0x1  }
0x91: {  	s15 =	sld [smem:$0x3FC7]  }
0x92: {  	s5 =	simm.s32 $0xA;
	s6 =	simm.s32 $0x10;
	s4 =	sld [smem:$0x3FC4]  }
0x93: {  	[smem:s6], [sflag:s5] =	dma.local [hbm:s2], $0x1  }
0x94: {  	_ =	swait.eq [sflag:s5], $0x1  }
0x95: {  	[sflag:s5] =	ssyncset.done $0x0  }
0x96: {  	[sflag:s5] =	ssyncadd.s32 $0xFFFFFFFF  }
0x97: {  	s16 =	sld [smem:$0x13];
	(tm) =	ssettm $0x1  }
0x98: {  	s17 =	sld [smem:$0x3FFB];
	_ =	sdelay $0x3  }
0x99: {  	_ =	strace s17  }
0x9a: {  	s5 =	sld [smem:$0x3FFC];
	_ =	sdelay $0x3  }
0x9b: {  	_ =	strace s5  }
0x9c: {  	s5 =	sld [smem:$0x3FFD];
	_ =	sdelay $0x3  }
0x9d: {  	_ =	strace s5  }
0x9e: {  	_ =	strace $0x8FFFFFFF  }
0x9f: {  	s18 =	sld [smem:$0x3FDB];
	_ =	sdelay $0x1  }
0xa0: {  	s19 =	simm.s32 $_scs_section_size  }
0xa1: {  	s7 =	simm.s32 $_size__tile_overlayer_lowered;
	s8 =	simm.s32 $_tile_overlayer_lowered  }
0xa2: {  	s22 =	simm.s32 $0x1BFF;
	s21 =	sshll.u32 s8, $0x1;
	s5 =	sadd.s32 s19, s18  }
0xa3: {  	s9 =	simm.s32 $0x0;
	s20 =	sshll.u32 s7, $0x1;
	s7 =	sadd.s32 s21, s5  }
0xa4: {  	[timem:s9], [sflag:s22] =	dma.local [hbm:s7], s20  }
0xa5: {  	_ =	swait.ge [sflag:s22], s20  }
0xa6: {  	s6 =	ssub.s32 $0x0, s20;
	[sflag:s22] =	ssyncset.done $0x0  }
0xa7: {  	[sflag:s22] =	ssyncadd.s32 s6;
	_ =	sdelay $0x1  }
0xa8: {  	s23 =	simm.s32 $0x1B8B  }
0xa9: {  	_ =	swait.ge [sflag:s23], $0x1  }
0xaa: {  	[sflag:s23] =	ssyncset.done $0x0  }
0xab: {  	s25 =	simm.s32 $0x1B8E;
	s24 =	sld [smem:$0x3FFE];
	[sflag:s23] =	ssyncadd.s32 $0xFFFFFFFF  }
0xac: {  	s26 =	simm.s32 $execute0_lowered;
	[smem:$0x3FD2] =	sst s25  }
0xad: {  	s7 =	sshll.u32 s26, $0x1;
	_ =	strace $0x80000049;
	[dreg:$0x1] =	wrdreg $0xFFFFFFFF  }
0xae: {  	s28 =	simm.s32 $_size_execute0_lowered;
	s5 =	sadd.s32 s5, s7;
	[dreg:$0x0] =	wrdreg $0x0  }
0xaf: {  	s7 =	sshll.u32 s28, $0x1;
	[dreg:$0x2] =	wrdreg s5  }
0xb0: {  	[dreg:$0x3] =	wrdreg s7  }
0xb1: {  	[dreg:$0x4] =	wrdreg $0xC0  }
0xb2: {  	_ =	task [dreg:s9], $0x5FFFF  }
0xb3: {  	[dreg:$0x1] =	wrdreg $0xFFFFFFFF  }
0xb4: {  	[dreg:$0x0] =	wrdreg $0x60  }
0xb5: {  	[dreg:$0x2] =	wrdreg s24  }
0xb6: {  	[dreg:$0x3] =	wrdreg s4  }
0xb7: {  	[dreg:$0x4] =	wrdreg s15  }
0xb8: {  	[dreg:$0x5] =	wrdreg s16  }
0xb9: {  	[dreg:$0x6] =	wrdreg $0x9  }
0xba: {  	_ =	task.clear_ibuf [dreg:s9], $0x7FFFF;
	_ =	strace $0x90000049  }
0xbb: {  	s29 =	simm.s32 $0x9;
	_ =	strace $0x8000004B  }
0xbc: {  	_ =	swait.ge [sflag:s29], $0x1  }
0xbd: {  	[sflag:s29] =	ssyncadd.s32 $0xFFFFFFFF  }
0xbe: {  	_ =	strace $0x9000004B  }
0xbf: {  	_ =	sfence  }
0xc0: {  	s30 =	sld [smem:$0x0];
	_ =	sdelay $0x2  }
0xc1: {  	s31 =	sshll.u32 s1, $0xD;
	s1 =	sshrl.u32 s1, $0x2  }
0xc2: {  	s3 =	sand.u32 $0x4000, s31;
	s1 =	sadd.s32 s1, s30  }
0xc3: {  	s0 =	sor.u32 s3, s0;
	s1 =	sshll.u32 s1, $0x11  }
0xc4: {  	s0 =	sor.u32 s1, s0  }
0xc5: {  	s0 =	sadd.s32 $0x8F2B, s0  }
0xc6: {  	[sflag:s0] =	ssyncadd.remote.s32 $0x1  }
0xc7: {  	_ =	sfence.sel $0xFFFF  }
0xc8: {  	[dreg:$0x0] =	wrdreg $0xFFFFFFFF;
	(pc) =	sbr.abs _section_cstart, $3  }
0xc9: {  	[dreg:$0x1] =	wrdreg $0xFFFFFFFF  }
0xca: {  	_ =	task.clear_ibuf [dreg:s9], $0x2FFFF;
	_ =	strace $0x9FFFFFFF  }
0xcb: {  	(tm) =	ssettm $0x7FFFFFFF  }
tec
execute0_lowered:
.L_overlay_start_1:
0x0: {  	(tag) =	ssettag $0x1  }
0x1: {  	s0 =	rddreg [dreg:$0x0]  }
0x2: {  	s1 =	srdreg.scid;
	s6 =	rddreg [dreg:$0x1]  }
0x3: {  	s8 =	rddreg [dreg:$0x2];
	s4 =	stileid.u32  }
0x4: {  	s10 =	rddreg [dreg:$0x3];
	s14 =	simm.s32 $0x1;
	s16 =	simm.s32 $0x6000  }
0x5: {  	s17 =	simm.s32 $0xE080;
	s18 =	simm.s32 $0xE280;
	s19 =	simm.s32 $0x4000  }
0x6: {  	s20 =	simm.s32 $0x80;
	s21 =	simm.s32 $0x400;
	s1 =	sand.u32 $0x1, s1  }
0x7: {  	s22 =	simm.s32 $0x0;
	s2 =	sshll.u32 s1, $0x4;
	s1 =	ssub.s32 $0x2, s1  }
0x8: {  	s13 =	sor.u32 s4, s2;
	s2 =	simm.s32 $0x0;
	s4 =	sshll.u32 s4, $0x4  }
0x9: {  	s29 =	sshrl.u32 s1, $0x1;
	s3 =	smul.u32 $0xC00, s13;
	[smem:$0x7FF] =	sst s2  }
0xa: {  	s11 =	sshll.u32 s13, $0xA;
	s5 =	sshll.u32 s13, $0xD;
	s4 =	sand.u32 $0x70, s4  }
0xb: {  	v0 =	vlaneseq.u32;
	s1 =	ssub.s32 s1, s29;
	s31 =	sshll.u32 s13, $0xC;
	p0 =	seq.s32 s13, $0x0  }
0xc: {  	v3 =	vimm.s32 $0xFFFFFFFF;
	v4 =	vimm.s32 $0xFFFFFFFE;
	v17 =	vimm.f32 $0.0e+00;
	p1 =	seq.s32 s13, $0x1F;
	_ =	strace $0x8000004A;
	s7 =	sadd.s32 s11, s0  }
0xd: {  	v1 =	vor.u32 $0x10, v0;
	v2 =	vmul.u32 $0x10, v0;
	v9 =	vmul.u32 $0x3, v0;
	s12 =	sadd.s32 $0xFFFFFFF8, s5;
	s30 =	sshrl.u32 s5, $0x3;
	s5 =	sadd.s32 s6, s11  }
0xe: {  	v11 =	vor.u32 $0x80000000, v0;
	v16 =	vmul.u32 $0xFFFFFFFF, v0;
	v12 =	vor.u32 $0x80000010, v0;
	s8 =	sadd.s32 s8, s11;
	s10 =	sadd.s32 s10, s11;
	s9 =	sadd.s32 s3, s0  }
0xf: {  	v15 =	vadd.s32 $0x80000001, v0;
	v6 =	vor.u32 $0x1, v2;
	v7 =	vor.u32 $0x101, v2;
	s3 =	sadd.s32 $0x15A00, s0;
	s0 =	sadd.s32 s4, s0;
	s12 =	sshrl.u32 s12, $0x3  }
0x10: {  	v8 =	vor.u32 $0x2, v2;
	v10 =	vor.u32 $0x102, v2;
	v13 =	vadd.s32 $0x1, v9;
	s7 =	sadd.s32 $0x1A00, s7;
	s4 =	sadd.s32 s6, s12;
	s12 =	sand.u32 $0x18000, s31  }
0x11: {  	v14 =	vadd.s32 $0x2, v9;
	v16 =	vadd.s32 $0xF, v16;
	v5 =	vmov s13;
	s6 =	sadd.s32 s6, s30;
	s9 =	sadd.s32 $0x415C00, s9;
	s0 =	sadd.s32 s12, s0  }
0x12: {  	vm0 =	vgt.u32 v5, v1;
	vm1 =	vgt.u32 v5, v0;
	v5 =	vor.u32 $0x100, v2;
	s6 =	sadd.s32 $0x400, s6;
	s12 =	smax.u32 s1, $0x1;
	s11 =	sadd.s32 $0x15C00, s0  }
.LBB2_1:
0x13: {  	[tilespmem:$0xC000] =	vst v3;
	s0 =	simm.s32 @!p0 $0x0;
	s1 =	simm.s32 @!p0 $0xC000  }
0x14: {  	[tilespmem:s1], [sflag:$0x1] =	stream.linear.gather @!p0 [hbm4b:s4+s0], $0x8, $0x38;
	[tilespmem:$0x16300] =	vst v63  }
0x15: {  	s0 =	simm.s32 @!p0 $0x1  }
0x16: {  	_ =	swait.ge @!p0 [sflag:s0], $0x8  }
0x17: {  	[sflag:s0] =	ssyncset.done @!p0 $0x0  }
0x18: {  	s26 =	simm.s32 $0xC008;
	[sflag:s0] =	ssyncadd.s32 @!p0 $0xFFFFFFF8  }
0x19: {  	[tilespmem:s26], [sflag:$0x1] =	stream.linear.gather [hbm4b:s5+s2], $0x2000, $0x38;
	[tilespmem:$0x16300] =	vst v63  }
0x1a: {  	_ =	swait.ge [sflag:s14], $0x2000  }
0x1b: {  	[sflag:s14] =	ssyncset.done $0x0  }
0x1c: {  	[sflag:s14] =	ssyncadd.s32 $0xFFFFE000  }
0x1d: {  	s1 =	simm.s32 @!p1 $0xE008;
	s0 =	simm.s32 @!p1 $0x0;
	[tilespmem:$0xE008] =	vst v4  }
0x1e: {  	[tilespmem:s1], [sflag:$0x1] =	stream.linear.gather @!p1 [hbm4b:s6+s0], $0x8, $0x38;
	[tilespmem:$0x16300] =	vst v63  }
0x1f: {  	s0 =	simm.s32 @!p1 $0x1  }
0x20: {  	_ =	swait.ge @!p1 [sflag:s0], $0x8  }
0x21: {  	[sflag:s0] =	ssyncset.done @!p1 $0x0  }
0x22: {  	[sflag:s0] =	ssyncadd.s32 @!p1 $0xFFFFFFF8  }
0x23: {  	[tilespmem:s2], [sflag:$0x1] =	stream.linear.gather [hbm4b:s7+s2], $0x2000, $0x38;
	[tilespmem:$0x16300] =	vst v63  }
0x24: {  	_ =	swait.ge [sflag:s14], $0x2000  }
0x25: {  	[sflag:s14] =	ssyncset.done $0x0  }
0x26: {  	s1 =	simm.s32 $0x2000;
	[sflag:s14] =	ssyncadd.s32 $0xFFFFE000  }
0x27: {  	[tilespmem:s1], [sflag:$0x1] =	stream.linear.gather [hbm4b:s8+s2], $0x2000, $0x38;
	[tilespmem:$0x16300] =	vst v63  }
0x28: {  	_ =	swait.ge [sflag:s14], $0x2000  }
0x29: {  	[sflag:s14] =	ssyncset.done $0x0  }
0x2a: {  	[sflag:s14] =	ssyncadd.s32 $0xFFFFE000  }
0x2b: {  	[tilespmem:s16], [sflag:$0x1] =	stream.linear.gather [hbm4b:s9+s2], $0x6000, $0x38;
	[tilespmem:$0x16300] =	vst v63  }
0x2c: {  	_ =	swait.ge [sflag:s14], $0x6000  }
0x2d: {  	[sflag:s14] =	ssyncset.done $0x0  }
0x2e: {  	[sflag:s14] =	ssyncadd.s32 $0xFFFFA000  }
0x2f: {  	[tilespmem:s17], [sflag:$0x1] =	stream.linear.gather [hbm4b:s3+s2], $0x200, $0x38;
	[tilespmem:$0x16300] =	vst v63  }
0x30: {  	_ =	swait.ge [sflag:s14], $0x200  }
0x31: {  	[sflag:s14] =	ssyncset.done $0x0  }
0x32: {  	[sflag:s14] =	ssyncadd.s32 $0xFFFFFE00  }
0x33: {  	v18 =	vld.idx.msk [tilespmem:v2+s17+$0x0], $0xffff  }
0x34: {  	v19 =	vld.idx.msk [tilespmem:v5+s17+$0x0], $0xffff;
	_ =	sdelay $0x3  }
0x35: {  	v20 =	vnsel vm1, $0x0, v18  }
0x36: {  	v21 =	vld.idx.msk [tilespmem:v6+s17+$0x0], $0xffff;
	v52 =	vnsel vm0, $0x0, v19;
	(xrf2) =	vadd.scan.msk.f32 $0xffff, v20  }
0x37: {  	v22 =	vld.idx.msk [tilespmem:v7+s17+$0x0], $0xffff;
	(xrf2) =	vadd.scan.msk.f32 $0xffff, v52;
	_ =	sdelay $0x3  }
0x38: {  	vm2 =	vgt.f32 v21, $5.000000000e-01  }
0x39: {  	vm3 =	vgt.f32 v22, $5.000000000e-01;
	vm2 =	vmand vm1, vm2  }
0x3a: {  	vm3 =	vmand vm0, vm3;
	v53 =	vnsel vm2, $0x7FFFFFFF, v11  }
0x3b: {  	v54 =	vld [tilespmem:$0xC000];
	v55 =	vnsel vm3, $0x7FFFFFFF, v12;
	(xrf0) =	vmax.scan.msk.u32 $0xffff, v53  }
0x3c: {  	(xrf0) =	vmax.scan.msk.u32 $0xffff, v55  }
0x3d: {  	v56, _, _ =	vpop (xrf2)  }
0x3e: {  	(v2sf) =	vpush v56, $0xF;
	v57, _, _ =	vpop (xrf2)  }
0x3f: {  	(v2sf) =	vpush v57, $0xF  }
0x40: {  	(v2sf) =	vpush v54, $0x7  }
0x41: {  	v58, _, _ =	vpop (xrf0);
	(v2sf) =	vpush v54, $0x8  }
0x42: {  	v59, _, _ =	vpop (xrf0);
	(v2sf) =	vpush v58, $0xF  }
0x43: {  	(v2sf) =	vpush v59, $0xF;
	_ =	sdelay $0x9  }
0x44: {  	s25 =	spop (v2sf)  }
0x45: {  	s26 =	spop (v2sf)  }
0x46: {  	s23 =	spop (v2sf)  }
0x47: {  	s24 =	spop (v2sf)  }
0x48: {  	s13 =	spop (v2sf)  }
0x49: {  	s15 =	spop (v2sf)  }
0x4a: {  	s0 =	sxor.u32 $0x80000000, s13;
	s1 =	sxor.u32 $0x80000000, s15  }
0x4b: {  	p2 =	sgt.s32 s0, s1  }
0x4c: {  	v60 =	vld.idx.msk [tilespmem:v8+s17+$0x0], $0xffff;
	s1 =	smov.u32 @p2 s0  }
0x4d: {  	v61 =	vld.idx.msk [tilespmem:v10+s17+$0x0], $0xffff;
	v62 =	vmov s1  }
0x4e: {  	vm2 =	vgt.s32 v62, v0  }
0x4f: {  	v18 =	vnsel vm2, $0x0, v18;
	vm2 =	vgt.s32 v62, v1  }
0x50: {  	(xrf2) =	vadd.scan.msk.f32 $0xffff, v18;
	v18 =	vnsel vm2, $0x0, v19;
	vm2 =	veq.s32 v62, v0  }
0x51: {  	(xrf2) =	vadd.scan.msk.f32 $0xffff, v18;
	v18 =	vnsel vm2, $0x0, v60;
	vm2 =	veq.s32 v62, v1  }
0x52: {  	(xrf2) =	vadd.scan.msk.f32 $0xffff, v18;
	v18 =	vnsel vm2, $0x0, v61  }
0x53: {  	(xrf2) =	vadd.scan.msk.f32 $0xffff, v18;
	_ =	sdelay $0x6  }
0x54: {  	v19 =	vld [tilespmem:$0xDFF8];
	v18, _, _ =	vpop (xrf2)  }
0x55: {  	v63, _, _ =	vpop (xrf2);
	(v2sf) =	vpush v18, $0xF  }
0x56: {  	v18, _, _ =	vpop (xrf2);
	(v2sf) =	vpush v63, $0xF  }
0x57: {  	(v2sf) =	vpush v18, $0xF;
	v18, _, _ =	vpop (xrf2)  }
0x58: {  	(v2sf) =	vpush v18, $0xF  }
0x59: {  	(v2sf) =	vpush v19, $0xF;
	_ =	sdelay $0xa  }
0x5a: {  	s28 =	spop (v2sf)  }
0x5b: {  	s29 =	spop (v2sf)  }
0x5c: {  	s30 =	spop (v2sf)  }
0x5d: {  	s31 =	spop (v2sf)  }
0x5e: {  	s13 =	spop (v2sf)  }
0x5f: {  	s0 =	simm.s32 $0x1;
	s1 =	ssub.s32 s13, s24;
	p2 =	sne.s32 s13, s24  }
0x60: {  	s13 =	sshra.s32 s1, $0x1F;
	s0 =	simm.s32 @!p2 $0x0  }
0x61: {  	s15 =	sand.u32 $0xF, s1;
	s0 =	sor.u32 s0, s13  }
0x62: {  	p3 =	sne.s32 s15, $0x0;
	p6 =	sne.s32 s0, $0x1  }
0x63: {  	s15 =	sshrl.u32 s13, $0x1C;
	p2 =	por !p3, !p6  }
0x64: {  	s0 =	sadd.s32 s15, s1;
	s1 =	simm.s32 $0x1;
	p2 =	por !p2, !p2  }
0x65: {  	s0 =	sshra.s32 s0, $0x4;
	s1 =	simm.s32 @!p2 $0x0  }
0x66: {  	s1 =	ssub.s32 s0, s1  }
0x67: {  	p3 =	slt.s32 s1, $0x0  }
.Ltmp0:
0x68: {  	_ = 	snop;
	(pc) =	sbr.rel @p3 .LBB2_5-.Ltmp0, $1  }
0x69: {  	_ =	sdelay $0x3  }
0x6a: {  	s1 =	sshll.u32 s24, $0x3;
	s15 =	simm.s32 $0xFFFFFFFF  }
0x6b: {  	s13 =	sand.u32 $0x78, s1;
	s15 =	simm.s32 @!p2 $0x0  }
0x6c: {  	s13 =	sor.u32 $0xE280, s13;
	s0 =	sadd.s32 s15, s0  }
0x6d: {  	v18 =	vmov s13;
	s13 =	sadd.s32 $0x1, s0  }
0x6e: {  	p2 =	sne.s32 s13, $0x1  }
.Ltmp1:
0x6f: {  	_ = 	snop;
	(pc) =	sbr.rel @!p2 .LBB2_4-.Ltmp1, $4  }
0x70: {  	_ = 	snop  }
0x71: {  	s15 =	sshll.u32 s24, $0x5  }
0x72: {  	s0 =	sshra.s32 s15, $0x2;
	s15 =	sand.u32 $0xFFFFFF80, s1  }
0x73: {  	s0 =	sadd.s32 $0xE2C0, s0;
	s13 =	sadd.s32 $0xFFFFFFFF, s13;
	[tilespmem:v18+s15+$0x0 ss:$0x1] =	vst.idx.msk $0xffff, v17  }
.LBB2_3:
0x74: {  	p2 =	sne.s32 s13, $0x1;
	[tilespmem:s0+$0xFFFFFFD0] =	vst v17  }
0x75: {  	[tilespmem:s0+$0xFFFFFFE0] =	vst v17  }
0x76: {  	[tilespmem:s0+$0xFFFFFFF0] =	vst v17  }
.Ltmp2:
0x77: {  	[tilespmem:s0+$0x0] =	vst v17;
	(pc) =	sbr.rel @p2 .LBB2_3-.Ltmp2, $4  }
0x78: {  	[tilespmem:s0+$0x10] =	vst v17  }
0x79: {  	s1 =	sadd.s32 $0x80, s1;
	[tilespmem:s0+$0x20] =	vst v17  }
0x7a: {  	s15 =	sand.u32 $0xFFFFFF80, s1;
	[tilespmem:s0+$0x30] =	vst v17  }
0x7b: {  	s13 =	sadd.s32 $0xFFFFFFFF, s13;
	s0 =	sadd.s32 $0x80, s0;
	[tilespmem:v18+s15+$0x0 ss:$0x1] =	vst.idx.msk $0xffff, v17  }
.LBB2_4:
0x7c: {  	[tilespmem:s0+$0xFFFFFFD0] =	vst v17  }
0x7d: {  	[tilespmem:s0+$0xFFFFFFE0] =	vst v17  }
0x7e: {  	[tilespmem:s0+$0xFFFFFFF0] =	vst v17  }
0x7f: {  	[tilespmem:s0+$0x0] =	vst v17  }
0x80: {  	[tilespmem:s0+$0x10] =	vst v17  }
0x81: {  	[tilespmem:s0+$0x20] =	vst v17  }
0x82: {  	[tilespmem:s0+$0x30] =	vst v17  }
.LBB2_5:
0x83: {  	s0 =	sadd.f32 s29, s28  }
0x84: {  	s1 =	sadd.f32 s31, s30  }
0x85: {  	s13 =	sadd.f32 s26, s25  }
0x86: {  	s0 =	sadd.f32 s1, s0;
	_ =	sdelay $0x1  }
0x87: {  	s0 =	ssub.f32 s0, s13  }
0x88: {  	p2 =	seq.s32 s23, s24  }
0x89: {  	v21 =	vimm.f32 $0.0e+00;
	s0 =	simm.s32 @!p2 $0x0  }
0x8a: {  	v19 =	vimm.f32 $0.0e+00;
	v25 =	vimm.f32 $0.0e+00;
	v18 =	vmov s0  }
0x8b: {  	v22 =	vimm.f32 $0.0e+00;
	v24 =	vimm.f32 $0.0e+00;
	v18 =	vadd.f32 $0.0e+00, v18  }
0x8c: {  	s23 =	simm.s32 $0xFFFFFFFC;
	s24 =	simm.s32 $0x0;
	s25 =	simm.s32 $0xC027;
	v20 =	vimm.f32 $0.0e+00;
	v23 =	vimm.f32 $0.0e+00;
	v26 =	vimm.f32 $0.0e+00  }
0x8d: {  	s26 =	simm.s32 $0x20;
	s28 =	simm.s32 $0x2020;
	s29 =	simm.s32 $0x4020;
	v27 =	vimm.f32 $0.0e+00;
	v28 =	vbroadcast v18, $0x0;
	v18 =	vimm.f32 $0.0e+00  }
.LBB2_6:
0x8e: {  	v36 =	vld [tilespmem:s25+$0xFFFFFFE1]  }
0x8f: {  	v29 =	vld [tilespmem:s25+$0xFFFFFFE0];
	_ =	sdelay $0x2  }
0x90: {  	v30 =	vld [tilespmem:s26+$0xFFFFFFE0];
	_ =	sdelay $0x1  }
0x91: {  	vm3 =	vne.s32 v36, v29  }
0x92: {  	v29 =	vnsel vm3, $0x80000000, v15  }
0x93: {  	(xrf0) =	vmax.scan.msk.u32 $0xffff, v29  }
0x94: {  	(xrf2) =	vadd.scan.msk.f32 $0xffff, v30;
	_ =	sdelay $0x3  }
0x95: {  	v37 =	vld [tilespmem:s25+$0xFFFFFFE2]  }
0x96: {  	v29, _, _ =	vpop (xrf0)  }
0x97: {  	v31 =	vxor.u32 $0x80000000, v29  }
0x98: {  	v31 =	vperm.xlane v31, v16  }
0x99: {  	v32 =	vperm.xlane v36, v16  }
0x9a: {  	v33 =	vperm.xlane v37, v16;
	v31 =	vxor.u32 $0x80000000, v31  }
0x9b: {  	v38, _, _ =	vpop (xrf2);
	(xrf0) =	vmax.scan.msk.u32 $0xffff, v31;
	v31 =	vxor.u32 $0x80000000, v32  }
0x9c: {  	v34 =	vsub.f32 v38, v30;
	(xrf0) =	vmax.scan.msk.u32 $0xffff, v31;
	v31 =	vxor.u32 $0x80000000, v33  }
0x9d: {  	(xrf0) =	vmax.scan.msk.u32 $0xffff, v31  }
0x9e: {  	(xrf0) =	vmax.scan.msk.f32 vm3, v34;
	_ =	sdelay $0x2  }
0x9f: {  	v32, _, _ =	vpop (xrf0)  }
0xa0: {  	v33, _, _ =	vpop (xrf0)  }
0xa1: {  	v35, _, _ =	vpop (xrf0)  }
0xa2: {  	v31 =	vsub.f32 v27, v28;
	v39, _, _ =	vpop (xrf0)  }
0xa3: {  	vm2 =	veq.s32 v29, $0x80000000;
	v29 =	vxor.u32 $0x80000000, v39  }
0xa4: {  	v29 =	vsel vm2, v31, v29  }
0xa5: {  	v29 =	vadd.f32 v29, v34;
	_ =	sdelay $0x1  }
0xa6: {  	v29 =	vsub.f32 $0.0e+00, v29  }
0xa7: {  	v30 =	vsub.f32 $0.0e+00, v30  }
0xa8: {  	v29 =	vmul.f32 $1.442695020e+00, v29  }
0xa9: {  	v30 =	vmul.f32 $1.442695020e+00, v30  }
0xaa: {  	v31 =	vmov s24;
	(erf) = vpow2.f32 v29  }
0xab: {  	v29 =	vmul.u32 $0x3, v31;
	(erf) = vpow2.f32 v30;
	_ =	sdelay $0x1  }
0xac: {  	v29 =	vbroadcast v29, $0x0;
	_ =	sdelay $0x1  }
0xad: {  	v30 =	vor.u32 v9, v29;
	_ =	sdelay $0x3  }
0xae: {  	v31 =	vpop (erf)  }
0xaf: {  	v30 =	vld.idx.msk [tilespmem:v30+s16+$0x0], $0xffff;
	v60 =	vpop (erf)  }
0xb0: {  	v34 =	vsub.f32 $1.000000000e+00, v60;
	_ =	sdelay $0x1  }
0xb1: {  	v41 =	vmul.f32 v31, v34;
	_ =	sdelay $0x1  }
0xb2: {  	v30 =	vmul.f32 v41, v30  }
0xb3: {  	v31 =	vor.u32 v13, v29  }
0xb4: {  	(xrf2) =	vadd.scan.msk.f32 $0xffff, v30;
	_ =	sdelay $0x3  }
0xb5: {  	v31 =	vld.idx.msk [tilespmem:v31+s16+$0x0], $0xffff;
	_ =	sdelay $0x3  }
0xb6: {  	v61 =	vperm.xlane v38, v16  }
0xb7: {  	v40 =	vsel vm2, $0x0, v39;
	v31 =	vmul.f32 v41, v31  }
0xb8: {  	(xrf0) =	vmax.scan.msk.f32 $0xffff, v61;
	v62 =	vperm.xlane v40, v16;
	v29 =	vor.u32 v14, v29;
	v63, _, _ =	vpop (xrf2)  }
0xb9: {  	(xrf2) =	vadd.scan.msk.f32 $0xffff, v31;
	v30 =	vsub.f32 v63, v30  }
0xba: {  	(xrf0) =	vmax.scan.msk.f32 $0xffff, v62  }
0xbb: {  	(xrf0) =	vmax.scan.msk.f32 vm3, v30;
	_ =	sdelay $0x1  }
0xbc: {  	v29 =	vld.idx.msk [tilespmem:v29+s16+$0x0], $0xffff;
	_ =	sdelay $0x1  }
0xbd: {  	v42, _, _ =	vpop (xrf0)  }
0xbe: {  	v44, _, _ =	vpop (xrf0)  }
0xbf: {  	v30 =	vperm.xlane v63, v16;
	v43, _, _ =	vpop (xrf0)  }
0xc0: {  	v53 =	vmul.f32 v41, v29;
	v29 =	vsel vm2, $0x0, v43  }
0xc1: {  	(xrf0) =	vmax.scan.msk.f32 $0xffff, v30;
	v45, _, _ =	vpop (xrf2);
	v29 =	vperm.xlane v29, v16  }
0xc2: {  	(xrf2) =	vadd.scan.msk.f32 $0xffff, v53;
	v30 =	vsub.f32 v45, v31  }
0xc3: {  	(xrf0) =	vmax.scan.msk.f32 $0xffff, v29  }
0xc4: {  	(xrf0) =	vmax.scan.msk.f32 vm3, v30;
	_ =	sdelay $0x1  }
0xc5: {  	v31 =	vld [tilespmem:s28+$0xFFFFFFE0];
	_ =	sdelay $0x1  }
0xc6: {  	v47 =	vperm.xlane v45, v16;
	v30, _, _ =	vpop (xrf0)  }
0xc7: {  	v29, _, _ =	vpop (xrf0)  }
0xc8: {  	v46, _, _ =	vpop (xrf0)  }
0xc9: {  	v48 =	vmul.f32 v41, v31;
	v31 =	vsel vm2, $0x0, v46  }
0xca: {  	(xrf0) =	vmax.scan.msk.f32 $0xffff, v47;
	v47, _, _ =	vpop (xrf2);
	v31 =	vperm.xlane v31, v16  }
0xcb: {  	(xrf2) =	vadd.scan.msk.f32 $0xffff, v48;
	v34 =	vsub.f32 v47, v53  }
0xcc: {  	(xrf0) =	vmax.scan.msk.f32 $0xffff, v31  }
0xcd: {  	(xrf0) =	vmax.scan.msk.f32 vm3, v34;
	_ =	sdelay $0x3  }
0xce: {  	v34, _, _ =	vpop (xrf0)  }
0xcf: {  	v31, _, _ =	vpop (xrf0)  }
0xd0: {  	v49, _, _ =	vpop (xrf0)  }
0xd1: {  	v50 =	vperm.xlane v47, v16;
	v51 =	vsel vm2, $0x0, v49  }
0xd2: {  	v52, _, _ =	vpop (xrf2);
	v51 =	vperm.xlane v51, v16  }
0xd3: {  	(xrf0) =	vmax.scan.msk.f32 $0xffff, v50;
	v48 =	vsub.f32 v52, v48  }
0xd4: {  	(xrf0) =	vmax.scan.msk.f32 $0xffff, v51  }
0xd5: {  	(xrf0) =	vmax.scan.msk.f32 vm3, v48  }
0xd6: {  	v40 =	vadd.f32 v63, v18;
	vm3 =	vne.s32 v36, v37  }
0xd7: {  	v54 =	vadd.f32 v39, v27;
	v39 =	vshll.u32 v36, $0x3;
	v55 =	vadd.f32 v43, v18  }
0xd8: {  	v38 =	vadd.f32 v38, v27;
	v58 =	vor.u32 $0x1, v39;
	v60 =	vadd.f32 v45, v20  }
0xd9: {  	v57 =	vsel vm2, v23, v55;
	v56 =	vadd.f32 v46, v20;
	v37 =	vsel vm2, v26, v54;
	v36, _, _ =	vpop (xrf0)  }
0xda: {  	v59 =	vor.u32 $0x2, v39;
	v37 =	vsub.f32 v38, v37;
	v38 =	vsub.f32 v40, v57;
	v40, _, _ =	vpop (xrf0)  }
0xdb: {  	v62 =	vor.u32 $0x3, v39;
	[tilespmem:s29+$0xFFFFFFE0] =	vst v41;
	v53 =	vadd.f32 v47, v22;
	v61 =	vadd.f32 v49, v22;
	v63, _, _ =	vpop (xrf0)  }
0xdc: {  	v43 =	vsel vm2, v24, v56;
	[tilespmem:v39+s18+$0x0] =	vst.idx.add.f32.msk vm3, v37;
	v39 =	vor.u32 $0x4, v39;
	v54 =	vadd.f32 v63, v19  }
0xdd: {  	v41 =	vsub.f32 v60, v43;
	v56 =	vadd.f32 v52, v19;
	v55 =	vsel vm2, v25, v61  }
0xde: {  	v37 =	vsub.f32 v53, v55;
	[tilespmem:v58+s18+$0x0] =	vst.idx.add.f32.msk vm3, v38;
	v57 =	vsel vm2, v21, v54  }
0xdf: {  	[tilespmem:v59+s18+$0x0] =	vst.idx.add.f32.msk vm3, v41;
	v38 =	vsub.f32 v56, v57  }
0xe0: {  	[tilespmem:v62+s18+$0x0] =	vst.idx.add.f32.msk vm3, v37  }
0xe1: {  	[tilespmem:v39+s18+$0x0] =	vst.idx.add.f32.msk vm3, v38  }
0xe2: {  	v43 =	vld [tilespmem:s25+$0xFFFFFFF1]  }
0xe3: {  	v37 =	vld [tilespmem:s25+$0xFFFFFFF0];
	_ =	sdelay $0x2  }
0xe4: {  	v58 =	vperm.xlane v52, v16;
	v59 =	vsel vm2, $0x0, v63;
	v41 =	vld [tilespmem:s26+$0xFFFFFFF0]  }
0xe5: {  	v39 =	vperm.xlane v59, v16  }
0xe6: {  	(xrf0) =	vmax.scan.msk.f32 $0xffff, v58;
	vm3 =	vne.s32 v43, v37  }
0xe7: {  	(xrf0) =	vmax.scan.msk.f32 $0xffff, v39;
	v37 =	vnsel vm3, $0x80000000, v15  }
0xe8: {  	(xrf0) =	vmax.scan.msk.u32 $0xffff, v37  }
0xe9: {  	(xrf2) =	vadd.scan.msk.f32 $0xffff, v41;
	_ =	sdelay $0x2  }
0xea: {  	v45, _, _ =	vpop (xrf0)  }
0xeb: {  	v47 =	vld [tilespmem:s25+$0xFFFFFFF2];
	v46, _, _ =	vpop (xrf0)  }
0xec: {  	v60, _, _ =	vpop (xrf0)  }
0xed: {  	v61 =	vxor.u32 $0x80000000, v60  }
0xee: {  	v37 =	vperm.xlane v61, v16  }
0xef: {  	v62 =	vperm.xlane v43, v16  }
0xf0: {  	v63 =	vperm.xlane v47, v16;
	v37 =	vxor.u32 $0x80000000, v37  }
0xf1: {  	v52 =	vxor.u32 $0x80000000, v62;
	v49, _, _ =	vpop (xrf2);
	(xrf0) =	vmax.scan.msk.u32 $0xffff, v37  }
0xf2: {  	v53 =	vxor.u32 $0x80000000, v63;
	v54 =	vsub.f32 v49, v41;
	(xrf0) =	vmax.scan.msk.u32 $0xffff, v52  }
0xf3: {  	(xrf0) =	vmax.scan.msk.u32 $0xffff, v53  }
0xf4: {  	(xrf0) =	vmax.scan.msk.f32 vm3, v54;
	_ =	sdelay $0x1  }
0xf5: {  	v44 =	vadd.f32 v44, v27  }
0xf6: {  	vm4 =	veq.s32 v32, $0x80000000;
	v32 =	vadd.f32 v42, v27;
	v37, _, _ =	vpop (xrf0)  }
0xf7: {  	vm5 =	veq.s32 v33, v35;
	v27 =	vsel vm4, v28, v44;
	v38, _, _ =	vpop (xrf0)  }
0xf8: {  	v35 =	vsel vm5, v27, v32;
	v42, _, _ =	vpop (xrf0)  }
0xf9: {  	v27 =	vsub.f32 v32, v35;
	v50, _, _ =	vpop (xrf0)  }
0xfa: {  	vm2 =	veq.s32 v60, $0x80000000;
	v28 =	vxor.u32 $0x80000000, v50  }
0xfb: {  	v27 =	vsel vm2, v27, v28  }
0xfc: {  	v27 =	vadd.f32 v27, v54;
	_ =	sdelay $0x1  }
0xfd: {  	v27 =	vsub.f32 $0.0e+00, v27  }
0xfe: {  	v28 =	vsub.f32 $0.0e+00, v41  }
0xff: {  	v27 =	vmul.f32 $1.442695020e+00, v27  }
0x100: {  	s0 =	sadd.s32 $0x10, s24;
	v28 =	vmul.f32 $1.442695020e+00, v28  }
0x101: {  	v55 =	vmov s0;
	(erf) = vpow2.f32 v27  }
0x102: {  	v27 =	vmul.u32 $0x3, v55;
	(erf) = vpow2.f32 v28;
	_ =	sdelay $0x1  }
0x103: {  	v27 =	vbroadcast v27, $0x0;
	_ =	sdelay $0x1  }
0x104: {  	v28 =	vadd.s32 v9, v27;
	_ =	sdelay $0x3  }
0x105: {  	v56 =	vpop (erf)  }
0x106: {  	v28 =	vld.idx.msk [tilespmem:v28+s16+$0x0], $0xffff;
	v57 =	vpop (erf)  }
0x107: {  	v39 =	vsub.f32 $1.000000000e+00, v57;
	_ =	sdelay $0x1  }
0x108: {  	v48 =	vmul.f32 v56, v39;
	_ =	sdelay $0x1  }
0x109: {  	v28 =	vmul.f32 v48, v28  }
0x10a: {  	v58 =	vadd.s32 v13, v27  }
0x10b: {  	(xrf2) =	vadd.scan.msk.f32 $0xffff, v28;
	_ =	sdelay $0x3  }
0x10c: {  	v33 =	vld.idx.msk [tilespmem:v58+s16+$0x0], $0xffff;
	_ =	sdelay $0x3  }
0x10d: {  	v59 =	vperm.xlane v49, v16  }
0x10e: {  	v60 =	vsel vm2, $0x0, v50;
	v33 =	vmul.f32 v48, v33  }
0x10f: {  	(xrf0) =	vmax.scan.msk.f32 $0xffff, v59;
	v61 =	vperm.xlane v60, v16;
	v27 =	vadd.s32 v14, v27;
	v51, _, _ =	vpop (xrf2)  }
0x110: {  	(xrf2) =	vadd.scan.msk.f32 $0xffff, v33;
	v28 =	vsub.f32 v51, v28  }
0x111: {  	(xrf0) =	vmax.scan.msk.f32 $0xffff, v61  }
0x112: {  	(xrf0) =	vmax.scan.msk.f32 vm3, v28;
	_ =	sdelay $0x1  }
0x113: {  	v27 =	vld.idx.msk [tilespmem:v27+s16+$0x0], $0xffff;
	_ =	sdelay $0x1  }
0x114: {  	v52, _, _ =	vpop (xrf0)  }
0x115: {  	v53, _, _ =	vpop (xrf0)  }
0x116: {  	v28 =	vperm.xlane v51, v16;
	v54, _, _ =	vpop (xrf0)  }
0x117: {  	v62 =	vmul.f32 v48, v27;
	v27 =	vsel vm2, $0x0, v54  }
0x118: {  	(xrf0) =	vmax.scan.msk.f32 $0xffff, v28;
	v55, _, _ =	vpop (xrf2);
	v27 =	vperm.xlane v27, v16  }
0x119: {  	(xrf2) =	vadd.scan.msk.f32 $0xffff, v62;
	v28 =	vsub.f32 v55, v33  }
0x11a: {  	(xrf0) =	vmax.scan.msk.f32 $0xffff, v27  }
0x11b: {  	(xrf0) =	vmax.scan.msk.f32 vm3, v28;
	_ =	sdelay $0x1  }
0x11c: {  	v63 =	vld [tilespmem:s28+$0xFFFFFFF0];
	_ =	sdelay $0x1  }
0x11d: {  	v27, _, _ =	vpop (xrf0)  }
0x11e: {  	v28, _, _ =	vpop (xrf0)  }
0x11f: {  	v60 =	vperm.xlane v55, v16;
	v56, _, _ =	vpop (xrf0)  }
0x120: {  	v57 =	vmul.f32 v48, v63;
	v61 =	vsel vm2, $0x0, v56  }
0x121: {  	(xrf0) =	vmax.scan.msk.f32 $0xffff, v60;
	v58, _, _ =	vpop (xrf2);
	v33 =	vperm.xlane v61, v16  }
0x122: {  	(xrf2) =	vadd.scan.msk.f32 $0xffff, v57;
	v39 =	vsub.f32 v58, v62  }
0x123: {  	(xrf0) =	vmax.scan.msk.f32 $0xffff, v33  }
0x124: {  	(xrf0) =	vmax.scan.msk.f32 vm3, v39;
	_ =	sdelay $0x3  }
0x125: {  	v63 =	vadd.f32 v29, v18;
	v62 =	vsel vm4, v26, v44;
	v26, _, _ =	vpop (xrf0)  }
0x126: {  	v44 =	vperm.xlane v58, v16;
	v29, _, _ =	vpop (xrf0)  }
0x127: {  	v61 =	vadd.f32 v40, v22;
	v33 =	vadd.f32 v30, v18;
	v18 =	vsel vm4, v23, v63;
	v23, _, _ =	vpop (xrf0)  }
0x128: {  	v30 =	vadd.f32 v34, v20;
	v20 =	vadd.f32 v31, v20;
	v60 =	vsel vm2, $0x0, v23  }
0x129: {  	v31 =	vadd.f32 v36, v22;
	v39 =	vsel vm5, v62, v32;
	v59, _, _ =	vpop (xrf2);
	v62 =	vperm.xlane v60, v16  }
0x12a: {  	v22 =	vsel vm5, v18, v33;
	v18 =	vadd.f32 v46, v19;
	(xrf0) =	vmax.scan.msk.f32 $0xffff, v44;
	v63 =	vsub.f32 v59, v57  }
0x12b: {  	v34 =	vadd.f32 v45, v19;
	v20 =	vsel vm4, v24, v20;
	v24 =	vsel vm4, v25, v61;
	(xrf0) =	vmax.scan.msk.f32 $0xffff, v62  }
0x12c: {  	v19 =	vadd.f32 v49, v32;
	v25 =	vadd.f32 v56, v30;
	v18 =	vsel vm4, v21, v18;
	(xrf0) =	vmax.scan.msk.f32 vm3, v63  }
0x12d: {  	v36 =	vsel vm5, v18, v34;
	v18 =	vadd.f32 v50, v32;
	vm3 =	vne.s32 v43, v47  }
0x12e: {  	v40 =	vsel vm5, v20, v30;
	v20 =	vshll.u32 v43, $0x3;
	v21 =	vadd.f32 v54, v33  }
0x12f: {  	v41 =	vsel vm5, v24, v31;
	v24 =	vadd.f32 v51, v33;
	v18 =	vsel vm2, v39, v18  }
0x130: {  	v18 =	vsub.f32 v19, v18;
	v19 =	vsel vm2, v22, v21;
	v21 =	vor.u32 $0x1, v20;
	v43, _, _ =	vpop (xrf0)  }
0x131: {  	v19 =	vsub.f32 v24, v19;
	v24 =	vsel vm2, v40, v25;
	v25 =	vor.u32 $0x2, v20;
	v44, _, _ =	vpop (xrf0)  }
0x132: {  	[tilespmem:s29+$0xFFFFFFF0] =	vst v48;
	v56 =	vadd.f32 v55, v30;
	v57 =	vor.u32 $0x3, v20;
	v23 =	vadd.f32 v23, v31;
	v60, _, _ =	vpop (xrf0)  }
0x133: {  	[tilespmem:v20+s18+$0x0] =	vst.idx.add.f32.msk vm3, v18;
	v18 =	vadd.f32 v58, v31;
	v20 =	vor.u32 $0x4, v20;
	v61 =	vadd.f32 v60, v34  }
0x134: {  	v24 =	vsub.f32 v56, v24;
	v23 =	vsel vm2, v41, v23;
	v62 =	vadd.f32 v59, v34  }
0x135: {  	[tilespmem:v21+s18+$0x0] =	vst.idx.add.f32.msk vm3, v19;
	v18 =	vsub.f32 v18, v23;
	v19 =	vsel vm2, v36, v61  }
0x136: {  	[tilespmem:v25+s18+$0x0] =	vst.idx.add.f32.msk vm3, v24;
	v19 =	vsub.f32 v62, v19  }
0x137: {  	[tilespmem:v57+s18+$0x0] =	vst.idx.add.f32.msk vm3, v18  }
0x138: {  	[tilespmem:v20+s18+$0x0] =	vst.idx.add.f32.msk vm3, v19  }
0x139: {  	v45 =	vld [tilespmem:s25+$0x1]  }
0x13a: {  	v18 =	vld [tilespmem:s25+$0x0];
	_ =	sdelay $0x2  }
0x13b: {  	v19 =	vperm.xlane v59, v16;
	v20 =	vsel vm2, $0x0, v60;
	v21 =	vld [tilespmem:s26+$0x0]  }
0x13c: {  	v20 =	vperm.xlane v20, v16  }
0x13d: {  	(xrf0) =	vmax.scan.msk.f32 $0xffff, v19;
	vm3 =	vne.s32 v45, v18  }
0x13e: {  	(xrf0) =	vmax.scan.msk.f32 $0xffff, v20;
	v18 =	vnsel vm3, $0x80000000, v15  }
0x13f: {  	(xrf0) =	vmax.scan.msk.u32 $0xffff, v18  }
0x140: {  	(xrf2) =	vadd.scan.msk.f32 $0xffff, v21;
	_ =	sdelay $0x2  }
0x141: {  	v46, _, _ =	vpop (xrf0)  }
0x142: {  	v48 =	vld [tilespmem:s25+$0x2];
	v63, _, _ =	vpop (xrf0)  }
0x143: {  	v18, _, _ =	vpop (xrf0)  }
0x144: {  	v19 =	vxor.u32 $0x80000000, v18  }
0x145: {  	v19 =	vperm.xlane v19, v16  }
0x146: {  	v20 =	vperm.xlane v45, v16  }
0x147: {  	v23 =	vperm.xlane v48, v16;
	v19 =	vxor.u32 $0x80000000, v19  }
0x148: {  	v49, _, _ =	vpop (xrf2);
	(xrf0) =	vmax.scan.msk.u32 $0xffff, v19;
	v19 =	vxor.u32 $0x80000000, v20  }
0x149: {  	v20 =	vsub.f32 v49, v21;
	(xrf0) =	vmax.scan.msk.u32 $0xffff, v19;
	v19 =	vxor.u32 $0x80000000, v23  }
0x14a: {  	(xrf0) =	vmax.scan.msk.u32 $0xffff, v19  }
0x14b: {  	(xrf0) =	vmax.scan.msk.f32 vm3, v20;
	_ =	sdelay $0x1  }
0x14c: {  	v23 =	vadd.f32 v53, v32  }
0x14d: {  	vm10 =	veq.s32 v37, $0x80000000;
	v25 =	vadd.f32 v52, v32;
	v32, _, _ =	vpop (xrf0)  }
0x14e: {  	vm11 =	veq.s32 v38, v42;
	v19 =	vsel vm10, v35, v23;
	v37, _, _ =	vpop (xrf0)  }
0x14f: {  	v35 =	vsel vm11, v19, v25;
	v38, _, _ =	vpop (xrf0)  }
0x150: {  	v19 =	vsub.f32 v25, v35;
	v42, _, _ =	vpop (xrf0)  }
0x151: {  	vm2 =	veq.s32 v18, $0x80000000;
	v18 =	vxor.u32 $0x80000000, v42  }
0x152: {  	v18 =	vsel vm2, v19, v18  }
0x153: {  	v18 =	vadd.f32 v18, v20;
	_ =	sdelay $0x1  }
0x154: {  	v18 =	vsub.f32 $0.0e+00, v18  }
0x155: {  	v19 =	vsub.f32 $0.0e+00, v21  }
0x156: {  	v18 =	vmul.f32 $1.442695020e+00, v18  }
0x157: {  	s30 =	sadd.s32 $0x20, s24;
	v19 =	vmul.f32 $1.442695020e+00, v19  }
0x158: {  	v20 =	vmov s30;
	(erf) = vpow2.f32 v18  }
0x159: {  	v18 =	vmul.u32 $0x3, v20;
	(erf) = vpow2.f32 v19;
	_ =	sdelay $0x1  }
0x15a: {  	v18 =	vbroadcast v18, $0x0;
	_ =	sdelay $0x1  }
0x15b: {  	v19 =	vadd.s32 v9, v18;
	_ =	sdelay $0x3  }
0x15c: {  	v20 =	vpop (erf)  }
0x15d: {  	v19 =	vld.idx.msk [tilespmem:v19+s16+$0x0], $0xffff;
	v21 =	vpop (erf)  }
0x15e: {  	v21 =	vsub.f32 $1.000000000e+00, v21;
	_ =	sdelay $0x1  }
0x15f: {  	v50 =	vmul.f32 v20, v21;
	_ =	sdelay $0x1  }
0x160: {  	v19 =	vmul.f32 v50, v19  }
0x161: {  	v20 =	vadd.s32 v13, v18  }
0x162: {  	(xrf2) =	vadd.scan.msk.f32 $0xffff, v19;
	_ =	sdelay $0x3  }
0x163: {  	v20 =	vld.idx.msk [tilespmem:v20+s16+$0x0], $0xffff;
	_ =	sdelay $0x3  }
0x164: {  	v21 =	vperm.xlane v49, v16  }
0x165: {  	v24 =	vsel vm2, $0x0, v42;
	v20 =	vmul.f32 v50, v20  }
0x166: {  	v18 =	vadd.s32 v14, v18;
	(xrf0) =	vmax.scan.msk.f32 $0xffff, v21;
	v21 =	vperm.xlane v24, v16;
	v51, _, _ =	vpop (xrf2)  }
0x167: {  	(xrf2) =	vadd.scan.msk.f32 $0xffff, v20;
	v19 =	vsub.f32 v51, v19  }
0x168: {  	(xrf0) =	vmax.scan.msk.f32 $0xffff, v21  }
0x169: {  	(xrf0) =	vmax.scan.msk.f32 vm3, v19;
	_ =	sdelay $0x1  }
0x16a: {  	v18 =	vld.idx.msk [tilespmem:v18+s16+$0x0], $0xffff;
	_ =	sdelay $0x1  }
0x16b: {  	v52, _, _ =	vpop (xrf0)  }
0x16c: {  	v53, _, _ =	vpop (xrf0)  }
0x16d: {  	v19 =	vperm.xlane v51, v16;
	v54, _, _ =	vpop (xrf0)  }
0x16e: {  	v21 =	vmul.f32 v50, v18;
	v18 =	vsel vm2, $0x0, v54  }
0x16f: {  	(xrf0) =	vmax.scan.msk.f32 $0xffff, v19;
	v55, _, _ =	vpop (xrf2);
	v18 =	vperm.xlane v18, v16  }
0x170: {  	(xrf2) =	vadd.scan.msk.f32 $0xffff, v21;
	v19 =	vsub.f32 v55, v20  }
0x171: {  	(xrf0) =	vmax.scan.msk.f32 $0xffff, v18  }
0x172: {  	(xrf0) =	vmax.scan.msk.f32 vm3, v19;
	_ =	sdelay $0x1  }
0x173: {  	v20 =	vld [tilespmem:s28+$0x0];
	_ =	sdelay $0x1  }
0x174: {  	v18, _, _ =	vpop (xrf0)  }
0x175: {  	v19, _, _ =	vpop (xrf0)  }
0x176: {  	v24 =	vperm.xlane v55, v16;
	v56, _, _ =	vpop (xrf0)  }
0x177: {  	v60 =	vmul.f32 v50, v20;
	v20 =	vsel vm2, $0x0, v56  }
0x178: {  	(xrf0) =	vmax.scan.msk.f32 $0xffff, v24;
	v58, _, _ =	vpop (xrf2);
	v20 =	vperm.xlane v20, v16  }
0x179: {  	(xrf2) =	vadd.scan.msk.f32 $0xffff, v60;
	v21 =	vsub.f32 v58, v21  }
0x17a: {  	(xrf0) =	vmax.scan.msk.f32 $0xffff, v20  }
0x17b: {  	(xrf0) =	vmax.scan.msk.f32 vm3, v21;
	_ =	sdelay $0x3  }
0x17c: {  	v20, _, _ =	vpop (xrf0)  }
0x17d: {  	v61 =	vadd.f32 v28, v33;
	v21 =	vsel vm10, v39, v23;
	v23, _, _ =	vpop (xrf0)  }
0x17e: {  	v24 =	vadd.f32 v27, v33;
	v28 =	vsel vm11, v21, v25;
	v21 =	vadd.f32 v26, v30;
	v39, _, _ =	vpop (xrf0)  }
0x17f: {  	v26 =	vadd.f32 v29, v30;
	v29 =	vperm.xlane v58, v16;
	v30 =	vsel vm2, $0x0, v39  }
0x180: {  	v27 =	vsel vm10, v22, v61;
	v22 =	vadd.f32 v43, v31;
	v43, _, _ =	vpop (xrf2);
	v30 =	vperm.xlane v30, v16  }
0x181: {  	v62 =	vadd.f32 v63, v34;
	(xrf0) =	vmax.scan.msk.f32 $0xffff, v29;
	v63 =	vsub.f32 v43, v60  }
0x182: {  	v49 =	vadd.f32 v49, v25;
	v31 =	vadd.f32 v44, v31;
	(xrf0) =	vmax.scan.msk.f32 $0xffff, v30  }
0x183: {  	v27 =	vsel vm11, v27, v24;
	(xrf0) =	vmax.scan.msk.f32 vm3, v63;
	vm3 =	vne.s32 v45, v48;
	v48 =	vadd.f32 v42, v25  }
0x184: {  	v47 =	vsel vm10, v41, v31;
	v57 =	vadd.f32 v54, v24;
	v59 =	vadd.f32 v51, v24  }
0x185: {  	v29 =	vsel vm10, v40, v26;
	v26 =	vadd.f32 v46, v34;
	v33 =	vsel vm2, v28, v48  }
0x186: {  	v54 =	vadd.f32 v55, v21;
	v30 =	vsel vm10, v36, v62;
	v36 =	vshll.u32 v45, $0x3  }
0x187: {  	v31 =	vsel vm11, v29, v21;
	v29 =	vsel vm11, v47, v22;
	v39 =	vadd.f32 v39, v22  }
0x188: {  	v60 =	vadd.f32 v56, v21;
	v63 =	vor.u32 $0x1, v36;
	v61 =	vsub.f32 v49, v33;
	v33, _, _ =	vpop (xrf0)  }
0x189: {  	v39 =	vsel vm2, v29, v39;
	v62 =	vsel vm2, v27, v57;
	v45 =	vor.u32 $0x2, v36;
	v34, _, _ =	vpop (xrf0)  }
0x18a: {  	[tilespmem:s29+$0x0] =	vst v50;
	v57 =	vadd.f32 v58, v22;
	v41 =	vsub.f32 v59, v62;
	v55 =	vor.u32 $0x3, v36;
	v56, _, _ =	vpop (xrf0)  }
0x18b: {  	v42 =	vsel vm2, v31, v60;
	[tilespmem:v36+s18+$0x0] =	vst.idx.add.f32.msk vm3, v61;
	v36 =	vor.u32 $0x4, v36;
	v58 =	vadd.f32 v56, v26  }
0x18c: {  	v30 =	vsel vm11, v30, v26;
	v59 =	vadd.f32 v43, v26;
	v42 =	vsub.f32 v54, v42  }
0x18d: {  	v39 =	vsub.f32 v57, v39;
	[tilespmem:v63+s18+$0x0] =	vst.idx.add.f32.msk vm3, v41;
	v60 =	vsel vm2, v30, v58  }
0x18e: {  	[tilespmem:v45+s18+$0x0] =	vst.idx.add.f32.msk vm3, v42;
	v40 =	vsub.f32 v59, v60  }
0x18f: {  	[tilespmem:v55+s18+$0x0] =	vst.idx.add.f32.msk vm3, v39  }
0x190: {  	[tilespmem:v36+s18+$0x0] =	vst.idx.add.f32.msk vm3, v40  }
0x191: {  	v36 =	vld [tilespmem:s25+$0x11]  }
0x192: {  	v39 =	vld [tilespmem:s25+$0x10];
	_ =	sdelay $0x2  }
0x193: {  	v61 =	vperm.xlane v43, v16;
	v62 =	vsel vm2, $0x0, v56;
	v42 =	vld [tilespmem:s26+$0x10]  }
0x194: {  	v41 =	vperm.xlane v62, v16  }
0x195: {  	(xrf0) =	vmax.scan.msk.f32 $0xffff, v61;
	vm12 =	vne.s32 v36, v39  }
0x196: {  	(xrf0) =	vmax.scan.msk.f32 $0xffff, v41;
	v39 =	vnsel vm12, $0x80000000, v15  }
0x197: {  	(xrf0) =	vmax.scan.msk.u32 $0xffff, v39  }
0x198: {  	(xrf2) =	vadd.scan.msk.f32 $0xffff, v42;
	_ =	sdelay $0x2  }
0x199: {  	v39, _, _ =	vpop (xrf0)  }
0x19a: {  	v41 =	vld [tilespmem:s25+$0x12];
	v40, _, _ =	vpop (xrf0)  }
0x19b: {  	v63, _, _ =	vpop (xrf0)  }
0x19c: {  	v50 =	vxor.u32 $0x80000000, v63  }
0x19d: {  	v44 =	vperm.xlane v50, v16  }
0x19e: {  	v51 =	vperm.xlane v36, v16  }
0x19f: {  	v54 =	vperm.xlane v41, v16;
	v44 =	vxor.u32 $0x80000000, v44  }
0x1a0: {  	v55 =	vxor.u32 $0x80000000, v51;
	v45, _, _ =	vpop (xrf2);
	(xrf0) =	vmax.scan.msk.u32 $0xffff, v44  }
0x1a1: {  	v56 =	vxor.u32 $0x80000000, v54;
	v57 =	vsub.f32 v45, v42;
	(xrf0) =	vmax.scan.msk.u32 $0xffff, v55  }
0x1a2: {  	(xrf0) =	vmax.scan.msk.u32 $0xffff, v56  }
0x1a3: {  	(xrf0) =	vmax.scan.msk.f32 vm12, v57;
	_ =	sdelay $0x1  }
0x1a4: {  	v44 =	vadd.f32 v53, v25  }
0x1a5: {  	vm13 =	veq.s32 v32, $0x80000000;
	v25 =	vadd.f32 v52, v25;
	v47, _, _ =	vpop (xrf0)  }
0x1a6: {  	vm3 =	veq.s32 v37, v38;
	v32 =	vsel vm13, v35, v44;
	v35, _, _ =	vpop (xrf0)  }
0x1a7: {  	v32 =	vsel vm3, v32, v25;
	v37, _, _ =	vpop (xrf0)  }
0x1a8: {  	v58 =	vsub.f32 v25, v32;
	v38, _, _ =	vpop (xrf0)  }
0x1a9: {  	vm2 =	veq.s32 v63, $0x80000000;
	v59 =	vxor.u32 $0x80000000, v38  }
0x1aa: {  	v43 =	vsel vm2, v58, v59  }
0x1ab: {  	v43 =	vadd.f32 v43, v57;
	_ =	sdelay $0x1  }
0x1ac: {  	v43 =	vsub.f32 $0.0e+00, v43  }
0x1ad: {  	v42 =	vsub.f32 $0.0e+00, v42  }
0x1ae: {  	v43 =	vmul.f32 $1.442695020e+00, v43  }
0x1af: {  	s31 =	sadd.s32 $0x30, s24;
	v42 =	vmul.f32 $1.442695020e+00, v42  }
0x1b0: {  	v60 =	vmov s31;
	(erf) = vpow2.f32 v43  }
0x1b1: {  	v61 =	vmul.u32 $0x3, v60;
	(erf) = vpow2.f32 v42;
	_ =	sdelay $0x1  }
0x1b2: {  	v62 =	vbroadcast v61, $0x0;
	_ =	sdelay $0x1  }
0x1b3: {  	v43 =	vadd.s32 v9, v62;
	_ =	sdelay $0x3  }
0x1b4: {  	v63 =	vpop (erf)  }
0x1b5: {  	v43 =	vld.idx.msk [tilespmem:v43+s16+$0x0], $0xffff;
	v52 =	vpop (erf)  }
0x1b6: {  	v48 =	vsub.f32 $1.000000000e+00, v52;
	_ =	sdelay $0x1  }
0x1b7: {  	v46 =	vmul.f32 v63, v48;
	_ =	sdelay $0x1  }
0x1b8: {  	v43 =	vmul.f32 v46, v43  }
0x1b9: {  	v53 =	vadd.s32 v13, v62  }
0x1ba: {  	(xrf2) =	vadd.scan.msk.f32 $0xffff, v43;
	_ =	sdelay $0x3  }
0x1bb: {  	v48 =	vld.idx.msk [tilespmem:v53+s16+$0x0], $0xffff;
	_ =	sdelay $0x3  }
0x1bc: {  	v54 =	vperm.xlane v45, v16  }
0x1bd: {  	v55 =	vsel vm2, $0x0, v38;
	v48 =	vmul.f32 v46, v48  }
0x1be: {  	(xrf0) =	vmax.scan.msk.f32 $0xffff, v54;
	v56 =	vperm.xlane v55, v16;
	v42 =	vadd.s32 v14, v62;
	v50, _, _ =	vpop (xrf2)  }
0x1bf: {  	(xrf2) =	vadd.scan.msk.f32 $0xffff, v48;
	v43 =	vsub.f32 v50, v43  }
0x1c0: {  	(xrf0) =	vmax.scan.msk.f32 $0xffff, v56  }
0x1c1: {  	(xrf0) =	vmax.scan.msk.f32 vm12, v43;
	_ =	sdelay $0x1  }
0x1c2: {  	v42 =	vld.idx.msk [tilespmem:v42+s16+$0x0], $0xffff;
	_ =	sdelay $0x1  }
0x1c3: {  	v43, _, _ =	vpop (xrf0)  }
0x1c4: {  	v49, _, _ =	vpop (xrf0)  }
0x1c5: {  	v57 =	vperm.xlane v50, v16;
	v51, _, _ =	vpop (xrf0)  }
0x1c6: {  	v42 =	vmul.f32 v46, v42;
	v58 =	vsel vm2, $0x0, v51  }
0x1c7: {  	(xrf0) =	vmax.scan.msk.f32 $0xffff, v57;
	v53, _, _ =	vpop (xrf2);
	v59 =	vperm.xlane v58, v16  }
0x1c8: {  	(xrf2) =	vadd.scan.msk.f32 $0xffff, v42;
	v48 =	vsub.f32 v53, v48  }
0x1c9: {  	(xrf0) =	vmax.scan.msk.f32 $0xffff, v59  }
0x1ca: {  	(xrf0) =	vmax.scan.msk.f32 vm12, v48;
	_ =	sdelay $0x1  }
0x1cb: {  	v60 =	vld [tilespmem:s28+$0x10];
	_ =	sdelay $0x1  }
0x1cc: {  	v52, _, _ =	vpop (xrf0)  }
0x1cd: {  	v54, _, _ =	vpop (xrf0)  }
0x1ce: {  	v61 =	vperm.xlane v53, v16;
	v55, _, _ =	vpop (xrf0)  }
0x1cf: {  	v48 =	vmul.f32 v46, v60;
	v62 =	vsel vm2, $0x0, v55  }
0x1d0: {  	(xrf0) =	vmax.scan.msk.f32 $0xffff, v61;
	v57, _, _ =	vpop (xrf2);
	v63 =	vperm.xlane v62, v16  }
0x1d1: {  	(xrf2) =	vadd.scan.msk.f32 $0xffff, v48;
	v42 =	vsub.f32 v57, v42  }
0x1d2: {  	(xrf0) =	vmax.scan.msk.f32 $0xffff, v63  }
0x1d3: {  	(xrf0) =	vmax.scan.msk.f32 vm12, v42;
	_ =	sdelay $0x3  }
0x1d4: {  	v19 =	vadd.f32 v19, v24;
	v42, _, _ =	vpop (xrf0)  }
0x1d5: {  	v56, _, _ =	vpop (xrf0)  }
0x1d6: {  	v24 =	vadd.f32 v18, v24;
	v19 =	vsel vm13, v27, v19;
	v28 =	vsel vm13, v28, v44;
	v44, _, _ =	vpop (xrf0)  }
0x1d7: {  	v18 =	vadd.f32 v23, v21;
	v59 =	vperm.xlane v57, v16;
	v60 =	vsel vm2, $0x0, v44  }
0x1d8: {  	v27 =	vadd.f32 v34, v22;
	vm6 =	veq.s32 v35, v37;
	v37, _, _ =	vpop (xrf2);
	v23 =	vperm.xlane v60, v16  }
0x1d9: {  	v21 =	vadd.f32 v20, v21;
	(xrf0) =	vmax.scan.msk.f32 $0xffff, v59;
	v61 =	vsub.f32 v37, v48  }
0x1da: {  	v20 =	vsel vm13, v31, v18;
	v31 =	vadd.f32 v33, v22;
	v22 =	vsel vm13, v29, v27;
	(xrf0) =	vmax.scan.msk.f32 $0xffff, v23  }
0x1db: {  	vm14 =	vne.s32 v36, v41;
	v29 =	vadd.f32 v39, v26;
	v18 =	vadd.f32 v40, v26;
	(xrf0) =	vmax.scan.msk.f32 vm12, v61  }
0x1dc: {  	vm15 =	veq.s32 v47, $0x80000000;
	v26 =	vadd.f32 v38, v25;
	v47 =	vadd.f32 v50, v24  }
0x1dd: {  	v27 =	vadd.f32 v43, v25;
	v23 =	vsel vm13, v30, v18;
	v30 =	vshll.u32 v36, $0x3  }
0x1de: {  	v58 =	vsel vm3, v22, v31;
	v18 =	vsel vm3, v28, v25;
	v28 =	vadd.f32 v45, v25  }
0x1df: {  	v62 =	vadd.f32 v51, v24;
	v63, _, _ =	vpop (xrf0);
	v22 =	vadd.f32 v44, v31;
	v26 =	vsel vm2, v18, v26  }
0x1e0: {  	v19 =	vsel vm3, v19, v24;
	v45 =	vadd.f32 v49, v25;
	v25 =	vsub.f32 v28, v26;
	v48, _, _ =	vpop (xrf0)  }
0x1e1: {  	[tilespmem:s29+$0x10] =	vst v46;
	v22 =	vsel vm2, v58, v22;
	v59 =	vsel vm3, v23, v29;
	v26 =	vsel vm2, v19, v62;
	v51, _, _ =	vpop (xrf0)  }
0x1e2: {  	v50 =	vsub.f32 v47, v26;
	[tilespmem:v30+s18+$0x0] =	vst.idx.add.f32.msk vm14, v25;
	v25 =	vperm.xlane v37, v16;
	v26 =	vsel vm2, $0x0, v51  }
0x1e3: {  	v49 =	vsel vm15, v18, v45;
	v18 =	vadd.f32 v52, v24;
	v26 =	vperm.xlane v26, v16  }
0x1e4: {  	v24 =	vadd.f32 v54, v24;
	v52 =	vadd.f32 v55, v21;
	(xrf0) =	vmax.scan.msk.f32 $0xffff, v25;
	v25 =	vor.u32 $0x1, v30  }
0x1e5: {  	v54 =	vsel vm3, v20, v21;
	v20 =	vadd.f32 v53, v21;
	v55 =	vor.u32 $0x2, v30;
	(xrf0) =	vmax.scan.msk.f32 $0xffff, v26  }
0x1e6: {  	v62 =	vadd.f32 v37, v29;
	v19 =	vsel vm15, v19, v24;
	v24 =	vsel vm2, v54, v52  }
0x1e7: {  	v24 =	vsub.f32 v20, v24;
	v23 =	vsel vm6, v19, v18;
	v19 =	vadd.f32 v57, v31  }
0x1e8: {  	v28 =	vsel vm15, v32, v45;
	v20 =	vadd.f32 v42, v21;
	v21 =	vadd.f32 v56, v21  }
0x1e9: {  	s23 =	sadd.s32 $0x4, s23;
	v28 =	vsel vm6, v28, v27;
	v61 =	vsub.f32 v19, v22;
	[tilespmem:v25+s18+$0x0] =	vst.idx.add.f32.msk vm14, v50;
	v25 =	vor.u32 $0x3, v30  }
0x1ea: {  	p2 =	slt.u32 s23, $0x1FC;
	v21 =	vsel vm15, v54, v21;
	v19 =	vadd.f32 v51, v29;
	v30 =	vor.u32 $0x4, v30;
	v60, _, _ =	vpop (xrf0)  }
.Ltmp3:
0x1eb: {  	v22 =	vadd.f32 v63, v31;
	v31 =	vadd.f32 v48, v31;
	[tilespmem:v55+s18+$0x0] =	vst.idx.add.f32.msk vm14, v24;
	v24, _, _ =	vpop (xrf0);
	(pc) =	sbr.rel @p2 .LBB2_6-.Ltmp3, $4  }
0x1ec: {  	v19 =	vsel vm2, v59, v19;
	v26 =	vsel vm6, v49, v27;
	v63 =	vadd.f32 v24, v29  }
0x1ed: {  	v24 =	vsel vm6, v21, v20;
	v21 =	vsub.f32 v62, v19;
	v19 =	vadd.f32 v60, v29  }
0x1ee: {  	s24 =	sadd.s32 $0x40, s24;
	s25 =	sadd.s32 $0x40, s25;
	[tilespmem:v25+s18+$0x0] =	vst.idx.add.f32.msk vm14, v61;
	v25 =	vsel vm15, v58, v31;
	v29 =	vsel vm15, v59, v63  }
0x1ef: {  	s26 =	sadd.s32 $0x40, s26;
	s28 =	sadd.s32 $0x40, s28;
	s29 =	sadd.s32 $0x40, s29;
	v25 =	vsel vm6, v25, v22;
	[tilespmem:v30+s18+$0x0] =	vst.idx.add.f32.msk vm14, v21;
	v21 =	vsel vm6, v29, v19  }
0x1f0: {  	v28 =	vld [tilespmem:$0xDFF8];
	_ =	sdelay $0x4  }
0x1f1: {  	(v2sf) =	vpush v28, $0xF;
	_ =	sdelay $0xe  }
0x1f2: {  	s0 =	spop (v2sf)  }
0x1f3: {  	s0 =	sshll.u32 s0, $0x3  }
0x1f4: {  	v62 =	vmov s0;
	s1 =	sor.u32 $0x1, s0  }
0x1f5: {  	s30 =	sor.u32 $0x2, s0;
	v28 =	vbroadcast v62, $0x0;
	v29 =	vmov s1  }
0x1f6: {  	s31 =	sor.u32 $0x3, s0;
	v30 =	vmov s30;
	v29 =	vbroadcast v29, $0x0  }
0x1f7: {  	s0 =	sor.u32 $0x4, s0;
	v31 =	vmov s31;
	v30 =	vbroadcast v30, $0x0  }
0x1f8: {  	v32 =	vmov s0;
	v31 =	vbroadcast v31, $0x0  }
0x1f9: {  	v26 =	vsub.f32 v27, v26;
	v63 =	vbroadcast v32, $0x0  }
0x1fa: {  	v18 =	vsub.f32 v18, v23  }
0x1fb: {  	v20 =	vsub.f32 v20, v24;
	[tilespmem:v28+s18+$0x0] =	vst.idx.add.f32.msk $0x1, v26  }
0x1fc: {  	[tilespmem:v29+s18+$0x0] =	vst.idx.add.f32.msk $0x1, v18;
	v18 =	vsub.f32 v22, v25  }
0x1fd: {  	v19 =	vsub.f32 v19, v21;
	[tilespmem:v30+s18+$0x0] =	vst.idx.add.f32.msk $0x1, v20  }
0x1fe: {  	[tilespmem:v31+s18+$0x0] =	vst.idx.add.f32.msk $0x1, v18  }
0x1ff: {  	[tilespmem:v63+s18+$0x0] =	vst.idx.add.f32.msk $0x1, v19  }
0x200: {  	[hbm4b:s10+s2] =	stream.linear.scatter [tilespmem:s19], [sflag:$0x1], $0x2000, $0x38;
	[tilespmem:$0x16300] =	vst v63  }
0x201: {  	s22 =	sadd.s32 $0x1, s22;
	_ =	swait.ge [sflag:s14], $0x2000  }
0x202: {  	p2 =	sne.s32 s22, s12;
	[sflag:s14] =	ssyncset.done $0x0  }
.Ltmp4:
0x203: {  	[sflag:s14] =	ssyncadd.s32 $0xFFFFE000;
	(pc) =	sbr.rel @p2 .LBB2_1-.Ltmp4, $4  }
0x204: {  	[hbm4b:s11+s20] =	stream.strided.scatter [tilespmem:s18], [sflag:$0x1], $0x8000, s21, s20, $0x38;
	[tilespmem:$0x16300] =	vst v63  }
0x205: {  	_ =	swait.ge [sflag:s14], $0x8000  }
0x206: {  	[sflag:s14] =	ssyncset.done $0x0  }
0x207: {  	[sflag:s14] =	ssyncadd.s32 $0xFFFF8000  }
0x208: {  	_ =	sfence.sel $0x180000  }
0x209: {  	[bflag:$0x0] =	sbarrier.arrive $0xFFFF  }
0x20a: {  	_ =	strace $0x9000004A  }
0x20b: {  	s0 =	stileid.u32;
	[bflag:$0x2] =	sbarrier.arrive $0xFFFF  }
0x20c: {  	p0 =	sne.s32 s0, $0x0;
	s0 =	rddreg [dreg:$0x4]  }
0x20d: {  	s0 =	sadd.s32 @!p0 $0x100000, s0  }
0x20e: {  	[sflag:s0] =	ssyncadd.tile.s32 @!p0 $0x1;
	_ =	shalt  }
.Lfunc_end2:
_tile_overlayer_lowered:
.L_overlay_start_2:
0x20f: {  	(tag) =	ssettag $0x2  }
0x210: {  	s0 =	rddreg [dreg:$0x0];
	s2 =	stileid.u32  }
0x211: {  	s1 =	rddreg [dreg:$0x1];
	p0 =	sne.s32 s2, $0x0  }
0x212: {  	s3 =	rddreg [dreg:$0x2];
	[bflag:$0x3] =	sbarrier.arrive $0xFFFF;
	s2 =	simm.s32 @!p0 $0x1C01  }
0x213: {  	[timem:s3], [sflag:s2] =	dma.local @!p0 [hbm:s0], s1  }
0x214: {  	s0 =	simm.s32 @!p0 $0x1  }
0x215: {  	_ =	swait.ge @!p0 [sflag:s0], s1  }
0x216: {  	s1 =	ssub.s32 @!p0 $0x0, s1;
	[sflag:s0] =	ssyncset.done @!p0 $0x0  }
0x217: {  	[sflag:s0] =	ssyncadd.s32 @!p0 s1  }
0x218: {  	[bflag:$0x3] =	sbarrier.arrive $0xFFFF  }
0x219: {  	_ =	shalt  }

</sc_bundles>
